<compile_context>
chip_gen: v7x
topology: tpu7x:2x2x1
jax: 0.10.2.dev20260603
libtpu: 0.0.44.dev20260713+nightly
codegen_flags: <defaults>
</compile_context>

<pallas_src>
import functools

import jax
import jax.numpy as jnp
from jax import lax
from jax.experimental import pallas as pl
from jax.experimental.pallas import tpu as pltpu
from jax.experimental.pallas import tpu_sc as plsc

D = 64
DP = 128
B = 16384
NC = 2
NS = 16
NW = NC * NS
BPW = B // NW
C = 64
NCHUNK = BPW // C


def _make_kernel():
    mesh = plsc.VectorSubcoreMesh(core_axis_name="c", subcore_axis_name="s")

    @functools.partial(
        pl.kernel,
        mesh=mesh,
        out_type=jax.ShapeDtypeStruct((B,), jnp.float32),
        compiler_params=pltpu.CompilerParams(needs_layout_passes=False),
        scratch_types=[
            [pltpu.VMEM((C,), jnp.int32) for _ in range(2)],
            [pltpu.VMEM((C,), jnp.int32) for _ in range(2)],
            [pltpu.VMEM((C,), jnp.int32) for _ in range(2)],
            [[pltpu.VMEM((C, DP), jnp.float32) for _ in range(6)]
             for _ in range(2)],
            pltpu.VMEM((C * 16,), jnp.float32),
            pltpu.VMEM((BPW,), jnp.float32),
            pltpu.SemaphoreType.DMA,
            pltpu.SemaphoreType.DMA,
        ],
    )
    def complex_score(head, relation, tail, ent_r, ent_i, rel_r, rel_i,
                      out, ih, ir, it, bufs, stage, out_v, sem0, sem1):
        wid = lax.axis_index("s") * NC + lax.axis_index("c")
        base = wid * BPW
        sems = (sem0, sem1)
        lane16 = lax.iota(jnp.int32, 16) * 16

        def load_idx(c, slot):
            off = pl.multiple_of(base + c * C, 8)
            pltpu.sync_copy(head.at[pl.ds(off, C)], ih[slot])
            pltpu.sync_copy(relation.at[pl.ds(off, C)], ir[slot])
            pltpu.sync_copy(tail.at[pl.ds(off, C)], it[slot])

        def srcs(slot):
            return ((ent_r.at[ih[slot]], 0), (ent_i.at[ih[slot]], 1),
                    (ent_r.at[it[slot]], 2), (ent_i.at[it[slot]], 3),
                    (rel_r.at[ir[slot]], 4), (rel_i.at[ir[slot]], 5))

        def fire(slot):
            for src, t in srcs(slot):
                pltpu.async_copy(src, bufs[slot][t], sems[slot])

        def drain(slot):
            for src, t in srcs(slot):
                pltpu.make_async_copy(src, bufs[slot][t], sems[slot]).wait()

        def compute(slot):
            def row(i, _):
                acc = jnp.zeros((16,), jnp.float32)
                for k in range(D // 16):
                    s = pl.ds(k * 16, 16)
                    hrv = bufs[slot][0][i, s]
                    hiv = bufs[slot][1][i, s]
                    trv = bufs[slot][2][i, s]
                    tiv = bufs[slot][3][i, s]
                    rrv = bufs[slot][4][i, s]
                    riv = bufs[slot][5][i, s]
                    a = hrv * trv - hiv * tiv
                    bb = hrv * tiv + hiv * trv
                    acc = acc + rrv * a + riv * bb
                stage[pl.ds(i * 16, 16)] = acc
                return 0

            lax.fori_loop(0, C, row, 0)

        def reduce_out(c):
            def group(g, _):
                gbase = g * 256
                tot = jnp.zeros((16,), jnp.float32)
                for j in range(16):
                    tot = tot + plsc.load_gather(stage,
                                                 [gbase + lane16 + j])
                out_v[pl.ds(c * C + g * 16, 16)] = tot
                return 0

            lax.fori_loop(0, C // 16, group, 0)

        load_idx(0, 0)
        fire(0)
        for c in range(NCHUNK):
            slot = c % 2
            if c + 1 < NCHUNK:
                load_idx(c + 1, 1 - slot)
                fire(1 - slot)
            drain(slot)
            compute(slot)
            reduce_out(c)
        pltpu.sync_copy(out_v, out.at[pl.ds(base, BPW)])

    return complex_score


_KERNEL = _make_kernel()


def kernel(head, relation, tail, entity_real, entity_imag,
           relation_real, relation_imag):
    pad = ((0, 0), (0, DP - D))
    ent_r = jnp.pad(entity_real, pad)
    ent_i = jnp.pad(entity_imag, pad)
    rel_r = jnp.pad(relation_real, pad)
    rel_i = jnp.pad(relation_imag, pad)
    return _KERNEL(head, relation, tail, ent_r, ent_i, rel_r, rel_i)

# --- scband reference (transcript-rebuilt; emitter-appended) ---
"""Pipeline reference for scband-compl-ex-68324339745081 (READ-ONLY COPY).

The authoritative reference and input builder live on the scoring server;
editing this copy changes nothing except your own understanding.
"""

import jax, jax.numpy as jnp
import numpy as np

ENTITY_COUNT = 1000000
RELATION_COUNT = 1000
EMBED_DIM = 64
BATCH = 16384


def setup_inputs(seed: int = 0) -> dict:
    key = jax.random.key(seed)
    k_h, k_r, k_t, k_er, k_ei, k_rr, k_ri = jax.random.split(key, 7)
    # xavier_uniform bound for [count, dim] matrix
    ent_bound = float(np.sqrt(6.0 / (ENTITY_COUNT + EMBED_DIM)))
    rel_bound = float(np.sqrt(6.0 / (RELATION_COUNT + EMBED_DIM)))
    inp = {
        "head": jax.random.randint(k_h, (BATCH,), 0, ENTITY_COUNT, dtype=jnp.int32),
        "relation": jax.random.randint(k_r, (BATCH,), 0, RELATION_COUNT, dtype=jnp.int32),
        "tail": jax.random.randint(k_t, (BATCH,), 0, ENTITY_COUNT, dtype=jnp.int32),
        "entity_real": jax.random.uniform(k_er, (ENTITY_COUNT, EMBED_DIM), jnp.float32, -ent_bound, ent_bound),
        "entity_imag": jax.random.uniform(k_ei, (ENTITY_COUNT, EMBED_DIM), jnp.float32, -ent_bound, ent_bound),
        "relation_real": jax.random.uniform(k_rr, (RELATION_COUNT, EMBED_DIM), jnp.float32, -rel_bound, rel_bound),
        "relation_imag": jax.random.uniform(k_ri, (RELATION_COUNT, EMBED_DIM), jnp.float32, -rel_bound, rel_bound),
    }
    return inp


def reference(head, relation, tail, entity_real, entity_imag, relation_real, relation_imag):
    head_real = jnp.take(entity_real, head, axis=0)
    head_imag = jnp.take(entity_imag, head, axis=0)
    tail_real = jnp.take(entity_real, tail, axis=0)
    tail_imag = jnp.take(entity_imag, tail, axis=0)
    rel_real = jnp.take(relation_real, relation, axis=0)
    rel_imag = jnp.take(relation_imag, relation, axis=0)
    score_real = jnp.sum(
        head_real * rel_real * tail_real
        + head_imag * rel_imag * tail_real
        + head_real * rel_imag * tail_imag
        - head_imag * rel_real * tail_imag,
        axis=-1,
    )
    return score_real

if __name__ == "__main__":
    import jax
    _d = setup_inputs()
    print(jax.jit(kernel)(*tuple(_d.values())))

</pallas_src>

<mosaic_0001>
#map = affine_map<(d0, d1) -> (0)>
#map1 = affine_map<(d0, d1) -> (0, 0)>
module attributes {stable_mosaic.version = 14 : i64} {
  func.func @complex_score(%arg0: i32, %arg1: i32, %arg2: memref<16384xi32, #tpu.memory_space<hbm>>, %arg3: memref<16384xi32, #tpu.memory_space<hbm>>, %arg4: memref<16384xi32, #tpu.memory_space<hbm>>, %arg5: memref<1000000x128xf32, #tpu.memory_space<hbm>>, %arg6: memref<1000000x128xf32, #tpu.memory_space<hbm>>, %arg7: memref<1000x128xf32, #tpu.memory_space<hbm>>, %arg8: memref<1000x128xf32, #tpu.memory_space<hbm>>, %arg9: memref<16384xf32, #tpu.memory_space<hbm>>, %arg10: memref<64xi32, #tpu.memory_space<vmem>>, %arg11: memref<64xi32, #tpu.memory_space<vmem>>, %arg12: memref<64xi32, #tpu.memory_space<vmem>>, %arg13: memref<64xi32, #tpu.memory_space<vmem>>, %arg14: memref<64xi32, #tpu.memory_space<vmem>>, %arg15: memref<64xi32, #tpu.memory_space<vmem>>, %arg16: memref<64x128xf32, #tpu.memory_space<vmem>>, %arg17: memref<64x128xf32, #tpu.memory_space<vmem>>, %arg18: memref<64x128xf32, #tpu.memory_space<vmem>>, %arg19: memref<64x128xf32, #tpu.memory_space<vmem>>, %arg20: memref<64x128xf32, #tpu.memory_space<vmem>>, %arg21: memref<64x128xf32, #tpu.memory_space<vmem>>, %arg22: memref<64x128xf32, #tpu.memory_space<vmem>>, %arg23: memref<64x128xf32, #tpu.memory_space<vmem>>, %arg24: memref<64x128xf32, #tpu.memory_space<vmem>>, %arg25: memref<64x128xf32, #tpu.memory_space<vmem>>, %arg26: memref<64x128xf32, #tpu.memory_space<vmem>>, %arg27: memref<64x128xf32, #tpu.memory_space<vmem>>, %arg28: memref<1024xf32, #tpu.memory_space<vmem>>, %arg29: memref<512xf32, #tpu.memory_space<vmem>>, %arg30: memref<!tpu.dma_semaphore, #tpu.memory_space<semaphore_mem>>, %arg31: memref<!tpu.dma_semaphore, #tpu.memory_space<semaphore_mem>>) attributes {dimension_semantics = [#tpu.dimension_semantics<core_parallel>, #tpu.dimension_semantics<subcore_parallel>], iteration_bounds = array<i64: 2, 16>, scalar_prefetch = 0 : i64, scratch_operands = 22 : i64, tpu.core_type = #tpu.core_type<sc_vector_subcore>, window_params = [{transform_indices = #map}, {transform_indices = #map}, {transform_indices = #map}, {transform_indices = #map1}, {transform_indices = #map1}, {transform_indices = #map1}, {transform_indices = #map1}, {transform_indices = #map}]} {
    %mul3A = arith.constant 2 : i32
    %mul3A_0 = arith.muli %arg1, %mul3A : i32
    %add3A = arith.addi %mul3A_0, %arg0 : i32
    %mul3A_1 = arith.constant 512 : i32
    %mul3A_2 = arith.muli %add3A, %mul3A_1 : i32
    %iota3A = tpu.iota {dimensions = array<i32: 0>} : vector<16xi32>
    %mul3A_3 = arith.constant 16 : i32
    %mul3A_4 = vector.broadcast %mul3A_3 : i32 to vector<16xi32>
    %mul3A_5 = arith.muli %iota3A, %mul3A_4 : vector<16xi32>
    %add3A_6 = arith.constant 0 : i32
    %add3A_7 = arith.addi %mul3A_2, %add3A_6 : i32
    %multiple_of3A = tpu.assume_multiple %add3A_7, 8 : i32
    "tpu.region"() ({
      %run_scoped3A = tpu.sem_alloc : memref<!tpu.dma_semaphore, #tpu.memory_space<semaphore_mem>>
      %dma_start3A_426 = tpu.memref_slice %arg2[%multiple_of3A] : memref<16384xi32, #tpu.memory_space<hbm>> -> memref<64xi32, #tpu.memory_space<hbm>>
      %dma_start3A_427 = tpu.memref_slice %arg2[%multiple_of3A] : memref<16384xi32, #tpu.memory_space<hbm>> -> memref<64xi32, #tpu.memory_space<hbm>>
      tpu.enqueue_dma source(%dma_start3A_427 : memref<64xi32, #tpu.memory_space<hbm>>) target(%arg10 : memref<64xi32, #tpu.memory_space<vmem>>) target_semaphore(%run_scoped3A : memref<!tpu.dma_semaphore, #tpu.memory_space<semaphore_mem>>)
      %dma_wait3A_428 = tpu.memref_slice %arg2[%multiple_of3A] : memref<16384xi32, #tpu.memory_space<hbm>> -> memref<64xi32, #tpu.memory_space<hbm>>
      %dma_wait3A_429 = tpu.memref_slice %arg2[%multiple_of3A] : memref<16384xi32, #tpu.memory_space<hbm>> -> memref<64xi32, #tpu.memory_space<hbm>>
      tpu.wait_dma2 semaphore(%run_scoped3A : memref<!tpu.dma_semaphore, #tpu.memory_space<semaphore_mem>>) src(%dma_wait3A_429 : memref<64xi32, #tpu.memory_space<hbm>>) dst(%arg10 : memref<64xi32, #tpu.memory_space<vmem>>)
      tpu.yield
    }) : () -> ()
    "tpu.region"() ({
      %run_scoped3A = tpu.sem_alloc : memref<!tpu.dma_semaphore, #tpu.memory_space<semaphore_mem>>
      %dma_start3A_426 = tpu.memref_slice %arg3[%multiple_of3A] : memref<16384xi32, #tpu.memory_space<hbm>> -> memref<64xi32, #tpu.memory_space<hbm>>
      %dma_start3A_427 = tpu.memref_slice %arg3[%multiple_of3A] : memref<16384xi32, #tpu.memory_space<hbm>> -> memref<64xi32, #tpu.memory_space<hbm>>
      tpu.enqueue_dma source(%dma_start3A_427 : memref<64xi32, #tpu.memory_space<hbm>>) target(%arg12 : memref<64xi32, #tpu.memory_space<vmem>>) target_semaphore(%run_scoped3A : memref<!tpu.dma_semaphore, #tpu.memory_space<semaphore_mem>>)
      %dma_wait3A_428 = tpu.memref_slice %arg3[%multiple_of3A] : memref<16384xi32, #tpu.memory_space<hbm>> -> memref<64xi32, #tpu.memory_space<hbm>>
      %dma_wait3A_429 = tpu.memref_slice %arg3[%multiple_of3A] : memref<16384xi32, #tpu.memory_space<hbm>> -> memref<64xi32, #tpu.memory_space<hbm>>
      tpu.wait_dma2 semaphore(%run_scoped3A : memref<!tpu.dma_semaphore, #tpu.memory_space<semaphore_mem>>) src(%dma_wait3A_429 : memref<64xi32, #tpu.memory_space<hbm>>) dst(%arg12 : memref<64xi32, #tpu.memory_space<vmem>>)
      tpu.yield
    }) : () -> ()
    "tpu.region"() ({
      %run_scoped3A = tpu.sem_alloc : memref<!tpu.dma_semaphore, #tpu.memory_space<semaphore_mem>>
      %dma_start3A_426 = tpu.memref_slice %arg4[%multiple_of3A] : memref<16384xi32, #tpu.memory_space<hbm>> -> memref<64xi32, #tpu.memory_space<hbm>>
      %dma_start3A_427 = tpu.memref_slice %arg4[%multiple_of3A] : memref<16384xi32, #tpu.memory_space<hbm>> -> memref<64xi32, #tpu.memory_space<hbm>>
      tpu.enqueue_dma source(%dma_start3A_427 : memref<64xi32, #tpu.memory_space<hbm>>) target(%arg14 : memref<64xi32, #tpu.memory_space<vmem>>) target_semaphore(%run_scoped3A : memref<!tpu.dma_semaphore, #tpu.memory_space<semaphore_mem>>)
      %dma_wait3A_428 = tpu.memref_slice %arg4[%multiple_of3A] : memref<16384xi32, #tpu.memory_space<hbm>> -> memref<64xi32, #tpu.memory_space<hbm>>
      %dma_wait3A_429 = tpu.memref_slice %arg4[%multiple_of3A] : memref<16384xi32, #tpu.memory_space<hbm>> -> memref<64xi32, #tpu.memory_space<hbm>>
      tpu.wait_dma2 semaphore(%run_scoped3A : memref<!tpu.dma_semaphore, #tpu.memory_space<semaphore_mem>>) src(%dma_wait3A_429 : memref<64xi32, #tpu.memory_space<hbm>>) dst(%arg14 : memref<64xi32, #tpu.memory_space<vmem>>)
      tpu.yield
    }) : () -> ()
    %dma_start3A = arith.constant 0 : i32
    %dma_start3A_8 = arith.constant 0 : i32
    %dma_start3A_9 = tpu.memref_slice %arg5[%dma_start3A, %dma_start3A_8] : memref<1000000x128xf32, #tpu.memory_space<hbm>> -> memref<1000000x128xf32, #tpu.memory_space<hbm>>
    tpu.enqueue_indirect_dma source(%dma_start3A_9 : memref<1000000x128xf32, #tpu.memory_space<hbm>>) target(%arg16 : memref<64x128xf32, #tpu.memory_space<vmem>>) offsets(%arg10 : memref<64xi32, #tpu.memory_space<vmem>>) semaphore(%arg30 : memref<!tpu.dma_semaphore, #tpu.memory_space<semaphore_mem>>)
    %dma_start3A_10 = arith.constant 0 : i32
    %dma_start3A_11 = arith.constant 0 : i32
    %dma_start3A_12 = tpu.memref_slice %arg6[%dma_start3A_10, %dma_start3A_11] : memref<1000000x128xf32, #tpu.memory_space<hbm>> -> memref<1000000x128xf32, #tpu.memory_space<hbm>>
    tpu.enqueue_indirect_dma source(%dma_start3A_12 : memref<1000000x128xf32, #tpu.memory_space<hbm>>) target(%arg17 : memref<64x128xf32, #tpu.memory_space<vmem>>) offsets(%arg10 : memref<64xi32, #tpu.memory_space<vmem>>) semaphore(%arg30 : memref<!tpu.dma_semaphore, #tpu.memory_space<semaphore_mem>>)
    %dma_start3A_13 = arith.constant 0 : i32
    %dma_start3A_14 = arith.constant 0 : i32
    %dma_start3A_15 = tpu.memref_slice %arg5[%dma_start3A_13, %dma_start3A_14] : memref<1000000x128xf32, #tpu.memory_space<hbm>> -> memref<1000000x128xf32, #tpu.memory_space<hbm>>
    tpu.enqueue_indirect_dma source(%dma_start3A_15 : memref<1000000x128xf32, #tpu.memory_space<hbm>>) target(%arg18 : memref<64x128xf32, #tpu.memory_space<vmem>>) offsets(%arg14 : memref<64xi32, #tpu.memory_space<vmem>>) semaphore(%arg30 : memref<!tpu.dma_semaphore, #tpu.memory_space<semaphore_mem>>)
    %dma_start3A_16 = arith.constant 0 : i32
    %dma_start3A_17 = arith.constant 0 : i32
    %dma_start3A_18 = tpu.memref_slice %arg6[%dma_start3A_16, %dma_start3A_17] : memref<1000000x128xf32, #tpu.memory_space<hbm>> -> memref<1000000x128xf32, #tpu.memory_space<hbm>>
    tpu.enqueue_indirect_dma source(%dma_start3A_18 : memref<1000000x128xf32, #tpu.memory_space<hbm>>) target(%arg19 : memref<64x128xf32, #tpu.memory_space<vmem>>) offsets(%arg14 : memref<64xi32, #tpu.memory_space<vmem>>) semaphore(%arg30 : memref<!tpu.dma_semaphore, #tpu.memory_space<semaphore_mem>>)
    %dma_start3A_19 = arith.constant 0 : i32
    %dma_start3A_20 = arith.constant 0 : i32
    %dma_start3A_21 = tpu.memref_slice %arg7[%dma_start3A_19, %dma_start3A_20] : memref<1000x128xf32, #tpu.memory_space<hbm>> -> memref<1000x128xf32, #tpu.memory_space<hbm>>
    tpu.enqueue_indirect_dma source(%dma_start3A_21 : memref<1000x128xf32, #tpu.memory_space<hbm>>) target(%arg20 : memref<64x128xf32, #tpu.memory_space<vmem>>) offsets(%arg12 : memref<64xi32, #tpu.memory_space<vmem>>) semaphore(%arg30 : memref<!tpu.dma_semaphore, #tpu.memory_space<semaphore_mem>>)
    %dma_start3A_22 = arith.constant 0 : i32
    %dma_start3A_23 = arith.constant 0 : i32
    %dma_start3A_24 = tpu.memref_slice %arg8[%dma_start3A_22, %dma_start3A_23] : memref<1000x128xf32, #tpu.memory_space<hbm>> -> memref<1000x128xf32, #tpu.memory_space<hbm>>
    tpu.enqueue_indirect_dma source(%dma_start3A_24 : memref<1000x128xf32, #tpu.memory_space<hbm>>) target(%arg21 : memref<64x128xf32, #tpu.memory_space<vmem>>) offsets(%arg12 : memref<64xi32, #tpu.memory_space<vmem>>) semaphore(%arg30 : memref<!tpu.dma_semaphore, #tpu.memory_space<semaphore_mem>>)
    %add3A_25 = arith.constant 64 : i32
    %add3A_26 = arith.addi %mul3A_2, %add3A_25 : i32
    %multiple_of3A_27 = tpu.assume_multiple %add3A_26, 8 : i32
    "tpu.region"() ({
      %run_scoped3A = tpu.sem_alloc : memref<!tpu.dma_semaphore, #tpu.memory_space<semaphore_mem>>
      %dma_start3A_426 = tpu.memref_slice %arg2[%multiple_of3A_27] : memref<16384xi32, #tpu.memory_space<hbm>> -> memref<64xi32, #tpu.memory_space<hbm>>
      %dma_start3A_427 = tpu.memref_slice %arg2[%multiple_of3A_27] : memref<16384xi32, #tpu.memory_space<hbm>> -> memref<64xi32, #tpu.memory_space<hbm>>
      tpu.enqueue_dma source(%dma_start3A_427 : memref<64xi32, #tpu.memory_space<hbm>>) target(%arg11 : memref<64xi32, #tpu.memory_space<vmem>>) target_semaphore(%run_scoped3A : memref<!tpu.dma_semaphore, #tpu.memory_space<semaphore_mem>>)
      %dma_wait3A_428 = tpu.memref_slice %arg2[%multiple_of3A_27] : memref<16384xi32, #tpu.memory_space<hbm>> -> memref<64xi32, #tpu.memory_space<hbm>>
      %dma_wait3A_429 = tpu.memref_slice %arg2[%multiple_of3A_27] : memref<16384xi32, #tpu.memory_space<hbm>> -> memref<64xi32, #tpu.memory_space<hbm>>
      tpu.wait_dma2 semaphore(%run_scoped3A : memref<!tpu.dma_semaphore, #tpu.memory_space<semaphore_mem>>) src(%dma_wait3A_429 : memref<64xi32, #tpu.memory_space<hbm>>) dst(%arg11 : memref<64xi32, #tpu.memory_space<vmem>>)
      tpu.yield
    }) : () -> ()
    "tpu.region"() ({
      %run_scoped3A = tpu.sem_alloc : memref<!tpu.dma_semaphore, #tpu.memory_space<semaphore_mem>>
      %dma_start3A_426 = tpu.memref_slice %arg3[%multiple_of3A_27] : memref<16384xi32, #tpu.memory_space<hbm>> -> memref<64xi32, #tpu.memory_space<hbm>>
      %dma_start3A_427 = tpu.memref_slice %arg3[%multiple_of3A_27] : memref<16384xi32, #tpu.memory_space<hbm>> -> memref<64xi32, #tpu.memory_space<hbm>>
      tpu.enqueue_dma source(%dma_start3A_427 : memref<64xi32, #tpu.memory_space<hbm>>) target(%arg13 : memref<64xi32, #tpu.memory_space<vmem>>) target_semaphore(%run_scoped3A : memref<!tpu.dma_semaphore, #tpu.memory_space<semaphore_mem>>)
      %dma_wait3A_428 = tpu.memref_slice %arg3[%multiple_of3A_27] : memref<16384xi32, #tpu.memory_space<hbm>> -> memref<64xi32, #tpu.memory_space<hbm>>
      %dma_wait3A_429 = tpu.memref_slice %arg3[%multiple_of3A_27] : memref<16384xi32, #tpu.memory_space<hbm>> -> memref<64xi32, #tpu.memory_space<hbm>>
      tpu.wait_dma2 semaphore(%run_scoped3A : memref<!tpu.dma_semaphore, #tpu.memory_space<semaphore_mem>>) src(%dma_wait3A_429 : memref<64xi32, #tpu.memory_space<hbm>>) dst(%arg13 : memref<64xi32, #tpu.memory_space<vmem>>)
      tpu.yield
    }) : () -> ()
    "tpu.region"() ({
      %run_scoped3A = tpu.sem_alloc : memref<!tpu.dma_semaphore, #tpu.memory_space<semaphore_mem>>
      %dma_start3A_426 = tpu.memref_slice %arg4[%multiple_of3A_27] : memref<16384xi32, #tpu.memory_space<hbm>> -> memref<64xi32, #tpu.memory_space<hbm>>
      %dma_start3A_427 = tpu.memref_slice %arg4[%multiple_of3A_27] : memref<16384xi32, #tpu.memory_space<hbm>> -> memref<64xi32, #tpu.memory_space<hbm>>
      tpu.enqueue_dma source(%dma_start3A_427 : memref<64xi32, #tpu.memory_space<hbm>>) target(%arg15 : memref<64xi32, #tpu.memory_space<vmem>>) target_semaphore(%run_scoped3A : memref<!tpu.dma_semaphore, #tpu.memory_space<semaphore_mem>>)
      %dma_wait3A_428 = tpu.memref_slice %arg4[%multiple_of3A_27] : memref<16384xi32, #tpu.memory_space<hbm>> -> memref<64xi32, #tpu.memory_space<hbm>>
      %dma_wait3A_429 = tpu.memref_slice %arg4[%multiple_of3A_27] : memref<16384xi32, #tpu.memory_space<hbm>> -> memref<64xi32, #tpu.memory_space<hbm>>
      tpu.wait_dma2 semaphore(%run_scoped3A : memref<!tpu.dma_semaphore, #tpu.memory_space<semaphore_mem>>) src(%dma_wait3A_429 : memref<64xi32, #tpu.memory_space<hbm>>) dst(%arg15 : memref<64xi32, #tpu.memory_space<vmem>>)
      tpu.yield
    }) : () -> ()
    %dma_start3A_28 = arith.constant 0 : i32
    %dma_start3A_29 = arith.constant 0 : i32
    %dma_start3A_30 = tpu.memref_slice %arg5[%dma_start3A_28, %dma_start3A_29] : memref<1000000x128xf32, #tpu.memory_space<hbm>> -> memref<1000000x128xf32, #tpu.memory_space<hbm>>
    tpu.enqueue_indirect_dma source(%dma_start3A_30 : memref<1000000x128xf32, #tpu.memory_space<hbm>>) target(%arg22 : memref<64x128xf32, #tpu.memory_space<vmem>>) offsets(%arg11 : memref<64xi32, #tpu.memory_space<vmem>>) semaphore(%arg31 : memref<!tpu.dma_semaphore, #tpu.memory_space<semaphore_mem>>)
    %dma_start3A_31 = arith.constant 0 : i32
    %dma_start3A_32 = arith.constant 0 : i32
    %dma_start3A_33 = tpu.memref_slice %arg6[%dma_start3A_31, %dma_start3A_32] : memref<1000000x128xf32, #tpu.memory_space<hbm>> -> memref<1000000x128xf32, #tpu.memory_space<hbm>>
    tpu.enqueue_indirect_dma source(%dma_start3A_33 : memref<1000000x128xf32, #tpu.memory_space<hbm>>) target(%arg23 : memref<64x128xf32, #tpu.memory_space<vmem>>) offsets(%arg11 : memref<64xi32, #tpu.memory_space<vmem>>) semaphore(%arg31 : memref<!tpu.dma_semaphore, #tpu.memory_space<semaphore_mem>>)
    %dma_start3A_34 = arith.constant 0 : i32
    %dma_start3A_35 = arith.constant 0 : i32
    %dma_start3A_36 = tpu.memref_slice %arg5[%dma_start3A_34, %dma_start3A_35] : memref<1000000x128xf32, #tpu.memory_space<hbm>> -> memref<1000000x128xf32, #tpu.memory_space<hbm>>
    tpu.enqueue_indirect_dma source(%dma_start3A_36 : memref<1000000x128xf32, #tpu.memory_space<hbm>>) target(%arg24 : memref<64x128xf32, #tpu.memory_space<vmem>>) offsets(%arg15 : memref<64xi32, #tpu.memory_space<vmem>>) semaphore(%arg31 : memref<!tpu.dma_semaphore, #tpu.memory_space<semaphore_mem>>)
    %dma_start3A_37 = arith.constant 0 : i32
    %dma_start3A_38 = arith.constant 0 : i32
    %dma_start3A_39 = tpu.memref_slice %arg6[%dma_start3A_37, %dma_start3A_38] : memref<1000000x128xf32, #tpu.memory_space<hbm>> -> memref<1000000x128xf32, #tpu.memory_space<hbm>>
    tpu.enqueue_indirect_dma source(%dma_start3A_39 : memref<1000000x128xf32, #tpu.memory_space<hbm>>) target(%arg25 : memref<64x128xf32, #tpu.memory_space<vmem>>) offsets(%arg15 : memref<64xi32, #tpu.memory_space<vmem>>) semaphore(%arg31 : memref<!tpu.dma_semaphore, #tpu.memory_space<semaphore_mem>>)
    %dma_start3A_40 = arith.constant 0 : i32
    %dma_start3A_41 = arith.constant 0 : i32
    %dma_start3A_42 = tpu.memref_slice %arg7[%dma_start3A_40, %dma_start3A_41] : memref<1000x128xf32, #tpu.memory_space<hbm>> -> memref<1000x128xf32, #tpu.memory_space<hbm>>
    tpu.enqueue_indirect_dma source(%dma_start3A_42 : memref<1000x128xf32, #tpu.memory_space<hbm>>) target(%arg26 : memref<64x128xf32, #tpu.memory_space<vmem>>) offsets(%arg13 : memref<64xi32, #tpu.memory_space<vmem>>) semaphore(%arg31 : memref<!tpu.dma_semaphore, #tpu.memory_space<semaphore_mem>>)
    %dma_start3A_43 = arith.constant 0 : i32
    %dma_start3A_44 = arith.constant 0 : i32
    %dma_start3A_45 = tpu.memref_slice %arg8[%dma_start3A_43, %dma_start3A_44] : memref<1000x128xf32, #tpu.memory_space<hbm>> -> memref<1000x128xf32, #tpu.memory_space<hbm>>
    tpu.enqueue_indirect_dma source(%dma_start3A_45 : memref<1000x128xf32, #tpu.memory_space<hbm>>) target(%arg27 : memref<64x128xf32, #tpu.memory_space<vmem>>) offsets(%arg13 : memref<64xi32, #tpu.memory_space<vmem>>) semaphore(%arg31 : memref<!tpu.dma_semaphore, #tpu.memory_space<semaphore_mem>>)
    %dma_wait3A = arith.constant 0 : i32
    %dma_wait3A_46 = arith.constant 0 : i32
    %dma_wait3A_47 = tpu.memref_slice %arg5[%dma_wait3A, %dma_wait3A_46] : memref<1000000x128xf32, #tpu.memory_space<hbm>> -> memref<1000000x128xf32, #tpu.memory_space<hbm>>
    tpu.wait_indirect_dma semaphore(%arg30 : memref<!tpu.dma_semaphore, #tpu.memory_space<semaphore_mem>>) src(%dma_wait3A_47 : memref<1000000x128xf32, #tpu.memory_space<hbm>>) dst(%arg16 : memref<64x128xf32, #tpu.memory_space<vmem>>)
    %dma_wait3A_48 = arith.constant 0 : i32
    %dma_wait3A_49 = arith.constant 0 : i32
    %dma_wait3A_50 = tpu.memref_slice %arg6[%dma_wait3A_48, %dma_wait3A_49] : memref<1000000x128xf32, #tpu.memory_space<hbm>> -> memref<1000000x128xf32, #tpu.memory_space<hbm>>
    tpu.wait_indirect_dma semaphore(%arg30 : memref<!tpu.dma_semaphore, #tpu.memory_space<semaphore_mem>>) src(%dma_wait3A_50 : memref<1000000x128xf32, #tpu.memory_space<hbm>>) dst(%arg17 : memref<64x128xf32, #tpu.memory_space<vmem>>)
    %dma_wait3A_51 = arith.constant 0 : i32
    %dma_wait3A_52 = arith.constant 0 : i32
    %dma_wait3A_53 = tpu.memref_slice %arg5[%dma_wait3A_51, %dma_wait3A_52] : memref<1000000x128xf32, #tpu.memory_space<hbm>> -> memref<1000000x128xf32, #tpu.memory_space<hbm>>
    tpu.wait_indirect_dma semaphore(%arg30 : memref<!tpu.dma_semaphore, #tpu.memory_space<semaphore_mem>>) src(%dma_wait3A_53 : memref<1000000x128xf32, #tpu.memory_space<hbm>>) dst(%arg18 : memref<64x128xf32, #tpu.memory_space<vmem>>)
    %dma_wait3A_54 = arith.constant 0 : i32
    %dma_wait3A_55 = arith.constant 0 : i32
    %dma_wait3A_56 = tpu.memref_slice %arg6[%dma_wait3A_54, %dma_wait3A_55] : memref<1000000x128xf32, #tpu.memory_space<hbm>> -> memref<1000000x128xf32, #tpu.memory_space<hbm>>
    tpu.wait_indirect_dma semaphore(%arg30 : memref<!tpu.dma_semaphore, #tpu.memory_space<semaphore_mem>>) src(%dma_wait3A_56 : memref<1000000x128xf32, #tpu.memory_space<hbm>>) dst(%arg19 : memref<64x128xf32, #tpu.memory_space<vmem>>)
    %dma_wait3A_57 = arith.constant 0 : i32
    %dma_wait3A_58 = arith.constant 0 : i32
    %dma_wait3A_59 = tpu.memref_slice %arg7[%dma_wait3A_57, %dma_wait3A_58] : memref<1000x128xf32, #tpu.memory_space<hbm>> -> memref<1000x128xf32, #tpu.memory_space<hbm>>
    tpu.wait_indirect_dma semaphore(%arg30 : memref<!tpu.dma_semaphore, #tpu.memory_space<semaphore_mem>>) src(%dma_wait3A_59 : memref<1000x128xf32, #tpu.memory_space<hbm>>) dst(%arg20 : memref<64x128xf32, #tpu.memory_space<vmem>>)
    %dma_wait3A_60 = arith.constant 0 : i32
    %dma_wait3A_61 = arith.constant 0 : i32
    %dma_wait3A_62 = tpu.memref_slice %arg8[%dma_wait3A_60, %dma_wait3A_61] : memref<1000x128xf32, #tpu.memory_space<hbm>> -> memref<1000x128xf32, #tpu.memory_space<hbm>>
    tpu.wait_indirect_dma semaphore(%arg30 : memref<!tpu.dma_semaphore, #tpu.memory_space<semaphore_mem>>) src(%dma_wait3A_62 : memref<1000x128xf32, #tpu.memory_space<hbm>>) dst(%arg21 : memref<64x128xf32, #tpu.memory_space<vmem>>)
    %scan3A = arith.constant 0 : i32
    %scan3A_63 = arith.constant 0 : i32
    %scan3A_64 = arith.constant 64 : i32
    %scan3A_65 = arith.addi %scan3A_63, %scan3A_64 : i32
    %scan3A_66 = arith.constant 1 : i32
    %scan3A_67 = scf.for %scan3A_426 = %scan3A_63 to %scan3A_65 step %scan3A_66 iter_args(%scan3A_427 = %scan3A) -> (i32)  : i32 {
      %broadcast_in_dim3A = arith.constant 0.000000e+00 : f32
      %broadcast_in_dim3A_428 = vector.broadcast %broadcast_in_dim3A : f32 to vector<16xf32>
      %get3A = arith.index_cast %scan3A_426 : i32 to index
      %get3A_429 = arith.constant 0 : index
      %get3A_430 = tpu.vector_load %arg16[%get3A, %get3A_429] {strides = array<i32>} : memref<64x128xf32, #tpu.memory_space<vmem>>, vector<16xf32>,
      %get3A_431 = arith.index_cast %scan3A_426 : i32 to index
      %get3A_432 = arith.constant 0 : index
      %get3A_433 = tpu.vector_load %arg17[%get3A_431, %get3A_432] {strides = array<i32>} : memref<64x128xf32, #tpu.memory_space<vmem>>, vector<16xf32>,
      %get3A_434 = arith.index_cast %scan3A_426 : i32 to index
      %get3A_435 = arith.constant 0 : index
      %get3A_436 = tpu.vector_load %arg18[%get3A_434, %get3A_435] {strides = array<i32>} : memref<64x128xf32, #tpu.memory_space<vmem>>, vector<16xf32>,
      %get3A_437 = arith.index_cast %scan3A_426 : i32 to index
      %get3A_438 = arith.constant 0 : index
      %get3A_439 = tpu.vector_load %arg19[%get3A_437, %get3A_438] {strides = array<i32>} : memref<64x128xf32, #tpu.memory_space<vmem>>, vector<16xf32>,
      %get3A_440 = arith.index_cast %scan3A_426 : i32 to index
      %get3A_441 = arith.constant 0 : index
      %get3A_442 = tpu.vector_load %arg20[%get3A_440, %get3A_441] {strides = array<i32>} : memref<64x128xf32, #tpu.memory_space<vmem>>, vector<16xf32>,
      %get3A_443 = arith.index_cast %scan3A_426 : i32 to index
      %get3A_444 = arith.constant 0 : index
      %get3A_445 = tpu.vector_load %arg21[%get3A_443, %get3A_444] {strides = array<i32>} : memref<64x128xf32, #tpu.memory_space<vmem>>, vector<16xf32>,
      %mul3A_446 = arith.mulf %get3A_430, %get3A_436 : vector<16xf32>
      %mul3A_447 = arith.mulf %get3A_433, %get3A_439 : vector<16xf32>
      %sub3A = arith.subf %mul3A_446, %mul3A_447 : vector<16xf32>
      %mul3A_448 = arith.mulf %get3A_430, %get3A_439 : vector<16xf32>
      %mul3A_449 = arith.mulf %get3A_433, %get3A_436 : vector<16xf32>
      %add3A_450 = arith.addf %mul3A_448, %mul3A_449 : vector<16xf32>
      %mul3A_451 = arith.mulf %get3A_442, %sub3A : vector<16xf32>
      %add3A_452 = arith.addf %broadcast_in_dim3A_428, %mul3A_451 : vector<16xf32>
      %mul3A_453 = arith.mulf %get3A_445, %add3A_450 : vector<16xf32>
      %add3A_454 = arith.addf %add3A_452, %mul3A_453 : vector<16xf32>
      %get3A_455 = arith.index_cast %scan3A_426 : i32 to index
      %get3A_456 = arith.constant 16 : index
      %get3A_457 = tpu.vector_load %arg16[%get3A_455, %get3A_456] {strides = array<i32>} : memref<64x128xf32, #tpu.memory_space<vmem>>, vector<16xf32>,
      %get3A_458 = arith.index_cast %scan3A_426 : i32 to index
      %get3A_459 = arith.constant 16 : index
      %get3A_460 = tpu.vector_load %arg17[%get3A_458, %get3A_459] {strides = array<i32>} : memref<64x128xf32, #tpu.memory_space<vmem>>, vector<16xf32>,
      %get3A_461 = arith.index_cast %scan3A_426 : i32 to index
      %get3A_462 = arith.constant 16 : index
      %get3A_463 = tpu.vector_load %arg18[%get3A_461, %get3A_462] {strides = array<i32>} : memref<64x128xf32, #tpu.memory_space<vmem>>, vector<16xf32>,
      %get3A_464 = arith.index_cast %scan3A_426 : i32 to index
      %get3A_465 = arith.constant 16 : index
      %get3A_466 = tpu.vector_load %arg19[%get3A_464, %get3A_465] {strides = array<i32>} : memref<64x128xf32, #tpu.memory_space<vmem>>, vector<16xf32>,
      %get3A_467 = arith.index_cast %scan3A_426 : i32 to index
      %get3A_468 = arith.constant 16 : index
      %get3A_469 = tpu.vector_load %arg20[%get3A_467, %get3A_468] {strides = array<i32>} : memref<64x128xf32, #tpu.memory_space<vmem>>, vector<16xf32>,
      %get3A_470 = arith.index_cast %scan3A_426 : i32 to index
      %get3A_471 = arith.constant 16 : index
      %get3A_472 = tpu.vector_load %arg21[%get3A_470, %get3A_471] {strides = array<i32>} : memref<64x128xf32, #tpu.memory_space<vmem>>, vector<16xf32>,
      %mul3A_473 = arith.mulf %get3A_457, %get3A_463 : vector<16xf32>
      %mul3A_474 = arith.mulf %get3A_460, %get3A_466 : vector<16xf32>
      %sub3A_475 = arith.subf %mul3A_473, %mul3A_474 : vector<16xf32>
      %mul3A_476 = arith.mulf %get3A_457, %get3A_466 : vector<16xf32>
      %mul3A_477 = arith.mulf %get3A_460, %get3A_463 : vector<16xf32>
      %add3A_478 = arith.addf %mul3A_476, %mul3A_477 : vector<16xf32>
      %mul3A_479 = arith.mulf %get3A_469, %sub3A_475 : vector<16xf32>
      %add3A_480 = arith.addf %add3A_454, %mul3A_479 : vector<16xf32>
      %mul3A_481 = arith.mulf %get3A_472, %add3A_478 : vector<16xf32>
      %add3A_482 = arith.addf %add3A_480, %mul3A_481 : vector<16xf32>
      %get3A_483 = arith.index_cast %scan3A_426 : i32 to index
      %get3A_484 = arith.constant 32 : index
      %get3A_485 = tpu.vector_load %arg16[%get3A_483, %get3A_484] {strides = array<i32>} : memref<64x128xf32, #tpu.memory_space<vmem>>, vector<16xf32>,
      %get3A_486 = arith.index_cast %scan3A_426 : i32 to index
      %get3A_487 = arith.constant 32 : index
      %get3A_488 = tpu.vector_load %arg17[%get3A_486, %get3A_487] {strides = array<i32>} : memref<64x128xf32, #tpu.memory_space<vmem>>, vector<16xf32>,
      %get3A_489 = arith.index_cast %scan3A_426 : i32 to index
      %get3A_490 = arith.constant 32 : index
      %get3A_491 = tpu.vector_load %arg18[%get3A_489, %get3A_490] {strides = array<i32>} : memref<64x128xf32, #tpu.memory_space<vmem>>, vector<16xf32>,
      %get3A_492 = arith.index_cast %scan3A_426 : i32 to index
      %get3A_493 = arith.constant 32 : index
      %get3A_494 = tpu.vector_load %arg19[%get3A_492, %get3A_493] {strides = array<i32>} : memref<64x128xf32, #tpu.memory_space<vmem>>, vector<16xf32>,
      %get3A_495 = arith.index_cast %scan3A_426 : i32 to index
      %get3A_496 = arith.constant 32 : index
      %get3A_497 = tpu.vector_load %arg20[%get3A_495, %get3A_496] {strides = array<i32>} : memref<64x128xf32, #tpu.memory_space<vmem>>, vector<16xf32>,
      %get3A_498 = arith.index_cast %scan3A_426 : i32 to index
      %get3A_499 = arith.constant 32 : index
      %get3A_500 = tpu.vector_load %arg21[%get3A_498, %get3A_499] {strides = array<i32>} : memref<64x128xf32, #tpu.memory_space<vmem>>, vector<16xf32>,
      %mul3A_501 = arith.mulf %get3A_485, %get3A_491 : vector<16xf32>
      %mul3A_502 = arith.mulf %get3A_488, %get3A_494 : vector<16xf32>
      %sub3A_503 = arith.subf %mul3A_501, %mul3A_502 : vector<16xf32>
      %mul3A_504 = arith.mulf %get3A_485, %get3A_494 : vector<16xf32>
      %mul3A_505 = arith.mulf %get3A_488, %get3A_491 : vector<16xf32>
      %add3A_506 = arith.addf %mul3A_504, %mul3A_505 : vector<16xf32>
      %mul3A_507 = arith.mulf %get3A_497, %sub3A_503 : vector<16xf32>
      %add3A_508 = arith.addf %add3A_482, %mul3A_507 : vector<16xf32>
      %mul3A_509 = arith.mulf %get3A_500, %add3A_506 : vector<16xf32>
      %add3A_510 = arith.addf %add3A_508, %mul3A_509 : vector<16xf32>
      %get3A_511 = arith.index_cast %scan3A_426 : i32 to index
      %get3A_512 = arith.constant 48 : index
      %get3A_513 = tpu.vector_load %arg16[%get3A_511, %get3A_512] {strides = array<i32>} : memref<64x128xf32, #tpu.memory_space<vmem>>, vector<16xf32>,
      %get3A_514 = arith.index_cast %scan3A_426 : i32 to index
      %get3A_515 = arith.constant 48 : index
      %get3A_516 = tpu.vector_load %arg17[%get3A_514, %get3A_515] {strides = array<i32>} : memref<64x128xf32, #tpu.memory_space<vmem>>, vector<16xf32>,
      %get3A_517 = arith.index_cast %scan3A_426 : i32 to index
      %get3A_518 = arith.constant 48 : index
      %get3A_519 = tpu.vector_load %arg18[%get3A_517, %get3A_518] {strides = array<i32>} : memref<64x128xf32, #tpu.memory_space<vmem>>, vector<16xf32>,
      %get3A_520 = arith.index_cast %scan3A_426 : i32 to index
      %get3A_521 = arith.constant 48 : index
      %get3A_522 = tpu.vector_load %arg19[%get3A_520, %get3A_521] {strides = array<i32>} : memref<64x128xf32, #tpu.memory_space<vmem>>, vector<16xf32>,
      %get3A_523 = arith.index_cast %scan3A_426 : i32 to index
      %get3A_524 = arith.constant 48 : index
      %get3A_525 = tpu.vector_load %arg20[%get3A_523, %get3A_524] {strides = array<i32>} : memref<64x128xf32, #tpu.memory_space<vmem>>, vector<16xf32>,
      %get3A_526 = arith.index_cast %scan3A_426 : i32 to index
      %get3A_527 = arith.constant 48 : index
      %get3A_528 = tpu.vector_load %arg21[%get3A_526, %get3A_527] {strides = array<i32>} : memref<64x128xf32, #tpu.memory_space<vmem>>, vector<16xf32>,
      %mul3A_529 = arith.mulf %get3A_513, %get3A_519 : vector<16xf32>
      %mul3A_530 = arith.mulf %get3A_516, %get3A_522 : vector<16xf32>
      %sub3A_531 = arith.subf %mul3A_529, %mul3A_530 : vector<16xf32>
      %mul3A_532 = arith.mulf %get3A_513, %get3A_522 : vector<16xf32>
      %mul3A_533 = arith.mulf %get3A_516, %get3A_519 : vector<16xf32>
      %add3A_534 = arith.addf %mul3A_532, %mul3A_533 : vector<16xf32>
      %mul3A_535 = arith.mulf %get3A_525, %sub3A_531 : vector<16xf32>
      %add3A_536 = arith.addf %add3A_510, %mul3A_535 : vector<16xf32>
      %mul3A_537 = arith.mulf %get3A_528, %add3A_534 : vector<16xf32>
      %add3A_538 = arith.addf %add3A_536, %mul3A_537 : vector<16xf32>
      %mul3A_539 = arith.constant 16 : i32
      %mul3A_540 = arith.muli %scan3A_426, %mul3A_539 : i32
      %swap3A = arith.index_cast %mul3A_540 : i32 to index
      %swap3A_541 = tpu.vector_load %arg28[%swap3A] {strides = array<i32>} : memref<1024xf32, #tpu.memory_space<vmem>>, vector<16xf32>,
      tpu.vector_store %arg28[%swap3A], %add3A_538 {strides = array<i32>} : memref<1024xf32, #tpu.memory_space<vmem>>, vector<16xf32>,
      %scan3A_542 = arith.constant 0 : i32
      scf.yield %scan3A_542 : i32
    }
    %scan3A_68 = arith.constant 64 : i32
    %scan3A_69 = arith.constant 0 : i32
    %scan3A_70 = arith.constant 0 : i32
    %scan3A_71 = arith.constant 4 : i32
    %scan3A_72 = arith.addi %scan3A_70, %scan3A_71 : i32
    %scan3A_73 = arith.constant 1 : i32
    %scan3A_74 = scf.for %scan3A_426 = %scan3A_70 to %scan3A_72 step %scan3A_73 iter_args(%scan3A_427 = %scan3A_69) -> (i32)  : i32 {
      %mul3A_428 = arith.constant 256 : i32
      %mul3A_429 = arith.muli %scan3A_426, %mul3A_428 : i32
      %broadcast_in_dim3A = arith.constant 0.000000e+00 : f32
      %broadcast_in_dim3A_430 = vector.broadcast %broadcast_in_dim3A : f32 to vector<16xf32>
      %add3A_431 = vector.broadcast %mul3A_429 : i32 to vector<16xi32>
      %add3A_432 = arith.addi %add3A_431, %mul3A_5 : vector<16xi32>
      %add3A_433 = arith.constant 0 : i32
      %add3A_434 = vector.broadcast %add3A_433 : i32 to vector<16xi32>
      %add3A_435 = arith.addi %add3A_432, %add3A_434 : vector<16xi32>
      %gather3A = tpu.vector_load_idx %arg28[%add3A_435] : memref<1024xf32, #tpu.memory_space<vmem>>[vector<16xi32>], vector<16xf32>,
      %add3A_436 = arith.addf %broadcast_in_dim3A_430, %gather3A : vector<16xf32>
      %add3A_437 = vector.broadcast %mul3A_429 : i32 to vector<16xi32>
      %add3A_438 = arith.addi %add3A_437, %mul3A_5 : vector<16xi32>
      %add3A_439 = arith.constant 1 : i32
      %add3A_440 = vector.broadcast %add3A_439 : i32 to vector<16xi32>
      %add3A_441 = arith.addi %add3A_438, %add3A_440 : vector<16xi32>
      %gather3A_442 = tpu.vector_load_idx %arg28[%add3A_441] : memref<1024xf32, #tpu.memory_space<vmem>>[vector<16xi32>], vector<16xf32>,
      %add3A_443 = arith.addf %add3A_436, %gather3A_442 : vector<16xf32>
      %add3A_444 = vector.broadcast %mul3A_429 : i32 to vector<16xi32>
      %add3A_445 = arith.addi %add3A_444, %mul3A_5 : vector<16xi32>
      %add3A_446 = arith.constant 2 : i32
      %add3A_447 = vector.broadcast %add3A_446 : i32 to vector<16xi32>
      %add3A_448 = arith.addi %add3A_445, %add3A_447 : vector<16xi32>
      %gather3A_449 = tpu.vector_load_idx %arg28[%add3A_448] : memref<1024xf32, #tpu.memory_space<vmem>>[vector<16xi32>], vector<16xf32>,
      %add3A_450 = arith.addf %add3A_443, %gather3A_449 : vector<16xf32>
      %add3A_451 = vector.broadcast %mul3A_429 : i32 to vector<16xi32>
      %add3A_452 = arith.addi %add3A_451, %mul3A_5 : vector<16xi32>
      %add3A_453 = arith.constant 3 : i32
      %add3A_454 = vector.broadcast %add3A_453 : i32 to vector<16xi32>
      %add3A_455 = arith.addi %add3A_452, %add3A_454 : vector<16xi32>
      %gather3A_456 = tpu.vector_load_idx %arg28[%add3A_455] : memref<1024xf32, #tpu.memory_space<vmem>>[vector<16xi32>], vector<16xf32>,
      %add3A_457 = arith.addf %add3A_450, %gather3A_456 : vector<16xf32>
      %add3A_458 = vector.broadcast %mul3A_429 : i32 to vector<16xi32>
      %add3A_459 = arith.addi %add3A_458, %mul3A_5 : vector<16xi32>
      %add3A_460 = arith.constant 4 : i32
      %add3A_461 = vector.broadcast %add3A_460 : i32 to vector<16xi32>
      %add3A_462 = arith.addi %add3A_459, %add3A_461 : vector<16xi32>
      %gather3A_463 = tpu.vector_load_idx %arg28[%add3A_462] : memref<1024xf32, #tpu.memory_space<vmem>>[vector<16xi32>], vector<16xf32>,
      %add3A_464 = arith.addf %add3A_457, %gather3A_463 : vector<16xf32>
      %add3A_465 = vector.broadcast %mul3A_429 : i32 to vector<16xi32>
      %add3A_466 = arith.addi %add3A_465, %mul3A_5 : vector<16xi32>
      %add3A_467 = arith.constant 5 : i32
      %add3A_468 = vector.broadcast %add3A_467 : i32 to vector<16xi32>
      %add3A_469 = arith.addi %add3A_466, %add3A_468 : vector<16xi32>
      %gather3A_470 = tpu.vector_load_idx %arg28[%add3A_469] : memref<1024xf32, #tpu.memory_space<vmem>>[vector<16xi32>], vector<16xf32>,
      %add3A_471 = arith.addf %add3A_464, %gather3A_470 : vector<16xf32>
      %add3A_472 = vector.broadcast %mul3A_429 : i32 to vector<16xi32>
      %add3A_473 = arith.addi %add3A_472, %mul3A_5 : vector<16xi32>
      %add3A_474 = arith.constant 6 : i32
      %add3A_475 = vector.broadcast %add3A_474 : i32 to vector<16xi32>
      %add3A_476 = arith.addi %add3A_473, %add3A_475 : vector<16xi32>
      %gather3A_477 = tpu.vector_load_idx %arg28[%add3A_476] : memref<1024xf32, #tpu.memory_space<vmem>>[vector<16xi32>], vector<16xf32>,
      %add3A_478 = arith.addf %add3A_471, %gather3A_477 : vector<16xf32>
      %add3A_479 = vector.broadcast %mul3A_429 : i32 to vector<16xi32>
      %add3A_480 = arith.addi %add3A_479, %mul3A_5 : vector<16xi32>
      %add3A_481 = arith.constant 7 : i32
      %add3A_482 = vector.broadcast %add3A_481 : i32 to vector<16xi32>
      %add3A_483 = arith.addi %add3A_480, %add3A_482 : vector<16xi32>
      %gather3A_484 = tpu.vector_load_idx %arg28[%add3A_483] : memref<1024xf32, #tpu.memory_space<vmem>>[vector<16xi32>], vector<16xf32>,
      %add3A_485 = arith.addf %add3A_478, %gather3A_484 : vector<16xf32>
      %add3A_486 = vector.broadcast %mul3A_429 : i32 to vector<16xi32>
      %add3A_487 = arith.addi %add3A_486, %mul3A_5 : vector<16xi32>
      %add3A_488 = arith.constant 8 : i32
      %add3A_489 = vector.broadcast %add3A_488 : i32 to vector<16xi32>
      %add3A_490 = arith.addi %add3A_487, %add3A_489 : vector<16xi32>
      %gather3A_491 = tpu.vector_load_idx %arg28[%add3A_490] : memref<1024xf32, #tpu.memory_space<vmem>>[vector<16xi32>], vector<16xf32>,
      %add3A_492 = arith.addf %add3A_485, %gather3A_491 : vector<16xf32>
      %add3A_493 = vector.broadcast %mul3A_429 : i32 to vector<16xi32>
      %add3A_494 = arith.addi %add3A_493, %mul3A_5 : vector<16xi32>
      %add3A_495 = arith.constant 9 : i32
      %add3A_496 = vector.broadcast %add3A_495 : i32 to vector<16xi32>
      %add3A_497 = arith.addi %add3A_494, %add3A_496 : vector<16xi32>
      %gather3A_498 = tpu.vector_load_idx %arg28[%add3A_497] : memref<1024xf32, #tpu.memory_space<vmem>>[vector<16xi32>], vector<16xf32>,
      %add3A_499 = arith.addf %add3A_492, %gather3A_498 : vector<16xf32>
      %add3A_500 = vector.broadcast %mul3A_429 : i32 to vector<16xi32>
      %add3A_501 = arith.addi %add3A_500, %mul3A_5 : vector<16xi32>
      %add3A_502 = arith.constant 10 : i32
      %add3A_503 = vector.broadcast %add3A_502 : i32 to vector<16xi32>
      %add3A_504 = arith.addi %add3A_501, %add3A_503 : vector<16xi32>
      %gather3A_505 = tpu.vector_load_idx %arg28[%add3A_504] : memref<1024xf32, #tpu.memory_space<vmem>>[vector<16xi32>], vector<16xf32>,
      %add3A_506 = arith.addf %add3A_499, %gather3A_505 : vector<16xf32>
      %add3A_507 = vector.broadcast %mul3A_429 : i32 to vector<16xi32>
      %add3A_508 = arith.addi %add3A_507, %mul3A_5 : vector<16xi32>
      %add3A_509 = arith.constant 11 : i32
      %add3A_510 = vector.broadcast %add3A_509 : i32 to vector<16xi32>
      %add3A_511 = arith.addi %add3A_508, %add3A_510 : vector<16xi32>
      %gather3A_512 = tpu.vector_load_idx %arg28[%add3A_511] : memref<1024xf32, #tpu.memory_space<vmem>>[vector<16xi32>], vector<16xf32>,
      %add3A_513 = arith.addf %add3A_506, %gather3A_512 : vector<16xf32>
      %add3A_514 = vector.broadcast %mul3A_429 : i32 to vector<16xi32>
      %add3A_515 = arith.addi %add3A_514, %mul3A_5 : vector<16xi32>
      %add3A_516 = arith.constant 12 : i32
      %add3A_517 = vector.broadcast %add3A_516 : i32 to vector<16xi32>
      %add3A_518 = arith.addi %add3A_515, %add3A_517 : vector<16xi32>
      %gather3A_519 = tpu.vector_load_idx %arg28[%add3A_518] : memref<1024xf32, #tpu.memory_space<vmem>>[vector<16xi32>], vector<16xf32>,
      %add3A_520 = arith.addf %add3A_513, %gather3A_519 : vector<16xf32>
      %add3A_521 = vector.broadcast %mul3A_429 : i32 to vector<16xi32>
      %add3A_522 = arith.addi %add3A_521, %mul3A_5 : vector<16xi32>
      %add3A_523 = arith.constant 13 : i32
      %add3A_524 = vector.broadcast %add3A_523 : i32 to vector<16xi32>
      %add3A_525 = arith.addi %add3A_522, %add3A_524 : vector<16xi32>
      %gather3A_526 = tpu.vector_load_idx %arg28[%add3A_525] : memref<1024xf32, #tpu.memory_space<vmem>>[vector<16xi32>], vector<16xf32>,
      %add3A_527 = arith.addf %add3A_520, %gather3A_526 : vector<16xf32>
      %add3A_528 = vector.broadcast %mul3A_429 : i32 to vector<16xi32>
      %add3A_529 = arith.addi %add3A_528, %mul3A_5 : vector<16xi32>
      %add3A_530 = arith.constant 14 : i32
      %add3A_531 = vector.broadcast %add3A_530 : i32 to vector<16xi32>
      %add3A_532 = arith.addi %add3A_529, %add3A_531 : vector<16xi32>
      %gather3A_533 = tpu.vector_load_idx %arg28[%add3A_532] : memref<1024xf32, #tpu.memory_space<vmem>>[vector<16xi32>], vector<16xf32>,
      %add3A_534 = arith.addf %add3A_527, %gather3A_533 : vector<16xf32>
      %add3A_535 = vector.broadcast %mul3A_429 : i32 to vector<16xi32>
      %add3A_536 = arith.addi %add3A_535, %mul3A_5 : vector<16xi32>
      %add3A_537 = arith.constant 15 : i32
      %add3A_538 = vector.broadcast %add3A_537 : i32 to vector<16xi32>
      %add3A_539 = arith.addi %add3A_536, %add3A_538 : vector<16xi32>
      %gather3A_540 = tpu.vector_load_idx %arg28[%add3A_539] : memref<1024xf32, #tpu.memory_space<vmem>>[vector<16xi32>], vector<16xf32>,
      %add3A_541 = arith.addf %add3A_534, %gather3A_540 : vector<16xf32>
      %mul3A_542 = arith.constant 16 : i32
      %mul3A_543 = arith.muli %scan3A_426, %mul3A_542 : i32
      %add3A_544 = arith.constant 0 : i32
      %add3A_545 = arith.addi %add3A_544, %mul3A_543 : i32
      %swap3A = arith.index_cast %add3A_545 : i32 to index
      %swap3A_546 = tpu.vector_load %arg29[%swap3A] {strides = array<i32>} : memref<512xf32, #tpu.memory_space<vmem>>, vector<16xf32>,
      tpu.vector_store %arg29[%swap3A], %add3A_541 {strides = array<i32>} : memref<512xf32, #tpu.memory_space<vmem>>, vector<16xf32>,
      %scan3A_547 = arith.constant 0 : i32
      scf.yield %scan3A_547 : i32
    }
    %scan3A_75 = arith.constant 4 : i32
    %add3A_76 = arith.constant 128 : i32
    %add3A_77 = arith.addi %mul3A_2, %add3A_76 : i32
    %multiple_of3A_78 = tpu.assume_multiple %add3A_77, 8 : i32
    "tpu.region"() ({
      %run_scoped3A = tpu.sem_alloc : memref<!tpu.dma_semaphore, #tpu.memory_space<semaphore_mem>>
      %dma_start3A_426 = tpu.memref_slice %arg2[%multiple_of3A_78] : memref<16384xi32, #tpu.memory_space<hbm>> -> memref<64xi32, #tpu.memory_space<hbm>>
      %dma_start3A_427 = tpu.memref_slice %arg2[%multiple_of3A_78] : memref<16384xi32, #tpu.memory_space<hbm>> -> memref<64xi32, #tpu.memory_space<hbm>>
      tpu.enqueue_dma source(%dma_start3A_427 : memref<64xi32, #tpu.memory_space<hbm>>) target(%arg10 : memref<64xi32, #tpu.memory_space<vmem>>) target_semaphore(%run_scoped3A : memref<!tpu.dma_semaphore, #tpu.memory_space<semaphore_mem>>)
      %dma_wait3A_428 = tpu.memref_slice %arg2[%multiple_of3A_78] : memref<16384xi32, #tpu.memory_space<hbm>> -> memref<64xi32, #tpu.memory_space<hbm>>
      %dma_wait3A_429 = tpu.memref_slice %arg2[%multiple_of3A_78] : memref<16384xi32, #tpu.memory_space<hbm>> -> memref<64xi32, #tpu.memory_space<hbm>>
      tpu.wait_dma2 semaphore(%run_scoped3A : memref<!tpu.dma_semaphore, #tpu.memory_space<semaphore_mem>>) src(%dma_wait3A_429 : memref<64xi32, #tpu.memory_space<hbm>>) dst(%arg10 : memref<64xi32, #tpu.memory_space<vmem>>)
      tpu.yield
    }) : () -> ()
    "tpu.region"() ({
      %run_scoped3A = tpu.sem_alloc : memref<!tpu.dma_semaphore, #tpu.memory_space<semaphore_mem>>
      %dma_start3A_426 = tpu.memref_slice %arg3[%multiple_of3A_78] : memref<16384xi32, #tpu.memory_space<hbm>> -> memref<64xi32, #tpu.memory_space<hbm>>
      %dma_start3A_427 = tpu.memref_slice %arg3[%multiple_of3A_78] : memref<16384xi32, #tpu.memory_space<hbm>> -> memref<64xi32, #tpu.memory_space<hbm>>
      tpu.enqueue_dma source(%dma_start3A_427 : memref<64xi32, #tpu.memory_space<hbm>>) target(%arg12 : memref<64xi32, #tpu.memory_space<vmem>>) target_semaphore(%run_scoped3A : memref<!tpu.dma_semaphore, #tpu.memory_space<semaphore_mem>>)
      %dma_wait3A_428 = tpu.memref_slice %arg3[%multiple_of3A_78] : memref<16384xi32, #tpu.memory_space<hbm>> -> memref<64xi32, #tpu.memory_space<hbm>>
      %dma_wait3A_429 = tpu.memref_slice %arg3[%multiple_of3A_78] : memref<16384xi32, #tpu.memory_space<hbm>> -> memref<64xi32, #tpu.memory_space<hbm>>
      tpu.wait_dma2 semaphore(%run_scoped3A : memref<!tpu.dma_semaphore, #tpu.memory_space<semaphore_mem>>) src(%dma_wait3A_429 : memref<64xi32, #tpu.memory_space<hbm>>) dst(%arg12 : memref<64xi32, #tpu.memory_space<vmem>>)
      tpu.yield
    }) : () -> ()
    "tpu.region"() ({
      %run_scoped3A = tpu.sem_alloc : memref<!tpu.dma_semaphore, #tpu.memory_space<semaphore_mem>>
      %dma_start3A_426 = tpu.memref_slice %arg4[%multiple_of3A_78] : memref<16384xi32, #tpu.memory_space<hbm>> -> memref<64xi32, #tpu.memory_space<hbm>>
      %dma_start3A_427 = tpu.memref_slice %arg4[%multiple_of3A_78] : memref<16384xi32, #tpu.memory_space<hbm>> -> memref<64xi32, #tpu.memory_space<hbm>>
      tpu.enqueue_dma source(%dma_start3A_427 : memref<64xi32, #tpu.memory_space<hbm>>) target(%arg14 : memref<64xi32, #tpu.memory_space<vmem>>) target_semaphore(%run_scoped3A : memref<!tpu.dma_semaphore, #tpu.memory_space<semaphore_mem>>)
      %dma_wait3A_428 = tpu.memref_slice %arg4[%multiple_of3A_78] : memref<16384xi32, #tpu.memory_space<hbm>> -> memref<64xi32, #tpu.memory_space<hbm>>
      %dma_wait3A_429 = tpu.memref_slice %arg4[%multiple_of3A_78] : memref<16384xi32, #tpu.memory_space<hbm>> -> memref<64xi32, #tpu.memory_space<hbm>>
      tpu.wait_dma2 semaphore(%run_scoped3A : memref<!tpu.dma_semaphore, #tpu.memory_space<semaphore_mem>>) src(%dma_wait3A_429 : memref<64xi32, #tpu.memory_space<hbm>>) dst(%arg14 : memref<64xi32, #tpu.memory_space<vmem>>)
      tpu.yield
    }) : () -> ()
    %dma_start3A_79 = arith.constant 0 : i32
    %dma_start3A_80 = arith.constant 0 : i32
    %dma_start3A_81 = tpu.memref_slice %arg5[%dma_start3A_79, %dma_start3A_80] : memref<1000000x128xf32, #tpu.memory_space<hbm>> -> memref<1000000x128xf32, #tpu.memory_space<hbm>>
    tpu.enqueue_indirect_dma source(%dma_start3A_81 : memref<1000000x128xf32, #tpu.memory_space<hbm>>) target(%arg16 : memref<64x128xf32, #tpu.memory_space<vmem>>) offsets(%arg10 : memref<64xi32, #tpu.memory_space<vmem>>) semaphore(%arg30 : memref<!tpu.dma_semaphore, #tpu.memory_space<semaphore_mem>>)
    %dma_start3A_82 = arith.constant 0 : i32
    %dma_start3A_83 = arith.constant 0 : i32
    %dma_start3A_84 = tpu.memref_slice %arg6[%dma_start3A_82, %dma_start3A_83] : memref<1000000x128xf32, #tpu.memory_space<hbm>> -> memref<1000000x128xf32, #tpu.memory_space<hbm>>
    tpu.enqueue_indirect_dma source(%dma_start3A_84 : memref<1000000x128xf32, #tpu.memory_space<hbm>>) target(%arg17 : memref<64x128xf32, #tpu.memory_space<vmem>>) offsets(%arg10 : memref<64xi32, #tpu.memory_space<vmem>>) semaphore(%arg30 : memref<!tpu.dma_semaphore, #tpu.memory_space<semaphore_mem>>)
    %dma_start3A_85 = arith.constant 0 : i32
    %dma_start3A_86 = arith.constant 0 : i32
    %dma_start3A_87 = tpu.memref_slice %arg5[%dma_start3A_85, %dma_start3A_86] : memref<1000000x128xf32, #tpu.memory_space<hbm>> -> memref<1000000x128xf32, #tpu.memory_space<hbm>>
    tpu.enqueue_indirect_dma source(%dma_start3A_87 : memref<1000000x128xf32, #tpu.memory_space<hbm>>) target(%arg18 : memref<64x128xf32, #tpu.memory_space<vmem>>) offsets(%arg14 : memref<64xi32, #tpu.memory_space<vmem>>) semaphore(%arg30 : memref<!tpu.dma_semaphore, #tpu.memory_space<semaphore_mem>>)
    %dma_start3A_88 = arith.constant 0 : i32
    %dma_start3A_89 = arith.constant 0 : i32
    %dma_start3A_90 = tpu.memref_slice %arg6[%dma_start3A_88, %dma_start3A_89] : memref<1000000x128xf32, #tpu.memory_space<hbm>> -> memref<1000000x128xf32, #tpu.memory_space<hbm>>
    tpu.enqueue_indirect_dma source(%dma_start3A_90 : memref<1000000x128xf32, #tpu.memory_space<hbm>>) target(%arg19 : memref<64x128xf32, #tpu.memory_space<vmem>>) offsets(%arg14 : memref<64xi32, #tpu.memory_space<vmem>>) semaphore(%arg30 : memref<!tpu.dma_semaphore, #tpu.memory_space<semaphore_mem>>)
    %dma_start3A_91 = arith.constant 0 : i32
    %dma_start3A_92 = arith.constant 0 : i32
    %dma_start3A_93 = tpu.memref_slice %arg7[%dma_start3A_91, %dma_start3A_92] : memref<1000x128xf32, #tpu.memory_space<hbm>> -> memref<1000x128xf32, #tpu.memory_space<hbm>>
    tpu.enqueue_indirect_dma source(%dma_start3A_93 : memref<1000x128xf32, #tpu.memory_space<hbm>>) target(%arg20 : memref<64x128xf32, #tpu.memory_space<vmem>>) offsets(%arg12 : memref<64xi32, #tpu.memory_space<vmem>>) semaphore(%arg30 : memref<!tpu.dma_semaphore, #tpu.memory_space<semaphore_mem>>)
    %dma_start3A_94 = arith.constant 0 : i32
    %dma_start3A_95 = arith.constant 0 : i32
    %dma_start3A_96 = tpu.memref_slice %arg8[%dma_start3A_94, %dma_start3A_95] : memref<1000x128xf32, #tpu.memory_space<hbm>> -> memref<1000x128xf32, #tpu.memory_space<hbm>>
    tpu.enqueue_indirect_dma source(%dma_start3A_96 : memref<1000x128xf32, #tpu.memory_space<hbm>>) target(%arg21 : memref<64x128xf32, #tpu.memory_space<vmem>>) offsets(%arg12 : memref<64xi32, #tpu.memory_space<vmem>>) semaphore(%arg30 : memref<!tpu.dma_semaphore, #tpu.memory_space<semaphore_mem>>)
    %dma_wait3A_97 = arith.constant 0 : i32
    %dma_wait3A_98 = arith.constant 0 : i32
    %dma_wait3A_99 = tpu.memref_slice %arg5[%dma_wait3A_97, %dma_wait3A_98] : memref<1000000x128xf32, #tpu.memory_space<hbm>> -> memref<1000000x128xf32, #tpu.memory_space<hbm>>
    tpu.wait_indirect_dma semaphore(%arg31 : memref<!tpu.dma_semaphore, #tpu.memory_space<semaphore_mem>>) src(%dma_wait3A_99 : memref<1000000x128xf32, #tpu.memory_space<hbm>>) dst(%arg22 : memref<64x128xf32, #tpu.memory_space<vmem>>)
    %dma_wait3A_100 = arith.constant 0 : i32
    %dma_wait3A_101 = arith.constant 0 : i32
    %dma_wait3A_102 = tpu.memref_slice %arg6[%dma_wait3A_100, %dma_wait3A_101] : memref<1000000x128xf32, #tpu.memory_space<hbm>> -> memref<1000000x128xf32, #tpu.memory_space<hbm>>
    tpu.wait_indirect_dma semaphore(%arg31 : memref<!tpu.dma_semaphore, #tpu.memory_space<semaphore_mem>>) src(%dma_wait3A_102 : memref<1000000x128xf32, #tpu.memory_space<hbm>>) dst(%arg23 : memref<64x128xf32, #tpu.memory_space<vmem>>)
    %dma_wait3A_103 = arith.constant 0 : i32
    %dma_wait3A_104 = arith.constant 0 : i32
    %dma_wait3A_105 = tpu.memref_slice %arg5[%dma_wait3A_103, %dma_wait3A_104] : memref<1000000x128xf32, #tpu.memory_space<hbm>> -> memref<1000000x128xf32, #tpu.memory_space<hbm>>
    tpu.wait_indirect_dma semaphore(%arg31 : memref<!tpu.dma_semaphore, #tpu.memory_space<semaphore_mem>>) src(%dma_wait3A_105 : memref<1000000x128xf32, #tpu.memory_space<hbm>>) dst(%arg24 : memref<64x128xf32, #tpu.memory_space<vmem>>)
    %dma_wait3A_106 = arith.constant 0 : i32
    %dma_wait3A_107 = arith.constant 0 : i32
    %dma_wait3A_108 = tpu.memref_slice %arg6[%dma_wait3A_106, %dma_wait3A_107] : memref<1000000x128xf32, #tpu.memory_space<hbm>> -> memref<1000000x128xf32, #tpu.memory_space<hbm>>
    tpu.wait_indirect_dma semaphore(%arg31 : memref<!tpu.dma_semaphore, #tpu.memory_space<semaphore_mem>>) src(%dma_wait3A_108 : memref<1000000x128xf32, #tpu.memory_space<hbm>>) dst(%arg25 : memref<64x128xf32, #tpu.memory_space<vmem>>)
    %dma_wait3A_109 = arith.constant 0 : i32
    %dma_wait3A_110 = arith.constant 0 : i32
    %dma_wait3A_111 = tpu.memref_slice %arg7[%dma_wait3A_109, %dma_wait3A_110] : memref<1000x128xf32, #tpu.memory_space<hbm>> -> memref<1000x128xf32, #tpu.memory_space<hbm>>
    tpu.wait_indirect_dma semaphore(%arg31 : memref<!tpu.dma_semaphore, #tpu.memory_space<semaphore_mem>>) src(%dma_wait3A_111 : memref<1000x128xf32, #tpu.memory_space<hbm>>) dst(%arg26 : memref<64x128xf32, #tpu.memory_space<vmem>>)
    %dma_wait3A_112 = arith.constant 0 : i32
    %dma_wait3A_113 = arith.constant 0 : i32
    %dma_wait3A_114 = tpu.memref_slice %arg8[%dma_wait3A_112, %dma_wait3A_113] : memref<1000x128xf32, #tpu.memory_space<hbm>> -> memref<1000x128xf32, #tpu.memory_space<hbm>>
    tpu.wait_indirect_dma semaphore(%arg31 : memref<!tpu.dma_semaphore, #tpu.memory_space<semaphore_mem>>) src(%dma_wait3A_114 : memref<1000x128xf32, #tpu.memory_space<hbm>>) dst(%arg27 : memref<64x128xf32, #tpu.memory_space<vmem>>)
    %scan3A_115 = arith.constant 0 : i32
    %scan3A_116 = arith.constant 0 : i32
    %scan3A_117 = arith.constant 64 : i32
    %scan3A_118 = arith.addi %scan3A_116, %scan3A_117 : i32
    %scan3A_119 = arith.constant 1 : i32
    %scan3A_120 = scf.for %scan3A_426 = %scan3A_116 to %scan3A_118 step %scan3A_119 iter_args(%scan3A_427 = %scan3A_115) -> (i32)  : i32 {
      %broadcast_in_dim3A = arith.constant 0.000000e+00 : f32
      %broadcast_in_dim3A_428 = vector.broadcast %broadcast_in_dim3A : f32 to vector<16xf32>
      %get3A = arith.index_cast %scan3A_426 : i32 to index
      %get3A_429 = arith.constant 0 : index
      %get3A_430 = tpu.vector_load %arg22[%get3A, %get3A_429] {strides = array<i32>} : memref<64x128xf32, #tpu.memory_space<vmem>>, vector<16xf32>,
      %get3A_431 = arith.index_cast %scan3A_426 : i32 to index
      %get3A_432 = arith.constant 0 : index
      %get3A_433 = tpu.vector_load %arg23[%get3A_431, %get3A_432] {strides = array<i32>} : memref<64x128xf32, #tpu.memory_space<vmem>>, vector<16xf32>,
      %get3A_434 = arith.index_cast %scan3A_426 : i32 to index
      %get3A_435 = arith.constant 0 : index
      %get3A_436 = tpu.vector_load %arg24[%get3A_434, %get3A_435] {strides = array<i32>} : memref<64x128xf32, #tpu.memory_space<vmem>>, vector<16xf32>,
      %get3A_437 = arith.index_cast %scan3A_426 : i32 to index
      %get3A_438 = arith.constant 0 : index
      %get3A_439 = tpu.vector_load %arg25[%get3A_437, %get3A_438] {strides = array<i32>} : memref<64x128xf32, #tpu.memory_space<vmem>>, vector<16xf32>,
      %get3A_440 = arith.index_cast %scan3A_426 : i32 to index
      %get3A_441 = arith.constant 0 : index
      %get3A_442 = tpu.vector_load %arg26[%get3A_440, %get3A_441] {strides = array<i32>} : memref<64x128xf32, #tpu.memory_space<vmem>>, vector<16xf32>,
      %get3A_443 = arith.index_cast %scan3A_426 : i32 to index
      %get3A_444 = arith.constant 0 : index
      %get3A_445 = tpu.vector_load %arg27[%get3A_443, %get3A_444] {strides = array<i32>} : memref<64x128xf32, #tpu.memory_space<vmem>>, vector<16xf32>,
      %mul3A_446 = arith.mulf %get3A_430, %get3A_436 : vector<16xf32>
      %mul3A_447 = arith.mulf %get3A_433, %get3A_439 : vector<16xf32>
      %sub3A = arith.subf %mul3A_446, %mul3A_447 : vector<16xf32>
      %mul3A_448 = arith.mulf %get3A_430, %get3A_439 : vector<16xf32>
      %mul3A_449 = arith.mulf %get3A_433, %get3A_436 : vector<16xf32>
      %add3A_450 = arith.addf %mul3A_448, %mul3A_449 : vector<16xf32>
      %mul3A_451 = arith.mulf %get3A_442, %sub3A : vector<16xf32>
      %add3A_452 = arith.addf %broadcast_in_dim3A_428, %mul3A_451 : vector<16xf32>
      %mul3A_453 = arith.mulf %get3A_445, %add3A_450 : vector<16xf32>
      %add3A_454 = arith.addf %add3A_452, %mul3A_453 : vector<16xf32>
      %get3A_455 = arith.index_cast %scan3A_426 : i32 to index
      %get3A_456 = arith.constant 16 : index
      %get3A_457 = tpu.vector_load %arg22[%get3A_455, %get3A_456] {strides = array<i32>} : memref<64x128xf32, #tpu.memory_space<vmem>>, vector<16xf32>,
      %get3A_458 = arith.index_cast %scan3A_426 : i32 to index
      %get3A_459 = arith.constant 16 : index
      %get3A_460 = tpu.vector_load %arg23[%get3A_458, %get3A_459] {strides = array<i32>} : memref<64x128xf32, #tpu.memory_space<vmem>>, vector<16xf32>,
      %get3A_461 = arith.index_cast %scan3A_426 : i32 to index
      %get3A_462 = arith.constant 16 : index
      %get3A_463 = tpu.vector_load %arg24[%get3A_461, %get3A_462] {strides = array<i32>} : memref<64x128xf32, #tpu.memory_space<vmem>>, vector<16xf32>,
      %get3A_464 = arith.index_cast %scan3A_426 : i32 to index
      %get3A_465 = arith.constant 16 : index
      %get3A_466 = tpu.vector_load %arg25[%get3A_464, %get3A_465] {strides = array<i32>} : memref<64x128xf32, #tpu.memory_space<vmem>>, vector<16xf32>,
      %get3A_467 = arith.index_cast %scan3A_426 : i32 to index
      %get3A_468 = arith.constant 16 : index
      %get3A_469 = tpu.vector_load %arg26[%get3A_467, %get3A_468] {strides = array<i32>} : memref<64x128xf32, #tpu.memory_space<vmem>>, vector<16xf32>,
      %get3A_470 = arith.index_cast %scan3A_426 : i32 to index
      %get3A_471 = arith.constant 16 : index
      %get3A_472 = tpu.vector_load %arg27[%get3A_470, %get3A_471] {strides = array<i32>} : memref<64x128xf32, #tpu.memory_space<vmem>>, vector<16xf32>,
      %mul3A_473 = arith.mulf %get3A_457, %get3A_463 : vector<16xf32>
      %mul3A_474 = arith.mulf %get3A_460, %get3A_466 : vector<16xf32>
      %sub3A_475 = arith.subf %mul3A_473, %mul3A_474 : vector<16xf32>
      %mul3A_476 = arith.mulf %get3A_457, %get3A_466 : vector<16xf32>
      %mul3A_477 = arith.mulf %get3A_460, %get3A_463 : vector<16xf32>
      %add3A_478 = arith.addf %mul3A_476, %mul3A_477 : vector<16xf32>
      %mul3A_479 = arith.mulf %get3A_469, %sub3A_475 : vector<16xf32>
      %add3A_480 = arith.addf %add3A_454, %mul3A_479 : vector<16xf32>
      %mul3A_481 = arith.mulf %get3A_472, %add3A_478 : vector<16xf32>
      %add3A_482 = arith.addf %add3A_480, %mul3A_481 : vector<16xf32>
      %get3A_483 = arith.index_cast %scan3A_426 : i32 to index
      %get3A_484 = arith.constant 32 : index
      %get3A_485 = tpu.vector_load %arg22[%get3A_483, %get3A_484] {strides = array<i32>} : memref<64x128xf32, #tpu.memory_space<vmem>>, vector<16xf32>,
      %get3A_486 = arith.index_cast %scan3A_426 : i32 to index
      %get3A_487 = arith.constant 32 : index
      %get3A_488 = tpu.vector_load %arg23[%get3A_486, %get3A_487] {strides = array<i32>} : memref<64x128xf32, #tpu.memory_space<vmem>>, vector<16xf32>,
      %get3A_489 = arith.index_cast %scan3A_426 : i32 to index
      %get3A_490 = arith.constant 32 : index
      %get3A_491 = tpu.vector_load %arg24[%get3A_489, %get3A_490] {strides = array<i32>} : memref<64x128xf32, #tpu.memory_space<vmem>>, vector<16xf32>,
      %get3A_492 = arith.index_cast %scan3A_426 : i32 to index
      %get3A_493 = arith.constant 32 : index
      %get3A_494 = tpu.vector_load %arg25[%get3A_492, %get3A_493] {strides = array<i32>} : memref<64x128xf32, #tpu.memory_space<vmem>>, vector<16xf32>,
      %get3A_495 = arith.index_cast %scan3A_426 : i32 to index
      %get3A_496 = arith.constant 32 : index
      %get3A_497 = tpu.vector_load %arg26[%get3A_495, %get3A_496] {strides = array<i32>} : memref<64x128xf32, #tpu.memory_space<vmem>>, vector<16xf32>,
      %get3A_498 = arith.index_cast %scan3A_426 : i32 to index
      %get3A_499 = arith.constant 32 : index
      %get3A_500 = tpu.vector_load %arg27[%get3A_498, %get3A_499] {strides = array<i32>} : memref<64x128xf32, #tpu.memory_space<vmem>>, vector<16xf32>,
      %mul3A_501 = arith.mulf %get3A_485, %get3A_491 : vector<16xf32>
      %mul3A_502 = arith.mulf %get3A_488, %get3A_494 : vector<16xf32>
      %sub3A_503 = arith.subf %mul3A_501, %mul3A_502 : vector<16xf32>
      %mul3A_504 = arith.mulf %get3A_485, %get3A_494 : vector<16xf32>
      %mul3A_505 = arith.mulf %get3A_488, %get3A_491 : vector<16xf32>
      %add3A_506 = arith.addf %mul3A_504, %mul3A_505 : vector<16xf32>
      %mul3A_507 = arith.mulf %get3A_497, %sub3A_503 : vector<16xf32>
      %add3A_508 = arith.addf %add3A_482, %mul3A_507 : vector<16xf32>
      %mul3A_509 = arith.mulf %get3A_500, %add3A_506 : vector<16xf32>
      %add3A_510 = arith.addf %add3A_508, %mul3A_509 : vector<16xf32>
      %get3A_511 = arith.index_cast %scan3A_426 : i32 to index
      %get3A_512 = arith.constant 48 : index
      %get3A_513 = tpu.vector_load %arg22[%get3A_511, %get3A_512] {strides = array<i32>} : memref<64x128xf32, #tpu.memory_space<vmem>>, vector<16xf32>,
      %get3A_514 = arith.index_cast %scan3A_426 : i32 to index
      %get3A_515 = arith.constant 48 : index
      %get3A_516 = tpu.vector_load %arg23[%get3A_514, %get3A_515] {strides = array<i32>} : memref<64x128xf32, #tpu.memory_space<vmem>>, vector<16xf32>,
      %get3A_517 = arith.index_cast %scan3A_426 : i32 to index
      %get3A_518 = arith.constant 48 : index
      %get3A_519 = tpu.vector_load %arg24[%get3A_517, %get3A_518] {strides = array<i32>} : memref<64x128xf32, #tpu.memory_space<vmem>>, vector<16xf32>,
      %get3A_520 = arith.index_cast %scan3A_426 : i32 to index
      %get3A_521 = arith.constant 48 : index
      %get3A_522 = tpu.vector_load %arg25[%get3A_520, %get3A_521] {strides = array<i32>} : memref<64x128xf32, #tpu.memory_space<vmem>>, vector<16xf32>,
      %get3A_523 = arith.index_cast %scan3A_426 : i32 to index
      %get3A_524 = arith.constant 48 : index
      %get3A_525 = tpu.vector_load %arg26[%get3A_523, %get3A_524] {strides = array<i32>} : memref<64x128xf32, #tpu.memory_space<vmem>>, vector<16xf32>,
      %get3A_526 = arith.index_cast %scan3A_426 : i32 to index
      %get3A_527 = arith.constant 48 : index
      %get3A_528 = tpu.vector_load %arg27[%get3A_526, %get3A_527] {strides = array<i32>} : memref<64x128xf32, #tpu.memory_space<vmem>>, vector<16xf32>,
      %mul3A_529 = arith.mulf %get3A_513, %get3A_519 : vector<16xf32>
      %mul3A_530 = arith.mulf %get3A_516, %get3A_522 : vector<16xf32>
      %sub3A_531 = arith.subf %mul3A_529, %mul3A_530 : vector<16xf32>
      %mul3A_532 = arith.mulf %get3A_513, %get3A_522 : vector<16xf32>
      %mul3A_533 = arith.mulf %get3A_516, %get3A_519 : vector<16xf32>
      %add3A_534 = arith.addf %mul3A_532, %mul3A_533 : vector<16xf32>
      %mul3A_535 = arith.mulf %get3A_525, %sub3A_531 : vector<16xf32>
      %add3A_536 = arith.addf %add3A_510, %mul3A_535 : vector<16xf32>
      %mul3A_537 = arith.mulf %get3A_528, %add3A_534 : vector<16xf32>
      %add3A_538 = arith.addf %add3A_536, %mul3A_537 : vector<16xf32>
      %mul3A_539 = arith.constant 16 : i32
      %mul3A_540 = arith.muli %scan3A_426, %mul3A_539 : i32
      %swap3A = arith.index_cast %mul3A_540 : i32 to index
      %swap3A_541 = tpu.vector_load %arg28[%swap3A] {strides = array<i32>} : memref<1024xf32, #tpu.memory_space<vmem>>, vector<16xf32>,
      tpu.vector_store %arg28[%swap3A], %add3A_538 {strides = array<i32>} : memref<1024xf32, #tpu.memory_space<vmem>>, vector<16xf32>,
      %scan3A_542 = arith.constant 0 : i32
      scf.yield %scan3A_542 : i32
    }
    %scan3A_121 = arith.constant 64 : i32
    %scan3A_122 = arith.constant 0 : i32
    %scan3A_123 = arith.constant 0 : i32
    %scan3A_124 = arith.constant 4 : i32
    %scan3A_125 = arith.addi %scan3A_123, %scan3A_124 : i32
    %scan3A_126 = arith.constant 1 : i32
    %scan3A_127 = scf.for %scan3A_426 = %scan3A_123 to %scan3A_125 step %scan3A_126 iter_args(%scan3A_427 = %scan3A_122) -> (i32)  : i32 {
      %mul3A_428 = arith.constant 256 : i32
      %mul3A_429 = arith.muli %scan3A_426, %mul3A_428 : i32
      %broadcast_in_dim3A = arith.constant 0.000000e+00 : f32
      %broadcast_in_dim3A_430 = vector.broadcast %broadcast_in_dim3A : f32 to vector<16xf32>
      %add3A_431 = vector.broadcast %mul3A_429 : i32 to vector<16xi32>
      %add3A_432 = arith.addi %add3A_431, %mul3A_5 : vector<16xi32>
      %add3A_433 = arith.constant 0 : i32
      %add3A_434 = vector.broadcast %add3A_433 : i32 to vector<16xi32>
      %add3A_435 = arith.addi %add3A_432, %add3A_434 : vector<16xi32>
      %gather3A = tpu.vector_load_idx %arg28[%add3A_435] : memref<1024xf32, #tpu.memory_space<vmem>>[vector<16xi32>], vector<16xf32>,
      %add3A_436 = arith.addf %broadcast_in_dim3A_430, %gather3A : vector<16xf32>
      %add3A_437 = vector.broadcast %mul3A_429 : i32 to vector<16xi32>
      %add3A_438 = arith.addi %add3A_437, %mul3A_5 : vector<16xi32>
      %add3A_439 = arith.constant 1 : i32
      %add3A_440 = vector.broadcast %add3A_439 : i32 to vector<16xi32>
      %add3A_441 = arith.addi %add3A_438, %add3A_440 : vector<16xi32>
      %gather3A_442 = tpu.vector_load_idx %arg28[%add3A_441] : memref<1024xf32, #tpu.memory_space<vmem>>[vector<16xi32>], vector<16xf32>,
      %add3A_443 = arith.addf %add3A_436, %gather3A_442 : vector<16xf32>
      %add3A_444 = vector.broadcast %mul3A_429 : i32 to vector<16xi32>
      %add3A_445 = arith.addi %add3A_444, %mul3A_5 : vector<16xi32>
      %add3A_446 = arith.constant 2 : i32
      %add3A_447 = vector.broadcast %add3A_446 : i32 to vector<16xi32>
      %add3A_448 = arith.addi %add3A_445, %add3A_447 : vector<16xi32>
      %gather3A_449 = tpu.vector_load_idx %arg28[%add3A_448] : memref<1024xf32, #tpu.memory_space<vmem>>[vector<16xi32>], vector<16xf32>,
      %add3A_450 = arith.addf %add3A_443, %gather3A_449 : vector<16xf32>
      %add3A_451 = vector.broadcast %mul3A_429 : i32 to vector<16xi32>
      %add3A_452 = arith.addi %add3A_451, %mul3A_5 : vector<16xi32>
      %add3A_453 = arith.constant 3 : i32
      %add3A_454 = vector.broadcast %add3A_453 : i32 to vector<16xi32>
      %add3A_455 = arith.addi %add3A_452, %add3A_454 : vector<16xi32>
      %gather3A_456 = tpu.vector_load_idx %arg28[%add3A_455] : memref<1024xf32, #tpu.memory_space<vmem>>[vector<16xi32>], vector<16xf32>,
      %add3A_457 = arith.addf %add3A_450, %gather3A_456 : vector<16xf32>
      %add3A_458 = vector.broadcast %mul3A_429 : i32 to vector<16xi32>
      %add3A_459 = arith.addi %add3A_458, %mul3A_5 : vector<16xi32>
      %add3A_460 = arith.constant 4 : i32
      %add3A_461 = vector.broadcast %add3A_460 : i32 to vector<16xi32>
      %add3A_462 = arith.addi %add3A_459, %add3A_461 : vector<16xi32>
      %gather3A_463 = tpu.vector_load_idx %arg28[%add3A_462] : memref<1024xf32, #tpu.memory_space<vmem>>[vector<16xi32>], vector<16xf32>,
      %add3A_464 = arith.addf %add3A_457, %gather3A_463 : vector<16xf32>
      %add3A_465 = vector.broadcast %mul3A_429 : i32 to vector<16xi32>
      %add3A_466 = arith.addi %add3A_465, %mul3A_5 : vector<16xi32>
      %add3A_467 = arith.constant 5 : i32
      %add3A_468 = vector.broadcast %add3A_467 : i32 to vector<16xi32>
      %add3A_469 = arith.addi %add3A_466, %add3A_468 : vector<16xi32>
      %gather3A_470 = tpu.vector_load_idx %arg28[%add3A_469] : memref<1024xf32, #tpu.memory_space<vmem>>[vector<16xi32>], vector<16xf32>,
      %add3A_471 = arith.addf %add3A_464, %gather3A_470 : vector<16xf32>
      %add3A_472 = vector.broadcast %mul3A_429 : i32 to vector<16xi32>
      %add3A_473 = arith.addi %add3A_472, %mul3A_5 : vector<16xi32>
      %add3A_474 = arith.constant 6 : i32
      %add3A_475 = vector.broadcast %add3A_474 : i32 to vector<16xi32>
      %add3A_476 = arith.addi %add3A_473, %add3A_475 : vector<16xi32>
      %gather3A_477 = tpu.vector_load_idx %arg28[%add3A_476] : memref<1024xf32, #tpu.memory_space<vmem>>[vector<16xi32>], vector<16xf32>,
      %add3A_478 = arith.addf %add3A_471, %gather3A_477 : vector<16xf32>
      %add3A_479 = vector.broadcast %mul3A_429 : i32 to vector<16xi32>
      %add3A_480 = arith.addi %add3A_479, %mul3A_5 : vector<16xi32>
      %add3A_481 = arith.constant 7 : i32
      %add3A_482 = vector.broadcast %add3A_481 : i32 to vector<16xi32>
      %add3A_483 = arith.addi %add3A_480, %add3A_482 : vector<16xi32>
      %gather3A_484 = tpu.vector_load_idx %arg28[%add3A_483] : memref<1024xf32, #tpu.memory_space<vmem>>[vector<16xi32>], vector<16xf32>,
      %add3A_485 = arith.addf %add3A_478, %gather3A_484 : vector<16xf32>
      %add3A_486 = vector.broadcast %mul3A_429 : i32 to vector<16xi32>
      %add3A_487 = arith.addi %add3A_486, %mul3A_5 : vector<16xi32>
      %add3A_488 = arith.constant 8 : i32
      %add3A_489 = vector.broadcast %add3A_488 : i32 to vector<16xi32>
      %add3A_490 = arith.addi %add3A_487, %add3A_489 : vector<16xi32>
      %gather3A_491 = tpu.vector_load_idx %arg28[%add3A_490] : memref<1024xf32, #tpu.memory_space<vmem>>[vector<16xi32>], vector<16xf32>,
      %add3A_492 = arith.addf %add3A_485, %gather3A_491 : vector<16xf32>
      %add3A_493 = vector.broadcast %mul3A_429 : i32 to vector<16xi32>
      %add3A_494 = arith.addi %add3A_493, %mul3A_5 : vector<16xi32>
      %add3A_495 = arith.constant 9 : i32
      %add3A_496 = vector.broadcast %add3A_495 : i32 to vector<16xi32>
      %add3A_497 = arith.addi %add3A_494, %add3A_496 : vector<16xi32>
      %gather3A_498 = tpu.vector_load_idx %arg28[%add3A_497] : memref<1024xf32, #tpu.memory_space<vmem>>[vector<16xi32>], vector<16xf32>,
      %add3A_499 = arith.addf %add3A_492, %gather3A_498 : vector<16xf32>
      %add3A_500 = vector.broadcast %mul3A_429 : i32 to vector<16xi32>
      %add3A_501 = arith.addi %add3A_500, %mul3A_5 : vector<16xi32>
      %add3A_502 = arith.constant 10 : i32
      %add3A_503 = vector.broadcast %add3A_502 : i32 to vector<16xi32>
      %add3A_504 = arith.addi %add3A_501, %add3A_503 : vector<16xi32>
      %gather3A_505 = tpu.vector_load_idx %arg28[%add3A_504] : memref<1024xf32, #tpu.memory_space<vmem>>[vector<16xi32>], vector<16xf32>,
      %add3A_506 = arith.addf %add3A_499, %gather3A_505 : vector<16xf32>
      %add3A_507 = vector.broadcast %mul3A_429 : i32 to vector<16xi32>
      %add3A_508 = arith.addi %add3A_507, %mul3A_5 : vector<16xi32>
      %add3A_509 = arith.constant 11 : i32
      %add3A_510 = vector.broadcast %add3A_509 : i32 to vector<16xi32>
      %add3A_511 = arith.addi %add3A_508, %add3A_510 : vector<16xi32>
      %gather3A_512 = tpu.vector_load_idx %arg28[%add3A_511] : memref<1024xf32, #tpu.memory_space<vmem>>[vector<16xi32>], vector<16xf32>,
      %add3A_513 = arith.addf %add3A_506, %gather3A_512 : vector<16xf32>
      %add3A_514 = vector.broadcast %mul3A_429 : i32 to vector<16xi32>
      %add3A_515 = arith.addi %add3A_514, %mul3A_5 : vector<16xi32>
      %add3A_516 = arith.constant 12 : i32
      %add3A_517 = vector.broadcast %add3A_516 : i32 to vector<16xi32>
      %add3A_518 = arith.addi %add3A_515, %add3A_517 : vector<16xi32>
      %gather3A_519 = tpu.vector_load_idx %arg28[%add3A_518] : memref<1024xf32, #tpu.memory_space<vmem>>[vector<16xi32>], vector<16xf32>,
      %add3A_520 = arith.addf %add3A_513, %gather3A_519 : vector<16xf32>
      %add3A_521 = vector.broadcast %mul3A_429 : i32 to vector<16xi32>
      %add3A_522 = arith.addi %add3A_521, %mul3A_5 : vector<16xi32>
      %add3A_523 = arith.constant 13 : i32
      %add3A_524 = vector.broadcast %add3A_523 : i32 to vector<16xi32>
      %add3A_525 = arith.addi %add3A_522, %add3A_524 : vector<16xi32>
      %gather3A_526 = tpu.vector_load_idx %arg28[%add3A_525] : memref<1024xf32, #tpu.memory_space<vmem>>[vector<16xi32>], vector<16xf32>,
      %add3A_527 = arith.addf %add3A_520, %gather3A_526 : vector<16xf32>
      %add3A_528 = vector.broadcast %mul3A_429 : i32 to vector<16xi32>
      %add3A_529 = arith.addi %add3A_528, %mul3A_5 : vector<16xi32>
      %add3A_530 = arith.constant 14 : i32
      %add3A_531 = vector.broadcast %add3A_530 : i32 to vector<16xi32>
      %add3A_532 = arith.addi %add3A_529, %add3A_531 : vector<16xi32>
      %gather3A_533 = tpu.vector_load_idx %arg28[%add3A_532] : memref<1024xf32, #tpu.memory_space<vmem>>[vector<16xi32>], vector<16xf32>,
      %add3A_534 = arith.addf %add3A_527, %gather3A_533 : vector<16xf32>
      %add3A_535 = vector.broadcast %mul3A_429 : i32 to vector<16xi32>
      %add3A_536 = arith.addi %add3A_535, %mul3A_5 : vector<16xi32>
      %add3A_537 = arith.constant 15 : i32
      %add3A_538 = vector.broadcast %add3A_537 : i32 to vector<16xi32>
      %add3A_539 = arith.addi %add3A_536, %add3A_538 : vector<16xi32>
      %gather3A_540 = tpu.vector_load_idx %arg28[%add3A_539] : memref<1024xf32, #tpu.memory_space<vmem>>[vector<16xi32>], vector<16xf32>,
      %add3A_541 = arith.addf %add3A_534, %gather3A_540 : vector<16xf32>
      %mul3A_542 = arith.constant 16 : i32
      %mul3A_543 = arith.muli %scan3A_426, %mul3A_542 : i32
      %add3A_544 = arith.constant 64 : i32
      %add3A_545 = arith.addi %add3A_544, %mul3A_543 : i32
      %swap3A = arith.index_cast %add3A_545 : i32 to index
      %swap3A_546 = tpu.vector_load %arg29[%swap3A] {strides = array<i32>} : memref<512xf32, #tpu.memory_space<vmem>>, vector<16xf32>,
      tpu.vector_store %arg29[%swap3A], %add3A_541 {strides = array<i32>} : memref<512xf32, #tpu.memory_space<vmem>>, vector<16xf32>,
      %scan3A_547 = arith.constant 0 : i32
      scf.yield %scan3A_547 : i32
    }
    %scan3A_128 = arith.constant 4 : i32
    %add3A_129 = arith.constant 192 : i32
    %add3A_130 = arith.addi %mul3A_2, %add3A_129 : i32
    %multiple_of3A_131 = tpu.assume_multiple %add3A_130, 8 : i32
    "tpu.region"() ({
      %run_scoped3A = tpu.sem_alloc : memref<!tpu.dma_semaphore, #tpu.memory_space<semaphore_mem>>
      %dma_start3A_426 = tpu.memref_slice %arg2[%multiple_of3A_131] : memref<16384xi32, #tpu.memory_space<hbm>> -> memref<64xi32, #tpu.memory_space<hbm>>
      %dma_start3A_427 = tpu.memref_slice %arg2[%multiple_of3A_131] : memref<16384xi32, #tpu.memory_space<hbm>> -> memref<64xi32, #tpu.memory_space<hbm>>
      tpu.enqueue_dma source(%dma_start3A_427 : memref<64xi32, #tpu.memory_space<hbm>>) target(%arg11 : memref<64xi32, #tpu.memory_space<vmem>>) target_semaphore(%run_scoped3A : memref<!tpu.dma_semaphore, #tpu.memory_space<semaphore_mem>>)
      %dma_wait3A_428 = tpu.memref_slice %arg2[%multiple_of3A_131] : memref<16384xi32, #tpu.memory_space<hbm>> -> memref<64xi32, #tpu.memory_space<hbm>>
      %dma_wait3A_429 = tpu.memref_slice %arg2[%multiple_of3A_131] : memref<16384xi32, #tpu.memory_space<hbm>> -> memref<64xi32, #tpu.memory_space<hbm>>
      tpu.wait_dma2 semaphore(%run_scoped3A : memref<!tpu.dma_semaphore, #tpu.memory_space<semaphore_mem>>) src(%dma_wait3A_429 : memref<64xi32, #tpu.memory_space<hbm>>) dst(%arg11 : memref<64xi32, #tpu.memory_space<vmem>>)
      tpu.yield
    }) : () -> ()
    "tpu.region"() ({
      %run_scoped3A = tpu.sem_alloc : memref<!tpu.dma_semaphore, #tpu.memory_space<semaphore_mem>>
      %dma_start3A_426 = tpu.memref_slice %arg3[%multiple_of3A_131] : memref<16384xi32, #tpu.memory_space<hbm>> -> memref<64xi32, #tpu.memory_space<hbm>>
      %dma_start3A_427 = tpu.memref_slice %arg3[%multiple_of3A_131] : memref<16384xi32, #tpu.memory_space<hbm>> -> memref<64xi32, #tpu.memory_space<hbm>>
      tpu.enqueue_dma source(%dma_start3A_427 : memref<64xi32, #tpu.memory_space<hbm>>) target(%arg13 : memref<64xi32, #tpu.memory_space<vmem>>) target_semaphore(%run_scoped3A : memref<!tpu.dma_semaphore, #tpu.memory_space<semaphore_mem>>)
      %dma_wait3A_428 = tpu.memref_slice %arg3[%multiple_of3A_131] : memref<16384xi32, #tpu.memory_space<hbm>> -> memref<64xi32, #tpu.memory_space<hbm>>
      %dma_wait3A_429 = tpu.memref_slice %arg3[%multiple_of3A_131] : memref<16384xi32, #tpu.memory_space<hbm>> -> memref<64xi32, #tpu.memory_space<hbm>>
      tpu.wait_dma2 semaphore(%run_scoped3A : memref<!tpu.dma_semaphore, #tpu.memory_space<semaphore_mem>>) src(%dma_wait3A_429 : memref<64xi32, #tpu.memory_space<hbm>>) dst(%arg13 : memref<64xi32, #tpu.memory_space<vmem>>)
      tpu.yield
    }) : () -> ()
    "tpu.region"() ({
      %run_scoped3A = tpu.sem_alloc : memref<!tpu.dma_semaphore, #tpu.memory_space<semaphore_mem>>
      %dma_start3A_426 = tpu.memref_slice %arg4[%multiple_of3A_131] : memref<16384xi32, #tpu.memory_space<hbm>> -> memref<64xi32, #tpu.memory_space<hbm>>
      %dma_start3A_427 = tpu.memref_slice %arg4[%multiple_of3A_131] : memref<16384xi32, #tpu.memory_space<hbm>> -> memref<64xi32, #tpu.memory_space<hbm>>
      tpu.enqueue_dma source(%dma_start3A_427 : memref<64xi32, #tpu.memory_space<hbm>>) target(%arg15 : memref<64xi32, #tpu.memory_space<vmem>>) target_semaphore(%run_scoped3A : memref<!tpu.dma_semaphore, #tpu.memory_space<semaphore_mem>>)
      %dma_wait3A_428 = tpu.memref_slice %arg4[%multiple_of3A_131] : memref<16384xi32, #tpu.memory_space<hbm>> -> memref<64xi32, #tpu.memory_space<hbm>>
      %dma_wait3A_429 = tpu.memref_slice %arg4[%multiple_of3A_131] : memref<16384xi32, #tpu.memory_space<hbm>> -> memref<64xi32, #tpu.memory_space<hbm>>
      tpu.wait_dma2 semaphore(%run_scoped3A : memref<!tpu.dma_semaphore, #tpu.memory_space<semaphore_mem>>) src(%dma_wait3A_429 : memref<64xi32, #tpu.memory_space<hbm>>) dst(%arg15 : memref<64xi32, #tpu.memory_space<vmem>>)
      tpu.yield
    }) : () -> ()
    %dma_start3A_132 = arith.constant 0 : i32
    %dma_start3A_133 = arith.constant 0 : i32
    %dma_start3A_134 = tpu.memref_slice %arg5[%dma_start3A_132, %dma_start3A_133] : memref<1000000x128xf32, #tpu.memory_space<hbm>> -> memref<1000000x128xf32, #tpu.memory_space<hbm>>
    tpu.enqueue_indirect_dma source(%dma_start3A_134 : memref<1000000x128xf32, #tpu.memory_space<hbm>>) target(%arg22 : memref<64x128xf32, #tpu.memory_space<vmem>>) offsets(%arg11 : memref<64xi32, #tpu.memory_space<vmem>>) semaphore(%arg31 : memref<!tpu.dma_semaphore, #tpu.memory_space<semaphore_mem>>)
    %dma_start3A_135 = arith.constant 0 : i32
    %dma_start3A_136 = arith.constant 0 : i32
    %dma_start3A_137 = tpu.memref_slice %arg6[%dma_start3A_135, %dma_start3A_136] : memref<1000000x128xf32, #tpu.memory_space<hbm>> -> memref<1000000x128xf32, #tpu.memory_space<hbm>>
    tpu.enqueue_indirect_dma source(%dma_start3A_137 : memref<1000000x128xf32, #tpu.memory_space<hbm>>) target(%arg23 : memref<64x128xf32, #tpu.memory_space<vmem>>) offsets(%arg11 : memref<64xi32, #tpu.memory_space<vmem>>) semaphore(%arg31 : memref<!tpu.dma_semaphore, #tpu.memory_space<semaphore_mem>>)
    %dma_start3A_138 = arith.constant 0 : i32
    %dma_start3A_139 = arith.constant 0 : i32
    %dma_start3A_140 = tpu.memref_slice %arg5[%dma_start3A_138, %dma_start3A_139] : memref<1000000x128xf32, #tpu.memory_space<hbm>> -> memref<1000000x128xf32, #tpu.memory_space<hbm>>
    tpu.enqueue_indirect_dma source(%dma_start3A_140 : memref<1000000x128xf32, #tpu.memory_space<hbm>>) target(%arg24 : memref<64x128xf32, #tpu.memory_space<vmem>>) offsets(%arg15 : memref<64xi32, #tpu.memory_space<vmem>>) semaphore(%arg31 : memref<!tpu.dma_semaphore, #tpu.memory_space<semaphore_mem>>)
    %dma_start3A_141 = arith.constant 0 : i32
    %dma_start3A_142 = arith.constant 0 : i32
    %dma_start3A_143 = tpu.memref_slice %arg6[%dma_start3A_141, %dma_start3A_142] : memref<1000000x128xf32, #tpu.memory_space<hbm>> -> memref<1000000x128xf32, #tpu.memory_space<hbm>>
    tpu.enqueue_indirect_dma source(%dma_start3A_143 : memref<1000000x128xf32, #tpu.memory_space<hbm>>) target(%arg25 : memref<64x128xf32, #tpu.memory_space<vmem>>) offsets(%arg15 : memref<64xi32, #tpu.memory_space<vmem>>) semaphore(%arg31 : memref<!tpu.dma_semaphore, #tpu.memory_space<semaphore_mem>>)
    %dma_start3A_144 = arith.constant 0 : i32
    %dma_start3A_145 = arith.constant 0 : i32
    %dma_start3A_146 = tpu.memref_slice %arg7[%dma_start3A_144, %dma_start3A_145] : memref<1000x128xf32, #tpu.memory_space<hbm>> -> memref<1000x128xf32, #tpu.memory_space<hbm>>
    tpu.enqueue_indirect_dma source(%dma_start3A_146 : memref<1000x128xf32, #tpu.memory_space<hbm>>) target(%arg26 : memref<64x128xf32, #tpu.memory_space<vmem>>) offsets(%arg13 : memref<64xi32, #tpu.memory_space<vmem>>) semaphore(%arg31 : memref<!tpu.dma_semaphore, #tpu.memory_space<semaphore_mem>>)
    %dma_start3A_147 = arith.constant 0 : i32
    %dma_start3A_148 = arith.constant 0 : i32
    %dma_start3A_149 = tpu.memref_slice %arg8[%dma_start3A_147, %dma_start3A_148] : memref<1000x128xf32, #tpu.memory_space<hbm>> -> memref<1000x128xf32, #tpu.memory_space<hbm>>
    tpu.enqueue_indirect_dma source(%dma_start3A_149 : memref<1000x128xf32, #tpu.memory_space<hbm>>) target(%arg27 : memref<64x128xf32, #tpu.memory_space<vmem>>) offsets(%arg13 : memref<64xi32, #tpu.memory_space<vmem>>) semaphore(%arg31 : memref<!tpu.dma_semaphore, #tpu.memory_space<semaphore_mem>>)
    %dma_wait3A_150 = arith.constant 0 : i32
    %dma_wait3A_151 = arith.constant 0 : i32
    %dma_wait3A_152 = tpu.memref_slice %arg5[%dma_wait3A_150, %dma_wait3A_151] : memref<1000000x128xf32, #tpu.memory_space<hbm>> -> memref<1000000x128xf32, #tpu.memory_space<hbm>>
    tpu.wait_indirect_dma semaphore(%arg30 : memref<!tpu.dma_semaphore, #tpu.memory_space<semaphore_mem>>) src(%dma_wait3A_152 : memref<1000000x128xf32, #tpu.memory_space<hbm>>) dst(%arg16 : memref<64x128xf32, #tpu.memory_space<vmem>>)
    %dma_wait3A_153 = arith.constant 0 : i32
    %dma_wait3A_154 = arith.constant 0 : i32
    %dma_wait3A_155 = tpu.memref_slice %arg6[%dma_wait3A_153, %dma_wait3A_154] : memref<1000000x128xf32, #tpu.memory_space<hbm>> -> memref<1000000x128xf32, #tpu.memory_space<hbm>>
    tpu.wait_indirect_dma semaphore(%arg30 : memref<!tpu.dma_semaphore, #tpu.memory_space<semaphore_mem>>) src(%dma_wait3A_155 : memref<1000000x128xf32, #tpu.memory_space<hbm>>) dst(%arg17 : memref<64x128xf32, #tpu.memory_space<vmem>>)
    %dma_wait3A_156 = arith.constant 0 : i32
    %dma_wait3A_157 = arith.constant 0 : i32
    %dma_wait3A_158 = tpu.memref_slice %arg5[%dma_wait3A_156, %dma_wait3A_157] : memref<1000000x128xf32, #tpu.memory_space<hbm>> -> memref<1000000x128xf32, #tpu.memory_space<hbm>>
    tpu.wait_indirect_dma semaphore(%arg30 : memref<!tpu.dma_semaphore, #tpu.memory_space<semaphore_mem>>) src(%dma_wait3A_158 : memref<1000000x128xf32, #tpu.memory_space<hbm>>) dst(%arg18 : memref<64x128xf32, #tpu.memory_space<vmem>>)
    %dma_wait3A_159 = arith.constant 0 : i32
    %dma_wait3A_160 = arith.constant 0 : i32
    %dma_wait3A_161 = tpu.memref_slice %arg6[%dma_wait3A_159, %dma_wait3A_160] : memref<1000000x128xf32, #tpu.memory_space<hbm>> -> memref<1000000x128xf32, #tpu.memory_space<hbm>>
    tpu.wait_indirect_dma semaphore(%arg30 : memref<!tpu.dma_semaphore, #tpu.memory_space<semaphore_mem>>) src(%dma_wait3A_161 : memref<1000000x128xf32, #tpu.memory_space<hbm>>) dst(%arg19 : memref<64x128xf32, #tpu.memory_space<vmem>>)
    %dma_wait3A_162 = arith.constant 0 : i32
    %dma_wait3A_163 = arith.constant 0 : i32
    %dma_wait3A_164 = tpu.memref_slice %arg7[%dma_wait3A_162, %dma_wait3A_163] : memref<1000x128xf32, #tpu.memory_space<hbm>> -> memref<1000x128xf32, #tpu.memory_space<hbm>>
    tpu.wait_indirect_dma semaphore(%arg30 : memref<!tpu.dma_semaphore, #tpu.memory_space<semaphore_mem>>) src(%dma_wait3A_164 : memref<1000x128xf32, #tpu.memory_space<hbm>>) dst(%arg20 : memref<64x128xf32, #tpu.memory_space<vmem>>)
    %dma_wait3A_165 = arith.constant 0 : i32
    %dma_wait3A_166 = arith.constant 0 : i32
    %dma_wait3A_167 = tpu.memref_slice %arg8[%dma_wait3A_165, %dma_wait3A_166] : memref<1000x128xf32, #tpu.memory_space<hbm>> -> memref<1000x128xf32, #tpu.memory_space<hbm>>
    tpu.wait_indirect_dma semaphore(%arg30 : memref<!tpu.dma_semaphore, #tpu.memory_space<semaphore_mem>>) src(%dma_wait3A_167 : memref<1000x128xf32, #tpu.memory_space<hbm>>) dst(%arg21 : memref<64x128xf32, #tpu.memory_space<vmem>>)
    %scan3A_168 = arith.constant 0 : i32
    %scan3A_169 = arith.constant 0 : i32
    %scan3A_170 = arith.constant 64 : i32
    %scan3A_171 = arith.addi %scan3A_169, %scan3A_170 : i32
    %scan3A_172 = arith.constant 1 : i32
    %scan3A_173 = scf.for %scan3A_426 = %scan3A_169 to %scan3A_171 step %scan3A_172 iter_args(%scan3A_427 = %scan3A_168) -> (i32)  : i32 {
      %broadcast_in_dim3A = arith.constant 0.000000e+00 : f32
      %broadcast_in_dim3A_428 = vector.broadcast %broadcast_in_dim3A : f32 to vector<16xf32>
      %get3A = arith.index_cast %scan3A_426 : i32 to index
      %get3A_429 = arith.constant 0 : index
      %get3A_430 = tpu.vector_load %arg16[%get3A, %get3A_429] {strides = array<i32>} : memref<64x128xf32, #tpu.memory_space<vmem>>, vector<16xf32>,
      %get3A_431 = arith.index_cast %scan3A_426 : i32 to index
      %get3A_432 = arith.constant 0 : index
      %get3A_433 = tpu.vector_load %arg17[%get3A_431, %get3A_432] {strides = array<i32>} : memref<64x128xf32, #tpu.memory_space<vmem>>, vector<16xf32>,
      %get3A_434 = arith.index_cast %scan3A_426 : i32 to index
      %get3A_435 = arith.constant 0 : index
      %get3A_436 = tpu.vector_load %arg18[%get3A_434, %get3A_435] {strides = array<i32>} : memref<64x128xf32, #tpu.memory_space<vmem>>, vector<16xf32>,
      %get3A_437 = arith.index_cast %scan3A_426 : i32 to index
      %get3A_438 = arith.constant 0 : index
      %get3A_439 = tpu.vector_load %arg19[%get3A_437, %get3A_438] {strides = array<i32>} : memref<64x128xf32, #tpu.memory_space<vmem>>, vector<16xf32>,
      %get3A_440 = arith.index_cast %scan3A_426 : i32 to index
      %get3A_441 = arith.constant 0 : index
      %get3A_442 = tpu.vector_load %arg20[%get3A_440, %get3A_441] {strides = array<i32>} : memref<64x128xf32, #tpu.memory_space<vmem>>, vector<16xf32>,
      %get3A_443 = arith.index_cast %scan3A_426 : i32 to index
      %get3A_444 = arith.constant 0 : index
      %get3A_445 = tpu.vector_load %arg21[%get3A_443, %get3A_444] {strides = array<i32>} : memref<64x128xf32, #tpu.memory_space<vmem>>, vector<16xf32>,
      %mul3A_446 = arith.mulf %get3A_430, %get3A_436 : vector<16xf32>
      %mul3A_447 = arith.mulf %get3A_433, %get3A_439 : vector<16xf32>
      %sub3A = arith.subf %mul3A_446, %mul3A_447 : vector<16xf32>
      %mul3A_448 = arith.mulf %get3A_430, %get3A_439 : vector<16xf32>
      %mul3A_449 = arith.mulf %get3A_433, %get3A_436 : vector<16xf32>
      %add3A_450 = arith.addf %mul3A_448, %mul3A_449 : vector<16xf32>
      %mul3A_451 = arith.mulf %get3A_442, %sub3A : vector<16xf32>
      %add3A_452 = arith.addf %broadcast_in_dim3A_428, %mul3A_451 : vector<16xf32>
      %mul3A_453 = arith.mulf %get3A_445, %add3A_450 : vector<16xf32>
      %add3A_454 = arith.addf %add3A_452, %mul3A_453 : vector<16xf32>
      %get3A_455 = arith.index_cast %scan3A_426 : i32 to index
      %get3A_456 = arith.constant 16 : index
      %get3A_457 = tpu.vector_load %arg16[%get3A_455, %get3A_456] {strides = array<i32>} : memref<64x128xf32, #tpu.memory_space<vmem>>, vector<16xf32>,
      %get3A_458 = arith.index_cast %scan3A_426 : i32 to index
      %get3A_459 = arith.constant 16 : index
      %get3A_460 = tpu.vector_load %arg17[%get3A_458, %get3A_459] {strides = array<i32>} : memref<64x128xf32, #tpu.memory_space<vmem>>, vector<16xf32>,
      %get3A_461 = arith.index_cast %scan3A_426 : i32 to index
      %get3A_462 = arith.constant 16 : index
      %get3A_463 = tpu.vector_load %arg18[%get3A_461, %get3A_462] {strides = array<i32>} : memref<64x128xf32, #tpu.memory_space<vmem>>, vector<16xf32>,
      %get3A_464 = arith.index_cast %scan3A_426 : i32 to index
      %get3A_465 = arith.constant 16 : index
      %get3A_466 = tpu.vector_load %arg19[%get3A_464, %get3A_465] {strides = array<i32>} : memref<64x128xf32, #tpu.memory_space<vmem>>, vector<16xf32>,
      %get3A_467 = arith.index_cast %scan3A_426 : i32 to index
      %get3A_468 = arith.constant 16 : index
      %get3A_469 = tpu.vector_load %arg20[%get3A_467, %get3A_468] {strides = array<i32>} : memref<64x128xf32, #tpu.memory_space<vmem>>, vector<16xf32>,
      %get3A_470 = arith.index_cast %scan3A_426 : i32 to index
      %get3A_471 = arith.constant 16 : index
      %get3A_472 = tpu.vector_load %arg21[%get3A_470, %get3A_471] {strides = array<i32>} : memref<64x128xf32, #tpu.memory_space<vmem>>, vector<16xf32>,
      %mul3A_473 = arith.mulf %get3A_457, %get3A_463 : vector<16xf32>
      %mul3A_474 = arith.mulf %get3A_460, %get3A_466 : vector<16xf32>
      %sub3A_475 = arith.subf %mul3A_473, %mul3A_474 : vector<16xf32>
      %mul3A_476 = arith.mulf %get3A_457, %get3A_466 : vector<16xf32>
      %mul3A_477 = arith.mulf %get3A_460, %get3A_463 : vector<16xf32>
      %add3A_478 = arith.addf %mul3A_476, %mul3A_477 : vector<16xf32>
      %mul3A_479 = arith.mulf %get3A_469, %sub3A_475 : vector<16xf32>
      %add3A_480 = arith.addf %add3A_454, %mul3A_479 : vector<16xf32>
      %mul3A_481 = arith.mulf %get3A_472, %add3A_478 : vector<16xf32>
      %add3A_482 = arith.addf %add3A_480, %mul3A_481 : vector<16xf32>
      %get3A_483 = arith.index_cast %scan3A_426 : i32 to index
      %get3A_484 = arith.constant 32 : index
      %get3A_485 = tpu.vector_load %arg16[%get3A_483, %get3A_484] {strides = array<i32>} : memref<64x128xf32, #tpu.memory_space<vmem>>, vector<16xf32>,
      %get3A_486 = arith.index_cast %scan3A_426 : i32 to index
      %get3A_487 = arith.constant 32 : index
      %get3A_488 = tpu.vector_load %arg17[%get3A_486, %get3A_487] {strides = array<i32>} : memref<64x128xf32, #tpu.memory_space<vmem>>, vector<16xf32>,
      %get3A_489 = arith.index_cast %scan3A_426 : i32 to index
      %get3A_490 = arith.constant 32 : index
      %get3A_491 = tpu.vector_load %arg18[%get3A_489, %get3A_490] {strides = array<i32>} : memref<64x128xf32, #tpu.memory_space<vmem>>, vector<16xf32>,
      %get3A_492 = arith.index_cast %scan3A_426 : i32 to index
      %get3A_493 = arith.constant 32 : index
      %get3A_494 = tpu.vector_load %arg19[%get3A_492, %get3A_493] {strides = array<i32>} : memref<64x128xf32, #tpu.memory_space<vmem>>, vector<16xf32>,
      %get3A_495 = arith.index_cast %scan3A_426 : i32 to index
      %get3A_496 = arith.constant 32 : index
      %get3A_497 = tpu.vector_load %arg20[%get3A_495, %get3A_496] {strides = array<i32>} : memref<64x128xf32, #tpu.memory_space<vmem>>, vector<16xf32>,
      %get3A_498 = arith.index_cast %scan3A_426 : i32 to index
      %get3A_499 = arith.constant 32 : index
      %get3A_500 = tpu.vector_load %arg21[%get3A_498, %get3A_499] {strides = array<i32>} : memref<64x128xf32, #tpu.memory_space<vmem>>, vector<16xf32>,
      %mul3A_501 = arith.mulf %get3A_485, %get3A_491 : vector<16xf32>
      %mul3A_502 = arith.mulf %get3A_488, %get3A_494 : vector<16xf32>
      %sub3A_503 = arith.subf %mul3A_501, %mul3A_502 : vector<16xf32>
      %mul3A_504 = arith.mulf %get3A_485, %get3A_494 : vector<16xf32>
      %mul3A_505 = arith.mulf %get3A_488, %get3A_491 : vector<16xf32>
      %add3A_506 = arith.addf %mul3A_504, %mul3A_505 : vector<16xf32>
      %mul3A_507 = arith.mulf %get3A_497, %sub3A_503 : vector<16xf32>
      %add3A_508 = arith.addf %add3A_482, %mul3A_507 : vector<16xf32>
      %mul3A_509 = arith.mulf %get3A_500, %add3A_506 : vector<16xf32>
      %add3A_510 = arith.addf %add3A_508, %mul3A_509 : vector<16xf32>
      %get3A_511 = arith.index_cast %scan3A_426 : i32 to index
      %get3A_512 = arith.constant 48 : index
      %get3A_513 = tpu.vector_load %arg16[%get3A_511, %get3A_512] {strides = array<i32>} : memref<64x128xf32, #tpu.memory_space<vmem>>, vector<16xf32>,
      %get3A_514 = arith.index_cast %scan3A_426 : i32 to index
      %get3A_515 = arith.constant 48 : index
      %get3A_516 = tpu.vector_load %arg17[%get3A_514, %get3A_515] {strides = array<i32>} : memref<64x128xf32, #tpu.memory_space<vmem>>, vector<16xf32>,
      %get3A_517 = arith.index_cast %scan3A_426 : i32 to index
      %get3A_518 = arith.constant 48 : index
      %get3A_519 = tpu.vector_load %arg18[%get3A_517, %get3A_518] {strides = array<i32>} : memref<64x128xf32, #tpu.memory_space<vmem>>, vector<16xf32>,
      %get3A_520 = arith.index_cast %scan3A_426 : i32 to index
      %get3A_521 = arith.constant 48 : index
      %get3A_522 = tpu.vector_load %arg19[%get3A_520, %get3A_521] {strides = array<i32>} : memref<64x128xf32, #tpu.memory_space<vmem>>, vector<16xf32>,
      %get3A_523 = arith.index_cast %scan3A_426 : i32 to index
      %get3A_524 = arith.constant 48 : index
      %get3A_525 = tpu.vector_load %arg20[%get3A_523, %get3A_524] {strides = array<i32>} : memref<64x128xf32, #tpu.memory_space<vmem>>, vector<16xf32>,
      %get3A_526 = arith.index_cast %scan3A_426 : i32 to index
      %get3A_527 = arith.constant 48 : index
      %get3A_528 = tpu.vector_load %arg21[%get3A_526, %get3A_527] {strides = array<i32>} : memref<64x128xf32, #tpu.memory_space<vmem>>, vector<16xf32>,
      %mul3A_529 = arith.mulf %get3A_513, %get3A_519 : vector<16xf32>
      %mul3A_530 = arith.mulf %get3A_516, %get3A_522 : vector<16xf32>
      %sub3A_531 = arith.subf %mul3A_529, %mul3A_530 : vector<16xf32>
      %mul3A_532 = arith.mulf %get3A_513, %get3A_522 : vector<16xf32>
      %mul3A_533 = arith.mulf %get3A_516, %get3A_519 : vector<16xf32>
      %add3A_534 = arith.addf %mul3A_532, %mul3A_533 : vector<16xf32>
      %mul3A_535 = arith.mulf %get3A_525, %sub3A_531 : vector<16xf32>
      %add3A_536 = arith.addf %add3A_510, %mul3A_535 : vector<16xf32>
      %mul3A_537 = arith.mulf %get3A_528, %add3A_534 : vector<16xf32>
      %add3A_538 = arith.addf %add3A_536, %mul3A_537 : vector<16xf32>
      %mul3A_539 = arith.constant 16 : i32
      %mul3A_540 = arith.muli %scan3A_426, %mul3A_539 : i32
      %swap3A = arith.index_cast %mul3A_540 : i32 to index
      %swap3A_541 = tpu.vector_load %arg28[%swap3A] {strides = array<i32>} : memref<1024xf32, #tpu.memory_space<vmem>>, vector<16xf32>,
      tpu.vector_store %arg28[%swap3A], %add3A_538 {strides = array<i32>} : memref<1024xf32, #tpu.memory_space<vmem>>, vector<16xf32>,
      %scan3A_542 = arith.constant 0 : i32
      scf.yield %scan3A_542 : i32
    }
    %scan3A_174 = arith.constant 64 : i32
    %scan3A_175 = arith.constant 0 : i32
    %scan3A_176 = arith.constant 0 : i32
    %scan3A_177 = arith.constant 4 : i32
    %scan3A_178 = arith.addi %scan3A_176, %scan3A_177 : i32
    %scan3A_179 = arith.constant 1 : i32
    %scan3A_180 = scf.for %scan3A_426 = %scan3A_176 to %scan3A_178 step %scan3A_179 iter_args(%scan3A_427 = %scan3A_175) -> (i32)  : i32 {
      %mul3A_428 = arith.constant 256 : i32
      %mul3A_429 = arith.muli %scan3A_426, %mul3A_428 : i32
      %broadcast_in_dim3A = arith.constant 0.000000e+00 : f32
      %broadcast_in_dim3A_430 = vector.broadcast %broadcast_in_dim3A : f32 to vector<16xf32>
      %add3A_431 = vector.broadcast %mul3A_429 : i32 to vector<16xi32>
      %add3A_432 = arith.addi %add3A_431, %mul3A_5 : vector<16xi32>
      %add3A_433 = arith.constant 0 : i32
      %add3A_434 = vector.broadcast %add3A_433 : i32 to vector<16xi32>
      %add3A_435 = arith.addi %add3A_432, %add3A_434 : vector<16xi32>
      %gather3A = tpu.vector_load_idx %arg28[%add3A_435] : memref<1024xf32, #tpu.memory_space<vmem>>[vector<16xi32>], vector<16xf32>,
      %add3A_436 = arith.addf %broadcast_in_dim3A_430, %gather3A : vector<16xf32>
      %add3A_437 = vector.broadcast %mul3A_429 : i32 to vector<16xi32>
      %add3A_438 = arith.addi %add3A_437, %mul3A_5 : vector<16xi32>
      %add3A_439 = arith.constant 1 : i32
      %add3A_440 = vector.broadcast %add3A_439 : i32 to vector<16xi32>
      %add3A_441 = arith.addi %add3A_438, %add3A_440 : vector<16xi32>
      %gather3A_442 = tpu.vector_load_idx %arg28[%add3A_441] : memref<1024xf32, #tpu.memory_space<vmem>>[vector<16xi32>], vector<16xf32>,
      %add3A_443 = arith.addf %add3A_436, %gather3A_442 : vector<16xf32>
      %add3A_444 = vector.broadcast %mul3A_429 : i32 to vector<16xi32>
      %add3A_445 = arith.addi %add3A_444, %mul3A_5 : vector<16xi32>
      %add3A_446 = arith.constant 2 : i32
      %add3A_447 = vector.broadcast %add3A_446 : i32 to vector<16xi32>
      %add3A_448 = arith.addi %add3A_445, %add3A_447 : vector<16xi32>
      %gather3A_449 = tpu.vector_load_idx %arg28[%add3A_448] : memref<1024xf32, #tpu.memory_space<vmem>>[vector<16xi32>], vector<16xf32>,
      %add3A_450 = arith.addf %add3A_443, %gather3A_449 : vector<16xf32>
      %add3A_451 = vector.broadcast %mul3A_429 : i32 to vector<16xi32>
      %add3A_452 = arith.addi %add3A_451, %mul3A_5 : vector<16xi32>
      %add3A_453 = arith.constant 3 : i32
      %add3A_454 = vector.broadcast %add3A_453 : i32 to vector<16xi32>
      %add3A_455 = arith.addi %add3A_452, %add3A_454 : vector<16xi32>
      %gather3A_456 = tpu.vector_load_idx %arg28[%add3A_455] : memref<1024xf32, #tpu.memory_space<vmem>>[vector<16xi32>], vector<16xf32>,
      %add3A_457 = arith.addf %add3A_450, %gather3A_456 : vector<16xf32>
      %add3A_458 = vector.broadcast %mul3A_429 : i32 to vector<16xi32>
      %add3A_459 = arith.addi %add3A_458, %mul3A_5 : vector<16xi32>
      %add3A_460 = arith.constant 4 : i32
      %add3A_461 = vector.broadcast %add3A_460 : i32 to vector<16xi32>
      %add3A_462 = arith.addi %add3A_459, %add3A_461 : vector<16xi32>
      %gather3A_463 = tpu.vector_load_idx %arg28[%add3A_462] : memref<1024xf32, #tpu.memory_space<vmem>>[vector<16xi32>], vector<16xf32>,
      %add3A_464 = arith.addf %add3A_457, %gather3A_463 : vector<16xf32>
      %add3A_465 = vector.broadcast %mul3A_429 : i32 to vector<16xi32>
      %add3A_466 = arith.addi %add3A_465, %mul3A_5 : vector<16xi32>
      %add3A_467 = arith.constant 5 : i32
      %add3A_468 = vector.broadcast %add3A_467 : i32 to vector<16xi32>
      %add3A_469 = arith.addi %add3A_466, %add3A_468 : vector<16xi32>
      %gather3A_470 = tpu.vector_load_idx %arg28[%add3A_469] : memref<1024xf32, #tpu.memory_space<vmem>>[vector<16xi32>], vector<16xf32>,
      %add3A_471 = arith.addf %add3A_464, %gather3A_470 : vector<16xf32>
      %add3A_472 = vector.broadcast %mul3A_429 : i32 to vector<16xi32>
      %add3A_473 = arith.addi %add3A_472, %mul3A_5 : vector<16xi32>
      %add3A_474 = arith.constant 6 : i32
      %add3A_475 = vector.broadcast %add3A_474 : i32 to vector<16xi32>
      %add3A_476 = arith.addi %add3A_473, %add3A_475 : vector<16xi32>
      %gather3A_477 = tpu.vector_load_idx %arg28[%add3A_476] : memref<1024xf32, #tpu.memory_space<vmem>>[vector<16xi32>], vector<16xf32>,
      %add3A_478 = arith.addf %add3A_471, %gather3A_477 : vector<16xf32>
      %add3A_479 = vector.broadcast %mul3A_429 : i32 to vector<16xi32>
      %add3A_480 = arith.addi %add3A_479, %mul3A_5 : vector<16xi32>
      %add3A_481 = arith.constant 7 : i32
      %add3A_482 = vector.broadcast %add3A_481 : i32 to vector<16xi32>
      %add3A_483 = arith.addi %add3A_480, %add3A_482 : vector<16xi32>
      %gather3A_484 = tpu.vector_load_idx %arg28[%add3A_483] : memref<1024xf32, #tpu.memory_space<vmem>>[vector<16xi32>], vector<16xf32>,
      %add3A_485 = arith.addf %add3A_478, %gather3A_484 : vector<16xf32>
      %add3A_486 = vector.broadcast %mul3A_429 : i32 to vector<16xi32>
      %add3A_487 = arith.addi %add3A_486, %mul3A_5 : vector<16xi32>
      %add3A_488 = arith.constant 8 : i32
      %add3A_489 = vector.broadcast %add3A_488 : i32 to vector<16xi32>
      %add3A_490 = arith.addi %add3A_487, %add3A_489 : vector<16xi32>
      %gather3A_491 = tpu.vector_load_idx %arg28[%add3A_490] : memref<1024xf32, #tpu.memory_space<vmem>>[vector<16xi32>], vector<16xf32>,
      %add3A_492 = arith.addf %add3A_485, %gather3A_491 : vector<16xf32>
      %add3A_493 = vector.broadcast %mul3A_429 : i32 to vector<16xi32>
      %add3A_494 = arith.addi %add3A_493, %mul3A_5 : vector<16xi32>
      %add3A_495 = arith.constant 9 : i32
      %add3A_496 = vector.broadcast %add3A_495 : i32 to vector<16xi32>
      %add3A_497 = arith.addi %add3A_494, %add3A_496 : vector<16xi32>
      %gather3A_498 = tpu.vector_load_idx %arg28[%add3A_497] : memref<1024xf32, #tpu.memory_space<vmem>>[vector<16xi32>], vector<16xf32>,
      %add3A_499 = arith.addf %add3A_492, %gather3A_498 : vector<16xf32>
      %add3A_500 = vector.broadcast %mul3A_429 : i32 to vector<16xi32>
      %add3A_501 = arith.addi %add3A_500, %mul3A_5 : vector<16xi32>
      %add3A_502 = arith.constant 10 : i32
      %add3A_503 = vector.broadcast %add3A_502 : i32 to vector<16xi32>
      %add3A_504 = arith.addi %add3A_501, %add3A_503 : vector<16xi32>
      %gather3A_505 = tpu.vector_load_idx %arg28[%add3A_504] : memref<1024xf32, #tpu.memory_space<vmem>>[vector<16xi32>], vector<16xf32>,
      %add3A_506 = arith.addf %add3A_499, %gather3A_505 : vector<16xf32>
      %add3A_507 = vector.broadcast %mul3A_429 : i32 to vector<16xi32>
      %add3A_508 = arith.addi %add3A_507, %mul3A_5 : vector<16xi32>
      %add3A_509 = arith.constant 11 : i32
      %add3A_510 = vector.broadcast %add3A_509 : i32 to vector<16xi32>
      %add3A_511 = arith.addi %add3A_508, %add3A_510 : vector<16xi32>
      %gather3A_512 = tpu.vector_load_idx %arg28[%add3A_511] : memref<1024xf32, #tpu.memory_space<vmem>>[vector<16xi32>], vector<16xf32>,
      %add3A_513 = arith.addf %add3A_506, %gather3A_512 : vector<16xf32>
      %add3A_514 = vector.broadcast %mul3A_429 : i32 to vector<16xi32>
      %add3A_515 = arith.addi %add3A_514, %mul3A_5 : vector<16xi32>
      %add3A_516 = arith.constant 12 : i32
      %add3A_517 = vector.broadcast %add3A_516 : i32 to vector<16xi32>
      %add3A_518 = arith.addi %add3A_515, %add3A_517 : vector<16xi32>
      %gather3A_519 = tpu.vector_load_idx %arg28[%add3A_518] : memref<1024xf32, #tpu.memory_space<vmem>>[vector<16xi32>], vector<16xf32>,
      %add3A_520 = arith.addf %add3A_513, %gather3A_519 : vector<16xf32>
      %add3A_521 = vector.broadcast %mul3A_429 : i32 to vector<16xi32>
      %add3A_522 = arith.addi %add3A_521, %mul3A_5 : vector<16xi32>
      %add3A_523 = arith.constant 13 : i32
      %add3A_524 = vector.broadcast %add3A_523 : i32 to vector<16xi32>
      %add3A_525 = arith.addi %add3A_522, %add3A_524 : vector<16xi32>
      %gather3A_526 = tpu.vector_load_idx %arg28[%add3A_525] : memref<1024xf32, #tpu.memory_space<vmem>>[vector<16xi32>], vector<16xf32>,
      %add3A_527 = arith.addf %add3A_520, %gather3A_526 : vector<16xf32>
      %add3A_528 = vector.broadcast %mul3A_429 : i32 to vector<16xi32>
      %add3A_529 = arith.addi %add3A_528, %mul3A_5 : vector<16xi32>
      %add3A_530 = arith.constant 14 : i32
      %add3A_531 = vector.broadcast %add3A_530 : i32 to vector<16xi32>
      %add3A_532 = arith.addi %add3A_529, %add3A_531 : vector<16xi32>
      %gather3A_533 = tpu.vector_load_idx %arg28[%add3A_532] : memref<1024xf32, #tpu.memory_space<vmem>>[vector<16xi32>], vector<16xf32>,
      %add3A_534 = arith.addf %add3A_527, %gather3A_533 : vector<16xf32>
      %add3A_535 = vector.broadcast %mul3A_429 : i32 to vector<16xi32>
      %add3A_536 = arith.addi %add3A_535, %mul3A_5 : vector<16xi32>
      %add3A_537 = arith.constant 15 : i32
      %add3A_538 = vector.broadcast %add3A_537 : i32 to vector<16xi32>
      %add3A_539 = arith.addi %add3A_536, %add3A_538 : vector<16xi32>
      %gather3A_540 = tpu.vector_load_idx %arg28[%add3A_539] : memref<1024xf32, #tpu.memory_space<vmem>>[vector<16xi32>], vector<16xf32>,
      %add3A_541 = arith.addf %add3A_534, %gather3A_540 : vector<16xf32>
      %mul3A_542 = arith.constant 16 : i32
      %mul3A_543 = arith.muli %scan3A_426, %mul3A_542 : i32
      %add3A_544 = arith.constant 128 : i32
      %add3A_545 = arith.addi %add3A_544, %mul3A_543 : i32
      %swap3A = arith.index_cast %add3A_545 : i32 to index
      %swap3A_546 = tpu.vector_load %arg29[%swap3A] {strides = array<i32>} : memref<512xf32, #tpu.memory_space<vmem>>, vector<16xf32>,
      tpu.vector_store %arg29[%swap3A], %add3A_541 {strides = array<i32>} : memref<512xf32, #tpu.memory_space<vmem>>, vector<16xf32>,
      %scan3A_547 = arith.constant 0 : i32
      scf.yield %scan3A_547 : i32
    }
    %scan3A_181 = arith.constant 4 : i32
    %add3A_182 = arith.constant 256 : i32
    %add3A_183 = arith.addi %mul3A_2, %add3A_182 : i32
    %multiple_of3A_184 = tpu.assume_multiple %add3A_183, 8 : i32
    "tpu.region"() ({
      %run_scoped3A = tpu.sem_alloc : memref<!tpu.dma_semaphore, #tpu.memory_space<semaphore_mem>>
      %dma_start3A_426 = tpu.memref_slice %arg2[%multiple_of3A_184] : memref<16384xi32, #tpu.memory_space<hbm>> -> memref<64xi32, #tpu.memory_space<hbm>>
      %dma_start3A_427 = tpu.memref_slice %arg2[%multiple_of3A_184] : memref<16384xi32, #tpu.memory_space<hbm>> -> memref<64xi32, #tpu.memory_space<hbm>>
      tpu.enqueue_dma source(%dma_start3A_427 : memref<64xi32, #tpu.memory_space<hbm>>) target(%arg10 : memref<64xi32, #tpu.memory_space<vmem>>) target_semaphore(%run_scoped3A : memref<!tpu.dma_semaphore, #tpu.memory_space<semaphore_mem>>)
      %dma_wait3A_428 = tpu.memref_slice %arg2[%multiple_of3A_184] : memref<16384xi32, #tpu.memory_space<hbm>> -> memref<64xi32, #tpu.memory_space<hbm>>
      %dma_wait3A_429 = tpu.memref_slice %arg2[%multiple_of3A_184] : memref<16384xi32, #tpu.memory_space<hbm>> -> memref<64xi32, #tpu.memory_space<hbm>>
      tpu.wait_dma2 semaphore(%run_scoped3A : memref<!tpu.dma_semaphore, #tpu.memory_space<semaphore_mem>>) src(%dma_wait3A_429 : memref<64xi32, #tpu.memory_space<hbm>>) dst(%arg10 : memref<64xi32, #tpu.memory_space<vmem>>)
      tpu.yield
    }) : () -> ()
    "tpu.region"() ({
      %run_scoped3A = tpu.sem_alloc : memref<!tpu.dma_semaphore, #tpu.memory_space<semaphore_mem>>
      %dma_start3A_426 = tpu.memref_slice %arg3[%multiple_of3A_184] : memref<16384xi32, #tpu.memory_space<hbm>> -> memref<64xi32, #tpu.memory_space<hbm>>
      %dma_start3A_427 = tpu.memref_slice %arg3[%multiple_of3A_184] : memref<16384xi32, #tpu.memory_space<hbm>> -> memref<64xi32, #tpu.memory_space<hbm>>
      tpu.enqueue_dma source(%dma_start3A_427 : memref<64xi32, #tpu.memory_space<hbm>>) target(%arg12 : memref<64xi32, #tpu.memory_space<vmem>>) target_semaphore(%run_scoped3A : memref<!tpu.dma_semaphore, #tpu.memory_space<semaphore_mem>>)
      %dma_wait3A_428 = tpu.memref_slice %arg3[%multiple_of3A_184] : memref<16384xi32, #tpu.memory_space<hbm>> -> memref<64xi32, #tpu.memory_space<hbm>>
      %dma_wait3A_429 = tpu.memref_slice %arg3[%multiple_of3A_184] : memref<16384xi32, #tpu.memory_space<hbm>> -> memref<64xi32, #tpu.memory_space<hbm>>
      tpu.wait_dma2 semaphore(%run_scoped3A : memref<!tpu.dma_semaphore, #tpu.memory_space<semaphore_mem>>) src(%dma_wait3A_429 : memref<64xi32, #tpu.memory_space<hbm>>) dst(%arg12 : memref<64xi32, #tpu.memory_space<vmem>>)
      tpu.yield
    }) : () -> ()
    "tpu.region"() ({
      %run_scoped3A = tpu.sem_alloc : memref<!tpu.dma_semaphore, #tpu.memory_space<semaphore_mem>>
      %dma_start3A_426 = tpu.memref_slice %arg4[%multiple_of3A_184] : memref<16384xi32, #tpu.memory_space<hbm>> -> memref<64xi32, #tpu.memory_space<hbm>>
      %dma_start3A_427 = tpu.memref_slice %arg4[%multiple_of3A_184] : memref<16384xi32, #tpu.memory_space<hbm>> -> memref<64xi32, #tpu.memory_space<hbm>>
      tpu.enqueue_dma source(%dma_start3A_427 : memref<64xi32, #tpu.memory_space<hbm>>) target(%arg14 : memref<64xi32, #tpu.memory_space<vmem>>) target_semaphore(%run_scoped3A : memref<!tpu.dma_semaphore, #tpu.memory_space<semaphore_mem>>)
      %dma_wait3A_428 = tpu.memref_slice %arg4[%multiple_of3A_184] : memref<16384xi32, #tpu.memory_space<hbm>> -> memref<64xi32, #tpu.memory_space<hbm>>
      %dma_wait3A_429 = tpu.memref_slice %arg4[%multiple_of3A_184] : memref<16384xi32, #tpu.memory_space<hbm>> -> memref<64xi32, #tpu.memory_space<hbm>>
      tpu.wait_dma2 semaphore(%run_scoped3A : memref<!tpu.dma_semaphore, #tpu.memory_space<semaphore_mem>>) src(%dma_wait3A_429 : memref<64xi32, #tpu.memory_space<hbm>>) dst(%arg14 : memref<64xi32, #tpu.memory_space<vmem>>)
      tpu.yield
    }) : () -> ()
    %dma_start3A_185 = arith.constant 0 : i32
    %dma_start3A_186 = arith.constant 0 : i32
    %dma_start3A_187 = tpu.memref_slice %arg5[%dma_start3A_185, %dma_start3A_186] : memref<1000000x128xf32, #tpu.memory_space<hbm>> -> memref<1000000x128xf32, #tpu.memory_space<hbm>>
    tpu.enqueue_indirect_dma source(%dma_start3A_187 : memref<1000000x128xf32, #tpu.memory_space<hbm>>) target(%arg16 : memref<64x128xf32, #tpu.memory_space<vmem>>) offsets(%arg10 : memref<64xi32, #tpu.memory_space<vmem>>) semaphore(%arg30 : memref<!tpu.dma_semaphore, #tpu.memory_space<semaphore_mem>>)
    %dma_start3A_188 = arith.constant 0 : i32
    %dma_start3A_189 = arith.constant 0 : i32
    %dma_start3A_190 = tpu.memref_slice %arg6[%dma_start3A_188, %dma_start3A_189] : memref<1000000x128xf32, #tpu.memory_space<hbm>> -> memref<1000000x128xf32, #tpu.memory_space<hbm>>
    tpu.enqueue_indirect_dma source(%dma_start3A_190 : memref<1000000x128xf32, #tpu.memory_space<hbm>>) target(%arg17 : memref<64x128xf32, #tpu.memory_space<vmem>>) offsets(%arg10 : memref<64xi32, #tpu.memory_space<vmem>>) semaphore(%arg30 : memref<!tpu.dma_semaphore, #tpu.memory_space<semaphore_mem>>)
    %dma_start3A_191 = arith.constant 0 : i32
    %dma_start3A_192 = arith.constant 0 : i32
    %dma_start3A_193 = tpu.memref_slice %arg5[%dma_start3A_191, %dma_start3A_192] : memref<1000000x128xf32, #tpu.memory_space<hbm>> -> memref<1000000x128xf32, #tpu.memory_space<hbm>>
    tpu.enqueue_indirect_dma source(%dma_start3A_193 : memref<1000000x128xf32, #tpu.memory_space<hbm>>) target(%arg18 : memref<64x128xf32, #tpu.memory_space<vmem>>) offsets(%arg14 : memref<64xi32, #tpu.memory_space<vmem>>) semaphore(%arg30 : memref<!tpu.dma_semaphore, #tpu.memory_space<semaphore_mem>>)
    %dma_start3A_194 = arith.constant 0 : i32
    %dma_start3A_195 = arith.constant 0 : i32
    %dma_start3A_196 = tpu.memref_slice %arg6[%dma_start3A_194, %dma_start3A_195] : memref<1000000x128xf32, #tpu.memory_space<hbm>> -> memref<1000000x128xf32, #tpu.memory_space<hbm>>
    tpu.enqueue_indirect_dma source(%dma_start3A_196 : memref<1000000x128xf32, #tpu.memory_space<hbm>>) target(%arg19 : memref<64x128xf32, #tpu.memory_space<vmem>>) offsets(%arg14 : memref<64xi32, #tpu.memory_space<vmem>>) semaphore(%arg30 : memref<!tpu.dma_semaphore, #tpu.memory_space<semaphore_mem>>)
    %dma_start3A_197 = arith.constant 0 : i32
    %dma_start3A_198 = arith.constant 0 : i32
    %dma_start3A_199 = tpu.memref_slice %arg7[%dma_start3A_197, %dma_start3A_198] : memref<1000x128xf32, #tpu.memory_space<hbm>> -> memref<1000x128xf32, #tpu.memory_space<hbm>>
    tpu.enqueue_indirect_dma source(%dma_start3A_199 : memref<1000x128xf32, #tpu.memory_space<hbm>>) target(%arg20 : memref<64x128xf32, #tpu.memory_space<vmem>>) offsets(%arg12 : memref<64xi32, #tpu.memory_space<vmem>>) semaphore(%arg30 : memref<!tpu.dma_semaphore, #tpu.memory_space<semaphore_mem>>)
    %dma_start3A_200 = arith.constant 0 : i32
    %dma_start3A_201 = arith.constant 0 : i32
    %dma_start3A_202 = tpu.memref_slice %arg8[%dma_start3A_200, %dma_start3A_201] : memref<1000x128xf32, #tpu.memory_space<hbm>> -> memref<1000x128xf32, #tpu.memory_space<hbm>>
    tpu.enqueue_indirect_dma source(%dma_start3A_202 : memref<1000x128xf32, #tpu.memory_space<hbm>>) target(%arg21 : memref<64x128xf32, #tpu.memory_space<vmem>>) offsets(%arg12 : memref<64xi32, #tpu.memory_space<vmem>>) semaphore(%arg30 : memref<!tpu.dma_semaphore, #tpu.memory_space<semaphore_mem>>)
    %dma_wait3A_203 = arith.constant 0 : i32
    %dma_wait3A_204 = arith.constant 0 : i32
    %dma_wait3A_205 = tpu.memref_slice %arg5[%dma_wait3A_203, %dma_wait3A_204] : memref<1000000x128xf32, #tpu.memory_space<hbm>> -> memref<1000000x128xf32, #tpu.memory_space<hbm>>
    tpu.wait_indirect_dma semaphore(%arg31 : memref<!tpu.dma_semaphore, #tpu.memory_space<semaphore_mem>>) src(%dma_wait3A_205 : memref<1000000x128xf32, #tpu.memory_space<hbm>>) dst(%arg22 : memref<64x128xf32, #tpu.memory_space<vmem>>)
    %dma_wait3A_206 = arith.constant 0 : i32
    %dma_wait3A_207 = arith.constant 0 : i32
    %dma_wait3A_208 = tpu.memref_slice %arg6[%dma_wait3A_206, %dma_wait3A_207] : memref<1000000x128xf32, #tpu.memory_space<hbm>> -> memref<1000000x128xf32, #tpu.memory_space<hbm>>
    tpu.wait_indirect_dma semaphore(%arg31 : memref<!tpu.dma_semaphore, #tpu.memory_space<semaphore_mem>>) src(%dma_wait3A_208 : memref<1000000x128xf32, #tpu.memory_space<hbm>>) dst(%arg23 : memref<64x128xf32, #tpu.memory_space<vmem>>)
    %dma_wait3A_209 = arith.constant 0 : i32
    %dma_wait3A_210 = arith.constant 0 : i32
    %dma_wait3A_211 = tpu.memref_slice %arg5[%dma_wait3A_209, %dma_wait3A_210] : memref<1000000x128xf32, #tpu.memory_space<hbm>> -> memref<1000000x128xf32, #tpu.memory_space<hbm>>
    tpu.wait_indirect_dma semaphore(%arg31 : memref<!tpu.dma_semaphore, #tpu.memory_space<semaphore_mem>>) src(%dma_wait3A_211 : memref<1000000x128xf32, #tpu.memory_space<hbm>>) dst(%arg24 : memref<64x128xf32, #tpu.memory_space<vmem>>)
    %dma_wait3A_212 = arith.constant 0 : i32
    %dma_wait3A_213 = arith.constant 0 : i32
    %dma_wait3A_214 = tpu.memref_slice %arg6[%dma_wait3A_212, %dma_wait3A_213] : memref<1000000x128xf32, #tpu.memory_space<hbm>> -> memref<1000000x128xf32, #tpu.memory_space<hbm>>
    tpu.wait_indirect_dma semaphore(%arg31 : memref<!tpu.dma_semaphore, #tpu.memory_space<semaphore_mem>>) src(%dma_wait3A_214 : memref<1000000x128xf32, #tpu.memory_space<hbm>>) dst(%arg25 : memref<64x128xf32, #tpu.memory_space<vmem>>)
    %dma_wait3A_215 = arith.constant 0 : i32
    %dma_wait3A_216 = arith.constant 0 : i32
    %dma_wait3A_217 = tpu.memref_slice %arg7[%dma_wait3A_215, %dma_wait3A_216] : memref<1000x128xf32, #tpu.memory_space<hbm>> -> memref<1000x128xf32, #tpu.memory_space<hbm>>
    tpu.wait_indirect_dma semaphore(%arg31 : memref<!tpu.dma_semaphore, #tpu.memory_space<semaphore_mem>>) src(%dma_wait3A_217 : memref<1000x128xf32, #tpu.memory_space<hbm>>) dst(%arg26 : memref<64x128xf32, #tpu.memory_space<vmem>>)
    %dma_wait3A_218 = arith.constant 0 : i32
    %dma_wait3A_219 = arith.constant 0 : i32
    %dma_wait3A_220 = tpu.memref_slice %arg8[%dma_wait3A_218, %dma_wait3A_219] : memref<1000x128xf32, #tpu.memory_space<hbm>> -> memref<1000x128xf32, #tpu.memory_space<hbm>>
    tpu.wait_indirect_dma semaphore(%arg31 : memref<!tpu.dma_semaphore, #tpu.memory_space<semaphore_mem>>) src(%dma_wait3A_220 : memref<1000x128xf32, #tpu.memory_space<hbm>>) dst(%arg27 : memref<64x128xf32, #tpu.memory_space<vmem>>)
    %scan3A_221 = arith.constant 0 : i32
    %scan3A_222 = arith.constant 0 : i32
    %scan3A_223 = arith.constant 64 : i32
    %scan3A_224 = arith.addi %scan3A_222, %scan3A_223 : i32
    %scan3A_225 = arith.constant 1 : i32
    %scan3A_226 = scf.for %scan3A_426 = %scan3A_222 to %scan3A_224 step %scan3A_225 iter_args(%scan3A_427 = %scan3A_221) -> (i32)  : i32 {
      %broadcast_in_dim3A = arith.constant 0.000000e+00 : f32
      %broadcast_in_dim3A_428 = vector.broadcast %broadcast_in_dim3A : f32 to vector<16xf32>
      %get3A = arith.index_cast %scan3A_426 : i32 to index
      %get3A_429 = arith.constant 0 : index
      %get3A_430 = tpu.vector_load %arg22[%get3A, %get3A_429] {strides = array<i32>} : memref<64x128xf32, #tpu.memory_space<vmem>>, vector<16xf32>,
      %get3A_431 = arith.index_cast %scan3A_426 : i32 to index
      %get3A_432 = arith.constant 0 : index
      %get3A_433 = tpu.vector_load %arg23[%get3A_431, %get3A_432] {strides = array<i32>} : memref<64x128xf32, #tpu.memory_space<vmem>>, vector<16xf32>,
      %get3A_434 = arith.index_cast %scan3A_426 : i32 to index
      %get3A_435 = arith.constant 0 : index
      %get3A_436 = tpu.vector_load %arg24[%get3A_434, %get3A_435] {strides = array<i32>} : memref<64x128xf32, #tpu.memory_space<vmem>>, vector<16xf32>,
      %get3A_437 = arith.index_cast %scan3A_426 : i32 to index
      %get3A_438 = arith.constant 0 : index
      %get3A_439 = tpu.vector_load %arg25[%get3A_437, %get3A_438] {strides = array<i32>} : memref<64x128xf32, #tpu.memory_space<vmem>>, vector<16xf32>,
      %get3A_440 = arith.index_cast %scan3A_426 : i32 to index
      %get3A_441 = arith.constant 0 : index
      %get3A_442 = tpu.vector_load %arg26[%get3A_440, %get3A_441] {strides = array<i32>} : memref<64x128xf32, #tpu.memory_space<vmem>>, vector<16xf32>,
      %get3A_443 = arith.index_cast %scan3A_426 : i32 to index
      %get3A_444 = arith.constant 0 : index
      %get3A_445 = tpu.vector_load %arg27[%get3A_443, %get3A_444] {strides = array<i32>} : memref<64x128xf32, #tpu.memory_space<vmem>>, vector<16xf32>,
      %mul3A_446 = arith.mulf %get3A_430, %get3A_436 : vector<16xf32>
      %mul3A_447 = arith.mulf %get3A_433, %get3A_439 : vector<16xf32>
      %sub3A = arith.subf %mul3A_446, %mul3A_447 : vector<16xf32>
      %mul3A_448 = arith.mulf %get3A_430, %get3A_439 : vector<16xf32>
      %mul3A_449 = arith.mulf %get3A_433, %get3A_436 : vector<16xf32>
      %add3A_450 = arith.addf %mul3A_448, %mul3A_449 : vector<16xf32>
      %mul3A_451 = arith.mulf %get3A_442, %sub3A : vector<16xf32>
      %add3A_452 = arith.addf %broadcast_in_dim3A_428, %mul3A_451 : vector<16xf32>
      %mul3A_453 = arith.mulf %get3A_445, %add3A_450 : vector<16xf32>
      %add3A_454 = arith.addf %add3A_452, %mul3A_453 : vector<16xf32>
      %get3A_455 = arith.index_cast %scan3A_426 : i32 to index
      %get3A_456 = arith.constant 16 : index
      %get3A_457 = tpu.vector_load %arg22[%get3A_455, %get3A_456] {strides = array<i32>} : memref<64x128xf32, #tpu.memory_space<vmem>>, vector<16xf32>,
      %get3A_458 = arith.index_cast %scan3A_426 : i32 to index
      %get3A_459 = arith.constant 16 : index
      %get3A_460 = tpu.vector_load %arg23[%get3A_458, %get3A_459] {strides = array<i32>} : memref<64x128xf32, #tpu.memory_space<vmem>>, vector<16xf32>,
      %get3A_461 = arith.index_cast %scan3A_426 : i32 to index
      %get3A_462 = arith.constant 16 : index
      %get3A_463 = tpu.vector_load %arg24[%get3A_461, %get3A_462] {strides = array<i32>} : memref<64x128xf32, #tpu.memory_space<vmem>>, vector<16xf32>,
      %get3A_464 = arith.index_cast %scan3A_426 : i32 to index
      %get3A_465 = arith.constant 16 : index
      %get3A_466 = tpu.vector_load %arg25[%get3A_464, %get3A_465] {strides = array<i32>} : memref<64x128xf32, #tpu.memory_space<vmem>>, vector<16xf32>,
      %get3A_467 = arith.index_cast %scan3A_426 : i32 to index
      %get3A_468 = arith.constant 16 : index
      %get3A_469 = tpu.vector_load %arg26[%get3A_467, %get3A_468] {strides = array<i32>} : memref<64x128xf32, #tpu.memory_space<vmem>>, vector<16xf32>,
      %get3A_470 = arith.index_cast %scan3A_426 : i32 to index
      %get3A_471 = arith.constant 16 : index
      %get3A_472 = tpu.vector_load %arg27[%get3A_470, %get3A_471] {strides = array<i32>} : memref<64x128xf32, #tpu.memory_space<vmem>>, vector<16xf32>,
      %mul3A_473 = arith.mulf %get3A_457, %get3A_463 : vector<16xf32>
      %mul3A_474 = arith.mulf %get3A_460, %get3A_466 : vector<16xf32>
      %sub3A_475 = arith.subf %mul3A_473, %mul3A_474 : vector<16xf32>
      %mul3A_476 = arith.mulf %get3A_457, %get3A_466 : vector<16xf32>
      %mul3A_477 = arith.mulf %get3A_460, %get3A_463 : vector<16xf32>
      %add3A_478 = arith.addf %mul3A_476, %mul3A_477 : vector<16xf32>
      %mul3A_479 = arith.mulf %get3A_469, %sub3A_475 : vector<16xf32>
      %add3A_480 = arith.addf %add3A_454, %mul3A_479 : vector<16xf32>
      %mul3A_481 = arith.mulf %get3A_472, %add3A_478 : vector<16xf32>
      %add3A_482 = arith.addf %add3A_480, %mul3A_481 : vector<16xf32>
      %get3A_483 = arith.index_cast %scan3A_426 : i32 to index
      %get3A_484 = arith.constant 32 : index
      %get3A_485 = tpu.vector_load %arg22[%get3A_483, %get3A_484] {strides = array<i32>} : memref<64x128xf32, #tpu.memory_space<vmem>>, vector<16xf32>,
      %get3A_486 = arith.index_cast %scan3A_426 : i32 to index
      %get3A_487 = arith.constant 32 : index
      %get3A_488 = tpu.vector_load %arg23[%get3A_486, %get3A_487] {strides = array<i32>} : memref<64x128xf32, #tpu.memory_space<vmem>>, vector<16xf32>,
      %get3A_489 = arith.index_cast %scan3A_426 : i32 to index
      %get3A_490 = arith.constant 32 : index
      %get3A_491 = tpu.vector_load %arg24[%get3A_489, %get3A_490] {strides = array<i32>} : memref<64x128xf32, #tpu.memory_space<vmem>>, vector<16xf32>,
      %get3A_492 = arith.index_cast %scan3A_426 : i32 to index
      %get3A_493 = arith.constant 32 : index
      %get3A_494 = tpu.vector_load %arg25[%get3A_492, %get3A_493] {strides = array<i32>} : memref<64x128xf32, #tpu.memory_space<vmem>>, vector<16xf32>,
      %get3A_495 = arith.index_cast %scan3A_426 : i32 to index
      %get3A_496 = arith.constant 32 : index
      %get3A_497 = tpu.vector_load %arg26[%get3A_495, %get3A_496] {strides = array<i32>} : memref<64x128xf32, #tpu.memory_space<vmem>>, vector<16xf32>,
      %get3A_498 = arith.index_cast %scan3A_426 : i32 to index
      %get3A_499 = arith.constant 32 : index
      %get3A_500 = tpu.vector_load %arg27[%get3A_498, %get3A_499] {strides = array<i32>} : memref<64x128xf32, #tpu.memory_space<vmem>>, vector<16xf32>,
      %mul3A_501 = arith.mulf %get3A_485, %get3A_491 : vector<16xf32>
      %mul3A_502 = arith.mulf %get3A_488, %get3A_494 : vector<16xf32>
      %sub3A_503 = arith.subf %mul3A_501, %mul3A_502 : vector<16xf32>
      %mul3A_504 = arith.mulf %get3A_485, %get3A_494 : vector<16xf32>
      %mul3A_505 = arith.mulf %get3A_488, %get3A_491 : vector<16xf32>
      %add3A_506 = arith.addf %mul3A_504, %mul3A_505 : vector<16xf32>
      %mul3A_507 = arith.mulf %get3A_497, %sub3A_503 : vector<16xf32>
      %add3A_508 = arith.addf %add3A_482, %mul3A_507 : vector<16xf32>
      %mul3A_509 = arith.mulf %get3A_500, %add3A_506 : vector<16xf32>
      %add3A_510 = arith.addf %add3A_508, %mul3A_509 : vector<16xf32>
      %get3A_511 = arith.index_cast %scan3A_426 : i32 to index
      %get3A_512 = arith.constant 48 : index
      %get3A_513 = tpu.vector_load %arg22[%get3A_511, %get3A_512] {strides = array<i32>} : memref<64x128xf32, #tpu.memory_space<vmem>>, vector<16xf32>,
      %get3A_514 = arith.index_cast %scan3A_426 : i32 to index
      %get3A_515 = arith.constant 48 : index
      %get3A_516 = tpu.vector_load %arg23[%get3A_514, %get3A_515] {strides = array<i32>} : memref<64x128xf32, #tpu.memory_space<vmem>>, vector<16xf32>,
      %get3A_517 = arith.index_cast %scan3A_426 : i32 to index
      %get3A_518 = arith.constant 48 : index
      %get3A_519 = tpu.vector_load %arg24[%get3A_517, %get3A_518] {strides = array<i32>} : memref<64x128xf32, #tpu.memory_space<vmem>>, vector<16xf32>,
      %get3A_520 = arith.index_cast %scan3A_426 : i32 to index
      %get3A_521 = arith.constant 48 : index
      %get3A_522 = tpu.vector_load %arg25[%get3A_520, %get3A_521] {strides = array<i32>} : memref<64x128xf32, #tpu.memory_space<vmem>>, vector<16xf32>,
      %get3A_523 = arith.index_cast %scan3A_426 : i32 to index
      %get3A_524 = arith.constant 48 : index
      %get3A_525 = tpu.vector_load %arg26[%get3A_523, %get3A_524] {strides = array<i32>} : memref<64x128xf32, #tpu.memory_space<vmem>>, vector<16xf32>,
      %get3A_526 = arith.index_cast %scan3A_426 : i32 to index
      %get3A_527 = arith.constant 48 : index
      %get3A_528 = tpu.vector_load %arg27[%get3A_526, %get3A_527] {strides = array<i32>} : memref<64x128xf32, #tpu.memory_space<vmem>>, vector<16xf32>,
      %mul3A_529 = arith.mulf %get3A_513, %get3A_519 : vector<16xf32>
      %mul3A_530 = arith.mulf %get3A_516, %get3A_522 : vector<16xf32>
      %sub3A_531 = arith.subf %mul3A_529, %mul3A_530 : vector<16xf32>
      %mul3A_532 = arith.mulf %get3A_513, %get3A_522 : vector<16xf32>
      %mul3A_533 = arith.mulf %get3A_516, %get3A_519 : vector<16xf32>
      %add3A_534 = arith.addf %mul3A_532, %mul3A_533 : vector<16xf32>
      %mul3A_535 = arith.mulf %get3A_525, %sub3A_531 : vector<16xf32>
      %add3A_536 = arith.addf %add3A_510, %mul3A_535 : vector<16xf32>
      %mul3A_537 = arith.mulf %get3A_528, %add3A_534 : vector<16xf32>
      %add3A_538 = arith.addf %add3A_536, %mul3A_537 : vector<16xf32>
      %mul3A_539 = arith.constant 16 : i32
      %mul3A_540 = arith.muli %scan3A_426, %mul3A_539 : i32
      %swap3A = arith.index_cast %mul3A_540 : i32 to index
      %swap3A_541 = tpu.vector_load %arg28[%swap3A] {strides = array<i32>} : memref<1024xf32, #tpu.memory_space<vmem>>, vector<16xf32>,
      tpu.vector_store %arg28[%swap3A], %add3A_538 {strides = array<i32>} : memref<1024xf32, #tpu.memory_space<vmem>>, vector<16xf32>,
      %scan3A_542 = arith.constant 0 : i32
      scf.yield %scan3A_542 : i32
    }
    %scan3A_227 = arith.constant 64 : i32
    %scan3A_228 = arith.constant 0 : i32
    %scan3A_229 = arith.constant 0 : i32
    %scan3A_230 = arith.constant 4 : i32
    %scan3A_231 = arith.addi %scan3A_229, %scan3A_230 : i32
    %scan3A_232 = arith.constant 1 : i32
    %scan3A_233 = scf.for %scan3A_426 = %scan3A_229 to %scan3A_231 step %scan3A_232 iter_args(%scan3A_427 = %scan3A_228) -> (i32)  : i32 {
      %mul3A_428 = arith.constant 256 : i32
      %mul3A_429 = arith.muli %scan3A_426, %mul3A_428 : i32
      %broadcast_in_dim3A = arith.constant 0.000000e+00 : f32
      %broadcast_in_dim3A_430 = vector.broadcast %broadcast_in_dim3A : f32 to vector<16xf32>
      %add3A_431 = vector.broadcast %mul3A_429 : i32 to vector<16xi32>
      %add3A_432 = arith.addi %add3A_431, %mul3A_5 : vector<16xi32>
      %add3A_433 = arith.constant 0 : i32
      %add3A_434 = vector.broadcast %add3A_433 : i32 to vector<16xi32>
      %add3A_435 = arith.addi %add3A_432, %add3A_434 : vector<16xi32>
      %gather3A = tpu.vector_load_idx %arg28[%add3A_435] : memref<1024xf32, #tpu.memory_space<vmem>>[vector<16xi32>], vector<16xf32>,
      %add3A_436 = arith.addf %broadcast_in_dim3A_430, %gather3A : vector<16xf32>
      %add3A_437 = vector.broadcast %mul3A_429 : i32 to vector<16xi32>
      %add3A_438 = arith.addi %add3A_437, %mul3A_5 : vector<16xi32>
      %add3A_439 = arith.constant 1 : i32
      %add3A_440 = vector.broadcast %add3A_439 : i32 to vector<16xi32>
      %add3A_441 = arith.addi %add3A_438, %add3A_440 : vector<16xi32>
      %gather3A_442 = tpu.vector_load_idx %arg28[%add3A_441] : memref<1024xf32, #tpu.memory_space<vmem>>[vector<16xi32>], vector<16xf32>,
      %add3A_443 = arith.addf %add3A_436, %gather3A_442 : vector<16xf32>
      %add3A_444 = vector.broadcast %mul3A_429 : i32 to vector<16xi32>
      %add3A_445 = arith.addi %add3A_444, %mul3A_5 : vector<16xi32>
      %add3A_446 = arith.constant 2 : i32
      %add3A_447 = vector.broadcast %add3A_446 : i32 to vector<16xi32>
      %add3A_448 = arith.addi %add3A_445, %add3A_447 : vector<16xi32>
      %gather3A_449 = tpu.vector_load_idx %arg28[%add3A_448] : memref<1024xf32, #tpu.memory_space<vmem>>[vector<16xi32>], vector<16xf32>,
      %add3A_450 = arith.addf %add3A_443, %gather3A_449 : vector<16xf32>
      %add3A_451 = vector.broadcast %mul3A_429 : i32 to vector<16xi32>
      %add3A_452 = arith.addi %add3A_451, %mul3A_5 : vector<16xi32>
      %add3A_453 = arith.constant 3 : i32
      %add3A_454 = vector.broadcast %add3A_453 : i32 to vector<16xi32>
      %add3A_455 = arith.addi %add3A_452, %add3A_454 : vector<16xi32>
      %gather3A_456 = tpu.vector_load_idx %arg28[%add3A_455] : memref<1024xf32, #tpu.memory_space<vmem>>[vector<16xi32>], vector<16xf32>,
      %add3A_457 = arith.addf %add3A_450, %gather3A_456 : vector<16xf32>
      %add3A_458 = vector.broadcast %mul3A_429 : i32 to vector<16xi32>
      %add3A_459 = arith.addi %add3A_458, %mul3A_5 : vector<16xi32>
      %add3A_460 = arith.constant 4 : i32
      %add3A_461 = vector.broadcast %add3A_460 : i32 to vector<16xi32>
      %add3A_462 = arith.addi %add3A_459, %add3A_461 : vector<16xi32>
      %gather3A_463 = tpu.vector_load_idx %arg28[%add3A_462] : memref<1024xf32, #tpu.memory_space<vmem>>[vector<16xi32>], vector<16xf32>,
      %add3A_464 = arith.addf %add3A_457, %gather3A_463 : vector<16xf32>
      %add3A_465 = vector.broadcast %mul3A_429 : i32 to vector<16xi32>
      %add3A_466 = arith.addi %add3A_465, %mul3A_5 : vector<16xi32>
      %add3A_467 = arith.constant 5 : i32
      %add3A_468 = vector.broadcast %add3A_467 : i32 to vector<16xi32>
      %add3A_469 = arith.addi %add3A_466, %add3A_468 : vector<16xi32>
      %gather3A_470 = tpu.vector_load_idx %arg28[%add3A_469] : memref<1024xf32, #tpu.memory_space<vmem>>[vector<16xi32>], vector<16xf32>,
      %add3A_471 = arith.addf %add3A_464, %gather3A_470 : vector<16xf32>
      %add3A_472 = vector.broadcast %mul3A_429 : i32 to vector<16xi32>
      %add3A_473 = arith.addi %add3A_472, %mul3A_5 : vector<16xi32>
      %add3A_474 = arith.constant 6 : i32
      %add3A_475 = vector.broadcast %add3A_474 : i32 to vector<16xi32>
      %add3A_476 = arith.addi %add3A_473, %add3A_475 : vector<16xi32>
      %gather3A_477 = tpu.vector_load_idx %arg28[%add3A_476] : memref<1024xf32, #tpu.memory_space<vmem>>[vector<16xi32>], vector<16xf32>,
      %add3A_478 = arith.addf %add3A_471, %gather3A_477 : vector<16xf32>
      %add3A_479 = vector.broadcast %mul3A_429 : i32 to vector<16xi32>
      %add3A_480 = arith.addi %add3A_479, %mul3A_5 : vector<16xi32>
      %add3A_481 = arith.constant 7 : i32
      %add3A_482 = vector.broadcast %add3A_481 : i32 to vector<16xi32>
      %add3A_483 = arith.addi %add3A_480, %add3A_482 : vector<16xi32>
      %gather3A_484 = tpu.vector_load_idx %arg28[%add3A_483] : memref<1024xf32, #tpu.memory_space<vmem>>[vector<16xi32>], vector<16xf32>,
      %add3A_485 = arith.addf %add3A_478, %gather3A_484 : vector<16xf32>
      %add3A_486 = vector.broadcast %mul3A_429 : i32 to vector<16xi32>
      %add3A_487 = arith.addi %add3A_486, %mul3A_5 : vector<16xi32>
      %add3A_488 = arith.constant 8 : i32
      %add3A_489 = vector.broadcast %add3A_488 : i32 to vector<16xi32>
      %add3A_490 = arith.addi %add3A_487, %add3A_489 : vector<16xi32>
      %gather3A_491 = tpu.vector_load_idx %arg28[%add3A_490] : memref<1024xf32, #tpu.memory_space<vmem>>[vector<16xi32>], vector<16xf32>,
      %add3A_492 = arith.addf %add3A_485, %gather3A_491 : vector<16xf32>
      %add3A_493 = vector.broadcast %mul3A_429 : i32 to vector<16xi32>
      %add3A_494 = arith.addi %add3A_493, %mul3A_5 : vector<16xi32>
      %add3A_495 = arith.constant 9 : i32
      %add3A_496 = vector.broadcast %add3A_495 : i32 to vector<16xi32>
      %add3A_497 = arith.addi %add3A_494, %add3A_496 : vector<16xi32>
      %gather3A_498 = tpu.vector_load_idx %arg28[%add3A_497] : memref<1024xf32, #tpu.memory_space<vmem>>[vector<16xi32>], vector<16xf32>,
      %add3A_499 = arith.addf %add3A_492, %gather3A_498 : vector<16xf32>
      %add3A_500 = vector.broadcast %mul3A_429 : i32 to vector<16xi32>
      %add3A_501 = arith.addi %add3A_500, %mul3A_5 : vector<16xi32>
      %add3A_502 = arith.constant 10 : i32
      %add3A_503 = vector.broadcast %add3A_502 : i32 to vector<16xi32>
      %add3A_504 = arith.addi %add3A_501, %add3A_503 : vector<16xi32>
      %gather3A_505 = tpu.vector_load_idx %arg28[%add3A_504] : memref<1024xf32, #tpu.memory_space<vmem>>[vector<16xi32>], vector<16xf32>,
      %add3A_506 = arith.addf %add3A_499, %gather3A_505 : vector<16xf32>
      %add3A_507 = vector.broadcast %mul3A_429 : i32 to vector<16xi32>
      %add3A_508 = arith.addi %add3A_507, %mul3A_5 : vector<16xi32>
      %add3A_509 = arith.constant 11 : i32
      %add3A_510 = vector.broadcast %add3A_509 : i32 to vector<16xi32>
      %add3A_511 = arith.addi %add3A_508, %add3A_510 : vector<16xi32>
      %gather3A_512 = tpu.vector_load_idx %arg28[%add3A_511] : memref<1024xf32, #tpu.memory_space<vmem>>[vector<16xi32>], vector<16xf32>,
      %add3A_513 = arith.addf %add3A_506, %gather3A_512 : vector<16xf32>
      %add3A_514 = vector.broadcast %mul3A_429 : i32 to vector<16xi32>
      %add3A_515 = arith.addi %add3A_514, %mul3A_5 : vector<16xi32>
      %add3A_516 = arith.constant 12 : i32
      %add3A_517 = vector.broadcast %add3A_516 : i32 to vector<16xi32>
      %add3A_518 = arith.addi %add3A_515, %add3A_517 : vector<16xi32>
      %gather3A_519 = tpu.vector_load_idx %arg28[%add3A_518] : memref<1024xf32, #tpu.memory_space<vmem>>[vector<16xi32>], vector<16xf32>,
      %add3A_520 = arith.addf %add3A_513, %gather3A_519 : vector<16xf32>
      %add3A_521 = vector.broadcast %mul3A_429 : i32 to vector<16xi32>
      %add3A_522 = arith.addi %add3A_521, %mul3A_5 : vector<16xi32>
      %add3A_523 = arith.constant 13 : i32
      %add3A_524 = vector.broadcast %add3A_523 : i32 to vector<16xi32>
      %add3A_525 = arith.addi %add3A_522, %add3A_524 : vector<16xi32>
      %gather3A_526 = tpu.vector_load_idx %arg28[%add3A_525] : memref<1024xf32, #tpu.memory_space<vmem>>[vector<16xi32>], vector<16xf32>,
      %add3A_527 = arith.addf %add3A_520, %gather3A_526 : vector<16xf32>
      %add3A_528 = vector.broadcast %mul3A_429 : i32 to vector<16xi32>
      %add3A_529 = arith.addi %add3A_528, %mul3A_5 : vector<16xi32>
      %add3A_530 = arith.constant 14 : i32
      %add3A_531 = vector.broadcast %add3A_530 : i32 to vector<16xi32>
      %add3A_532 = arith.addi %add3A_529, %add3A_531 : vector<16xi32>
      %gather3A_533 = tpu.vector_load_idx %arg28[%add3A_532] : memref<1024xf32, #tpu.memory_space<vmem>>[vector<16xi32>], vector<16xf32>,
      %add3A_534 = arith.addf %add3A_527, %gather3A_533 : vector<16xf32>
      %add3A_535 = vector.broadcast %mul3A_429 : i32 to vector<16xi32>
      %add3A_536 = arith.addi %add3A_535, %mul3A_5 : vector<16xi32>
      %add3A_537 = arith.constant 15 : i32
      %add3A_538 = vector.broadcast %add3A_537 : i32 to vector<16xi32>
      %add3A_539 = arith.addi %add3A_536, %add3A_538 : vector<16xi32>
      %gather3A_540 = tpu.vector_load_idx %arg28[%add3A_539] : memref<1024xf32, #tpu.memory_space<vmem>>[vector<16xi32>], vector<16xf32>,
      %add3A_541 = arith.addf %add3A_534, %gather3A_540 : vector<16xf32>
      %mul3A_542 = arith.constant 16 : i32
      %mul3A_543 = arith.muli %scan3A_426, %mul3A_542 : i32
      %add3A_544 = arith.constant 192 : i32
      %add3A_545 = arith.addi %add3A_544, %mul3A_543 : i32
      %swap3A = arith.index_cast %add3A_545 : i32 to index
      %swap3A_546 = tpu.vector_load %arg29[%swap3A] {strides = array<i32>} : memref<512xf32, #tpu.memory_space<vmem>>, vector<16xf32>,
      tpu.vector_store %arg29[%swap3A], %add3A_541 {strides = array<i32>} : memref<512xf32, #tpu.memory_space<vmem>>, vector<16xf32>,
      %scan3A_547 = arith.constant 0 : i32
      scf.yield %scan3A_547 : i32
    }
    %scan3A_234 = arith.constant 4 : i32
    %add3A_235 = arith.constant 320 : i32
    %add3A_236 = arith.addi %mul3A_2, %add3A_235 : i32
    %multiple_of3A_237 = tpu.assume_multiple %add3A_236, 8 : i32
    "tpu.region"() ({
      %run_scoped3A = tpu.sem_alloc : memref<!tpu.dma_semaphore, #tpu.memory_space<semaphore_mem>>
      %dma_start3A_426 = tpu.memref_slice %arg2[%multiple_of3A_237] : memref<16384xi32, #tpu.memory_space<hbm>> -> memref<64xi32, #tpu.memory_space<hbm>>
      %dma_start3A_427 = tpu.memref_slice %arg2[%multiple_of3A_237] : memref<16384xi32, #tpu.memory_space<hbm>> -> memref<64xi32, #tpu.memory_space<hbm>>
      tpu.enqueue_dma source(%dma_start3A_427 : memref<64xi32, #tpu.memory_space<hbm>>) target(%arg11 : memref<64xi32, #tpu.memory_space<vmem>>) target_semaphore(%run_scoped3A : memref<!tpu.dma_semaphore, #tpu.memory_space<semaphore_mem>>)
      %dma_wait3A_428 = tpu.memref_slice %arg2[%multiple_of3A_237] : memref<16384xi32, #tpu.memory_space<hbm>> -> memref<64xi32, #tpu.memory_space<hbm>>
      %dma_wait3A_429 = tpu.memref_slice %arg2[%multiple_of3A_237] : memref<16384xi32, #tpu.memory_space<hbm>> -> memref<64xi32, #tpu.memory_space<hbm>>
      tpu.wait_dma2 semaphore(%run_scoped3A : memref<!tpu.dma_semaphore, #tpu.memory_space<semaphore_mem>>) src(%dma_wait3A_429 : memref<64xi32, #tpu.memory_space<hbm>>) dst(%arg11 : memref<64xi32, #tpu.memory_space<vmem>>)
      tpu.yield
    }) : () -> ()
    "tpu.region"() ({
      %run_scoped3A = tpu.sem_alloc : memref<!tpu.dma_semaphore, #tpu.memory_space<semaphore_mem>>
      %dma_start3A_426 = tpu.memref_slice %arg3[%multiple_of3A_237] : memref<16384xi32, #tpu.memory_space<hbm>> -> memref<64xi32, #tpu.memory_space<hbm>>
      %dma_start3A_427 = tpu.memref_slice %arg3[%multiple_of3A_237] : memref<16384xi32, #tpu.memory_space<hbm>> -> memref<64xi32, #tpu.memory_space<hbm>>
      tpu.enqueue_dma source(%dma_start3A_427 : memref<64xi32, #tpu.memory_space<hbm>>) target(%arg13 : memref<64xi32, #tpu.memory_space<vmem>>) target_semaphore(%run_scoped3A : memref<!tpu.dma_semaphore, #tpu.memory_space<semaphore_mem>>)
      %dma_wait3A_428 = tpu.memref_slice %arg3[%multiple_of3A_237] : memref<16384xi32, #tpu.memory_space<hbm>> -> memref<64xi32, #tpu.memory_space<hbm>>
      %dma_wait3A_429 = tpu.memref_slice %arg3[%multiple_of3A_237] : memref<16384xi32, #tpu.memory_space<hbm>> -> memref<64xi32, #tpu.memory_space<hbm>>
      tpu.wait_dma2 semaphore(%run_scoped3A : memref<!tpu.dma_semaphore, #tpu.memory_space<semaphore_mem>>) src(%dma_wait3A_429 : memref<64xi32, #tpu.memory_space<hbm>>) dst(%arg13 : memref<64xi32, #tpu.memory_space<vmem>>)
      tpu.yield
    }) : () -> ()
    "tpu.region"() ({
      %run_scoped3A = tpu.sem_alloc : memref<!tpu.dma_semaphore, #tpu.memory_space<semaphore_mem>>
      %dma_start3A_426 = tpu.memref_slice %arg4[%multiple_of3A_237] : memref<16384xi32, #tpu.memory_space<hbm>> -> memref<64xi32, #tpu.memory_space<hbm>>
      %dma_start3A_427 = tpu.memref_slice %arg4[%multiple_of3A_237] : memref<16384xi32, #tpu.memory_space<hbm>> -> memref<64xi32, #tpu.memory_space<hbm>>
      tpu.enqueue_dma source(%dma_start3A_427 : memref<64xi32, #tpu.memory_space<hbm>>) target(%arg15 : memref<64xi32, #tpu.memory_space<vmem>>) target_semaphore(%run_scoped3A : memref<!tpu.dma_semaphore, #tpu.memory_space<semaphore_mem>>)
      %dma_wait3A_428 = tpu.memref_slice %arg4[%multiple_of3A_237] : memref<16384xi32, #tpu.memory_space<hbm>> -> memref<64xi32, #tpu.memory_space<hbm>>
      %dma_wait3A_429 = tpu.memref_slice %arg4[%multiple_of3A_237] : memref<16384xi32, #tpu.memory_space<hbm>> -> memref<64xi32, #tpu.memory_space<hbm>>
      tpu.wait_dma2 semaphore(%run_scoped3A : memref<!tpu.dma_semaphore, #tpu.memory_space<semaphore_mem>>) src(%dma_wait3A_429 : memref<64xi32, #tpu.memory_space<hbm>>) dst(%arg15 : memref<64xi32, #tpu.memory_space<vmem>>)
      tpu.yield
    }) : () -> ()
    %dma_start3A_238 = arith.constant 0 : i32
    %dma_start3A_239 = arith.constant 0 : i32
    %dma_start3A_240 = tpu.memref_slice %arg5[%dma_start3A_238, %dma_start3A_239] : memref<1000000x128xf32, #tpu.memory_space<hbm>> -> memref<1000000x128xf32, #tpu.memory_space<hbm>>
    tpu.enqueue_indirect_dma source(%dma_start3A_240 : memref<1000000x128xf32, #tpu.memory_space<hbm>>) target(%arg22 : memref<64x128xf32, #tpu.memory_space<vmem>>) offsets(%arg11 : memref<64xi32, #tpu.memory_space<vmem>>) semaphore(%arg31 : memref<!tpu.dma_semaphore, #tpu.memory_space<semaphore_mem>>)
    %dma_start3A_241 = arith.constant 0 : i32
    %dma_start3A_242 = arith.constant 0 : i32
    %dma_start3A_243 = tpu.memref_slice %arg6[%dma_start3A_241, %dma_start3A_242] : memref<1000000x128xf32, #tpu.memory_space<hbm>> -> memref<1000000x128xf32, #tpu.memory_space<hbm>>
    tpu.enqueue_indirect_dma source(%dma_start3A_243 : memref<1000000x128xf32, #tpu.memory_space<hbm>>) target(%arg23 : memref<64x128xf32, #tpu.memory_space<vmem>>) offsets(%arg11 : memref<64xi32, #tpu.memory_space<vmem>>) semaphore(%arg31 : memref<!tpu.dma_semaphore, #tpu.memory_space<semaphore_mem>>)
    %dma_start3A_244 = arith.constant 0 : i32
    %dma_start3A_245 = arith.constant 0 : i32
    %dma_start3A_246 = tpu.memref_slice %arg5[%dma_start3A_244, %dma_start3A_245] : memref<1000000x128xf32, #tpu.memory_space<hbm>> -> memref<1000000x128xf32, #tpu.memory_space<hbm>>
    tpu.enqueue_indirect_dma source(%dma_start3A_246 : memref<1000000x128xf32, #tpu.memory_space<hbm>>) target(%arg24 : memref<64x128xf32, #tpu.memory_space<vmem>>) offsets(%arg15 : memref<64xi32, #tpu.memory_space<vmem>>) semaphore(%arg31 : memref<!tpu.dma_semaphore, #tpu.memory_space<semaphore_mem>>)
    %dma_start3A_247 = arith.constant 0 : i32
    %dma_start3A_248 = arith.constant 0 : i32
    %dma_start3A_249 = tpu.memref_slice %arg6[%dma_start3A_247, %dma_start3A_248] : memref<1000000x128xf32, #tpu.memory_space<hbm>> -> memref<1000000x128xf32, #tpu.memory_space<hbm>>
    tpu.enqueue_indirect_dma source(%dma_start3A_249 : memref<1000000x128xf32, #tpu.memory_space<hbm>>) target(%arg25 : memref<64x128xf32, #tpu.memory_space<vmem>>) offsets(%arg15 : memref<64xi32, #tpu.memory_space<vmem>>) semaphore(%arg31 : memref<!tpu.dma_semaphore, #tpu.memory_space<semaphore_mem>>)
    %dma_start3A_250 = arith.constant 0 : i32
    %dma_start3A_251 = arith.constant 0 : i32
    %dma_start3A_252 = tpu.memref_slice %arg7[%dma_start3A_250, %dma_start3A_251] : memref<1000x128xf32, #tpu.memory_space<hbm>> -> memref<1000x128xf32, #tpu.memory_space<hbm>>
    tpu.enqueue_indirect_dma source(%dma_start3A_252 : memref<1000x128xf32, #tpu.memory_space<hbm>>) target(%arg26 : memref<64x128xf32, #tpu.memory_space<vmem>>) offsets(%arg13 : memref<64xi32, #tpu.memory_space<vmem>>) semaphore(%arg31 : memref<!tpu.dma_semaphore, #tpu.memory_space<semaphore_mem>>)
    %dma_start3A_253 = arith.constant 0 : i32
    %dma_start3A_254 = arith.constant 0 : i32
    %dma_start3A_255 = tpu.memref_slice %arg8[%dma_start3A_253, %dma_start3A_254] : memref<1000x128xf32, #tpu.memory_space<hbm>> -> memref<1000x128xf32, #tpu.memory_space<hbm>>
    tpu.enqueue_indirect_dma source(%dma_start3A_255 : memref<1000x128xf32, #tpu.memory_space<hbm>>) target(%arg27 : memref<64x128xf32, #tpu.memory_space<vmem>>) offsets(%arg13 : memref<64xi32, #tpu.memory_space<vmem>>) semaphore(%arg31 : memref<!tpu.dma_semaphore, #tpu.memory_space<semaphore_mem>>)
    %dma_wait3A_256 = arith.constant 0 : i32
    %dma_wait3A_257 = arith.constant 0 : i32
    %dma_wait3A_258 = tpu.memref_slice %arg5[%dma_wait3A_256, %dma_wait3A_257] : memref<1000000x128xf32, #tpu.memory_space<hbm>> -> memref<1000000x128xf32, #tpu.memory_space<hbm>>
    tpu.wait_indirect_dma semaphore(%arg30 : memref<!tpu.dma_semaphore, #tpu.memory_space<semaphore_mem>>) src(%dma_wait3A_258 : memref<1000000x128xf32, #tpu.memory_space<hbm>>) dst(%arg16 : memref<64x128xf32, #tpu.memory_space<vmem>>)
    %dma_wait3A_259 = arith.constant 0 : i32
    %dma_wait3A_260 = arith.constant 0 : i32
    %dma_wait3A_261 = tpu.memref_slice %arg6[%dma_wait3A_259, %dma_wait3A_260] : memref<1000000x128xf32, #tpu.memory_space<hbm>> -> memref<1000000x128xf32, #tpu.memory_space<hbm>>
    tpu.wait_indirect_dma semaphore(%arg30 : memref<!tpu.dma_semaphore, #tpu.memory_space<semaphore_mem>>) src(%dma_wait3A_261 : memref<1000000x128xf32, #tpu.memory_space<hbm>>) dst(%arg17 : memref<64x128xf32, #tpu.memory_space<vmem>>)
    %dma_wait3A_262 = arith.constant 0 : i32
    %dma_wait3A_263 = arith.constant 0 : i32
    %dma_wait3A_264 = tpu.memref_slice %arg5[%dma_wait3A_262, %dma_wait3A_263] : memref<1000000x128xf32, #tpu.memory_space<hbm>> -> memref<1000000x128xf32, #tpu.memory_space<hbm>>
    tpu.wait_indirect_dma semaphore(%arg30 : memref<!tpu.dma_semaphore, #tpu.memory_space<semaphore_mem>>) src(%dma_wait3A_264 : memref<1000000x128xf32, #tpu.memory_space<hbm>>) dst(%arg18 : memref<64x128xf32, #tpu.memory_space<vmem>>)
    %dma_wait3A_265 = arith.constant 0 : i32
    %dma_wait3A_266 = arith.constant 0 : i32
    %dma_wait3A_267 = tpu.memref_slice %arg6[%dma_wait3A_265, %dma_wait3A_266] : memref<1000000x128xf32, #tpu.memory_space<hbm>> -> memref<1000000x128xf32, #tpu.memory_space<hbm>>
    tpu.wait_indirect_dma semaphore(%arg30 : memref<!tpu.dma_semaphore, #tpu.memory_space<semaphore_mem>>) src(%dma_wait3A_267 : memref<1000000x128xf32, #tpu.memory_space<hbm>>) dst(%arg19 : memref<64x128xf32, #tpu.memory_space<vmem>>)
    %dma_wait3A_268 = arith.constant 0 : i32
    %dma_wait3A_269 = arith.constant 0 : i32
    %dma_wait3A_270 = tpu.memref_slice %arg7[%dma_wait3A_268, %dma_wait3A_269] : memref<1000x128xf32, #tpu.memory_space<hbm>> -> memref<1000x128xf32, #tpu.memory_space<hbm>>
    tpu.wait_indirect_dma semaphore(%arg30 : memref<!tpu.dma_semaphore, #tpu.memory_space<semaphore_mem>>) src(%dma_wait3A_270 : memref<1000x128xf32, #tpu.memory_space<hbm>>) dst(%arg20 : memref<64x128xf32, #tpu.memory_space<vmem>>)
    %dma_wait3A_271 = arith.constant 0 : i32
    %dma_wait3A_272 = arith.constant 0 : i32
    %dma_wait3A_273 = tpu.memref_slice %arg8[%dma_wait3A_271, %dma_wait3A_272] : memref<1000x128xf32, #tpu.memory_space<hbm>> -> memref<1000x128xf32, #tpu.memory_space<hbm>>
    tpu.wait_indirect_dma semaphore(%arg30 : memref<!tpu.dma_semaphore, #tpu.memory_space<semaphore_mem>>) src(%dma_wait3A_273 : memref<1000x128xf32, #tpu.memory_space<hbm>>) dst(%arg21 : memref<64x128xf32, #tpu.memory_space<vmem>>)
    %scan3A_274 = arith.constant 0 : i32
    %scan3A_275 = arith.constant 0 : i32
    %scan3A_276 = arith.constant 64 : i32
    %scan3A_277 = arith.addi %scan3A_275, %scan3A_276 : i32
    %scan3A_278 = arith.constant 1 : i32
    %scan3A_279 = scf.for %scan3A_426 = %scan3A_275 to %scan3A_277 step %scan3A_278 iter_args(%scan3A_427 = %scan3A_274) -> (i32)  : i32 {
      %broadcast_in_dim3A = arith.constant 0.000000e+00 : f32
      %broadcast_in_dim3A_428 = vector.broadcast %broadcast_in_dim3A : f32 to vector<16xf32>
      %get3A = arith.index_cast %scan3A_426 : i32 to index
      %get3A_429 = arith.constant 0 : index
      %get3A_430 = tpu.vector_load %arg16[%get3A, %get3A_429] {strides = array<i32>} : memref<64x128xf32, #tpu.memory_space<vmem>>, vector<16xf32>,
      %get3A_431 = arith.index_cast %scan3A_426 : i32 to index
      %get3A_432 = arith.constant 0 : index
      %get3A_433 = tpu.vector_load %arg17[%get3A_431, %get3A_432] {strides = array<i32>} : memref<64x128xf32, #tpu.memory_space<vmem>>, vector<16xf32>,
      %get3A_434 = arith.index_cast %scan3A_426 : i32 to index
      %get3A_435 = arith.constant 0 : index
      %get3A_436 = tpu.vector_load %arg18[%get3A_434, %get3A_435] {strides = array<i32>} : memref<64x128xf32, #tpu.memory_space<vmem>>, vector<16xf32>,
      %get3A_437 = arith.index_cast %scan3A_426 : i32 to index
      %get3A_438 = arith.constant 0 : index
      %get3A_439 = tpu.vector_load %arg19[%get3A_437, %get3A_438] {strides = array<i32>} : memref<64x128xf32, #tpu.memory_space<vmem>>, vector<16xf32>,
      %get3A_440 = arith.index_cast %scan3A_426 : i32 to index
      %get3A_441 = arith.constant 0 : index
      %get3A_442 = tpu.vector_load %arg20[%get3A_440, %get3A_441] {strides = array<i32>} : memref<64x128xf32, #tpu.memory_space<vmem>>, vector<16xf32>,
      %get3A_443 = arith.index_cast %scan3A_426 : i32 to index
      %get3A_444 = arith.constant 0 : index
      %get3A_445 = tpu.vector_load %arg21[%get3A_443, %get3A_444] {strides = array<i32>} : memref<64x128xf32, #tpu.memory_space<vmem>>, vector<16xf32>,
      %mul3A_446 = arith.mulf %get3A_430, %get3A_436 : vector<16xf32>
      %mul3A_447 = arith.mulf %get3A_433, %get3A_439 : vector<16xf32>
      %sub3A = arith.subf %mul3A_446, %mul3A_447 : vector<16xf32>
      %mul3A_448 = arith.mulf %get3A_430, %get3A_439 : vector<16xf32>
      %mul3A_449 = arith.mulf %get3A_433, %get3A_436 : vector<16xf32>
      %add3A_450 = arith.addf %mul3A_448, %mul3A_449 : vector<16xf32>
      %mul3A_451 = arith.mulf %get3A_442, %sub3A : vector<16xf32>
      %add3A_452 = arith.addf %broadcast_in_dim3A_428, %mul3A_451 : vector<16xf32>
      %mul3A_453 = arith.mulf %get3A_445, %add3A_450 : vector<16xf32>
      %add3A_454 = arith.addf %add3A_452, %mul3A_453 : vector<16xf32>
      %get3A_455 = arith.index_cast %scan3A_426 : i32 to index
      %get3A_456 = arith.constant 16 : index
      %get3A_457 = tpu.vector_load %arg16[%get3A_455, %get3A_456] {strides = array<i32>} : memref<64x128xf32, #tpu.memory_space<vmem>>, vector<16xf32>,
      %get3A_458 = arith.index_cast %scan3A_426 : i32 to index
      %get3A_459 = arith.constant 16 : index
      %get3A_460 = tpu.vector_load %arg17[%get3A_458, %get3A_459] {strides = array<i32>} : memref<64x128xf32, #tpu.memory_space<vmem>>, vector<16xf32>,
      %get3A_461 = arith.index_cast %scan3A_426 : i32 to index
      %get3A_462 = arith.constant 16 : index
      %get3A_463 = tpu.vector_load %arg18[%get3A_461, %get3A_462] {strides = array<i32>} : memref<64x128xf32, #tpu.memory_space<vmem>>, vector<16xf32>,
      %get3A_464 = arith.index_cast %scan3A_426 : i32 to index
      %get3A_465 = arith.constant 16 : index
      %get3A_466 = tpu.vector_load %arg19[%get3A_464, %get3A_465] {strides = array<i32>} : memref<64x128xf32, #tpu.memory_space<vmem>>, vector<16xf32>,
      %get3A_467 = arith.index_cast %scan3A_426 : i32 to index
      %get3A_468 = arith.constant 16 : index
      %get3A_469 = tpu.vector_load %arg20[%get3A_467, %get3A_468] {strides = array<i32>} : memref<64x128xf32, #tpu.memory_space<vmem>>, vector<16xf32>,
      %get3A_470 = arith.index_cast %scan3A_426 : i32 to index
      %get3A_471 = arith.constant 16 : index
      %get3A_472 = tpu.vector_load %arg21[%get3A_470, %get3A_471] {strides = array<i32>} : memref<64x128xf32, #tpu.memory_space<vmem>>, vector<16xf32>,
      %mul3A_473 = arith.mulf %get3A_457, %get3A_463 : vector<16xf32>
      %mul3A_474 = arith.mulf %get3A_460, %get3A_466 : vector<16xf32>
      %sub3A_475 = arith.subf %mul3A_473, %mul3A_474 : vector<16xf32>
      %mul3A_476 = arith.mulf %get3A_457, %get3A_466 : vector<16xf32>
      %mul3A_477 = arith.mulf %get3A_460, %get3A_463 : vector<16xf32>
      %add3A_478 = arith.addf %mul3A_476, %mul3A_477 : vector<16xf32>
      %mul3A_479 = arith.mulf %get3A_469, %sub3A_475 : vector<16xf32>
      %add3A_480 = arith.addf %add3A_454, %mul3A_479 : vector<16xf32>
      %mul3A_481 = arith.mulf %get3A_472, %add3A_478 : vector<16xf32>
      %add3A_482 = arith.addf %add3A_480, %mul3A_481 : vector<16xf32>
      %get3A_483 = arith.index_cast %scan3A_426 : i32 to index
      %get3A_484 = arith.constant 32 : index
      %get3A_485 = tpu.vector_load %arg16[%get3A_483, %get3A_484] {strides = array<i32>} : memref<64x128xf32, #tpu.memory_space<vmem>>, vector<16xf32>,
      %get3A_486 = arith.index_cast %scan3A_426 : i32 to index
      %get3A_487 = arith.constant 32 : index
      %get3A_488 = tpu.vector_load %arg17[%get3A_486, %get3A_487] {strides = array<i32>} : memref<64x128xf32, #tpu.memory_space<vmem>>, vector<16xf32>,
      %get3A_489 = arith.index_cast %scan3A_426 : i32 to index
      %get3A_490 = arith.constant 32 : index
      %get3A_491 = tpu.vector_load %arg18[%get3A_489, %get3A_490] {strides = array<i32>} : memref<64x128xf32, #tpu.memory_space<vmem>>, vector<16xf32>,
      %get3A_492 = arith.index_cast %scan3A_426 : i32 to index
      %get3A_493 = arith.constant 32 : index
      %get3A_494 = tpu.vector_load %arg19[%get3A_492, %get3A_493] {strides = array<i32>} : memref<64x128xf32, #tpu.memory_space<vmem>>, vector<16xf32>,
      %get3A_495 = arith.index_cast %scan3A_426 : i32 to index
      %get3A_496 = arith.constant 32 : index
      %get3A_497 = tpu.vector_load %arg20[%get3A_495, %get3A_496] {strides = array<i32>} : memref<64x128xf32, #tpu.memory_space<vmem>>, vector<16xf32>,
      %get3A_498 = arith.index_cast %scan3A_426 : i32 to index
      %get3A_499 = arith.constant 32 : index
      %get3A_500 = tpu.vector_load %arg21[%get3A_498, %get3A_499] {strides = array<i32>} : memref<64x128xf32, #tpu.memory_space<vmem>>, vector<16xf32>,
      %mul3A_501 = arith.mulf %get3A_485, %get3A_491 : vector<16xf32>
      %mul3A_502 = arith.mulf %get3A_488, %get3A_494 : vector<16xf32>
      %sub3A_503 = arith.subf %mul3A_501, %mul3A_502 : vector<16xf32>
      %mul3A_504 = arith.mulf %get3A_485, %get3A_494 : vector<16xf32>
      %mul3A_505 = arith.mulf %get3A_488, %get3A_491 : vector<16xf32>
      %add3A_506 = arith.addf %mul3A_504, %mul3A_505 : vector<16xf32>
      %mul3A_507 = arith.mulf %get3A_497, %sub3A_503 : vector<16xf32>
      %add3A_508 = arith.addf %add3A_482, %mul3A_507 : vector<16xf32>
      %mul3A_509 = arith.mulf %get3A_500, %add3A_506 : vector<16xf32>
      %add3A_510 = arith.addf %add3A_508, %mul3A_509 : vector<16xf32>
      %get3A_511 = arith.index_cast %scan3A_426 : i32 to index
      %get3A_512 = arith.constant 48 : index
      %get3A_513 = tpu.vector_load %arg16[%get3A_511, %get3A_512] {strides = array<i32>} : memref<64x128xf32, #tpu.memory_space<vmem>>, vector<16xf32>,
      %get3A_514 = arith.index_cast %scan3A_426 : i32 to index
      %get3A_515 = arith.constant 48 : index
      %get3A_516 = tpu.vector_load %arg17[%get3A_514, %get3A_515] {strides = array<i32>} : memref<64x128xf32, #tpu.memory_space<vmem>>, vector<16xf32>,
      %get3A_517 = arith.index_cast %scan3A_426 : i32 to index
      %get3A_518 = arith.constant 48 : index
      %get3A_519 = tpu.vector_load %arg18[%get3A_517, %get3A_518] {strides = array<i32>} : memref<64x128xf32, #tpu.memory_space<vmem>>, vector<16xf32>,
      %get3A_520 = arith.index_cast %scan3A_426 : i32 to index
      %get3A_521 = arith.constant 48 : index
      %get3A_522 = tpu.vector_load %arg19[%get3A_520, %get3A_521] {strides = array<i32>} : memref<64x128xf32, #tpu.memory_space<vmem>>, vector<16xf32>,
      %get3A_523 = arith.index_cast %scan3A_426 : i32 to index
      %get3A_524 = arith.constant 48 : index
      %get3A_525 = tpu.vector_load %arg20[%get3A_523, %get3A_524] {strides = array<i32>} : memref<64x128xf32, #tpu.memory_space<vmem>>, vector<16xf32>,
      %get3A_526 = arith.index_cast %scan3A_426 : i32 to index
      %get3A_527 = arith.constant 48 : index
      %get3A_528 = tpu.vector_load %arg21[%get3A_526, %get3A_527] {strides = array<i32>} : memref<64x128xf32, #tpu.memory_space<vmem>>, vector<16xf32>,
      %mul3A_529 = arith.mulf %get3A_513, %get3A_519 : vector<16xf32>
      %mul3A_530 = arith.mulf %get3A_516, %get3A_522 : vector<16xf32>
      %sub3A_531 = arith.subf %mul3A_529, %mul3A_530 : vector<16xf32>
      %mul3A_532 = arith.mulf %get3A_513, %get3A_522 : vector<16xf32>
      %mul3A_533 = arith.mulf %get3A_516, %get3A_519 : vector<16xf32>
      %add3A_534 = arith.addf %mul3A_532, %mul3A_533 : vector<16xf32>
      %mul3A_535 = arith.mulf %get3A_525, %sub3A_531 : vector<16xf32>
      %add3A_536 = arith.addf %add3A_510, %mul3A_535 : vector<16xf32>
      %mul3A_537 = arith.mulf %get3A_528, %add3A_534 : vector<16xf32>
      %add3A_538 = arith.addf %add3A_536, %mul3A_537 : vector<16xf32>
      %mul3A_539 = arith.constant 16 : i32
      %mul3A_540 = arith.muli %scan3A_426, %mul3A_539 : i32
      %swap3A = arith.index_cast %mul3A_540 : i32 to index
      %swap3A_541 = tpu.vector_load %arg28[%swap3A] {strides = array<i32>} : memref<1024xf32, #tpu.memory_space<vmem>>, vector<16xf32>,
      tpu.vector_store %arg28[%swap3A], %add3A_538 {strides = array<i32>} : memref<1024xf32, #tpu.memory_space<vmem>>, vector<16xf32>,
      %scan3A_542 = arith.constant 0 : i32
      scf.yield %scan3A_542 : i32
    }
    %scan3A_280 = arith.constant 64 : i32
    %scan3A_281 = arith.constant 0 : i32
    %scan3A_282 = arith.constant 0 : i32
    %scan3A_283 = arith.constant 4 : i32
    %scan3A_284 = arith.addi %scan3A_282, %scan3A_283 : i32
    %scan3A_285 = arith.constant 1 : i32
    %scan3A_286 = scf.for %scan3A_426 = %scan3A_282 to %scan3A_284 step %scan3A_285 iter_args(%scan3A_427 = %scan3A_281) -> (i32)  : i32 {
      %mul3A_428 = arith.constant 256 : i32
      %mul3A_429 = arith.muli %scan3A_426, %mul3A_428 : i32
      %broadcast_in_dim3A = arith.constant 0.000000e+00 : f32
      %broadcast_in_dim3A_430 = vector.broadcast %broadcast_in_dim3A : f32 to vector<16xf32>
      %add3A_431 = vector.broadcast %mul3A_429 : i32 to vector<16xi32>
      %add3A_432 = arith.addi %add3A_431, %mul3A_5 : vector<16xi32>
      %add3A_433 = arith.constant 0 : i32
      %add3A_434 = vector.broadcast %add3A_433 : i32 to vector<16xi32>
      %add3A_435 = arith.addi %add3A_432, %add3A_434 : vector<16xi32>
      %gather3A = tpu.vector_load_idx %arg28[%add3A_435] : memref<1024xf32, #tpu.memory_space<vmem>>[vector<16xi32>], vector<16xf32>,
      %add3A_436 = arith.addf %broadcast_in_dim3A_430, %gather3A : vector<16xf32>
      %add3A_437 = vector.broadcast %mul3A_429 : i32 to vector<16xi32>
      %add3A_438 = arith.addi %add3A_437, %mul3A_5 : vector<16xi32>
      %add3A_439 = arith.constant 1 : i32
      %add3A_440 = vector.broadcast %add3A_439 : i32 to vector<16xi32>
      %add3A_441 = arith.addi %add3A_438, %add3A_440 : vector<16xi32>
      %gather3A_442 = tpu.vector_load_idx %arg28[%add3A_441] : memref<1024xf32, #tpu.memory_space<vmem>>[vector<16xi32>], vector<16xf32>,
      %add3A_443 = arith.addf %add3A_436, %gather3A_442 : vector<16xf32>
      %add3A_444 = vector.broadcast %mul3A_429 : i32 to vector<16xi32>
      %add3A_445 = arith.addi %add3A_444, %mul3A_5 : vector<16xi32>
      %add3A_446 = arith.constant 2 : i32
      %add3A_447 = vector.broadcast %add3A_446 : i32 to vector<16xi32>
      %add3A_448 = arith.addi %add3A_445, %add3A_447 : vector<16xi32>
      %gather3A_449 = tpu.vector_load_idx %arg28[%add3A_448] : memref<1024xf32, #tpu.memory_space<vmem>>[vector<16xi32>], vector<16xf32>,
      %add3A_450 = arith.addf %add3A_443, %gather3A_449 : vector<16xf32>
      %add3A_451 = vector.broadcast %mul3A_429 : i32 to vector<16xi32>
      %add3A_452 = arith.addi %add3A_451, %mul3A_5 : vector<16xi32>
      %add3A_453 = arith.constant 3 : i32
      %add3A_454 = vector.broadcast %add3A_453 : i32 to vector<16xi32>
      %add3A_455 = arith.addi %add3A_452, %add3A_454 : vector<16xi32>
      %gather3A_456 = tpu.vector_load_idx %arg28[%add3A_455] : memref<1024xf32, #tpu.memory_space<vmem>>[vector<16xi32>], vector<16xf32>,
      %add3A_457 = arith.addf %add3A_450, %gather3A_456 : vector<16xf32>
      %add3A_458 = vector.broadcast %mul3A_429 : i32 to vector<16xi32>
      %add3A_459 = arith.addi %add3A_458, %mul3A_5 : vector<16xi32>
      %add3A_460 = arith.constant 4 : i32
      %add3A_461 = vector.broadcast %add3A_460 : i32 to vector<16xi32>
      %add3A_462 = arith.addi %add3A_459, %add3A_461 : vector<16xi32>
      %gather3A_463 = tpu.vector_load_idx %arg28[%add3A_462] : memref<1024xf32, #tpu.memory_space<vmem>>[vector<16xi32>], vector<16xf32>,
      %add3A_464 = arith.addf %add3A_457, %gather3A_463 : vector<16xf32>
      %add3A_465 = vector.broadcast %mul3A_429 : i32 to vector<16xi32>
      %add3A_466 = arith.addi %add3A_465, %mul3A_5 : vector<16xi32>
      %add3A_467 = arith.constant 5 : i32
      %add3A_468 = vector.broadcast %add3A_467 : i32 to vector<16xi32>
      %add3A_469 = arith.addi %add3A_466, %add3A_468 : vector<16xi32>
      %gather3A_470 = tpu.vector_load_idx %arg28[%add3A_469] : memref<1024xf32, #tpu.memory_space<vmem>>[vector<16xi32>], vector<16xf32>,
      %add3A_471 = arith.addf %add3A_464, %gather3A_470 : vector<16xf32>
      %add3A_472 = vector.broadcast %mul3A_429 : i32 to vector<16xi32>
      %add3A_473 = arith.addi %add3A_472, %mul3A_5 : vector<16xi32>
      %add3A_474 = arith.constant 6 : i32
      %add3A_475 = vector.broadcast %add3A_474 : i32 to vector<16xi32>
      %add3A_476 = arith.addi %add3A_473, %add3A_475 : vector<16xi32>
      %gather3A_477 = tpu.vector_load_idx %arg28[%add3A_476] : memref<1024xf32, #tpu.memory_space<vmem>>[vector<16xi32>], vector<16xf32>,
      %add3A_478 = arith.addf %add3A_471, %gather3A_477 : vector<16xf32>
      %add3A_479 = vector.broadcast %mul3A_429 : i32 to vector<16xi32>
      %add3A_480 = arith.addi %add3A_479, %mul3A_5 : vector<16xi32>
      %add3A_481 = arith.constant 7 : i32
      %add3A_482 = vector.broadcast %add3A_481 : i32 to vector<16xi32>
      %add3A_483 = arith.addi %add3A_480, %add3A_482 : vector<16xi32>
      %gather3A_484 = tpu.vector_load_idx %arg28[%add3A_483] : memref<1024xf32, #tpu.memory_space<vmem>>[vector<16xi32>], vector<16xf32>,
      %add3A_485 = arith.addf %add3A_478, %gather3A_484 : vector<16xf32>
      %add3A_486 = vector.broadcast %mul3A_429 : i32 to vector<16xi32>
      %add3A_487 = arith.addi %add3A_486, %mul3A_5 : vector<16xi32>
      %add3A_488 = arith.constant 8 : i32
      %add3A_489 = vector.broadcast %add3A_488 : i32 to vector<16xi32>
      %add3A_490 = arith.addi %add3A_487, %add3A_489 : vector<16xi32>
      %gather3A_491 = tpu.vector_load_idx %arg28[%add3A_490] : memref<1024xf32, #tpu.memory_space<vmem>>[vector<16xi32>], vector<16xf32>,
      %add3A_492 = arith.addf %add3A_485, %gather3A_491 : vector<16xf32>
      %add3A_493 = vector.broadcast %mul3A_429 : i32 to vector<16xi32>
      %add3A_494 = arith.addi %add3A_493, %mul3A_5 : vector<16xi32>
      %add3A_495 = arith.constant 9 : i32
      %add3A_496 = vector.broadcast %add3A_495 : i32 to vector<16xi32>
      %add3A_497 = arith.addi %add3A_494, %add3A_496 : vector<16xi32>
      %gather3A_498 = tpu.vector_load_idx %arg28[%add3A_497] : memref<1024xf32, #tpu.memory_space<vmem>>[vector<16xi32>], vector<16xf32>,
      %add3A_499 = arith.addf %add3A_492, %gather3A_498 : vector<16xf32>
      %add3A_500 = vector.broadcast %mul3A_429 : i32 to vector<16xi32>
      %add3A_501 = arith.addi %add3A_500, %mul3A_5 : vector<16xi32>
      %add3A_502 = arith.constant 10 : i32
      %add3A_503 = vector.broadcast %add3A_502 : i32 to vector<16xi32>
      %add3A_504 = arith.addi %add3A_501, %add3A_503 : vector<16xi32>
      %gather3A_505 = tpu.vector_load_idx %arg28[%add3A_504] : memref<1024xf32, #tpu.memory_space<vmem>>[vector<16xi32>], vector<16xf32>,
      %add3A_506 = arith.addf %add3A_499, %gather3A_505 : vector<16xf32>
      %add3A_507 = vector.broadcast %mul3A_429 : i32 to vector<16xi32>
      %add3A_508 = arith.addi %add3A_507, %mul3A_5 : vector<16xi32>
      %add3A_509 = arith.constant 11 : i32
      %add3A_510 = vector.broadcast %add3A_509 : i32 to vector<16xi32>
      %add3A_511 = arith.addi %add3A_508, %add3A_510 : vector<16xi32>
      %gather3A_512 = tpu.vector_load_idx %arg28[%add3A_511] : memref<1024xf32, #tpu.memory_space<vmem>>[vector<16xi32>], vector<16xf32>,
      %add3A_513 = arith.addf %add3A_506, %gather3A_512 : vector<16xf32>
      %add3A_514 = vector.broadcast %mul3A_429 : i32 to vector<16xi32>
      %add3A_515 = arith.addi %add3A_514, %mul3A_5 : vector<16xi32>
      %add3A_516 = arith.constant 12 : i32
      %add3A_517 = vector.broadcast %add3A_516 : i32 to vector<16xi32>
      %add3A_518 = arith.addi %add3A_515, %add3A_517 : vector<16xi32>
      %gather3A_519 = tpu.vector_load_idx %arg28[%add3A_518] : memref<1024xf32, #tpu.memory_space<vmem>>[vector<16xi32>], vector<16xf32>,
      %add3A_520 = arith.addf %add3A_513, %gather3A_519 : vector<16xf32>
      %add3A_521 = vector.broadcast %mul3A_429 : i32 to vector<16xi32>
      %add3A_522 = arith.addi %add3A_521, %mul3A_5 : vector<16xi32>
      %add3A_523 = arith.constant 13 : i32
      %add3A_524 = vector.broadcast %add3A_523 : i32 to vector<16xi32>
      %add3A_525 = arith.addi %add3A_522, %add3A_524 : vector<16xi32>
      %gather3A_526 = tpu.vector_load_idx %arg28[%add3A_525] : memref<1024xf32, #tpu.memory_space<vmem>>[vector<16xi32>], vector<16xf32>,
      %add3A_527 = arith.addf %add3A_520, %gather3A_526 : vector<16xf32>
      %add3A_528 = vector.broadcast %mul3A_429 : i32 to vector<16xi32>
      %add3A_529 = arith.addi %add3A_528, %mul3A_5 : vector<16xi32>
      %add3A_530 = arith.constant 14 : i32
      %add3A_531 = vector.broadcast %add3A_530 : i32 to vector<16xi32>
      %add3A_532 = arith.addi %add3A_529, %add3A_531 : vector<16xi32>
      %gather3A_533 = tpu.vector_load_idx %arg28[%add3A_532] : memref<1024xf32, #tpu.memory_space<vmem>>[vector<16xi32>], vector<16xf32>,
      %add3A_534 = arith.addf %add3A_527, %gather3A_533 : vector<16xf32>
      %add3A_535 = vector.broadcast %mul3A_429 : i32 to vector<16xi32>
      %add3A_536 = arith.addi %add3A_535, %mul3A_5 : vector<16xi32>
      %add3A_537 = arith.constant 15 : i32
      %add3A_538 = vector.broadcast %add3A_537 : i32 to vector<16xi32>
      %add3A_539 = arith.addi %add3A_536, %add3A_538 : vector<16xi32>
      %gather3A_540 = tpu.vector_load_idx %arg28[%add3A_539] : memref<1024xf32, #tpu.memory_space<vmem>>[vector<16xi32>], vector<16xf32>,
      %add3A_541 = arith.addf %add3A_534, %gather3A_540 : vector<16xf32>
      %mul3A_542 = arith.constant 16 : i32
      %mul3A_543 = arith.muli %scan3A_426, %mul3A_542 : i32
      %add3A_544 = arith.constant 256 : i32
      %add3A_545 = arith.addi %add3A_544, %mul3A_543 : i32
      %swap3A = arith.index_cast %add3A_545 : i32 to index
      %swap3A_546 = tpu.vector_load %arg29[%swap3A] {strides = array<i32>} : memref<512xf32, #tpu.memory_space<vmem>>, vector<16xf32>,
      tpu.vector_store %arg29[%swap3A], %add3A_541 {strides = array<i32>} : memref<512xf32, #tpu.memory_space<vmem>>, vector<16xf32>,
      %scan3A_547 = arith.constant 0 : i32
      scf.yield %scan3A_547 : i32
    }
    %scan3A_287 = arith.constant 4 : i32
    %add3A_288 = arith.constant 384 : i32
    %add3A_289 = arith.addi %mul3A_2, %add3A_288 : i32
    %multiple_of3A_290 = tpu.assume_multiple %add3A_289, 8 : i32
    "tpu.region"() ({
      %run_scoped3A = tpu.sem_alloc : memref<!tpu.dma_semaphore, #tpu.memory_space<semaphore_mem>>
      %dma_start3A_426 = tpu.memref_slice %arg2[%multiple_of3A_290] : memref<16384xi32, #tpu.memory_space<hbm>> -> memref<64xi32, #tpu.memory_space<hbm>>
      %dma_start3A_427 = tpu.memref_slice %arg2[%multiple_of3A_290] : memref<16384xi32, #tpu.memory_space<hbm>> -> memref<64xi32, #tpu.memory_space<hbm>>
      tpu.enqueue_dma source(%dma_start3A_427 : memref<64xi32, #tpu.memory_space<hbm>>) target(%arg10 : memref<64xi32, #tpu.memory_space<vmem>>) target_semaphore(%run_scoped3A : memref<!tpu.dma_semaphore, #tpu.memory_space<semaphore_mem>>)
      %dma_wait3A_428 = tpu.memref_slice %arg2[%multiple_of3A_290] : memref<16384xi32, #tpu.memory_space<hbm>> -> memref<64xi32, #tpu.memory_space<hbm>>
      %dma_wait3A_429 = tpu.memref_slice %arg2[%multiple_of3A_290] : memref<16384xi32, #tpu.memory_space<hbm>> -> memref<64xi32, #tpu.memory_space<hbm>>
      tpu.wait_dma2 semaphore(%run_scoped3A : memref<!tpu.dma_semaphore, #tpu.memory_space<semaphore_mem>>) src(%dma_wait3A_429 : memref<64xi32, #tpu.memory_space<hbm>>) dst(%arg10 : memref<64xi32, #tpu.memory_space<vmem>>)
      tpu.yield
    }) : () -> ()
    "tpu.region"() ({
      %run_scoped3A = tpu.sem_alloc : memref<!tpu.dma_semaphore, #tpu.memory_space<semaphore_mem>>
      %dma_start3A_426 = tpu.memref_slice %arg3[%multiple_of3A_290] : memref<16384xi32, #tpu.memory_space<hbm>> -> memref<64xi32, #tpu.memory_space<hbm>>
      %dma_start3A_427 = tpu.memref_slice %arg3[%multiple_of3A_290] : memref<16384xi32, #tpu.memory_space<hbm>> -> memref<64xi32, #tpu.memory_space<hbm>>
      tpu.enqueue_dma source(%dma_start3A_427 : memref<64xi32, #tpu.memory_space<hbm>>) target(%arg12 : memref<64xi32, #tpu.memory_space<vmem>>) target_semaphore(%run_scoped3A : memref<!tpu.dma_semaphore, #tpu.memory_space<semaphore_mem>>)
      %dma_wait3A_428 = tpu.memref_slice %arg3[%multiple_of3A_290] : memref<16384xi32, #tpu.memory_space<hbm>> -> memref<64xi32, #tpu.memory_space<hbm>>
      %dma_wait3A_429 = tpu.memref_slice %arg3[%multiple_of3A_290] : memref<16384xi32, #tpu.memory_space<hbm>> -> memref<64xi32, #tpu.memory_space<hbm>>
      tpu.wait_dma2 semaphore(%run_scoped3A : memref<!tpu.dma_semaphore, #tpu.memory_space<semaphore_mem>>) src(%dma_wait3A_429 : memref<64xi32, #tpu.memory_space<hbm>>) dst(%arg12 : memref<64xi32, #tpu.memory_space<vmem>>)
      tpu.yield
    }) : () -> ()
    "tpu.region"() ({
      %run_scoped3A = tpu.sem_alloc : memref<!tpu.dma_semaphore, #tpu.memory_space<semaphore_mem>>
      %dma_start3A_426 = tpu.memref_slice %arg4[%multiple_of3A_290] : memref<16384xi32, #tpu.memory_space<hbm>> -> memref<64xi32, #tpu.memory_space<hbm>>
      %dma_start3A_427 = tpu.memref_slice %arg4[%multiple_of3A_290] : memref<16384xi32, #tpu.memory_space<hbm>> -> memref<64xi32, #tpu.memory_space<hbm>>
      tpu.enqueue_dma source(%dma_start3A_427 : memref<64xi32, #tpu.memory_space<hbm>>) target(%arg14 : memref<64xi32, #tpu.memory_space<vmem>>) target_semaphore(%run_scoped3A : memref<!tpu.dma_semaphore, #tpu.memory_space<semaphore_mem>>)
      %dma_wait3A_428 = tpu.memref_slice %arg4[%multiple_of3A_290] : memref<16384xi32, #tpu.memory_space<hbm>> -> memref<64xi32, #tpu.memory_space<hbm>>
      %dma_wait3A_429 = tpu.memref_slice %arg4[%multiple_of3A_290] : memref<16384xi32, #tpu.memory_space<hbm>> -> memref<64xi32, #tpu.memory_space<hbm>>
      tpu.wait_dma2 semaphore(%run_scoped3A : memref<!tpu.dma_semaphore, #tpu.memory_space<semaphore_mem>>) src(%dma_wait3A_429 : memref<64xi32, #tpu.memory_space<hbm>>) dst(%arg14 : memref<64xi32, #tpu.memory_space<vmem>>)
      tpu.yield
    }) : () -> ()
    %dma_start3A_291 = arith.constant 0 : i32
    %dma_start3A_292 = arith.constant 0 : i32
    %dma_start3A_293 = tpu.memref_slice %arg5[%dma_start3A_291, %dma_start3A_292] : memref<1000000x128xf32, #tpu.memory_space<hbm>> -> memref<1000000x128xf32, #tpu.memory_space<hbm>>
    tpu.enqueue_indirect_dma source(%dma_start3A_293 : memref<1000000x128xf32, #tpu.memory_space<hbm>>) target(%arg16 : memref<64x128xf32, #tpu.memory_space<vmem>>) offsets(%arg10 : memref<64xi32, #tpu.memory_space<vmem>>) semaphore(%arg30 : memref<!tpu.dma_semaphore, #tpu.memory_space<semaphore_mem>>)
    %dma_start3A_294 = arith.constant 0 : i32
    %dma_start3A_295 = arith.constant 0 : i32
    %dma_start3A_296 = tpu.memref_slice %arg6[%dma_start3A_294, %dma_start3A_295] : memref<1000000x128xf32, #tpu.memory_space<hbm>> -> memref<1000000x128xf32, #tpu.memory_space<hbm>>
    tpu.enqueue_indirect_dma source(%dma_start3A_296 : memref<1000000x128xf32, #tpu.memory_space<hbm>>) target(%arg17 : memref<64x128xf32, #tpu.memory_space<vmem>>) offsets(%arg10 : memref<64xi32, #tpu.memory_space<vmem>>) semaphore(%arg30 : memref<!tpu.dma_semaphore, #tpu.memory_space<semaphore_mem>>)
    %dma_start3A_297 = arith.constant 0 : i32
    %dma_start3A_298 = arith.constant 0 : i32
    %dma_start3A_299 = tpu.memref_slice %arg5[%dma_start3A_297, %dma_start3A_298] : memref<1000000x128xf32, #tpu.memory_space<hbm>> -> memref<1000000x128xf32, #tpu.memory_space<hbm>>
    tpu.enqueue_indirect_dma source(%dma_start3A_299 : memref<1000000x128xf32, #tpu.memory_space<hbm>>) target(%arg18 : memref<64x128xf32, #tpu.memory_space<vmem>>) offsets(%arg14 : memref<64xi32, #tpu.memory_space<vmem>>) semaphore(%arg30 : memref<!tpu.dma_semaphore, #tpu.memory_space<semaphore_mem>>)
    %dma_start3A_300 = arith.constant 0 : i32
    %dma_start3A_301 = arith.constant 0 : i32
    %dma_start3A_302 = tpu.memref_slice %arg6[%dma_start3A_300, %dma_start3A_301] : memref<1000000x128xf32, #tpu.memory_space<hbm>> -> memref<1000000x128xf32, #tpu.memory_space<hbm>>
    tpu.enqueue_indirect_dma source(%dma_start3A_302 : memref<1000000x128xf32, #tpu.memory_space<hbm>>) target(%arg19 : memref<64x128xf32, #tpu.memory_space<vmem>>) offsets(%arg14 : memref<64xi32, #tpu.memory_space<vmem>>) semaphore(%arg30 : memref<!tpu.dma_semaphore, #tpu.memory_space<semaphore_mem>>)
    %dma_start3A_303 = arith.constant 0 : i32
    %dma_start3A_304 = arith.constant 0 : i32
    %dma_start3A_305 = tpu.memref_slice %arg7[%dma_start3A_303, %dma_start3A_304] : memref<1000x128xf32, #tpu.memory_space<hbm>> -> memref<1000x128xf32, #tpu.memory_space<hbm>>
    tpu.enqueue_indirect_dma source(%dma_start3A_305 : memref<1000x128xf32, #tpu.memory_space<hbm>>) target(%arg20 : memref<64x128xf32, #tpu.memory_space<vmem>>) offsets(%arg12 : memref<64xi32, #tpu.memory_space<vmem>>) semaphore(%arg30 : memref<!tpu.dma_semaphore, #tpu.memory_space<semaphore_mem>>)
    %dma_start3A_306 = arith.constant 0 : i32
    %dma_start3A_307 = arith.constant 0 : i32
    %dma_start3A_308 = tpu.memref_slice %arg8[%dma_start3A_306, %dma_start3A_307] : memref<1000x128xf32, #tpu.memory_space<hbm>> -> memref<1000x128xf32, #tpu.memory_space<hbm>>
    tpu.enqueue_indirect_dma source(%dma_start3A_308 : memref<1000x128xf32, #tpu.memory_space<hbm>>) target(%arg21 : memref<64x128xf32, #tpu.memory_space<vmem>>) offsets(%arg12 : memref<64xi32, #tpu.memory_space<vmem>>) semaphore(%arg30 : memref<!tpu.dma_semaphore, #tpu.memory_space<semaphore_mem>>)
    %dma_wait3A_309 = arith.constant 0 : i32
    %dma_wait3A_310 = arith.constant 0 : i32
    %dma_wait3A_311 = tpu.memref_slice %arg5[%dma_wait3A_309, %dma_wait3A_310] : memref<1000000x128xf32, #tpu.memory_space<hbm>> -> memref<1000000x128xf32, #tpu.memory_space<hbm>>
    tpu.wait_indirect_dma semaphore(%arg31 : memref<!tpu.dma_semaphore, #tpu.memory_space<semaphore_mem>>) src(%dma_wait3A_311 : memref<1000000x128xf32, #tpu.memory_space<hbm>>) dst(%arg22 : memref<64x128xf32, #tpu.memory_space<vmem>>)
    %dma_wait3A_312 = arith.constant 0 : i32
    %dma_wait3A_313 = arith.constant 0 : i32
    %dma_wait3A_314 = tpu.memref_slice %arg6[%dma_wait3A_312, %dma_wait3A_313] : memref<1000000x128xf32, #tpu.memory_space<hbm>> -> memref<1000000x128xf32, #tpu.memory_space<hbm>>
    tpu.wait_indirect_dma semaphore(%arg31 : memref<!tpu.dma_semaphore, #tpu.memory_space<semaphore_mem>>) src(%dma_wait3A_314 : memref<1000000x128xf32, #tpu.memory_space<hbm>>) dst(%arg23 : memref<64x128xf32, #tpu.memory_space<vmem>>)
    %dma_wait3A_315 = arith.constant 0 : i32
    %dma_wait3A_316 = arith.constant 0 : i32
    %dma_wait3A_317 = tpu.memref_slice %arg5[%dma_wait3A_315, %dma_wait3A_316] : memref<1000000x128xf32, #tpu.memory_space<hbm>> -> memref<1000000x128xf32, #tpu.memory_space<hbm>>
    tpu.wait_indirect_dma semaphore(%arg31 : memref<!tpu.dma_semaphore, #tpu.memory_space<semaphore_mem>>) src(%dma_wait3A_317 : memref<1000000x128xf32, #tpu.memory_space<hbm>>) dst(%arg24 : memref<64x128xf32, #tpu.memory_space<vmem>>)
    %dma_wait3A_318 = arith.constant 0 : i32
    %dma_wait3A_319 = arith.constant 0 : i32
    %dma_wait3A_320 = tpu.memref_slice %arg6[%dma_wait3A_318, %dma_wait3A_319] : memref<1000000x128xf32, #tpu.memory_space<hbm>> -> memref<1000000x128xf32, #tpu.memory_space<hbm>>
    tpu.wait_indirect_dma semaphore(%arg31 : memref<!tpu.dma_semaphore, #tpu.memory_space<semaphore_mem>>) src(%dma_wait3A_320 : memref<1000000x128xf32, #tpu.memory_space<hbm>>) dst(%arg25 : memref<64x128xf32, #tpu.memory_space<vmem>>)
    %dma_wait3A_321 = arith.constant 0 : i32
    %dma_wait3A_322 = arith.constant 0 : i32
    %dma_wait3A_323 = tpu.memref_slice %arg7[%dma_wait3A_321, %dma_wait3A_322] : memref<1000x128xf32, #tpu.memory_space<hbm>> -> memref<1000x128xf32, #tpu.memory_space<hbm>>
    tpu.wait_indirect_dma semaphore(%arg31 : memref<!tpu.dma_semaphore, #tpu.memory_space<semaphore_mem>>) src(%dma_wait3A_323 : memref<1000x128xf32, #tpu.memory_space<hbm>>) dst(%arg26 : memref<64x128xf32, #tpu.memory_space<vmem>>)
    %dma_wait3A_324 = arith.constant 0 : i32
    %dma_wait3A_325 = arith.constant 0 : i32
    %dma_wait3A_326 = tpu.memref_slice %arg8[%dma_wait3A_324, %dma_wait3A_325] : memref<1000x128xf32, #tpu.memory_space<hbm>> -> memref<1000x128xf32, #tpu.memory_space<hbm>>
    tpu.wait_indirect_dma semaphore(%arg31 : memref<!tpu.dma_semaphore, #tpu.memory_space<semaphore_mem>>) src(%dma_wait3A_326 : memref<1000x128xf32, #tpu.memory_space<hbm>>) dst(%arg27 : memref<64x128xf32, #tpu.memory_space<vmem>>)
    %scan3A_327 = arith.constant 0 : i32
    %scan3A_328 = arith.constant 0 : i32
    %scan3A_329 = arith.constant 64 : i32
    %scan3A_330 = arith.addi %scan3A_328, %scan3A_329 : i32
    %scan3A_331 = arith.constant 1 : i32
    %scan3A_332 = scf.for %scan3A_426 = %scan3A_328 to %scan3A_330 step %scan3A_331 iter_args(%scan3A_427 = %scan3A_327) -> (i32)  : i32 {
      %broadcast_in_dim3A = arith.constant 0.000000e+00 : f32
      %broadcast_in_dim3A_428 = vector.broadcast %broadcast_in_dim3A : f32 to vector<16xf32>
      %get3A = arith.index_cast %scan3A_426 : i32 to index
      %get3A_429 = arith.constant 0 : index
      %get3A_430 = tpu.vector_load %arg22[%get3A, %get3A_429] {strides = array<i32>} : memref<64x128xf32, #tpu.memory_space<vmem>>, vector<16xf32>,
      %get3A_431 = arith.index_cast %scan3A_426 : i32 to index
      %get3A_432 = arith.constant 0 : index
      %get3A_433 = tpu.vector_load %arg23[%get3A_431, %get3A_432] {strides = array<i32>} : memref<64x128xf32, #tpu.memory_space<vmem>>, vector<16xf32>,
      %get3A_434 = arith.index_cast %scan3A_426 : i32 to index
      %get3A_435 = arith.constant 0 : index
      %get3A_436 = tpu.vector_load %arg24[%get3A_434, %get3A_435] {strides = array<i32>} : memref<64x128xf32, #tpu.memory_space<vmem>>, vector<16xf32>,
      %get3A_437 = arith.index_cast %scan3A_426 : i32 to index
      %get3A_438 = arith.constant 0 : index
      %get3A_439 = tpu.vector_load %arg25[%get3A_437, %get3A_438] {strides = array<i32>} : memref<64x128xf32, #tpu.memory_space<vmem>>, vector<16xf32>,
      %get3A_440 = arith.index_cast %scan3A_426 : i32 to index
      %get3A_441 = arith.constant 0 : index
      %get3A_442 = tpu.vector_load %arg26[%get3A_440, %get3A_441] {strides = array<i32>} : memref<64x128xf32, #tpu.memory_space<vmem>>, vector<16xf32>,
      %get3A_443 = arith.index_cast %scan3A_426 : i32 to index
      %get3A_444 = arith.constant 0 : index
      %get3A_445 = tpu.vector_load %arg27[%get3A_443, %get3A_444] {strides = array<i32>} : memref<64x128xf32, #tpu.memory_space<vmem>>, vector<16xf32>,
      %mul3A_446 = arith.mulf %get3A_430, %get3A_436 : vector<16xf32>
      %mul3A_447 = arith.mulf %get3A_433, %get3A_439 : vector<16xf32>
      %sub3A = arith.subf %mul3A_446, %mul3A_447 : vector<16xf32>
      %mul3A_448 = arith.mulf %get3A_430, %get3A_439 : vector<16xf32>
      %mul3A_449 = arith.mulf %get3A_433, %get3A_436 : vector<16xf32>
      %add3A_450 = arith.addf %mul3A_448, %mul3A_449 : vector<16xf32>
      %mul3A_451 = arith.mulf %get3A_442, %sub3A : vector<16xf32>
      %add3A_452 = arith.addf %broadcast_in_dim3A_428, %mul3A_451 : vector<16xf32>
      %mul3A_453 = arith.mulf %get3A_445, %add3A_450 : vector<16xf32>
      %add3A_454 = arith.addf %add3A_452, %mul3A_453 : vector<16xf32>
      %get3A_455 = arith.index_cast %scan3A_426 : i32 to index
      %get3A_456 = arith.constant 16 : index
      %get3A_457 = tpu.vector_load %arg22[%get3A_455, %get3A_456] {strides = array<i32>} : memref<64x128xf32, #tpu.memory_space<vmem>>, vector<16xf32>,
      %get3A_458 = arith.index_cast %scan3A_426 : i32 to index
      %get3A_459 = arith.constant 16 : index
      %get3A_460 = tpu.vector_load %arg23[%get3A_458, %get3A_459] {strides = array<i32>} : memref<64x128xf32, #tpu.memory_space<vmem>>, vector<16xf32>,
      %get3A_461 = arith.index_cast %scan3A_426 : i32 to index
      %get3A_462 = arith.constant 16 : index
      %get3A_463 = tpu.vector_load %arg24[%get3A_461, %get3A_462] {strides = array<i32>} : memref<64x128xf32, #tpu.memory_space<vmem>>, vector<16xf32>,
      %get3A_464 = arith.index_cast %scan3A_426 : i32 to index
      %get3A_465 = arith.constant 16 : index
      %get3A_466 = tpu.vector_load %arg25[%get3A_464, %get3A_465] {strides = array<i32>} : memref<64x128xf32, #tpu.memory_space<vmem>>, vector<16xf32>,
      %get3A_467 = arith.index_cast %scan3A_426 : i32 to index
      %get3A_468 = arith.constant 16 : index
      %get3A_469 = tpu.vector_load %arg26[%get3A_467, %get3A_468] {strides = array<i32>} : memref<64x128xf32, #tpu.memory_space<vmem>>, vector<16xf32>,
      %get3A_470 = arith.index_cast %scan3A_426 : i32 to index
      %get3A_471 = arith.constant 16 : index
      %get3A_472 = tpu.vector_load %arg27[%get3A_470, %get3A_471] {strides = array<i32>} : memref<64x128xf32, #tpu.memory_space<vmem>>, vector<16xf32>,
      %mul3A_473 = arith.mulf %get3A_457, %get3A_463 : vector<16xf32>
      %mul3A_474 = arith.mulf %get3A_460, %get3A_466 : vector<16xf32>
      %sub3A_475 = arith.subf %mul3A_473, %mul3A_474 : vector<16xf32>
      %mul3A_476 = arith.mulf %get3A_457, %get3A_466 : vector<16xf32>
      %mul3A_477 = arith.mulf %get3A_460, %get3A_463 : vector<16xf32>
      %add3A_478 = arith.addf %mul3A_476, %mul3A_477 : vector<16xf32>
      %mul3A_479 = arith.mulf %get3A_469, %sub3A_475 : vector<16xf32>
      %add3A_480 = arith.addf %add3A_454, %mul3A_479 : vector<16xf32>
      %mul3A_481 = arith.mulf %get3A_472, %add3A_478 : vector<16xf32>
      %add3A_482 = arith.addf %add3A_480, %mul3A_481 : vector<16xf32>
      %get3A_483 = arith.index_cast %scan3A_426 : i32 to index
      %get3A_484 = arith.constant 32 : index
      %get3A_485 = tpu.vector_load %arg22[%get3A_483, %get3A_484] {strides = array<i32>} : memref<64x128xf32, #tpu.memory_space<vmem>>, vector<16xf32>,
      %get3A_486 = arith.index_cast %scan3A_426 : i32 to index
      %get3A_487 = arith.constant 32 : index
      %get3A_488 = tpu.vector_load %arg23[%get3A_486, %get3A_487] {strides = array<i32>} : memref<64x128xf32, #tpu.memory_space<vmem>>, vector<16xf32>,
      %get3A_489 = arith.index_cast %scan3A_426 : i32 to index
      %get3A_490 = arith.constant 32 : index
      %get3A_491 = tpu.vector_load %arg24[%get3A_489, %get3A_490] {strides = array<i32>} : memref<64x128xf32, #tpu.memory_space<vmem>>, vector<16xf32>,
      %get3A_492 = arith.index_cast %scan3A_426 : i32 to index
      %get3A_493 = arith.constant 32 : index
      %get3A_494 = tpu.vector_load %arg25[%get3A_492, %get3A_493] {strides = array<i32>} : memref<64x128xf32, #tpu.memory_space<vmem>>, vector<16xf32>,
      %get3A_495 = arith.index_cast %scan3A_426 : i32 to index
      %get3A_496 = arith.constant 32 : index
      %get3A_497 = tpu.vector_load %arg26[%get3A_495, %get3A_496] {strides = array<i32>} : memref<64x128xf32, #tpu.memory_space<vmem>>, vector<16xf32>,
      %get3A_498 = arith.index_cast %scan3A_426 : i32 to index
      %get3A_499 = arith.constant 32 : index
      %get3A_500 = tpu.vector_load %arg27[%get3A_498, %get3A_499] {strides = array<i32>} : memref<64x128xf32, #tpu.memory_space<vmem>>, vector<16xf32>,
      %mul3A_501 = arith.mulf %get3A_485, %get3A_491 : vector<16xf32>
      %mul3A_502 = arith.mulf %get3A_488, %get3A_494 : vector<16xf32>
      %sub3A_503 = arith.subf %mul3A_501, %mul3A_502 : vector<16xf32>
      %mul3A_504 = arith.mulf %get3A_485, %get3A_494 : vector<16xf32>
      %mul3A_505 = arith.mulf %get3A_488, %get3A_491 : vector<16xf32>
      %add3A_506 = arith.addf %mul3A_504, %mul3A_505 : vector<16xf32>
      %mul3A_507 = arith.mulf %get3A_497, %sub3A_503 : vector<16xf32>
      %add3A_508 = arith.addf %add3A_482, %mul3A_507 : vector<16xf32>
      %mul3A_509 = arith.mulf %get3A_500, %add3A_506 : vector<16xf32>
      %add3A_510 = arith.addf %add3A_508, %mul3A_509 : vector<16xf32>
      %get3A_511 = arith.index_cast %scan3A_426 : i32 to index
      %get3A_512 = arith.constant 48 : index
      %get3A_513 = tpu.vector_load %arg22[%get3A_511, %get3A_512] {strides = array<i32>} : memref<64x128xf32, #tpu.memory_space<vmem>>, vector<16xf32>,
      %get3A_514 = arith.index_cast %scan3A_426 : i32 to index
      %get3A_515 = arith.constant 48 : index
      %get3A_516 = tpu.vector_load %arg23[%get3A_514, %get3A_515] {strides = array<i32>} : memref<64x128xf32, #tpu.memory_space<vmem>>, vector<16xf32>,
      %get3A_517 = arith.index_cast %scan3A_426 : i32 to index
      %get3A_518 = arith.constant 48 : index
      %get3A_519 = tpu.vector_load %arg24[%get3A_517, %get3A_518] {strides = array<i32>} : memref<64x128xf32, #tpu.memory_space<vmem>>, vector<16xf32>,
      %get3A_520 = arith.index_cast %scan3A_426 : i32 to index
      %get3A_521 = arith.constant 48 : index
      %get3A_522 = tpu.vector_load %arg25[%get3A_520, %get3A_521] {strides = array<i32>} : memref<64x128xf32, #tpu.memory_space<vmem>>, vector<16xf32>,
      %get3A_523 = arith.index_cast %scan3A_426 : i32 to index
      %get3A_524 = arith.constant 48 : index
      %get3A_525 = tpu.vector_load %arg26[%get3A_523, %get3A_524] {strides = array<i32>} : memref<64x128xf32, #tpu.memory_space<vmem>>, vector<16xf32>,
      %get3A_526 = arith.index_cast %scan3A_426 : i32 to index
      %get3A_527 = arith.constant 48 : index
      %get3A_528 = tpu.vector_load %arg27[%get3A_526, %get3A_527] {strides = array<i32>} : memref<64x128xf32, #tpu.memory_space<vmem>>, vector<16xf32>,
      %mul3A_529 = arith.mulf %get3A_513, %get3A_519 : vector<16xf32>
      %mul3A_530 = arith.mulf %get3A_516, %get3A_522 : vector<16xf32>
      %sub3A_531 = arith.subf %mul3A_529, %mul3A_530 : vector<16xf32>
      %mul3A_532 = arith.mulf %get3A_513, %get3A_522 : vector<16xf32>
      %mul3A_533 = arith.mulf %get3A_516, %get3A_519 : vector<16xf32>
      %add3A_534 = arith.addf %mul3A_532, %mul3A_533 : vector<16xf32>
      %mul3A_535 = arith.mulf %get3A_525, %sub3A_531 : vector<16xf32>
      %add3A_536 = arith.addf %add3A_510, %mul3A_535 : vector<16xf32>
      %mul3A_537 = arith.mulf %get3A_528, %add3A_534 : vector<16xf32>
      %add3A_538 = arith.addf %add3A_536, %mul3A_537 : vector<16xf32>
      %mul3A_539 = arith.constant 16 : i32
      %mul3A_540 = arith.muli %scan3A_426, %mul3A_539 : i32
      %swap3A = arith.index_cast %mul3A_540 : i32 to index
      %swap3A_541 = tpu.vector_load %arg28[%swap3A] {strides = array<i32>} : memref<1024xf32, #tpu.memory_space<vmem>>, vector<16xf32>,
      tpu.vector_store %arg28[%swap3A], %add3A_538 {strides = array<i32>} : memref<1024xf32, #tpu.memory_space<vmem>>, vector<16xf32>,
      %scan3A_542 = arith.constant 0 : i32
      scf.yield %scan3A_542 : i32
    }
    %scan3A_333 = arith.constant 64 : i32
    %scan3A_334 = arith.constant 0 : i32
    %scan3A_335 = arith.constant 0 : i32
    %scan3A_336 = arith.constant 4 : i32
    %scan3A_337 = arith.addi %scan3A_335, %scan3A_336 : i32
    %scan3A_338 = arith.constant 1 : i32
    %scan3A_339 = scf.for %scan3A_426 = %scan3A_335 to %scan3A_337 step %scan3A_338 iter_args(%scan3A_427 = %scan3A_334) -> (i32)  : i32 {
      %mul3A_428 = arith.constant 256 : i32
      %mul3A_429 = arith.muli %scan3A_426, %mul3A_428 : i32
      %broadcast_in_dim3A = arith.constant 0.000000e+00 : f32
      %broadcast_in_dim3A_430 = vector.broadcast %broadcast_in_dim3A : f32 to vector<16xf32>
      %add3A_431 = vector.broadcast %mul3A_429 : i32 to vector<16xi32>
      %add3A_432 = arith.addi %add3A_431, %mul3A_5 : vector<16xi32>
      %add3A_433 = arith.constant 0 : i32
      %add3A_434 = vector.broadcast %add3A_433 : i32 to vector<16xi32>
      %add3A_435 = arith.addi %add3A_432, %add3A_434 : vector<16xi32>
      %gather3A = tpu.vector_load_idx %arg28[%add3A_435] : memref<1024xf32, #tpu.memory_space<vmem>>[vector<16xi32>], vector<16xf32>,
      %add3A_436 = arith.addf %broadcast_in_dim3A_430, %gather3A : vector<16xf32>
      %add3A_437 = vector.broadcast %mul3A_429 : i32 to vector<16xi32>
      %add3A_438 = arith.addi %add3A_437, %mul3A_5 : vector<16xi32>
      %add3A_439 = arith.constant 1 : i32
      %add3A_440 = vector.broadcast %add3A_439 : i32 to vector<16xi32>
      %add3A_441 = arith.addi %add3A_438, %add3A_440 : vector<16xi32>
      %gather3A_442 = tpu.vector_load_idx %arg28[%add3A_441] : memref<1024xf32, #tpu.memory_space<vmem>>[vector<16xi32>], vector<16xf32>,
      %add3A_443 = arith.addf %add3A_436, %gather3A_442 : vector<16xf32>
      %add3A_444 = vector.broadcast %mul3A_429 : i32 to vector<16xi32>
      %add3A_445 = arith.addi %add3A_444, %mul3A_5 : vector<16xi32>
      %add3A_446 = arith.constant 2 : i32
      %add3A_447 = vector.broadcast %add3A_446 : i32 to vector<16xi32>
      %add3A_448 = arith.addi %add3A_445, %add3A_447 : vector<16xi32>
      %gather3A_449 = tpu.vector_load_idx %arg28[%add3A_448] : memref<1024xf32, #tpu.memory_space<vmem>>[vector<16xi32>], vector<16xf32>,
      %add3A_450 = arith.addf %add3A_443, %gather3A_449 : vector<16xf32>
      %add3A_451 = vector.broadcast %mul3A_429 : i32 to vector<16xi32>
      %add3A_452 = arith.addi %add3A_451, %mul3A_5 : vector<16xi32>
      %add3A_453 = arith.constant 3 : i32
      %add3A_454 = vector.broadcast %add3A_453 : i32 to vector<16xi32>
      %add3A_455 = arith.addi %add3A_452, %add3A_454 : vector<16xi32>
      %gather3A_456 = tpu.vector_load_idx %arg28[%add3A_455] : memref<1024xf32, #tpu.memory_space<vmem>>[vector<16xi32>], vector<16xf32>,
      %add3A_457 = arith.addf %add3A_450, %gather3A_456 : vector<16xf32>
      %add3A_458 = vector.broadcast %mul3A_429 : i32 to vector<16xi32>
      %add3A_459 = arith.addi %add3A_458, %mul3A_5 : vector<16xi32>
      %add3A_460 = arith.constant 4 : i32
      %add3A_461 = vector.broadcast %add3A_460 : i32 to vector<16xi32>
      %add3A_462 = arith.addi %add3A_459, %add3A_461 : vector<16xi32>
      %gather3A_463 = tpu.vector_load_idx %arg28[%add3A_462] : memref<1024xf32, #tpu.memory_space<vmem>>[vector<16xi32>], vector<16xf32>,
      %add3A_464 = arith.addf %add3A_457, %gather3A_463 : vector<16xf32>
      %add3A_465 = vector.broadcast %mul3A_429 : i32 to vector<16xi32>
      %add3A_466 = arith.addi %add3A_465, %mul3A_5 : vector<16xi32>
      %add3A_467 = arith.constant 5 : i32
      %add3A_468 = vector.broadcast %add3A_467 : i32 to vector<16xi32>
      %add3A_469 = arith.addi %add3A_466, %add3A_468 : vector<16xi32>
      %gather3A_470 = tpu.vector_load_idx %arg28[%add3A_469] : memref<1024xf32, #tpu.memory_space<vmem>>[vector<16xi32>], vector<16xf32>,
      %add3A_471 = arith.addf %add3A_464, %gather3A_470 : vector<16xf32>
      %add3A_472 = vector.broadcast %mul3A_429 : i32 to vector<16xi32>
      %add3A_473 = arith.addi %add3A_472, %mul3A_5 : vector<16xi32>
      %add3A_474 = arith.constant 6 : i32
      %add3A_475 = vector.broadcast %add3A_474 : i32 to vector<16xi32>
      %add3A_476 = arith.addi %add3A_473, %add3A_475 : vector<16xi32>
      %gather3A_477 = tpu.vector_load_idx %arg28[%add3A_476] : memref<1024xf32, #tpu.memory_space<vmem>>[vector<16xi32>], vector<16xf32>,
      %add3A_478 = arith.addf %add3A_471, %gather3A_477 : vector<16xf32>
      %add3A_479 = vector.broadcast %mul3A_429 : i32 to vector<16xi32>
      %add3A_480 = arith.addi %add3A_479, %mul3A_5 : vector<16xi32>
      %add3A_481 = arith.constant 7 : i32
      %add3A_482 = vector.broadcast %add3A_481 : i32 to vector<16xi32>
      %add3A_483 = arith.addi %add3A_480, %add3A_482 : vector<16xi32>
      %gather3A_484 = tpu.vector_load_idx %arg28[%add3A_483] : memref<1024xf32, #tpu.memory_space<vmem>>[vector<16xi32>], vector<16xf32>,
      %add3A_485 = arith.addf %add3A_478, %gather3A_484 : vector<16xf32>
      %add3A_486 = vector.broadcast %mul3A_429 : i32 to vector<16xi32>
      %add3A_487 = arith.addi %add3A_486, %mul3A_5 : vector<16xi32>
      %add3A_488 = arith.constant 8 : i32
      %add3A_489 = vector.broadcast %add3A_488 : i32 to vector<16xi32>
      %add3A_490 = arith.addi %add3A_487, %add3A_489 : vector<16xi32>
      %gather3A_491 = tpu.vector_load_idx %arg28[%add3A_490] : memref<1024xf32, #tpu.memory_space<vmem>>[vector<16xi32>], vector<16xf32>,
      %add3A_492 = arith.addf %add3A_485, %gather3A_491 : vector<16xf32>
      %add3A_493 = vector.broadcast %mul3A_429 : i32 to vector<16xi32>
      %add3A_494 = arith.addi %add3A_493, %mul3A_5 : vector<16xi32>
      %add3A_495 = arith.constant 9 : i32
      %add3A_496 = vector.broadcast %add3A_495 : i32 to vector<16xi32>
      %add3A_497 = arith.addi %add3A_494, %add3A_496 : vector<16xi32>
      %gather3A_498 = tpu.vector_load_idx %arg28[%add3A_497] : memref<1024xf32, #tpu.memory_space<vmem>>[vector<16xi32>], vector<16xf32>,
      %add3A_499 = arith.addf %add3A_492, %gather3A_498 : vector<16xf32>
      %add3A_500 = vector.broadcast %mul3A_429 : i32 to vector<16xi32>
      %add3A_501 = arith.addi %add3A_500, %mul3A_5 : vector<16xi32>
      %add3A_502 = arith.constant 10 : i32
      %add3A_503 = vector.broadcast %add3A_502 : i32 to vector<16xi32>
      %add3A_504 = arith.addi %add3A_501, %add3A_503 : vector<16xi32>
      %gather3A_505 = tpu.vector_load_idx %arg28[%add3A_504] : memref<1024xf32, #tpu.memory_space<vmem>>[vector<16xi32>], vector<16xf32>,
      %add3A_506 = arith.addf %add3A_499, %gather3A_505 : vector<16xf32>
      %add3A_507 = vector.broadcast %mul3A_429 : i32 to vector<16xi32>
      %add3A_508 = arith.addi %add3A_507, %mul3A_5 : vector<16xi32>
      %add3A_509 = arith.constant 11 : i32
      %add3A_510 = vector.broadcast %add3A_509 : i32 to vector<16xi32>
      %add3A_511 = arith.addi %add3A_508, %add3A_510 : vector<16xi32>
      %gather3A_512 = tpu.vector_load_idx %arg28[%add3A_511] : memref<1024xf32, #tpu.memory_space<vmem>>[vector<16xi32>], vector<16xf32>,
      %add3A_513 = arith.addf %add3A_506, %gather3A_512 : vector<16xf32>
      %add3A_514 = vector.broadcast %mul3A_429 : i32 to vector<16xi32>
      %add3A_515 = arith.addi %add3A_514, %mul3A_5 : vector<16xi32>
      %add3A_516 = arith.constant 12 : i32
      %add3A_517 = vector.broadcast %add3A_516 : i32 to vector<16xi32>
      %add3A_518 = arith.addi %add3A_515, %add3A_517 : vector<16xi32>
      %gather3A_519 = tpu.vector_load_idx %arg28[%add3A_518] : memref<1024xf32, #tpu.memory_space<vmem>>[vector<16xi32>], vector<16xf32>,
      %add3A_520 = arith.addf %add3A_513, %gather3A_519 : vector<16xf32>
      %add3A_521 = vector.broadcast %mul3A_429 : i32 to vector<16xi32>
      %add3A_522 = arith.addi %add3A_521, %mul3A_5 : vector<16xi32>
      %add3A_523 = arith.constant 13 : i32
      %add3A_524 = vector.broadcast %add3A_523 : i32 to vector<16xi32>
      %add3A_525 = arith.addi %add3A_522, %add3A_524 : vector<16xi32>
      %gather3A_526 = tpu.vector_load_idx %arg28[%add3A_525] : memref<1024xf32, #tpu.memory_space<vmem>>[vector<16xi32>], vector<16xf32>,
      %add3A_527 = arith.addf %add3A_520, %gather3A_526 : vector<16xf32>
      %add3A_528 = vector.broadcast %mul3A_429 : i32 to vector<16xi32>
      %add3A_529 = arith.addi %add3A_528, %mul3A_5 : vector<16xi32>
      %add3A_530 = arith.constant 14 : i32
      %add3A_531 = vector.broadcast %add3A_530 : i32 to vector<16xi32>
      %add3A_532 = arith.addi %add3A_529, %add3A_531 : vector<16xi32>
      %gather3A_533 = tpu.vector_load_idx %arg28[%add3A_532] : memref<1024xf32, #tpu.memory_space<vmem>>[vector<16xi32>], vector<16xf32>,
      %add3A_534 = arith.addf %add3A_527, %gather3A_533 : vector<16xf32>
      %add3A_535 = vector.broadcast %mul3A_429 : i32 to vector<16xi32>
      %add3A_536 = arith.addi %add3A_535, %mul3A_5 : vector<16xi32>
      %add3A_537 = arith.constant 15 : i32
      %add3A_538 = vector.broadcast %add3A_537 : i32 to vector<16xi32>
      %add3A_539 = arith.addi %add3A_536, %add3A_538 : vector<16xi32>
      %gather3A_540 = tpu.vector_load_idx %arg28[%add3A_539] : memref<1024xf32, #tpu.memory_space<vmem>>[vector<16xi32>], vector<16xf32>,
      %add3A_541 = arith.addf %add3A_534, %gather3A_540 : vector<16xf32>
      %mul3A_542 = arith.constant 16 : i32
      %mul3A_543 = arith.muli %scan3A_426, %mul3A_542 : i32
      %add3A_544 = arith.constant 320 : i32
      %add3A_545 = arith.addi %add3A_544, %mul3A_543 : i32
      %swap3A = arith.index_cast %add3A_545 : i32 to index
      %swap3A_546 = tpu.vector_load %arg29[%swap3A] {strides = array<i32>} : memref<512xf32, #tpu.memory_space<vmem>>, vector<16xf32>,
      tpu.vector_store %arg29[%swap3A], %add3A_541 {strides = array<i32>} : memref<512xf32, #tpu.memory_space<vmem>>, vector<16xf32>,
      %scan3A_547 = arith.constant 0 : i32
      scf.yield %scan3A_547 : i32
    }
    %scan3A_340 = arith.constant 4 : i32
    %add3A_341 = arith.constant 448 : i32
    %add3A_342 = arith.addi %mul3A_2, %add3A_341 : i32
    %multiple_of3A_343 = tpu.assume_multiple %add3A_342, 8 : i32
    "tpu.region"() ({
      %run_scoped3A = tpu.sem_alloc : memref<!tpu.dma_semaphore, #tpu.memory_space<semaphore_mem>>
      %dma_start3A_426 = tpu.memref_slice %arg2[%multiple_of3A_343] : memref<16384xi32, #tpu.memory_space<hbm>> -> memref<64xi32, #tpu.memory_space<hbm>>
      %dma_start3A_427 = tpu.memref_slice %arg2[%multiple_of3A_343] : memref<16384xi32, #tpu.memory_space<hbm>> -> memref<64xi32, #tpu.memory_space<hbm>>
      tpu.enqueue_dma source(%dma_start3A_427 : memref<64xi32, #tpu.memory_space<hbm>>) target(%arg11 : memref<64xi32, #tpu.memory_space<vmem>>) target_semaphore(%run_scoped3A : memref<!tpu.dma_semaphore, #tpu.memory_space<semaphore_mem>>)
      %dma_wait3A_428 = tpu.memref_slice %arg2[%multiple_of3A_343] : memref<16384xi32, #tpu.memory_space<hbm>> -> memref<64xi32, #tpu.memory_space<hbm>>
      %dma_wait3A_429 = tpu.memref_slice %arg2[%multiple_of3A_343] : memref<16384xi32, #tpu.memory_space<hbm>> -> memref<64xi32, #tpu.memory_space<hbm>>
      tpu.wait_dma2 semaphore(%run_scoped3A : memref<!tpu.dma_semaphore, #tpu.memory_space<semaphore_mem>>) src(%dma_wait3A_429 : memref<64xi32, #tpu.memory_space<hbm>>) dst(%arg11 : memref<64xi32, #tpu.memory_space<vmem>>)
      tpu.yield
    }) : () -> ()
    "tpu.region"() ({
      %run_scoped3A = tpu.sem_alloc : memref<!tpu.dma_semaphore, #tpu.memory_space<semaphore_mem>>
      %dma_start3A_426 = tpu.memref_slice %arg3[%multiple_of3A_343] : memref<16384xi32, #tpu.memory_space<hbm>> -> memref<64xi32, #tpu.memory_space<hbm>>
      %dma_start3A_427 = tpu.memref_slice %arg3[%multiple_of3A_343] : memref<16384xi32, #tpu.memory_space<hbm>> -> memref<64xi32, #tpu.memory_space<hbm>>
      tpu.enqueue_dma source(%dma_start3A_427 : memref<64xi32, #tpu.memory_space<hbm>>) target(%arg13 : memref<64xi32, #tpu.memory_space<vmem>>) target_semaphore(%run_scoped3A : memref<!tpu.dma_semaphore, #tpu.memory_space<semaphore_mem>>)
      %dma_wait3A_428 = tpu.memref_slice %arg3[%multiple_of3A_343] : memref<16384xi32, #tpu.memory_space<hbm>> -> memref<64xi32, #tpu.memory_space<hbm>>
      %dma_wait3A_429 = tpu.memref_slice %arg3[%multiple_of3A_343] : memref<16384xi32, #tpu.memory_space<hbm>> -> memref<64xi32, #tpu.memory_space<hbm>>
      tpu.wait_dma2 semaphore(%run_scoped3A : memref<!tpu.dma_semaphore, #tpu.memory_space<semaphore_mem>>) src(%dma_wait3A_429 : memref<64xi32, #tpu.memory_space<hbm>>) dst(%arg13 : memref<64xi32, #tpu.memory_space<vmem>>)
      tpu.yield
    }) : () -> ()
    "tpu.region"() ({
      %run_scoped3A = tpu.sem_alloc : memref<!tpu.dma_semaphore, #tpu.memory_space<semaphore_mem>>
      %dma_start3A_426 = tpu.memref_slice %arg4[%multiple_of3A_343] : memref<16384xi32, #tpu.memory_space<hbm>> -> memref<64xi32, #tpu.memory_space<hbm>>
      %dma_start3A_427 = tpu.memref_slice %arg4[%multiple_of3A_343] : memref<16384xi32, #tpu.memory_space<hbm>> -> memref<64xi32, #tpu.memory_space<hbm>>
      tpu.enqueue_dma source(%dma_start3A_427 : memref<64xi32, #tpu.memory_space<hbm>>) target(%arg15 : memref<64xi32, #tpu.memory_space<vmem>>) target_semaphore(%run_scoped3A : memref<!tpu.dma_semaphore, #tpu.memory_space<semaphore_mem>>)
      %dma_wait3A_428 = tpu.memref_slice %arg4[%multiple_of3A_343] : memref<16384xi32, #tpu.memory_space<hbm>> -> memref<64xi32, #tpu.memory_space<hbm>>
      %dma_wait3A_429 = tpu.memref_slice %arg4[%multiple_of3A_343] : memref<16384xi32, #tpu.memory_space<hbm>> -> memref<64xi32, #tpu.memory_space<hbm>>
      tpu.wait_dma2 semaphore(%run_scoped3A : memref<!tpu.dma_semaphore, #tpu.memory_space<semaphore_mem>>) src(%dma_wait3A_429 : memref<64xi32, #tpu.memory_space<hbm>>) dst(%arg15 : memref<64xi32, #tpu.memory_space<vmem>>)
      tpu.yield
    }) : () -> ()
    %dma_start3A_344 = arith.constant 0 : i32
    %dma_start3A_345 = arith.constant 0 : i32
    %dma_start3A_346 = tpu.memref_slice %arg5[%dma_start3A_344, %dma_start3A_345] : memref<1000000x128xf32, #tpu.memory_space<hbm>> -> memref<1000000x128xf32, #tpu.memory_space<hbm>>
    tpu.enqueue_indirect_dma source(%dma_start3A_346 : memref<1000000x128xf32, #tpu.memory_space<hbm>>) target(%arg22 : memref<64x128xf32, #tpu.memory_space<vmem>>) offsets(%arg11 : memref<64xi32, #tpu.memory_space<vmem>>) semaphore(%arg31 : memref<!tpu.dma_semaphore, #tpu.memory_space<semaphore_mem>>)
    %dma_start3A_347 = arith.constant 0 : i32
    %dma_start3A_348 = arith.constant 0 : i32
    %dma_start3A_349 = tpu.memref_slice %arg6[%dma_start3A_347, %dma_start3A_348] : memref<1000000x128xf32, #tpu.memory_space<hbm>> -> memref<1000000x128xf32, #tpu.memory_space<hbm>>
    tpu.enqueue_indirect_dma source(%dma_start3A_349 : memref<1000000x128xf32, #tpu.memory_space<hbm>>) target(%arg23 : memref<64x128xf32, #tpu.memory_space<vmem>>) offsets(%arg11 : memref<64xi32, #tpu.memory_space<vmem>>) semaphore(%arg31 : memref<!tpu.dma_semaphore, #tpu.memory_space<semaphore_mem>>)
    %dma_start3A_350 = arith.constant 0 : i32
    %dma_start3A_351 = arith.constant 0 : i32
    %dma_start3A_352 = tpu.memref_slice %arg5[%dma_start3A_350, %dma_start3A_351] : memref<1000000x128xf32, #tpu.memory_space<hbm>> -> memref<1000000x128xf32, #tpu.memory_space<hbm>>
    tpu.enqueue_indirect_dma source(%dma_start3A_352 : memref<1000000x128xf32, #tpu.memory_space<hbm>>) target(%arg24 : memref<64x128xf32, #tpu.memory_space<vmem>>) offsets(%arg15 : memref<64xi32, #tpu.memory_space<vmem>>) semaphore(%arg31 : memref<!tpu.dma_semaphore, #tpu.memory_space<semaphore_mem>>)
    %dma_start3A_353 = arith.constant 0 : i32
    %dma_start3A_354 = arith.constant 0 : i32
    %dma_start3A_355 = tpu.memref_slice %arg6[%dma_start3A_353, %dma_start3A_354] : memref<1000000x128xf32, #tpu.memory_space<hbm>> -> memref<1000000x128xf32, #tpu.memory_space<hbm>>
    tpu.enqueue_indirect_dma source(%dma_start3A_355 : memref<1000000x128xf32, #tpu.memory_space<hbm>>) target(%arg25 : memref<64x128xf32, #tpu.memory_space<vmem>>) offsets(%arg15 : memref<64xi32, #tpu.memory_space<vmem>>) semaphore(%arg31 : memref<!tpu.dma_semaphore, #tpu.memory_space<semaphore_mem>>)
    %dma_start3A_356 = arith.constant 0 : i32
    %dma_start3A_357 = arith.constant 0 : i32
    %dma_start3A_358 = tpu.memref_slice %arg7[%dma_start3A_356, %dma_start3A_357] : memref<1000x128xf32, #tpu.memory_space<hbm>> -> memref<1000x128xf32, #tpu.memory_space<hbm>>
    tpu.enqueue_indirect_dma source(%dma_start3A_358 : memref<1000x128xf32, #tpu.memory_space<hbm>>) target(%arg26 : memref<64x128xf32, #tpu.memory_space<vmem>>) offsets(%arg13 : memref<64xi32, #tpu.memory_space<vmem>>) semaphore(%arg31 : memref<!tpu.dma_semaphore, #tpu.memory_space<semaphore_mem>>)
    %dma_start3A_359 = arith.constant 0 : i32
    %dma_start3A_360 = arith.constant 0 : i32
    %dma_start3A_361 = tpu.memref_slice %arg8[%dma_start3A_359, %dma_start3A_360] : memref<1000x128xf32, #tpu.memory_space<hbm>> -> memref<1000x128xf32, #tpu.memory_space<hbm>>
    tpu.enqueue_indirect_dma source(%dma_start3A_361 : memref<1000x128xf32, #tpu.memory_space<hbm>>) target(%arg27 : memref<64x128xf32, #tpu.memory_space<vmem>>) offsets(%arg13 : memref<64xi32, #tpu.memory_space<vmem>>) semaphore(%arg31 : memref<!tpu.dma_semaphore, #tpu.memory_space<semaphore_mem>>)
    %dma_wait3A_362 = arith.constant 0 : i32
    %dma_wait3A_363 = arith.constant 0 : i32
    %dma_wait3A_364 = tpu.memref_slice %arg5[%dma_wait3A_362, %dma_wait3A_363] : memref<1000000x128xf32, #tpu.memory_space<hbm>> -> memref<1000000x128xf32, #tpu.memory_space<hbm>>
    tpu.wait_indirect_dma semaphore(%arg30 : memref<!tpu.dma_semaphore, #tpu.memory_space<semaphore_mem>>) src(%dma_wait3A_364 : memref<1000000x128xf32, #tpu.memory_space<hbm>>) dst(%arg16 : memref<64x128xf32, #tpu.memory_space<vmem>>)
    %dma_wait3A_365 = arith.constant 0 : i32
    %dma_wait3A_366 = arith.constant 0 : i32
    %dma_wait3A_367 = tpu.memref_slice %arg6[%dma_wait3A_365, %dma_wait3A_366] : memref<1000000x128xf32, #tpu.memory_space<hbm>> -> memref<1000000x128xf32, #tpu.memory_space<hbm>>
    tpu.wait_indirect_dma semaphore(%arg30 : memref<!tpu.dma_semaphore, #tpu.memory_space<semaphore_mem>>) src(%dma_wait3A_367 : memref<1000000x128xf32, #tpu.memory_space<hbm>>) dst(%arg17 : memref<64x128xf32, #tpu.memory_space<vmem>>)
    %dma_wait3A_368 = arith.constant 0 : i32
    %dma_wait3A_369 = arith.constant 0 : i32
    %dma_wait3A_370 = tpu.memref_slice %arg5[%dma_wait3A_368, %dma_wait3A_369] : memref<1000000x128xf32, #tpu.memory_space<hbm>> -> memref<1000000x128xf32, #tpu.memory_space<hbm>>
    tpu.wait_indirect_dma semaphore(%arg30 : memref<!tpu.dma_semaphore, #tpu.memory_space<semaphore_mem>>) src(%dma_wait3A_370 : memref<1000000x128xf32, #tpu.memory_space<hbm>>) dst(%arg18 : memref<64x128xf32, #tpu.memory_space<vmem>>)
    %dma_wait3A_371 = arith.constant 0 : i32
    %dma_wait3A_372 = arith.constant 0 : i32
    %dma_wait3A_373 = tpu.memref_slice %arg6[%dma_wait3A_371, %dma_wait3A_372] : memref<1000000x128xf32, #tpu.memory_space<hbm>> -> memref<1000000x128xf32, #tpu.memory_space<hbm>>
    tpu.wait_indirect_dma semaphore(%arg30 : memref<!tpu.dma_semaphore, #tpu.memory_space<semaphore_mem>>) src(%dma_wait3A_373 : memref<1000000x128xf32, #tpu.memory_space<hbm>>) dst(%arg19 : memref<64x128xf32, #tpu.memory_space<vmem>>)
    %dma_wait3A_374 = arith.constant 0 : i32
    %dma_wait3A_375 = arith.constant 0 : i32
    %dma_wait3A_376 = tpu.memref_slice %arg7[%dma_wait3A_374, %dma_wait3A_375] : memref<1000x128xf32, #tpu.memory_space<hbm>> -> memref<1000x128xf32, #tpu.memory_space<hbm>>
    tpu.wait_indirect_dma semaphore(%arg30 : memref<!tpu.dma_semaphore, #tpu.memory_space<semaphore_mem>>) src(%dma_wait3A_376 : memref<1000x128xf32, #tpu.memory_space<hbm>>) dst(%arg20 : memref<64x128xf32, #tpu.memory_space<vmem>>)
    %dma_wait3A_377 = arith.constant 0 : i32
    %dma_wait3A_378 = arith.constant 0 : i32
    %dma_wait3A_379 = tpu.memref_slice %arg8[%dma_wait3A_377, %dma_wait3A_378] : memref<1000x128xf32, #tpu.memory_space<hbm>> -> memref<1000x128xf32, #tpu.memory_space<hbm>>
    tpu.wait_indirect_dma semaphore(%arg30 : memref<!tpu.dma_semaphore, #tpu.memory_space<semaphore_mem>>) src(%dma_wait3A_379 : memref<1000x128xf32, #tpu.memory_space<hbm>>) dst(%arg21 : memref<64x128xf32, #tpu.memory_space<vmem>>)
    %scan3A_380 = arith.constant 0 : i32
    %scan3A_381 = arith.constant 0 : i32
    %scan3A_382 = arith.constant 64 : i32
    %scan3A_383 = arith.addi %scan3A_381, %scan3A_382 : i32
    %scan3A_384 = arith.constant 1 : i32
    %scan3A_385 = scf.for %scan3A_426 = %scan3A_381 to %scan3A_383 step %scan3A_384 iter_args(%scan3A_427 = %scan3A_380) -> (i32)  : i32 {
      %broadcast_in_dim3A = arith.constant 0.000000e+00 : f32
      %broadcast_in_dim3A_428 = vector.broadcast %broadcast_in_dim3A : f32 to vector<16xf32>
      %get3A = arith.index_cast %scan3A_426 : i32 to index
      %get3A_429 = arith.constant 0 : index
      %get3A_430 = tpu.vector_load %arg16[%get3A, %get3A_429] {strides = array<i32>} : memref<64x128xf32, #tpu.memory_space<vmem>>, vector<16xf32>,
      %get3A_431 = arith.index_cast %scan3A_426 : i32 to index
      %get3A_432 = arith.constant 0 : index
      %get3A_433 = tpu.vector_load %arg17[%get3A_431, %get3A_432] {strides = array<i32>} : memref<64x128xf32, #tpu.memory_space<vmem>>, vector<16xf32>,
      %get3A_434 = arith.index_cast %scan3A_426 : i32 to index
      %get3A_435 = arith.constant 0 : index
      %get3A_436 = tpu.vector_load %arg18[%get3A_434, %get3A_435] {strides = array<i32>} : memref<64x128xf32, #tpu.memory_space<vmem>>, vector<16xf32>,
      %get3A_437 = arith.index_cast %scan3A_426 : i32 to index
      %get3A_438 = arith.constant 0 : index
      %get3A_439 = tpu.vector_load %arg19[%get3A_437, %get3A_438] {strides = array<i32>} : memref<64x128xf32, #tpu.memory_space<vmem>>, vector<16xf32>,
      %get3A_440 = arith.index_cast %scan3A_426 : i32 to index
      %get3A_441 = arith.constant 0 : index
      %get3A_442 = tpu.vector_load %arg20[%get3A_440, %get3A_441] {strides = array<i32>} : memref<64x128xf32, #tpu.memory_space<vmem>>, vector<16xf32>,
      %get3A_443 = arith.index_cast %scan3A_426 : i32 to index
      %get3A_444 = arith.constant 0 : index
      %get3A_445 = tpu.vector_load %arg21[%get3A_443, %get3A_444] {strides = array<i32>} : memref<64x128xf32, #tpu.memory_space<vmem>>, vector<16xf32>,
      %mul3A_446 = arith.mulf %get3A_430, %get3A_436 : vector<16xf32>
      %mul3A_447 = arith.mulf %get3A_433, %get3A_439 : vector<16xf32>
      %sub3A = arith.subf %mul3A_446, %mul3A_447 : vector<16xf32>
      %mul3A_448 = arith.mulf %get3A_430, %get3A_439 : vector<16xf32>
      %mul3A_449 = arith.mulf %get3A_433, %get3A_436 : vector<16xf32>
      %add3A_450 = arith.addf %mul3A_448, %mul3A_449 : vector<16xf32>
      %mul3A_451 = arith.mulf %get3A_442, %sub3A : vector<16xf32>
      %add3A_452 = arith.addf %broadcast_in_dim3A_428, %mul3A_451 : vector<16xf32>
      %mul3A_453 = arith.mulf %get3A_445, %add3A_450 : vector<16xf32>
      %add3A_454 = arith.addf %add3A_452, %mul3A_453 : vector<16xf32>
      %get3A_455 = arith.index_cast %scan3A_426 : i32 to index
      %get3A_456 = arith.constant 16 : index
      %get3A_457 = tpu.vector_load %arg16[%get3A_455, %get3A_456] {strides = array<i32>} : memref<64x128xf32, #tpu.memory_space<vmem>>, vector<16xf32>,
      %get3A_458 = arith.index_cast %scan3A_426 : i32 to index
      %get3A_459 = arith.constant 16 : index
      %get3A_460 = tpu.vector_load %arg17[%get3A_458, %get3A_459] {strides = array<i32>} : memref<64x128xf32, #tpu.memory_space<vmem>>, vector<16xf32>,
      %get3A_461 = arith.index_cast %scan3A_426 : i32 to index
      %get3A_462 = arith.constant 16 : index
      %get3A_463 = tpu.vector_load %arg18[%get3A_461, %get3A_462] {strides = array<i32>} : memref<64x128xf32, #tpu.memory_space<vmem>>, vector<16xf32>,
      %get3A_464 = arith.index_cast %scan3A_426 : i32 to index
      %get3A_465 = arith.constant 16 : index
      %get3A_466 = tpu.vector_load %arg19[%get3A_464, %get3A_465] {strides = array<i32>} : memref<64x128xf32, #tpu.memory_space<vmem>>, vector<16xf32>,
      %get3A_467 = arith.index_cast %scan3A_426 : i32 to index
      %get3A_468 = arith.constant 16 : index
      %get3A_469 = tpu.vector_load %arg20[%get3A_467, %get3A_468] {strides = array<i32>} : memref<64x128xf32, #tpu.memory_space<vmem>>, vector<16xf32>,
      %get3A_470 = arith.index_cast %scan3A_426 : i32 to index
      %get3A_471 = arith.constant 16 : index
      %get3A_472 = tpu.vector_load %arg21[%get3A_470, %get3A_471] {strides = array<i32>} : memref<64x128xf32, #tpu.memory_space<vmem>>, vector<16xf32>,
      %mul3A_473 = arith.mulf %get3A_457, %get3A_463 : vector<16xf32>
      %mul3A_474 = arith.mulf %get3A_460, %get3A_466 : vector<16xf32>
      %sub3A_475 = arith.subf %mul3A_473, %mul3A_474 : vector<16xf32>
      %mul3A_476 = arith.mulf %get3A_457, %get3A_466 : vector<16xf32>
      %mul3A_477 = arith.mulf %get3A_460, %get3A_463 : vector<16xf32>
      %add3A_478 = arith.addf %mul3A_476, %mul3A_477 : vector<16xf32>
      %mul3A_479 = arith.mulf %get3A_469, %sub3A_475 : vector<16xf32>
      %add3A_480 = arith.addf %add3A_454, %mul3A_479 : vector<16xf32>
      %mul3A_481 = arith.mulf %get3A_472, %add3A_478 : vector<16xf32>
      %add3A_482 = arith.addf %add3A_480, %mul3A_481 : vector<16xf32>
      %get3A_483 = arith.index_cast %scan3A_426 : i32 to index
      %get3A_484 = arith.constant 32 : index
      %get3A_485 = tpu.vector_load %arg16[%get3A_483, %get3A_484] {strides = array<i32>} : memref<64x128xf32, #tpu.memory_space<vmem>>, vector<16xf32>,
      %get3A_486 = arith.index_cast %scan3A_426 : i32 to index
      %get3A_487 = arith.constant 32 : index
      %get3A_488 = tpu.vector_load %arg17[%get3A_486, %get3A_487] {strides = array<i32>} : memref<64x128xf32, #tpu.memory_space<vmem>>, vector<16xf32>,
      %get3A_489 = arith.index_cast %scan3A_426 : i32 to index
      %get3A_490 = arith.constant 32 : index
      %get3A_491 = tpu.vector_load %arg18[%get3A_489, %get3A_490] {strides = array<i32>} : memref<64x128xf32, #tpu.memory_space<vmem>>, vector<16xf32>,
      %get3A_492 = arith.index_cast %scan3A_426 : i32 to index
      %get3A_493 = arith.constant 32 : index
      %get3A_494 = tpu.vector_load %arg19[%get3A_492, %get3A_493] {strides = array<i32>} : memref<64x128xf32, #tpu.memory_space<vmem>>, vector<16xf32>,
      %get3A_495 = arith.index_cast %scan3A_426 : i32 to index
      %get3A_496 = arith.constant 32 : index
      %get3A_497 = tpu.vector_load %arg20[%get3A_495, %get3A_496] {strides = array<i32>} : memref<64x128xf32, #tpu.memory_space<vmem>>, vector<16xf32>,
      %get3A_498 = arith.index_cast %scan3A_426 : i32 to index
      %get3A_499 = arith.constant 32 : index
      %get3A_500 = tpu.vector_load %arg21[%get3A_498, %get3A_499] {strides = array<i32>} : memref<64x128xf32, #tpu.memory_space<vmem>>, vector<16xf32>,
      %mul3A_501 = arith.mulf %get3A_485, %get3A_491 : vector<16xf32>
      %mul3A_502 = arith.mulf %get3A_488, %get3A_494 : vector<16xf32>
      %sub3A_503 = arith.subf %mul3A_501, %mul3A_502 : vector<16xf32>
      %mul3A_504 = arith.mulf %get3A_485, %get3A_494 : vector<16xf32>
      %mul3A_505 = arith.mulf %get3A_488, %get3A_491 : vector<16xf32>
      %add3A_506 = arith.addf %mul3A_504, %mul3A_505 : vector<16xf32>
      %mul3A_507 = arith.mulf %get3A_497, %sub3A_503 : vector<16xf32>
      %add3A_508 = arith.addf %add3A_482, %mul3A_507 : vector<16xf32>
      %mul3A_509 = arith.mulf %get3A_500, %add3A_506 : vector<16xf32>
      %add3A_510 = arith.addf %add3A_508, %mul3A_509 : vector<16xf32>
      %get3A_511 = arith.index_cast %scan3A_426 : i32 to index
      %get3A_512 = arith.constant 48 : index
      %get3A_513 = tpu.vector_load %arg16[%get3A_511, %get3A_512] {strides = array<i32>} : memref<64x128xf32, #tpu.memory_space<vmem>>, vector<16xf32>,
      %get3A_514 = arith.index_cast %scan3A_426 : i32 to index
      %get3A_515 = arith.constant 48 : index
      %get3A_516 = tpu.vector_load %arg17[%get3A_514, %get3A_515] {strides = array<i32>} : memref<64x128xf32, #tpu.memory_space<vmem>>, vector<16xf32>,
      %get3A_517 = arith.index_cast %scan3A_426 : i32 to index
      %get3A_518 = arith.constant 48 : index
      %get3A_519 = tpu.vector_load %arg18[%get3A_517, %get3A_518] {strides = array<i32>} : memref<64x128xf32, #tpu.memory_space<vmem>>, vector<16xf32>,
      %get3A_520 = arith.index_cast %scan3A_426 : i32 to index
      %get3A_521 = arith.constant 48 : index
      %get3A_522 = tpu.vector_load %arg19[%get3A_520, %get3A_521] {strides = array<i32>} : memref<64x128xf32, #tpu.memory_space<vmem>>, vector<16xf32>,
      %get3A_523 = arith.index_cast %scan3A_426 : i32 to index
      %get3A_524 = arith.constant 48 : index
      %get3A_525 = tpu.vector_load %arg20[%get3A_523, %get3A_524] {strides = array<i32>} : memref<64x128xf32, #tpu.memory_space<vmem>>, vector<16xf32>,
      %get3A_526 = arith.index_cast %scan3A_426 : i32 to index
      %get3A_527 = arith.constant 48 : index
      %get3A_528 = tpu.vector_load %arg21[%get3A_526, %get3A_527] {strides = array<i32>} : memref<64x128xf32, #tpu.memory_space<vmem>>, vector<16xf32>,
      %mul3A_529 = arith.mulf %get3A_513, %get3A_519 : vector<16xf32>
      %mul3A_530 = arith.mulf %get3A_516, %get3A_522 : vector<16xf32>
      %sub3A_531 = arith.subf %mul3A_529, %mul3A_530 : vector<16xf32>
      %mul3A_532 = arith.mulf %get3A_513, %get3A_522 : vector<16xf32>
      %mul3A_533 = arith.mulf %get3A_516, %get3A_519 : vector<16xf32>
      %add3A_534 = arith.addf %mul3A_532, %mul3A_533 : vector<16xf32>
      %mul3A_535 = arith.mulf %get3A_525, %sub3A_531 : vector<16xf32>
      %add3A_536 = arith.addf %add3A_510, %mul3A_535 : vector<16xf32>
      %mul3A_537 = arith.mulf %get3A_528, %add3A_534 : vector<16xf32>
      %add3A_538 = arith.addf %add3A_536, %mul3A_537 : vector<16xf32>
      %mul3A_539 = arith.constant 16 : i32
      %mul3A_540 = arith.muli %scan3A_426, %mul3A_539 : i32
      %swap3A = arith.index_cast %mul3A_540 : i32 to index
      %swap3A_541 = tpu.vector_load %arg28[%swap3A] {strides = array<i32>} : memref<1024xf32, #tpu.memory_space<vmem>>, vector<16xf32>,
      tpu.vector_store %arg28[%swap3A], %add3A_538 {strides = array<i32>} : memref<1024xf32, #tpu.memory_space<vmem>>, vector<16xf32>,
      %scan3A_542 = arith.constant 0 : i32
      scf.yield %scan3A_542 : i32
    }
    %scan3A_386 = arith.constant 64 : i32
    %scan3A_387 = arith.constant 0 : i32
    %scan3A_388 = arith.constant 0 : i32
    %scan3A_389 = arith.constant 4 : i32
    %scan3A_390 = arith.addi %scan3A_388, %scan3A_389 : i32
    %scan3A_391 = arith.constant 1 : i32
    %scan3A_392 = scf.for %scan3A_426 = %scan3A_388 to %scan3A_390 step %scan3A_391 iter_args(%scan3A_427 = %scan3A_387) -> (i32)  : i32 {
      %mul3A_428 = arith.constant 256 : i32
      %mul3A_429 = arith.muli %scan3A_426, %mul3A_428 : i32
      %broadcast_in_dim3A = arith.constant 0.000000e+00 : f32
      %broadcast_in_dim3A_430 = vector.broadcast %broadcast_in_dim3A : f32 to vector<16xf32>
      %add3A_431 = vector.broadcast %mul3A_429 : i32 to vector<16xi32>
      %add3A_432 = arith.addi %add3A_431, %mul3A_5 : vector<16xi32>
      %add3A_433 = arith.constant 0 : i32
      %add3A_434 = vector.broadcast %add3A_433 : i32 to vector<16xi32>
      %add3A_435 = arith.addi %add3A_432, %add3A_434 : vector<16xi32>
      %gather3A = tpu.vector_load_idx %arg28[%add3A_435] : memref<1024xf32, #tpu.memory_space<vmem>>[vector<16xi32>], vector<16xf32>,
      %add3A_436 = arith.addf %broadcast_in_dim3A_430, %gather3A : vector<16xf32>
      %add3A_437 = vector.broadcast %mul3A_429 : i32 to vector<16xi32>
      %add3A_438 = arith.addi %add3A_437, %mul3A_5 : vector<16xi32>
      %add3A_439 = arith.constant 1 : i32
      %add3A_440 = vector.broadcast %add3A_439 : i32 to vector<16xi32>
      %add3A_441 = arith.addi %add3A_438, %add3A_440 : vector<16xi32>
      %gather3A_442 = tpu.vector_load_idx %arg28[%add3A_441] : memref<1024xf32, #tpu.memory_space<vmem>>[vector<16xi32>], vector<16xf32>,
      %add3A_443 = arith.addf %add3A_436, %gather3A_442 : vector<16xf32>
      %add3A_444 = vector.broadcast %mul3A_429 : i32 to vector<16xi32>
      %add3A_445 = arith.addi %add3A_444, %mul3A_5 : vector<16xi32>
      %add3A_446 = arith.constant 2 : i32
      %add3A_447 = vector.broadcast %add3A_446 : i32 to vector<16xi32>
      %add3A_448 = arith.addi %add3A_445, %add3A_447 : vector<16xi32>
      %gather3A_449 = tpu.vector_load_idx %arg28[%add3A_448] : memref<1024xf32, #tpu.memory_space<vmem>>[vector<16xi32>], vector<16xf32>,
      %add3A_450 = arith.addf %add3A_443, %gather3A_449 : vector<16xf32>
      %add3A_451 = vector.broadcast %mul3A_429 : i32 to vector<16xi32>
      %add3A_452 = arith.addi %add3A_451, %mul3A_5 : vector<16xi32>
      %add3A_453 = arith.constant 3 : i32
      %add3A_454 = vector.broadcast %add3A_453 : i32 to vector<16xi32>
      %add3A_455 = arith.addi %add3A_452, %add3A_454 : vector<16xi32>
      %gather3A_456 = tpu.vector_load_idx %arg28[%add3A_455] : memref<1024xf32, #tpu.memory_space<vmem>>[vector<16xi32>], vector<16xf32>,
      %add3A_457 = arith.addf %add3A_450, %gather3A_456 : vector<16xf32>
      %add3A_458 = vector.broadcast %mul3A_429 : i32 to vector<16xi32>
      %add3A_459 = arith.addi %add3A_458, %mul3A_5 : vector<16xi32>
      %add3A_460 = arith.constant 4 : i32
      %add3A_461 = vector.broadcast %add3A_460 : i32 to vector<16xi32>
      %add3A_462 = arith.addi %add3A_459, %add3A_461 : vector<16xi32>
      %gather3A_463 = tpu.vector_load_idx %arg28[%add3A_462] : memref<1024xf32, #tpu.memory_space<vmem>>[vector<16xi32>], vector<16xf32>,
      %add3A_464 = arith.addf %add3A_457, %gather3A_463 : vector<16xf32>
      %add3A_465 = vector.broadcast %mul3A_429 : i32 to vector<16xi32>
      %add3A_466 = arith.addi %add3A_465, %mul3A_5 : vector<16xi32>
      %add3A_467 = arith.constant 5 : i32
      %add3A_468 = vector.broadcast %add3A_467 : i32 to vector<16xi32>
      %add3A_469 = arith.addi %add3A_466, %add3A_468 : vector<16xi32>
      %gather3A_470 = tpu.vector_load_idx %arg28[%add3A_469] : memref<1024xf32, #tpu.memory_space<vmem>>[vector<16xi32>], vector<16xf32>,
      %add3A_471 = arith.addf %add3A_464, %gather3A_470 : vector<16xf32>
      %add3A_472 = vector.broadcast %mul3A_429 : i32 to vector<16xi32>
      %add3A_473 = arith.addi %add3A_472, %mul3A_5 : vector<16xi32>
      %add3A_474 = arith.constant 6 : i32
      %add3A_475 = vector.broadcast %add3A_474 : i32 to vector<16xi32>
      %add3A_476 = arith.addi %add3A_473, %add3A_475 : vector<16xi32>
      %gather3A_477 = tpu.vector_load_idx %arg28[%add3A_476] : memref<1024xf32, #tpu.memory_space<vmem>>[vector<16xi32>], vector<16xf32>,
      %add3A_478 = arith.addf %add3A_471, %gather3A_477 : vector<16xf32>
      %add3A_479 = vector.broadcast %mul3A_429 : i32 to vector<16xi32>
      %add3A_480 = arith.addi %add3A_479, %mul3A_5 : vector<16xi32>
      %add3A_481 = arith.constant 7 : i32
      %add3A_482 = vector.broadcast %add3A_481 : i32 to vector<16xi32>
      %add3A_483 = arith.addi %add3A_480, %add3A_482 : vector<16xi32>
      %gather3A_484 = tpu.vector_load_idx %arg28[%add3A_483] : memref<1024xf32, #tpu.memory_space<vmem>>[vector<16xi32>], vector<16xf32>,
      %add3A_485 = arith.addf %add3A_478, %gather3A_484 : vector<16xf32>
      %add3A_486 = vector.broadcast %mul3A_429 : i32 to vector<16xi32>
      %add3A_487 = arith.addi %add3A_486, %mul3A_5 : vector<16xi32>
      %add3A_488 = arith.constant 8 : i32
      %add3A_489 = vector.broadcast %add3A_488 : i32 to vector<16xi32>
      %add3A_490 = arith.addi %add3A_487, %add3A_489 : vector<16xi32>
      %gather3A_491 = tpu.vector_load_idx %arg28[%add3A_490] : memref<1024xf32, #tpu.memory_space<vmem>>[vector<16xi32>], vector<16xf32>,
      %add3A_492 = arith.addf %add3A_485, %gather3A_491 : vector<16xf32>
      %add3A_493 = vector.broadcast %mul3A_429 : i32 to vector<16xi32>
      %add3A_494 = arith.addi %add3A_493, %mul3A_5 : vector<16xi32>
      %add3A_495 = arith.constant 9 : i32
      %add3A_496 = vector.broadcast %add3A_495 : i32 to vector<16xi32>
      %add3A_497 = arith.addi %add3A_494, %add3A_496 : vector<16xi32>
      %gather3A_498 = tpu.vector_load_idx %arg28[%add3A_497] : memref<1024xf32, #tpu.memory_space<vmem>>[vector<16xi32>], vector<16xf32>,
      %add3A_499 = arith.addf %add3A_492, %gather3A_498 : vector<16xf32>
      %add3A_500 = vector.broadcast %mul3A_429 : i32 to vector<16xi32>
      %add3A_501 = arith.addi %add3A_500, %mul3A_5 : vector<16xi32>
      %add3A_502 = arith.constant 10 : i32
      %add3A_503 = vector.broadcast %add3A_502 : i32 to vector<16xi32>
      %add3A_504 = arith.addi %add3A_501, %add3A_503 : vector<16xi32>
      %gather3A_505 = tpu.vector_load_idx %arg28[%add3A_504] : memref<1024xf32, #tpu.memory_space<vmem>>[vector<16xi32>], vector<16xf32>,
      %add3A_506 = arith.addf %add3A_499, %gather3A_505 : vector<16xf32>
      %add3A_507 = vector.broadcast %mul3A_429 : i32 to vector<16xi32>
      %add3A_508 = arith.addi %add3A_507, %mul3A_5 : vector<16xi32>
      %add3A_509 = arith.constant 11 : i32
      %add3A_510 = vector.broadcast %add3A_509 : i32 to vector<16xi32>
      %add3A_511 = arith.addi %add3A_508, %add3A_510 : vector<16xi32>
      %gather3A_512 = tpu.vector_load_idx %arg28[%add3A_511] : memref<1024xf32, #tpu.memory_space<vmem>>[vector<16xi32>], vector<16xf32>,
      %add3A_513 = arith.addf %add3A_506, %gather3A_512 : vector<16xf32>
      %add3A_514 = vector.broadcast %mul3A_429 : i32 to vector<16xi32>
      %add3A_515 = arith.addi %add3A_514, %mul3A_5 : vector<16xi32>
      %add3A_516 = arith.constant 12 : i32
      %add3A_517 = vector.broadcast %add3A_516 : i32 to vector<16xi32>
      %add3A_518 = arith.addi %add3A_515, %add3A_517 : vector<16xi32>
      %gather3A_519 = tpu.vector_load_idx %arg28[%add3A_518] : memref<1024xf32, #tpu.memory_space<vmem>>[vector<16xi32>], vector<16xf32>,
      %add3A_520 = arith.addf %add3A_513, %gather3A_519 : vector<16xf32>
      %add3A_521 = vector.broadcast %mul3A_429 : i32 to vector<16xi32>
      %add3A_522 = arith.addi %add3A_521, %mul3A_5 : vector<16xi32>
      %add3A_523 = arith.constant 13 : i32
      %add3A_524 = vector.broadcast %add3A_523 : i32 to vector<16xi32>
      %add3A_525 = arith.addi %add3A_522, %add3A_524 : vector<16xi32>
      %gather3A_526 = tpu.vector_load_idx %arg28[%add3A_525] : memref<1024xf32, #tpu.memory_space<vmem>>[vector<16xi32>], vector<16xf32>,
      %add3A_527 = arith.addf %add3A_520, %gather3A_526 : vector<16xf32>
      %add3A_528 = vector.broadcast %mul3A_429 : i32 to vector<16xi32>
      %add3A_529 = arith.addi %add3A_528, %mul3A_5 : vector<16xi32>
      %add3A_530 = arith.constant 14 : i32
      %add3A_531 = vector.broadcast %add3A_530 : i32 to vector<16xi32>
      %add3A_532 = arith.addi %add3A_529, %add3A_531 : vector<16xi32>
      %gather3A_533 = tpu.vector_load_idx %arg28[%add3A_532] : memref<1024xf32, #tpu.memory_space<vmem>>[vector<16xi32>], vector<16xf32>,
      %add3A_534 = arith.addf %add3A_527, %gather3A_533 : vector<16xf32>
      %add3A_535 = vector.broadcast %mul3A_429 : i32 to vector<16xi32>
      %add3A_536 = arith.addi %add3A_535, %mul3A_5 : vector<16xi32>
      %add3A_537 = arith.constant 15 : i32
      %add3A_538 = vector.broadcast %add3A_537 : i32 to vector<16xi32>
      %add3A_539 = arith.addi %add3A_536, %add3A_538 : vector<16xi32>
      %gather3A_540 = tpu.vector_load_idx %arg28[%add3A_539] : memref<1024xf32, #tpu.memory_space<vmem>>[vector<16xi32>], vector<16xf32>,
      %add3A_541 = arith.addf %add3A_534, %gather3A_540 : vector<16xf32>
      %mul3A_542 = arith.constant 16 : i32
      %mul3A_543 = arith.muli %scan3A_426, %mul3A_542 : i32
      %add3A_544 = arith.constant 384 : i32
      %add3A_545 = arith.addi %add3A_544, %mul3A_543 : i32
      %swap3A = arith.index_cast %add3A_545 : i32 to index
      %swap3A_546 = tpu.vector_load %arg29[%swap3A] {strides = array<i32>} : memref<512xf32, #tpu.memory_space<vmem>>, vector<16xf32>,
      tpu.vector_store %arg29[%swap3A], %add3A_541 {strides = array<i32>} : memref<512xf32, #tpu.memory_space<vmem>>, vector<16xf32>,
      %scan3A_547 = arith.constant 0 : i32
      scf.yield %scan3A_547 : i32
    }
    %scan3A_393 = arith.constant 4 : i32
    %dma_wait3A_394 = arith.constant 0 : i32
    %dma_wait3A_395 = arith.constant 0 : i32
    %dma_wait3A_396 = tpu.memref_slice %arg5[%dma_wait3A_394, %dma_wait3A_395] : memref<1000000x128xf32, #tpu.memory_space<hbm>> -> memref<1000000x128xf32, #tpu.memory_space<hbm>>
    tpu.wait_indirect_dma semaphore(%arg31 : memref<!tpu.dma_semaphore, #tpu.memory_space<semaphore_mem>>) src(%dma_wait3A_396 : memref<1000000x128xf32, #tpu.memory_space<hbm>>) dst(%arg22 : memref<64x128xf32, #tpu.memory_space<vmem>>)
    %dma_wait3A_397 = arith.constant 0 : i32
    %dma_wait3A_398 = arith.constant 0 : i32
    %dma_wait3A_399 = tpu.memref_slice %arg6[%dma_wait3A_397, %dma_wait3A_398] : memref<1000000x128xf32, #tpu.memory_space<hbm>> -> memref<1000000x128xf32, #tpu.memory_space<hbm>>
    tpu.wait_indirect_dma semaphore(%arg31 : memref<!tpu.dma_semaphore, #tpu.memory_space<semaphore_mem>>) src(%dma_wait3A_399 : memref<1000000x128xf32, #tpu.memory_space<hbm>>) dst(%arg23 : memref<64x128xf32, #tpu.memory_space<vmem>>)
    %dma_wait3A_400 = arith.constant 0 : i32
    %dma_wait3A_401 = arith.constant 0 : i32
    %dma_wait3A_402 = tpu.memref_slice %arg5[%dma_wait3A_400, %dma_wait3A_401] : memref<1000000x128xf32, #tpu.memory_space<hbm>> -> memref<1000000x128xf32, #tpu.memory_space<hbm>>
    tpu.wait_indirect_dma semaphore(%arg31 : memref<!tpu.dma_semaphore, #tpu.memory_space<semaphore_mem>>) src(%dma_wait3A_402 : memref<1000000x128xf32, #tpu.memory_space<hbm>>) dst(%arg24 : memref<64x128xf32, #tpu.memory_space<vmem>>)
    %dma_wait3A_403 = arith.constant 0 : i32
    %dma_wait3A_404 = arith.constant 0 : i32
    %dma_wait3A_405 = tpu.memref_slice %arg6[%dma_wait3A_403, %dma_wait3A_404] : memref<1000000x128xf32, #tpu.memory_space<hbm>> -> memref<1000000x128xf32, #tpu.memory_space<hbm>>
    tpu.wait_indirect_dma semaphore(%arg31 : memref<!tpu.dma_semaphore, #tpu.memory_space<semaphore_mem>>) src(%dma_wait3A_405 : memref<1000000x128xf32, #tpu.memory_space<hbm>>) dst(%arg25 : memref<64x128xf32, #tpu.memory_space<vmem>>)
    %dma_wait3A_406 = arith.constant 0 : i32
    %dma_wait3A_407 = arith.constant 0 : i32
    %dma_wait3A_408 = tpu.memref_slice %arg7[%dma_wait3A_406, %dma_wait3A_407] : memref<1000x128xf32, #tpu.memory_space<hbm>> -> memref<1000x128xf32, #tpu.memory_space<hbm>>
    tpu.wait_indirect_dma semaphore(%arg31 : memref<!tpu.dma_semaphore, #tpu.memory_space<semaphore_mem>>) src(%dma_wait3A_408 : memref<1000x128xf32, #tpu.memory_space<hbm>>) dst(%arg26 : memref<64x128xf32, #tpu.memory_space<vmem>>)
    %dma_wait3A_409 = arith.constant 0 : i32
    %dma_wait3A_410 = arith.constant 0 : i32
    %dma_wait3A_411 = tpu.memref_slice %arg8[%dma_wait3A_409, %dma_wait3A_410] : memref<1000x128xf32, #tpu.memory_space<hbm>> -> memref<1000x128xf32, #tpu.memory_space<hbm>>
    tpu.wait_indirect_dma semaphore(%arg31 : memref<!tpu.dma_semaphore, #tpu.memory_space<semaphore_mem>>) src(%dma_wait3A_411 : memref<1000x128xf32, #tpu.memory_space<hbm>>) dst(%arg27 : memref<64x128xf32, #tpu.memory_space<vmem>>)
    %scan3A_412 = arith.constant 0 : i32
    %scan3A_413 = arith.constant 0 : i32
    %scan3A_414 = arith.constant 64 : i32
    %scan3A_415 = arith.addi %scan3A_413, %scan3A_414 : i32
    %scan3A_416 = arith.constant 1 : i32
    %scan3A_417 = scf.for %scan3A_426 = %scan3A_413 to %scan3A_415 step %scan3A_416 iter_args(%scan3A_427 = %scan3A_412) -> (i32)  : i32 {
      %broadcast_in_dim3A = arith.constant 0.000000e+00 : f32
      %broadcast_in_dim3A_428 = vector.broadcast %broadcast_in_dim3A : f32 to vector<16xf32>
      %get3A = arith.index_cast %scan3A_426 : i32 to index
      %get3A_429 = arith.constant 0 : index
      %get3A_430 = tpu.vector_load %arg22[%get3A, %get3A_429] {strides = array<i32>} : memref<64x128xf32, #tpu.memory_space<vmem>>, vector<16xf32>,
      %get3A_431 = arith.index_cast %scan3A_426 : i32 to index
      %get3A_432 = arith.constant 0 : index
      %get3A_433 = tpu.vector_load %arg23[%get3A_431, %get3A_432] {strides = array<i32>} : memref<64x128xf32, #tpu.memory_space<vmem>>, vector<16xf32>,
      %get3A_434 = arith.index_cast %scan3A_426 : i32 to index
      %get3A_435 = arith.constant 0 : index
      %get3A_436 = tpu.vector_load %arg24[%get3A_434, %get3A_435] {strides = array<i32>} : memref<64x128xf32, #tpu.memory_space<vmem>>, vector<16xf32>,
      %get3A_437 = arith.index_cast %scan3A_426 : i32 to index
      %get3A_438 = arith.constant 0 : index
      %get3A_439 = tpu.vector_load %arg25[%get3A_437, %get3A_438] {strides = array<i32>} : memref<64x128xf32, #tpu.memory_space<vmem>>, vector<16xf32>,
      %get3A_440 = arith.index_cast %scan3A_426 : i32 to index
      %get3A_441 = arith.constant 0 : index
      %get3A_442 = tpu.vector_load %arg26[%get3A_440, %get3A_441] {strides = array<i32>} : memref<64x128xf32, #tpu.memory_space<vmem>>, vector<16xf32>,
      %get3A_443 = arith.index_cast %scan3A_426 : i32 to index
      %get3A_444 = arith.constant 0 : index
      %get3A_445 = tpu.vector_load %arg27[%get3A_443, %get3A_444] {strides = array<i32>} : memref<64x128xf32, #tpu.memory_space<vmem>>, vector<16xf32>,
      %mul3A_446 = arith.mulf %get3A_430, %get3A_436 : vector<16xf32>
      %mul3A_447 = arith.mulf %get3A_433, %get3A_439 : vector<16xf32>
      %sub3A = arith.subf %mul3A_446, %mul3A_447 : vector<16xf32>
      %mul3A_448 = arith.mulf %get3A_430, %get3A_439 : vector<16xf32>
      %mul3A_449 = arith.mulf %get3A_433, %get3A_436 : vector<16xf32>
      %add3A_450 = arith.addf %mul3A_448, %mul3A_449 : vector<16xf32>
      %mul3A_451 = arith.mulf %get3A_442, %sub3A : vector<16xf32>
      %add3A_452 = arith.addf %broadcast_in_dim3A_428, %mul3A_451 : vector<16xf32>
      %mul3A_453 = arith.mulf %get3A_445, %add3A_450 : vector<16xf32>
      %add3A_454 = arith.addf %add3A_452, %mul3A_453 : vector<16xf32>
      %get3A_455 = arith.index_cast %scan3A_426 : i32 to index
      %get3A_456 = arith.constant 16 : index
      %get3A_457 = tpu.vector_load %arg22[%get3A_455, %get3A_456] {strides = array<i32>} : memref<64x128xf32, #tpu.memory_space<vmem>>, vector<16xf32>,
      %get3A_458 = arith.index_cast %scan3A_426 : i32 to index
      %get3A_459 = arith.constant 16 : index
      %get3A_460 = tpu.vector_load %arg23[%get3A_458, %get3A_459] {strides = array<i32>} : memref<64x128xf32, #tpu.memory_space<vmem>>, vector<16xf32>,
      %get3A_461 = arith.index_cast %scan3A_426 : i32 to index
      %get3A_462 = arith.constant 16 : index
      %get3A_463 = tpu.vector_load %arg24[%get3A_461, %get3A_462] {strides = array<i32>} : memref<64x128xf32, #tpu.memory_space<vmem>>, vector<16xf32>,
      %get3A_464 = arith.index_cast %scan3A_426 : i32 to index
      %get3A_465 = arith.constant 16 : index
      %get3A_466 = tpu.vector_load %arg25[%get3A_464, %get3A_465] {strides = array<i32>} : memref<64x128xf32, #tpu.memory_space<vmem>>, vector<16xf32>,
      %get3A_467 = arith.index_cast %scan3A_426 : i32 to index
      %get3A_468 = arith.constant 16 : index
      %get3A_469 = tpu.vector_load %arg26[%get3A_467, %get3A_468] {strides = array<i32>} : memref<64x128xf32, #tpu.memory_space<vmem>>, vector<16xf32>,
      %get3A_470 = arith.index_cast %scan3A_426 : i32 to index
      %get3A_471 = arith.constant 16 : index
      %get3A_472 = tpu.vector_load %arg27[%get3A_470, %get3A_471] {strides = array<i32>} : memref<64x128xf32, #tpu.memory_space<vmem>>, vector<16xf32>,
      %mul3A_473 = arith.mulf %get3A_457, %get3A_463 : vector<16xf32>
      %mul3A_474 = arith.mulf %get3A_460, %get3A_466 : vector<16xf32>
      %sub3A_475 = arith.subf %mul3A_473, %mul3A_474 : vector<16xf32>
      %mul3A_476 = arith.mulf %get3A_457, %get3A_466 : vector<16xf32>
      %mul3A_477 = arith.mulf %get3A_460, %get3A_463 : vector<16xf32>
      %add3A_478 = arith.addf %mul3A_476, %mul3A_477 : vector<16xf32>
      %mul3A_479 = arith.mulf %get3A_469, %sub3A_475 : vector<16xf32>
      %add3A_480 = arith.addf %add3A_454, %mul3A_479 : vector<16xf32>
      %mul3A_481 = arith.mulf %get3A_472, %add3A_478 : vector<16xf32>
      %add3A_482 = arith.addf %add3A_480, %mul3A_481 : vector<16xf32>
      %get3A_483 = arith.index_cast %scan3A_426 : i32 to index
      %get3A_484 = arith.constant 32 : index
      %get3A_485 = tpu.vector_load %arg22[%get3A_483, %get3A_484] {strides = array<i32>} : memref<64x128xf32, #tpu.memory_space<vmem>>, vector<16xf32>,
      %get3A_486 = arith.index_cast %scan3A_426 : i32 to index
      %get3A_487 = arith.constant 32 : index
      %get3A_488 = tpu.vector_load %arg23[%get3A_486, %get3A_487] {strides = array<i32>} : memref<64x128xf32, #tpu.memory_space<vmem>>, vector<16xf32>,
      %get3A_489 = arith.index_cast %scan3A_426 : i32 to index
      %get3A_490 = arith.constant 32 : index
      %get3A_491 = tpu.vector_load %arg24[%get3A_489, %get3A_490] {strides = array<i32>} : memref<64x128xf32, #tpu.memory_space<vmem>>, vector<16xf32>,
      %get3A_492 = arith.index_cast %scan3A_426 : i32 to index
      %get3A_493 = arith.constant 32 : index
      %get3A_494 = tpu.vector_load %arg25[%get3A_492, %get3A_493] {strides = array<i32>} : memref<64x128xf32, #tpu.memory_space<vmem>>, vector<16xf32>,
      %get3A_495 = arith.index_cast %scan3A_426 : i32 to index
      %get3A_496 = arith.constant 32 : index
      %get3A_497 = tpu.vector_load %arg26[%get3A_495, %get3A_496] {strides = array<i32>} : memref<64x128xf32, #tpu.memory_space<vmem>>, vector<16xf32>,
      %get3A_498 = arith.index_cast %scan3A_426 : i32 to index
      %get3A_499 = arith.constant 32 : index
      %get3A_500 = tpu.vector_load %arg27[%get3A_498, %get3A_499] {strides = array<i32>} : memref<64x128xf32, #tpu.memory_space<vmem>>, vector<16xf32>,
      %mul3A_501 = arith.mulf %get3A_485, %get3A_491 : vector<16xf32>
      %mul3A_502 = arith.mulf %get3A_488, %get3A_494 : vector<16xf32>
      %sub3A_503 = arith.subf %mul3A_501, %mul3A_502 : vector<16xf32>
      %mul3A_504 = arith.mulf %get3A_485, %get3A_494 : vector<16xf32>
      %mul3A_505 = arith.mulf %get3A_488, %get3A_491 : vector<16xf32>
      %add3A_506 = arith.addf %mul3A_504, %mul3A_505 : vector<16xf32>
      %mul3A_507 = arith.mulf %get3A_497, %sub3A_503 : vector<16xf32>
      %add3A_508 = arith.addf %add3A_482, %mul3A_507 : vector<16xf32>
      %mul3A_509 = arith.mulf %get3A_500, %add3A_506 : vector<16xf32>
      %add3A_510 = arith.addf %add3A_508, %mul3A_509 : vector<16xf32>
      %get3A_511 = arith.index_cast %scan3A_426 : i32 to index
      %get3A_512 = arith.constant 48 : index
      %get3A_513 = tpu.vector_load %arg22[%get3A_511, %get3A_512] {strides = array<i32>} : memref<64x128xf32, #tpu.memory_space<vmem>>, vector<16xf32>,
      %get3A_514 = arith.index_cast %scan3A_426 : i32 to index
      %get3A_515 = arith.constant 48 : index
      %get3A_516 = tpu.vector_load %arg23[%get3A_514, %get3A_515] {strides = array<i32>} : memref<64x128xf32, #tpu.memory_space<vmem>>, vector<16xf32>,
      %get3A_517 = arith.index_cast %scan3A_426 : i32 to index
      %get3A_518 = arith.constant 48 : index
      %get3A_519 = tpu.vector_load %arg24[%get3A_517, %get3A_518] {strides = array<i32>} : memref<64x128xf32, #tpu.memory_space<vmem>>, vector<16xf32>,
      %get3A_520 = arith.index_cast %scan3A_426 : i32 to index
      %get3A_521 = arith.constant 48 : index
      %get3A_522 = tpu.vector_load %arg25[%get3A_520, %get3A_521] {strides = array<i32>} : memref<64x128xf32, #tpu.memory_space<vmem>>, vector<16xf32>,
      %get3A_523 = arith.index_cast %scan3A_426 : i32 to index
      %get3A_524 = arith.constant 48 : index
      %get3A_525 = tpu.vector_load %arg26[%get3A_523, %get3A_524] {strides = array<i32>} : memref<64x128xf32, #tpu.memory_space<vmem>>, vector<16xf32>,
      %get3A_526 = arith.index_cast %scan3A_426 : i32 to index
      %get3A_527 = arith.constant 48 : index
      %get3A_528 = tpu.vector_load %arg27[%get3A_526, %get3A_527] {strides = array<i32>} : memref<64x128xf32, #tpu.memory_space<vmem>>, vector<16xf32>,
      %mul3A_529 = arith.mulf %get3A_513, %get3A_519 : vector<16xf32>
      %mul3A_530 = arith.mulf %get3A_516, %get3A_522 : vector<16xf32>
      %sub3A_531 = arith.subf %mul3A_529, %mul3A_530 : vector<16xf32>
      %mul3A_532 = arith.mulf %get3A_513, %get3A_522 : vector<16xf32>
      %mul3A_533 = arith.mulf %get3A_516, %get3A_519 : vector<16xf32>
      %add3A_534 = arith.addf %mul3A_532, %mul3A_533 : vector<16xf32>
      %mul3A_535 = arith.mulf %get3A_525, %sub3A_531 : vector<16xf32>
      %add3A_536 = arith.addf %add3A_510, %mul3A_535 : vector<16xf32>
      %mul3A_537 = arith.mulf %get3A_528, %add3A_534 : vector<16xf32>
      %add3A_538 = arith.addf %add3A_536, %mul3A_537 : vector<16xf32>
      %mul3A_539 = arith.constant 16 : i32
      %mul3A_540 = arith.muli %scan3A_426, %mul3A_539 : i32
      %swap3A = arith.index_cast %mul3A_540 : i32 to index
      %swap3A_541 = tpu.vector_load %arg28[%swap3A] {strides = array<i32>} : memref<1024xf32, #tpu.memory_space<vmem>>, vector<16xf32>,
      tpu.vector_store %arg28[%swap3A], %add3A_538 {strides = array<i32>} : memref<1024xf32, #tpu.memory_space<vmem>>, vector<16xf32>,
      %scan3A_542 = arith.constant 0 : i32
      scf.yield %scan3A_542 : i32
    }
    %scan3A_418 = arith.constant 64 : i32
    %scan3A_419 = arith.constant 0 : i32
    %scan3A_420 = arith.constant 0 : i32
    %scan3A_421 = arith.constant 4 : i32
    %scan3A_422 = arith.addi %scan3A_420, %scan3A_421 : i32
    %scan3A_423 = arith.constant 1 : i32
    %scan3A_424 = scf.for %scan3A_426 = %scan3A_420 to %scan3A_422 step %scan3A_423 iter_args(%scan3A_427 = %scan3A_419) -> (i32)  : i32 {
      %mul3A_428 = arith.constant 256 : i32
      %mul3A_429 = arith.muli %scan3A_426, %mul3A_428 : i32
      %broadcast_in_dim3A = arith.constant 0.000000e+00 : f32
      %broadcast_in_dim3A_430 = vector.broadcast %broadcast_in_dim3A : f32 to vector<16xf32>
      %add3A_431 = vector.broadcast %mul3A_429 : i32 to vector<16xi32>
      %add3A_432 = arith.addi %add3A_431, %mul3A_5 : vector<16xi32>
      %add3A_433 = arith.constant 0 : i32
      %add3A_434 = vector.broadcast %add3A_433 : i32 to vector<16xi32>
      %add3A_435 = arith.addi %add3A_432, %add3A_434 : vector<16xi32>
      %gather3A = tpu.vector_load_idx %arg28[%add3A_435] : memref<1024xf32, #tpu.memory_space<vmem>>[vector<16xi32>], vector<16xf32>,
      %add3A_436 = arith.addf %broadcast_in_dim3A_430, %gather3A : vector<16xf32>
      %add3A_437 = vector.broadcast %mul3A_429 : i32 to vector<16xi32>
      %add3A_438 = arith.addi %add3A_437, %mul3A_5 : vector<16xi32>
      %add3A_439 = arith.constant 1 : i32
      %add3A_440 = vector.broadcast %add3A_439 : i32 to vector<16xi32>
      %add3A_441 = arith.addi %add3A_438, %add3A_440 : vector<16xi32>
      %gather3A_442 = tpu.vector_load_idx %arg28[%add3A_441] : memref<1024xf32, #tpu.memory_space<vmem>>[vector<16xi32>], vector<16xf32>,
      %add3A_443 = arith.addf %add3A_436, %gather3A_442 : vector<16xf32>
      %add3A_444 = vector.broadcast %mul3A_429 : i32 to vector<16xi32>
      %add3A_445 = arith.addi %add3A_444, %mul3A_5 : vector<16xi32>
      %add3A_446 = arith.constant 2 : i32
      %add3A_447 = vector.broadcast %add3A_446 : i32 to vector<16xi32>
      %add3A_448 = arith.addi %add3A_445, %add3A_447 : vector<16xi32>
      %gather3A_449 = tpu.vector_load_idx %arg28[%add3A_448] : memref<1024xf32, #tpu.memory_space<vmem>>[vector<16xi32>], vector<16xf32>,
      %add3A_450 = arith.addf %add3A_443, %gather3A_449 : vector<16xf32>
      %add3A_451 = vector.broadcast %mul3A_429 : i32 to vector<16xi32>
      %add3A_452 = arith.addi %add3A_451, %mul3A_5 : vector<16xi32>
      %add3A_453 = arith.constant 3 : i32
      %add3A_454 = vector.broadcast %add3A_453 : i32 to vector<16xi32>
      %add3A_455 = arith.addi %add3A_452, %add3A_454 : vector<16xi32>
      %gather3A_456 = tpu.vector_load_idx %arg28[%add3A_455] : memref<1024xf32, #tpu.memory_space<vmem>>[vector<16xi32>], vector<16xf32>,
      %add3A_457 = arith.addf %add3A_450, %gather3A_456 : vector<16xf32>
      %add3A_458 = vector.broadcast %mul3A_429 : i32 to vector<16xi32>
      %add3A_459 = arith.addi %add3A_458, %mul3A_5 : vector<16xi32>
      %add3A_460 = arith.constant 4 : i32
      %add3A_461 = vector.broadcast %add3A_460 : i32 to vector<16xi32>
      %add3A_462 = arith.addi %add3A_459, %add3A_461 : vector<16xi32>
      %gather3A_463 = tpu.vector_load_idx %arg28[%add3A_462] : memref<1024xf32, #tpu.memory_space<vmem>>[vector<16xi32>], vector<16xf32>,
      %add3A_464 = arith.addf %add3A_457, %gather3A_463 : vector<16xf32>
      %add3A_465 = vector.broadcast %mul3A_429 : i32 to vector<16xi32>
      %add3A_466 = arith.addi %add3A_465, %mul3A_5 : vector<16xi32>
      %add3A_467 = arith.constant 5 : i32
      %add3A_468 = vector.broadcast %add3A_467 : i32 to vector<16xi32>
      %add3A_469 = arith.addi %add3A_466, %add3A_468 : vector<16xi32>
      %gather3A_470 = tpu.vector_load_idx %arg28[%add3A_469] : memref<1024xf32, #tpu.memory_space<vmem>>[vector<16xi32>], vector<16xf32>,
      %add3A_471 = arith.addf %add3A_464, %gather3A_470 : vector<16xf32>
      %add3A_472 = vector.broadcast %mul3A_429 : i32 to vector<16xi32>
      %add3A_473 = arith.addi %add3A_472, %mul3A_5 : vector<16xi32>
      %add3A_474 = arith.constant 6 : i32
      %add3A_475 = vector.broadcast %add3A_474 : i32 to vector<16xi32>
      %add3A_476 = arith.addi %add3A_473, %add3A_475 : vector<16xi32>
      %gather3A_477 = tpu.vector_load_idx %arg28[%add3A_476] : memref<1024xf32, #tpu.memory_space<vmem>>[vector<16xi32>], vector<16xf32>,
      %add3A_478 = arith.addf %add3A_471, %gather3A_477 : vector<16xf32>
      %add3A_479 = vector.broadcast %mul3A_429 : i32 to vector<16xi32>
      %add3A_480 = arith.addi %add3A_479, %mul3A_5 : vector<16xi32>
      %add3A_481 = arith.constant 7 : i32
      %add3A_482 = vector.broadcast %add3A_481 : i32 to vector<16xi32>
      %add3A_483 = arith.addi %add3A_480, %add3A_482 : vector<16xi32>
      %gather3A_484 = tpu.vector_load_idx %arg28[%add3A_483] : memref<1024xf32, #tpu.memory_space<vmem>>[vector<16xi32>], vector<16xf32>,
      %add3A_485 = arith.addf %add3A_478, %gather3A_484 : vector<16xf32>
      %add3A_486 = vector.broadcast %mul3A_429 : i32 to vector<16xi32>
      %add3A_487 = arith.addi %add3A_486, %mul3A_5 : vector<16xi32>
      %add3A_488 = arith.constant 8 : i32
      %add3A_489 = vector.broadcast %add3A_488 : i32 to vector<16xi32>
      %add3A_490 = arith.addi %add3A_487, %add3A_489 : vector<16xi32>
      %gather3A_491 = tpu.vector_load_idx %arg28[%add3A_490] : memref<1024xf32, #tpu.memory_space<vmem>>[vector<16xi32>], vector<16xf32>,
      %add3A_492 = arith.addf %add3A_485, %gather3A_491 : vector<16xf32>
      %add3A_493 = vector.broadcast %mul3A_429 : i32 to vector<16xi32>
      %add3A_494 = arith.addi %add3A_493, %mul3A_5 : vector<16xi32>
      %add3A_495 = arith.constant 9 : i32
      %add3A_496 = vector.broadcast %add3A_495 : i32 to vector<16xi32>
      %add3A_497 = arith.addi %add3A_494, %add3A_496 : vector<16xi32>
      %gather3A_498 = tpu.vector_load_idx %arg28[%add3A_497] : memref<1024xf32, #tpu.memory_space<vmem>>[vector<16xi32>], vector<16xf32>,
      %add3A_499 = arith.addf %add3A_492, %gather3A_498 : vector<16xf32>
      %add3A_500 = vector.broadcast %mul3A_429 : i32 to vector<16xi32>
      %add3A_501 = arith.addi %add3A_500, %mul3A_5 : vector<16xi32>
      %add3A_502 = arith.constant 10 : i32
      %add3A_503 = vector.broadcast %add3A_502 : i32 to vector<16xi32>
      %add3A_504 = arith.addi %add3A_501, %add3A_503 : vector<16xi32>
      %gather3A_505 = tpu.vector_load_idx %arg28[%add3A_504] : memref<1024xf32, #tpu.memory_space<vmem>>[vector<16xi32>], vector<16xf32>,
      %add3A_506 = arith.addf %add3A_499, %gather3A_505 : vector<16xf32>
      %add3A_507 = vector.broadcast %mul3A_429 : i32 to vector<16xi32>
      %add3A_508 = arith.addi %add3A_507, %mul3A_5 : vector<16xi32>
      %add3A_509 = arith.constant 11 : i32
      %add3A_510 = vector.broadcast %add3A_509 : i32 to vector<16xi32>
      %add3A_511 = arith.addi %add3A_508, %add3A_510 : vector<16xi32>
      %gather3A_512 = tpu.vector_load_idx %arg28[%add3A_511] : memref<1024xf32, #tpu.memory_space<vmem>>[vector<16xi32>], vector<16xf32>,
      %add3A_513 = arith.addf %add3A_506, %gather3A_512 : vector<16xf32>
      %add3A_514 = vector.broadcast %mul3A_429 : i32 to vector<16xi32>
      %add3A_515 = arith.addi %add3A_514, %mul3A_5 : vector<16xi32>
      %add3A_516 = arith.constant 12 : i32
      %add3A_517 = vector.broadcast %add3A_516 : i32 to vector<16xi32>
      %add3A_518 = arith.addi %add3A_515, %add3A_517 : vector<16xi32>
      %gather3A_519 = tpu.vector_load_idx %arg28[%add3A_518] : memref<1024xf32, #tpu.memory_space<vmem>>[vector<16xi32>], vector<16xf32>,
      %add3A_520 = arith.addf %add3A_513, %gather3A_519 : vector<16xf32>
      %add3A_521 = vector.broadcast %mul3A_429 : i32 to vector<16xi32>
      %add3A_522 = arith.addi %add3A_521, %mul3A_5 : vector<16xi32>
      %add3A_523 = arith.constant 13 : i32
      %add3A_524 = vector.broadcast %add3A_523 : i32 to vector<16xi32>
      %add3A_525 = arith.addi %add3A_522, %add3A_524 : vector<16xi32>
      %gather3A_526 = tpu.vector_load_idx %arg28[%add3A_525] : memref<1024xf32, #tpu.memory_space<vmem>>[vector<16xi32>], vector<16xf32>,
      %add3A_527 = arith.addf %add3A_520, %gather3A_526 : vector<16xf32>
      %add3A_528 = vector.broadcast %mul3A_429 : i32 to vector<16xi32>
      %add3A_529 = arith.addi %add3A_528, %mul3A_5 : vector<16xi32>
      %add3A_530 = arith.constant 14 : i32
      %add3A_531 = vector.broadcast %add3A_530 : i32 to vector<16xi32>
      %add3A_532 = arith.addi %add3A_529, %add3A_531 : vector<16xi32>
      %gather3A_533 = tpu.vector_load_idx %arg28[%add3A_532] : memref<1024xf32, #tpu.memory_space<vmem>>[vector<16xi32>], vector<16xf32>,
      %add3A_534 = arith.addf %add3A_527, %gather3A_533 : vector<16xf32>
      %add3A_535 = vector.broadcast %mul3A_429 : i32 to vector<16xi32>
      %add3A_536 = arith.addi %add3A_535, %mul3A_5 : vector<16xi32>
      %add3A_537 = arith.constant 15 : i32
      %add3A_538 = vector.broadcast %add3A_537 : i32 to vector<16xi32>
      %add3A_539 = arith.addi %add3A_536, %add3A_538 : vector<16xi32>
      %gather3A_540 = tpu.vector_load_idx %arg28[%add3A_539] : memref<1024xf32, #tpu.memory_space<vmem>>[vector<16xi32>], vector<16xf32>,
      %add3A_541 = arith.addf %add3A_534, %gather3A_540 : vector<16xf32>
      %mul3A_542 = arith.constant 16 : i32
      %mul3A_543 = arith.muli %scan3A_426, %mul3A_542 : i32
      %add3A_544 = arith.constant 448 : i32
      %add3A_545 = arith.addi %add3A_544, %mul3A_543 : i32
      %swap3A = arith.index_cast %add3A_545 : i32 to index
      %swap3A_546 = tpu.vector_load %arg29[%swap3A] {strides = array<i32>} : memref<512xf32, #tpu.memory_space<vmem>>, vector<16xf32>,
      tpu.vector_store %arg29[%swap3A], %add3A_541 {strides = array<i32>} : memref<512xf32, #tpu.memory_space<vmem>>, vector<16xf32>,
      %scan3A_547 = arith.constant 0 : i32
      scf.yield %scan3A_547 : i32
    }
    %scan3A_425 = arith.constant 4 : i32
    "tpu.region"() ({
      %run_scoped3A = tpu.sem_alloc : memref<!tpu.dma_semaphore, #tpu.memory_space<semaphore_mem>>
      %dma_start3A_426 = tpu.memref_slice %arg9[%mul3A_2] : memref<16384xf32, #tpu.memory_space<hbm>> -> memref<512xf32, #tpu.memory_space<hbm>>
      %dma_start3A_427 = tpu.memref_slice %arg9[%mul3A_2] : memref<16384xf32, #tpu.memory_space<hbm>> -> memref<512xf32, #tpu.memory_space<hbm>>
      tpu.enqueue_dma source(%arg29 : memref<512xf32, #tpu.memory_space<vmem>>) target(%dma_start3A_427 : memref<512xf32, #tpu.memory_space<hbm>>) target_semaphore(%run_scoped3A : memref<!tpu.dma_semaphore, #tpu.memory_space<semaphore_mem>>)
      %dma_wait3A_428 = tpu.memref_slice %arg9[%mul3A_2] : memref<16384xf32, #tpu.memory_space<hbm>> -> memref<512xf32, #tpu.memory_space<hbm>>
      %dma_wait3A_429 = tpu.memref_slice %arg9[%mul3A_2] : memref<16384xf32, #tpu.memory_space<hbm>> -> memref<512xf32, #tpu.memory_space<hbm>>
      tpu.wait_dma2 semaphore(%run_scoped3A : memref<!tpu.dma_semaphore, #tpu.memory_space<semaphore_mem>>) src(%arg29 : memref<512xf32, #tpu.memory_space<vmem>>) dst(%dma_wait3A_429 : memref<512xf32, #tpu.memory_space<hbm>>)
      tpu.yield
    }) : () -> ()
    return
  }
}

</mosaic_0001>

<sc_bundles>
// kernel: kernel.3.cloned.1.call-start
scs
__scs_entry_jumppad:
0x0: {  	(pc) =	sbr.rel $0x88, $3  }
0x1: {  	(tag) =	ssettag $0x0;
	lr =	simm.s32 $0x1  }
0x2: {  	[smem:$0x3F9A] =	sst lr;
	_ =	strace $0xD0000000  }
0x3: {  	_ = 	snop  }
0x4: {  	_ = 	snop  }
0x5: {  	_ = 	snop  }
0x6: {  	_ = 	snop  }
0x7: {  	_ = 	snop  }
__scs_overlays_trampoline_lowered:
0x8: {  	[smem:$0x3FA9] =	sst s0  }
0x9: {  	[smem:$0x3FAA] =	sst s1  }
0xa: {  	[smem:$0x3FAB] =	sst s2  }
0xb: {  	[smem:$0x3FAC] =	sst s3  }
0xc: {  	[smem:$0x3FAD] =	sst s4  }
0xd: {  	[smem:$0x3FAE] =	sst s5  }
0xe: {  	[smem:$0x3FAF] =	sst s6  }
0xf: {  	[smem:$0x3FB0] =	sst s7  }
0x10: {  	[smem:$0x3FB1] =	sst s8  }
0x11: {  	[smem:$0x3FB2] =	sst s9;
	s0 =	simm.s32 @!p0 $0x0  }
0x12: {  	s1 =	sld [smem:$0x3F98];
	s0 =	simm.s32 @p0 $0x1  }
0x13: {  	[smem:$0x3FB3] =	sst s0;
	s0 =	simm.s32 @!p1 $0x0  }
0x14: {  	s2 =	sld [smem:$0x3F97];
	s0 =	simm.s32 @p1 $0x1  }
0x15: {  	[smem:$0x3FB4] =	sst s0;
	s0 =	simm.s32 @!p2 $0x0  }
0x16: {  	s3 =	sld [smem:$0x3FDB];
	s0 =	simm.s32 @p2 $0x1  }
0x17: {  	s4 =	simm.s32 $0x1BF5;
	[smem:$0x3FB6] =	sst s0  }
0x18: {  	s0 =	sld [smem:$0x3F99];
	_ =	swait.ge [sflag:s4], $0x0  }
0x19: {  	s7 =	sld [smem:$0x3F9A]  }
0x1a: {  	s8 =	sadd.s32 $0xFFFFE003, lr  }
0x1b: {  	s9 =	sadd.s32 $0xFFFFFEF7, lr;
	s5 =	simm.s32 $0xFFFFFFFF;
	p2 =	slt.u32 s8, $0xFFFFF086  }
0x1c: {  	p1 =	slt.u32 s9, $0xF7A;
	s5 =	simm.s32 @!p2 $0x0  }
0x1d: {  	s5 =	simm.s32 @p1 $0x1;
	p0 =	seq.s32 s7, s2  }
0x1e: {  	s7 =	smul.u32 @!p0 $0xF7A, s2;
	p2 =	seq.s32 @!p0 s5, $0x0  }
0x1f: {  	s9 =	smul.u32 $0xF7A, s1;
	s8 =	simm.s32 @!p0 $0x1BF5;
	p2 =	por !p2, p0  }
0x20: {  	[sflag:s8] =	ssyncset.s32 @!p0 $0xFFFFF086;
	s6 =	sadd.s32 @!p0 s3, s7;
	s7 =	simm.s32 @!p0 $0x108  }
0x21: {  	s3 =	sadd.s32 s3, s9;
	s6 =	sadd.s32 @!p0 $0x88, s6;
	s7 =	simm.s32 @p2 $0x1082  }
0x22: {  	[simem:s7], [sflag:s8] =	dma.local @!p0 [hbm:s6], $0xF7A  }
0x23: {  	s9 =	sor.u32 $0xD0000000, s2;
	s6 =	simm.s32 $0x108;
	_ =	swait.ge @!p0 [sflag:s8], $0x0  }
0x24: {  	s3 =	sadd.s32 $0x88, s3;
	s6 =	simm.s32 @!p1 $0x1082;
	[sflag:s4] =	ssyncset.s32 $0xFFFFF086  }
0x25: {  	[simem:s6], [sflag:s4] =	dma.local [hbm:s3], $0xF7A  }
0x26: {  	[smem:$0x3F9A] =	sst s1;
	(tag) =	ssettag s2;
	_ =	strace s9  }
0x27: {  	s1 =	sld [smem:$0x3FAA]  }
0x28: {  	s2 =	sld [smem:$0x3FAB]  }
0x29: {  	s4 =	sld [smem:$0x3FAD]  }
0x2a: {  	p0 =	seq.s32 s5, $0x0;
	s5 =	sld [smem:$0x3FAE]  }
0x2b: {  	s6 =	sld [smem:$0x3FAF]  }
0x2c: {  	s7 =	sld [smem:$0x3FB0]  }
0x2d: {  	s3 =	simm.s32 $0x108;
	s8 =	sld [smem:$0x3FB1]  }
0x2e: {  	s3 =	simm.s32 @!p0 $0x1082;
	s9 =	sld [smem:$0x3FB2]  }
0x2f: {  	lr =	sadd.s32 s0, s3;
	s0 =	sld [smem:$0x3FA9]  }
0x30: {  	s3 =	sld [smem:$0x3FAC]  }
0x31: {  	[smem:$0x3FB5] =	sst s10  }
0x32: {  	s10 =	sld [smem:$0x3FB3];
	_ =	sdelay $0x3  }
0x33: {  	p0 =	seq.s32 s10, $0x1;
	s10 =	sld [smem:$0x3FB5];
	_ =	sdelay $0x3  }
0x34: {  	[smem:$0x3FB5] =	sst s10  }
0x35: {  	s10 =	sld [smem:$0x3FB4];
	_ =	sdelay $0x3  }
0x36: {  	p1 =	seq.s32 s10, $0x1;
	s10 =	sld [smem:$0x3FB5];
	_ =	sdelay $0x3  }
0x37: {  	[smem:$0x3FB5] =	sst s10  }
0x38: {  	s10 =	sld [smem:$0x3FB6]  }
0x39: {  	_ = 	snop;
	(pc) =	sbr.ind lr, $3  }
0x3a: {  	_ = 	snop  }
0x3b: {  	_ = 	snop  }
0x3c: {  	p2 =	seq.s32 s10, $0x1;
	s10 =	sld [smem:$0x3FB5]  }
0x3d: {  	_ =	shalt  }
0x3e: {  	_ =	shalt  }
0x3f: {  	_ =	shalt  }
0x40: {  	_ =	shalt  }
0x41: {  	_ =	shalt  }
0x42: {  	_ =	shalt  }
0x43: {  	_ =	shalt  }
0x44: {  	_ =	shalt  }
0x45: {  	_ =	shalt  }
0x46: {  	_ =	shalt  }
0x47: {  	_ =	shalt  }
0x48: {  	_ =	shalt  }
0x49: {  	_ =	shalt  }
0x4a: {  	_ =	shalt  }
0x4b: {  	_ =	shalt  }
0x4c: {  	_ =	shalt  }
0x4d: {  	_ =	shalt  }
0x4e: {  	_ =	shalt  }
0x4f: {  	_ =	shalt  }
0x50: {  	_ =	shalt  }
0x51: {  	_ =	shalt  }
0x52: {  	_ =	shalt  }
0x53: {  	_ =	shalt  }
0x54: {  	_ =	shalt  }
0x55: {  	_ =	shalt  }
0x56: {  	_ =	shalt  }
0x57: {  	_ =	shalt  }
0x58: {  	_ =	shalt  }
0x59: {  	_ =	shalt  }
0x5a: {  	_ =	shalt  }
0x5b: {  	_ =	shalt  }
0x5c: {  	_ =	shalt  }
0x5d: {  	_ =	shalt  }
0x5e: {  	_ =	shalt  }
0x5f: {  	_ =	shalt  }
0x60: {  	_ =	shalt  }
0x61: {  	_ =	shalt  }
0x62: {  	_ =	shalt  }
0x63: {  	_ =	shalt  }
0x64: {  	_ =	shalt  }
0x65: {  	_ =	shalt  }
0x66: {  	_ =	shalt  }
0x67: {  	_ =	shalt  }
0x68: {  	_ =	shalt  }
0x69: {  	_ =	shalt  }
0x6a: {  	_ =	shalt  }
0x6b: {  	_ =	shalt  }
0x6c: {  	_ =	shalt  }
0x6d: {  	_ =	shalt  }
0x6e: {  	_ =	shalt  }
0x6f: {  	_ =	shalt  }
0x70: {  	_ =	shalt  }
0x71: {  	_ =	shalt  }
0x72: {  	_ =	shalt  }
0x73: {  	_ =	shalt  }
0x74: {  	_ =	shalt  }
0x75: {  	_ =	shalt  }
0x76: {  	_ =	shalt  }
0x77: {  	_ =	shalt  }
0x78: {  	_ =	shalt  }
0x79: {  	_ =	shalt  }
0x7a: {  	_ =	shalt  }
0x7b: {  	_ =	shalt  }
0x7c: {  	_ =	shalt  }
0x7d: {  	_ =	shalt  }
0x7e: {  	_ =	shalt  }
0x7f: {  	_ =	shalt  }
0x80: {  	_ =	shalt  }
0x81: {  	_ =	shalt  }
0x82: {  	_ =	shalt  }
0x83: {  	_ =	shalt  }
0x84: {  	_ =	shalt  }
0x85: {  	_ =	shalt  }
0x86: {  	_ =	shalt  }
0x87: {  	_ =	shalt  }
.Lfunc_end0:
.L_simem_size_0:
called_computation_lowered:
.L_overlay_start_0:
0x88: {  	s2 =	sld [smem:$0x3FD9]  }
0x89: {  	s3 =	sld [smem:$0x3FFE];
	_ =	sdelay $0x1  }
0x8a: {  	s1 =	srdreg.scid  }
0x8b: {  	s0 =	sand.u32 $0x1, s1  }
0x8c: {  	s17 =	sshll.u32 s0, $0xA;
	s2 =	sadd.s32 s3, s2  }
0x8d: {  	s2 =	sadd.s32 s2, s17  }
0x8e: {  	[smem:$0x3FC1] =	sst s2  }
0x8f: {  	_ = 	snop  }
0x90: {  	s2 =	sld [smem:$0x3FC9]  }
0x91: {  	s18 =	sld [smem:$0x3FC8]  }
0x92: {  	s4 =	sld [smem:$0x3FC7]  }
0x93: {  	s5 =	sld [smem:$0x3FD0];
	(tm) =	ssettm $0x1  }
0x94: {  	s6 =	sld [smem:$0x3FFB];
	_ =	sdelay $0x3  }
0x95: {  	_ =	strace s6  }
0x96: {  	s6 =	sld [smem:$0x3FFC];
	_ =	sdelay $0x3  }
0x97: {  	_ =	strace s6  }
0x98: {  	s6 =	sld [smem:$0x3FFD];
	_ =	sdelay $0x3  }
0x99: {  	_ =	strace s6  }
0x9a: {  	_ =	strace $0x8FFFFFFF  }
0x9b: {  	s19 =	sld [smem:$0x3FDB];
	_ =	sdelay $0x1  }
0x9c: {  	s7 =	simm.s32 $_scs_section_size  }
0x9d: {  	s8 =	simm.s32 $_size__tile_overlayer_lowered;
	s9 =	simm.s32 $_tile_overlayer_lowered  }
0x9e: {  	s22 =	simm.s32 $0x1BFF;
	s21 =	sshll.u32 s9, $0x1;
	s6 =	sadd.s32 s7, s19  }
0x9f: {  	s10 =	simm.s32 $0x0;
	s20 =	sshll.u32 s8, $0x1;
	s8 =	sadd.s32 s21, s6  }
0xa0: {  	[timem:s10], [sflag:s22] =	dma.local [hbm:s8], s20  }
0xa1: {  	_ =	swait.ge [sflag:s22], s20  }
0xa2: {  	s7 =	ssub.s32 $0x0, s20;
	[sflag:s22] =	ssyncset.done $0x0  }
0xa3: {  	[sflag:s22] =	ssyncadd.s32 s7;
	_ =	sdelay $0x1  }
0xa4: {  	s23 =	simm.s32 $0x1B8B  }
0xa5: {  	_ =	swait.ge [sflag:s23], $0x1  }
0xa6: {  	[sflag:s23] =	ssyncset.done $0x0  }
0xa7: {  	s25 =	simm.s32 $0x1B8E;
	s24 =	sld [smem:$0x3FFE];
	[sflag:s23] =	ssyncadd.s32 $0xFFFFFFFF  }
0xa8: {  	s26 =	simm.s32 $execute0_lowered;
	[smem:$0x3FD2] =	sst s25  }
0xa9: {  	s8 =	sshll.u32 s26, $0x1;
	_ =	strace $0x80000046;
	[dreg:$0x1] =	wrdreg $0xFFFFFFFF  }
0xaa: {  	s28 =	simm.s32 $_size_execute0_lowered;
	s6 =	sadd.s32 s6, s8;
	[dreg:$0x0] =	wrdreg $0x0  }
0xab: {  	s8 =	sshll.u32 s28, $0x1;
	[dreg:$0x2] =	wrdreg s6  }
0xac: {  	[dreg:$0x3] =	wrdreg s8  }
0xad: {  	[dreg:$0x4] =	wrdreg $0xC0  }
0xae: {  	_ =	task [dreg:s10], $0x5FFFF  }
0xaf: {  	[dreg:$0x1] =	wrdreg $0xFFFFFFFF  }
0xb0: {  	[dreg:$0x0] =	wrdreg $0x60  }
0xb1: {  	[dreg:$0x2] =	wrdreg s2  }
0xb2: {  	[dreg:$0x3] =	wrdreg s18  }
0xb3: {  	[dreg:$0x4] =	wrdreg s4  }
0xb4: {  	[dreg:$0x5] =	wrdreg s24  }
0xb5: {  	[dreg:$0x6] =	wrdreg s5  }
0xb6: {  	[dreg:$0x7] =	wrdreg $0x9  }
0xb7: {  	_ =	task.clear_ibuf [dreg:s10], $0x8FFFF;
	_ =	strace $0x90000046  }
0xb8: {  	s29 =	simm.s32 $0x9;
	_ =	strace $0x80000048  }
0xb9: {  	_ =	swait.ge [sflag:s29], $0x1  }
0xba: {  	[sflag:s29] =	ssyncadd.s32 $0xFFFFFFFF  }
0xbb: {  	_ =	strace $0x90000048  }
0xbc: {  	_ =	sfence  }
0xbd: {  	s30 =	sld [smem:$0x0];
	_ =	sdelay $0x2  }
0xbe: {  	s31 =	sshll.u32 s1, $0xD;
	s1 =	sshrl.u32 s1, $0x2  }
0xbf: {  	s3 =	sand.u32 $0x4000, s31;
	s1 =	sadd.s32 s1, s30  }
0xc0: {  	s0 =	sor.u32 s3, s0;
	s1 =	sshll.u32 s1, $0x11  }
0xc1: {  	s0 =	sor.u32 s1, s0  }
0xc2: {  	s0 =	sadd.s32 $0x8F2B, s0  }
0xc3: {  	[sflag:s0] =	ssyncadd.remote.s32 $0x1  }
0xc4: {  	_ =	sfence.sel $0xFFFF  }
0xc5: {  	[dreg:$0x0] =	wrdreg $0xFFFFFFFF;
	(pc) =	sbr.abs _section_cstart, $3  }
0xc6: {  	[dreg:$0x1] =	wrdreg $0xFFFFFFFF  }
0xc7: {  	_ =	task.clear_ibuf [dreg:s10], $0x2FFFF;
	_ =	strace $0x9FFFFFFF  }
0xc8: {  	(tm) =	ssettm $0x7FFFFFFF  }
0xc9: {  	_ =	shalt  }
tec
execute0_lowered:
.L_overlay_start_1:
0x0: {  	(tag) =	ssettag $0x1  }
0x1: {  	s0 =	rddreg [dreg:$0x0]  }
0x2: {  	s2 =	rddreg [dreg:$0x1];
	s4 =	srdreg.scid  }
0x3: {  	s3 =	rddreg [dreg:$0x2];
	s6 =	stileid.u32;
	s4 =	sand.u32 $0x1, s4  }
0x4: {  	s6 =	sshll.u32 s6, $0x7;
	s5 =	ssub.s32 $0x2, s4;
	s4 =	sshll.u32 s4, $0x6  }
0x5: {  	s1 =	simm.s32 $0x0;
	s23 =	rddreg [dreg:$0x3];
	s4 =	sor.u32 s4, s6  }
0x6: {  	[smem:$0x7FF] =	sst s1;
	s6 =	sadd.s32 s0, s4;
	s24 =	sor.u32 $0x8, s4  }
0x7: {  	[dreg:$0x6] =	wrdreg s6;
	s25 =	sadd.s32 s0, s24  }
0x8: {  	s26 =	sadd.s32 s2, s24;
	[dreg:$0x7] =	wrdreg s25  }
0x9: {  	s28 =	sor.u32 $0x10, s4;
	s6 =	sadd.s32 s3, s24;
	[dreg:$0x8] =	wrdreg s26  }
0xa: {  	s7 =	sshrl.u32 s5, $0x1;
	s9 =	sadd.s32 s0, s28;
	[dreg:$0x9] =	wrdreg s6  }
0xb: {  	s5 =	ssub.s32 s5, s7;
	s8 =	sadd.s32 s2, s28;
	[dreg:$0xa] =	wrdreg s9  }
0xc: {  	s10 =	sor.u32 $0x18, s4;
	s7 =	sadd.s32 s3, s28;
	[dreg:$0xb] =	wrdreg s8  }
0xd: {  	s11 =	sadd.s32 s0, s10;
	[dreg:$0xc] =	wrdreg s7  }
0xe: {  	s13 =	sor.u32 $0x20, s4;
	s12 =	sadd.s32 s2, s10;
	[dreg:$0xd] =	wrdreg s11  }
0xf: {  	s29 =	sadd.s32 $0x1E85000, s23;
	s14 =	sadd.s32 s0, s13;
	[dreg:$0xe] =	wrdreg s12  }
0x10: {  	s16 =	sor.u32 $0x28, s4;
	s15 =	sadd.s32 s2, s13;
	[dreg:$0x10] =	wrdreg s14  }
0x11: {  	s30 =	sadd.s32 $0x800, s23;
	s17 =	sadd.s32 s0, s16;
	[dreg:$0x11] =	wrdreg s15  }
0x12: {  	s18 =	sor.u32 $0x30, s4;
	s19 =	sadd.s32 s2, s16;
	[dreg:$0x13] =	wrdreg s17  }
0x13: {  	s31 =	sadd.s32 $0xF42C00, s23;
	s20 =	sadd.s32 s0, s18;
	[dreg:$0x14] =	wrdreg s19  }
0x14: {  	s22 =	sor.u32 $0x38, s4;
	s21 =	sadd.s32 s2, s18;
	[dreg:$0x16] =	wrdreg s20  }
0x15: {  	s0 =	sadd.s32 s0, s22;
	s24 =	sadd.s32 s2, s4;
	[dreg:$0x17] =	wrdreg s21  }
0x16: {  	s2 =	sadd.s32 s2, s22;
	s28 =	smax.u32 s5, $0x1;
	[dreg:$0x19] =	wrdreg s0  }
0x17: {  	s5 =	simm.s32 $0x40;
	s6 =	sadd.s32 s3, s10;
	[dreg:$0x1a] =	wrdreg s24  }
0x18: {  	s7 =	sadd.s32 s3, s16;
	[dreg:$0x1b] =	wrdreg s2;
	s25 =	sadd.s32 s3, s22  }
0x19: {  	s26 =	rddreg [dreg:$0x4];
	s22 =	sadd.s32 $0xF46C00, s23;
	s8 =	simm.s32 $0x4300  }
0x1a: {  	s9 =	simm.s32 $0x6300;
	s10 =	simm.s32 $0x8300;
	s11 =	simm.s32 $0xA300  }
0x1b: {  	s12 =	simm.s32 $0x80;
	s14 =	simm.s32 $0x280;
	s15 =	simm.s32 $0xC300  }
0x1c: {  	v0 =	vlaneseq.u32;
	s16 =	simm.s32 $0xE300;
	s17 =	simm.s32 $0x10300;
	s19 =	simm.s32 $0x14300  }
0x1d: {  	v1 =	vand.u32 $0x7, v0;
	v0 =	vmul.u32 $0x10, v0;
	s20 =	simm.s32 $0x16300;
	s21 =	simm.s32 $0x1;
	[dreg:$0xf] =	wrdreg s6  }
0x1e: {  	s23 =	simm.s32 $0x18300;
	s24 =	simm.s32 $0x2;
	[dreg:$0x15] =	wrdreg s7  }
0x1f: {  	v1 =	vmul.u32 $0x10, v1;
	v2 =	vor.u32 $0x1, v0;
	s6 =	sadd.s32 s3, s13;
	[dreg:$0x1c] =	wrdreg s25;
	s2 =	sadd.s32 s26, s4  }
0x20: {  	v3 =	vor.u32 $0x2, v0;
	v4 =	vor.u32 $0x3, v0;
	v5 =	vor.u32 $0x4, v0;
	s7 =	simm.s32 $0x2300;
	s13 =	simm.s32 $0x180;
	[dreg:$0x12] =	wrdreg s6  }
0x21: {  	v6 =	vor.u32 $0x5, v0;
	v7 =	vor.u32 $0x6, v0;
	v8 =	vor.u32 $0x7, v0;
	s25 =	simm.s32 $0x0;
	s6 =	sadd.s32 s3, s18;
	[dreg:$0x1e] =	wrdreg s2  }
0x22: {  	v9 =	vor.u32 $0x8, v0;
	v10 =	vor.u32 $0x9, v0;
	v11 =	vor.u32 $0xA, v0;
	s3 =	sadd.s32 s3, s4;
	s2 =	simm.s32 $0x3;
	[dreg:$0x18] =	wrdreg s6  }
0x23: {  	v12 =	vor.u32 $0xB, v0;
	v13 =	vor.u32 $0xC, v0;
	v14 =	vor.u32 $0xD, v0;
	s4 =	simm.s32 $0x200;
	s18 =	simm.s32 $0x12300;
	[dreg:$0x1d] =	wrdreg s3  }
0x24: {  	v15 =	vor.u32 $0xE, v0;
	v16 =	vor.u32 $0xF, v0;
	v1 =	vor.u32 $0xFFFFFF80, v1;
	s3 =	simm.s32 $0x100;
	_ =	strace $0x80000047;
	[dreg:$0x1f] =	wrdreg s28  }
.LBB2_1:
0x25: {  	s0 =	rddreg [dreg:$0x6]  }
0x26: {  	[tilespmem:s1], [sflag:$0x3] =	stream.linear.gather [hbm4b:s0+s1], $0x40, $0x38;
	[tilespmem:$0x18900] =	vst v63  }
0x27: {  	_ =	swait.ge [sflag:s2], $0x40  }
0x28: {  	[sflag:s2] =	ssyncset.done $0x0  }
0x29: {  	s26 =	rddreg [dreg:$0x1a];
	[sflag:s2] =	ssyncadd.s32 $0xFFFFFFC0  }
0x2a: {  	[tilespmem:s3], [sflag:$0x3] =	stream.linear.gather [hbm4b:s26+s1], $0x40, $0x38;
	[tilespmem:$0x18900] =	vst v63  }
0x2b: {  	_ =	swait.ge [sflag:s2], $0x40  }
0x2c: {  	[sflag:s2] =	ssyncset.done $0x0  }
0x2d: {  	s6 =	rddreg [dreg:$0x1d];
	[sflag:s2] =	ssyncadd.s32 $0xFFFFFFC0  }
0x2e: {  	[tilespmem:s4], [sflag:$0x3] =	stream.linear.gather [hbm4b:s6+s1], $0x40, $0x38;
	[tilespmem:$0x18900] =	vst v63  }
0x2f: {  	_ =	swait.ge [sflag:s2], $0x40  }
0x30: {  	[sflag:s2] =	ssyncset.done $0x0  }
0x31: {  	s26 =	simm.s32 $0x300;
	[sflag:s2] =	ssyncadd.s32 $0xFFFFFFC0  }
0x32: {  	[tilespmem:s26], [sflag:$0x1] =	stream.indirect.gather [hbm4b:s29+s5], $0x80, s1, s5, $0xb8;
	[tilespmem:$0x18900] =	vst v63  }
0x33: {  	_ = 	snop  }
0x34: {  	[tilespmem:s7], [sflag:$0x1] =	stream.indirect.gather [hbm4b:s30+s5], $0x80, s1, s5, $0xb8;
	[tilespmem:$0x18900] =	vst v63  }
0x35: {  	_ = 	snop  }
0x36: {  	[tilespmem:s8], [sflag:$0x1] =	stream.indirect.gather [hbm4b:s29+s5], $0x80, s4, s5, $0xb8;
	[tilespmem:$0x18900] =	vst v63  }
0x37: {  	_ = 	snop  }
0x38: {  	[tilespmem:s9], [sflag:$0x1] =	stream.indirect.gather [hbm4b:s30+s5], $0x80, s4, s5, $0xb8;
	[tilespmem:$0x18900] =	vst v63  }
0x39: {  	_ = 	snop  }
0x3a: {  	[tilespmem:s10], [sflag:$0x1] =	stream.indirect.gather [hbm4b:s31+s5], $0x80, s3, s5, $0xb8;
	[tilespmem:$0x18900] =	vst v63  }
0x3b: {  	_ = 	snop  }
0x3c: {  	[tilespmem:s11], [sflag:$0x1] =	stream.indirect.gather [hbm4b:s22+s5], $0x80, s3, s5, $0xb8;
	[tilespmem:$0x18900] =	vst v63  }
0x3d: {  	s6 =	rddreg [dreg:$0x7]  }
0x3e: {  	[tilespmem:s12], [sflag:$0x3] =	stream.linear.gather [hbm4b:s6+s1], $0x40, $0x38;
	[tilespmem:$0x18900] =	vst v63  }
0x3f: {  	_ =	swait.ge [sflag:s2], $0x40  }
0x40: {  	[sflag:s2] =	ssyncset.done $0x0  }
0x41: {  	s26 =	rddreg [dreg:$0x8];
	[sflag:s2] =	ssyncadd.s32 $0xFFFFFFC0  }
0x42: {  	[tilespmem:s13], [sflag:$0x3] =	stream.linear.gather [hbm4b:s26+s1], $0x40, $0x38;
	[tilespmem:$0x18900] =	vst v63  }
0x43: {  	_ =	swait.ge [sflag:s2], $0x40  }
0x44: {  	[sflag:s2] =	ssyncset.done $0x0  }
0x45: {  	s6 =	rddreg [dreg:$0x9];
	[sflag:s2] =	ssyncadd.s32 $0xFFFFFFC0  }
0x46: {  	[tilespmem:s14], [sflag:$0x3] =	stream.linear.gather [hbm4b:s6+s1], $0x40, $0x38;
	[tilespmem:$0x18900] =	vst v63  }
0x47: {  	_ =	swait.ge [sflag:s2], $0x40  }
0x48: {  	[sflag:s2] =	ssyncset.done $0x0  }
0x49: {  	[sflag:s2] =	ssyncadd.s32 $0xFFFFFFC0  }
0x4a: {  	[tilespmem:s15], [sflag:$0x2] =	stream.indirect.gather [hbm4b:s29+s5], $0x80, s12, s5, $0xb8;
	[tilespmem:$0x18900] =	vst v63  }
0x4b: {  	_ = 	snop  }
0x4c: {  	[tilespmem:s16], [sflag:$0x2] =	stream.indirect.gather [hbm4b:s30+s5], $0x80, s12, s5, $0xb8;
	[tilespmem:$0x18900] =	vst v63  }
0x4d: {  	_ = 	snop  }
0x4e: {  	[tilespmem:s17], [sflag:$0x2] =	stream.indirect.gather [hbm4b:s29+s5], $0x80, s14, s5, $0xb8;
	[tilespmem:$0x18900] =	vst v63  }
0x4f: {  	_ = 	snop  }
0x50: {  	[tilespmem:s18], [sflag:$0x2] =	stream.indirect.gather [hbm4b:s30+s5], $0x80, s14, s5, $0xb8;
	[tilespmem:$0x18900] =	vst v63  }
0x51: {  	_ = 	snop  }
0x52: {  	[tilespmem:s19], [sflag:$0x2] =	stream.indirect.gather [hbm4b:s31+s5], $0x80, s13, s5, $0xb8;
	[tilespmem:$0x18900] =	vst v63  }
0x53: {  	_ = 	snop  }
0x54: {  	[tilespmem:s20], [sflag:$0x2] =	stream.indirect.gather [hbm4b:s22+s5], $0x80, s13, s5, $0xb8;
	[tilespmem:$0x18900] =	vst v63  }
0x55: {  	_ =	swait.ge [sflag:s21], $0x2000  }
0x56: {  	[sflag:s21] =	ssyncset.done $0x0  }
0x57: {  	[sflag:s21] =	ssyncadd.s32 $0xFFFFE000  }
0x58: {  	_ =	swait.ge [sflag:s21], $0x2000  }
0x59: {  	[sflag:s21] =	ssyncset.done $0x0  }
0x5a: {  	[sflag:s21] =	ssyncadd.s32 $0xFFFFE000  }
0x5b: {  	_ =	swait.ge [sflag:s21], $0x2000  }
0x5c: {  	[sflag:s21] =	ssyncset.done $0x0  }
0x5d: {  	[sflag:s21] =	ssyncadd.s32 $0xFFFFE000  }
0x5e: {  	_ =	swait.ge [sflag:s21], $0x2000  }
0x5f: {  	[sflag:s21] =	ssyncset.done $0x0  }
0x60: {  	[sflag:s21] =	ssyncadd.s32 $0xFFFFE000  }
0x61: {  	_ =	swait.ge [sflag:s21], $0x2000  }
0x62: {  	[sflag:s21] =	ssyncset.done $0x0  }
0x63: {  	[sflag:s21] =	ssyncadd.s32 $0xFFFFE000  }
0x64: {  	_ =	swait.ge [sflag:s21], $0x2000  }
0x65: {  	[sflag:s21] =	ssyncset.done $0x0  }
0x66: {  	s26 =	simm.s32 $0x0;
	[sflag:s21] =	ssyncadd.s32 $0xFFFFE000  }
0x67: {  	v17 =	vld [tilespmem:s26+$0xA310]  }
0x68: {  	v18 =	vld [tilespmem:s26+$0x8310]  }
0x69: {  	v19 =	vld [tilespmem:s26+$0xA300]  }
0x6a: {  	v20 =	vld [tilespmem:s26+$0x8300]  }
0x6b: {  	v21 =	vld [tilespmem:s26+$0x4320]  }
0x6c: {  	v22 =	vld [tilespmem:s26+$0x4300]  }
0x6d: {  	v23 =	vld [tilespmem:s26+$0x300]  }
0x6e: {  	v24 =	vld [tilespmem:s26+$0x6300]  }
0x6f: {  	v25 =	vld [tilespmem:s26+$0x2300]  }
0x70: {  	v26 =	vld [tilespmem:s26+$0x4310]  }
0x71: {  	v27 =	vld [tilespmem:s26+$0x310]  }
0x72: {  	v28 =	vld [tilespmem:s26+$0x6310]  }
0x73: {  	v29 =	vld [tilespmem:s26+$0x2310]  }
0x74: {  	v32 =	vld [tilespmem:s26+$0x320];
	v30 =	vmul.f32 v22, v23;
	v31 =	vmul.f32 v24, v25  }
0x75: {  	v33 =	vld [tilespmem:s26+$0x6320]  }
0x76: {  	v23 =	vmul.f32 v24, v23;
	v22 =	vmul.f32 v22, v25;
	v24 =	vld [tilespmem:s26+$0x2320];
	v30 =	vsub.f32 v30, v31  }
0x77: {  	v60 =	vld [tilespmem:s26+$0x4330];
	v25 =	vmul.f32 v26, v27  }
0x78: {  	v61 =	vld [tilespmem:s26+$0x330];
	v22 =	vadd.f32 v23, v22;
	v23 =	vmul.f32 v28, v29;
	v20 =	vmul.f32 v30, v20  }
0x79: {  	v62 =	vld [tilespmem:s26+$0x6330];
	v27 =	vmul.f32 v28, v27;
	v26 =	vmul.f32 v26, v29  }
0x7a: {  	v19 =	vmul.f32 v22, v19;
	v22 =	vsub.f32 v25, v23;
	v23 =	vld [tilespmem:s26+$0x2330];
	v20 =	vadd.f32 $0.0e+00, v20  }
0x7b: {  	v63 =	vmul.f32 v21, v32;
	v25 =	vld [tilespmem:s26+$0x8320];
	v34 =	vmul.f32 v33, v24  }
0x7c: {  	v18 =	vmul.f32 v22, v18;
	v19 =	vadd.f32 v20, v19;
	v20 =	vadd.f32 v27, v26  }
0x7d: {  	v21 =	vmul.f32 v21, v24;
	v22 =	vld [tilespmem:s26+$0xA320];
	v26 =	vmul.f32 v33, v32  }
0x7e: {  	v18 =	vadd.f32 v18, v19;
	v17 =	vmul.f32 v20, v17;
	v19 =	vsub.f32 v63, v34  }
0x7f: {  	v24 =	vmul.f32 v60, v61;
	v27 =	vmul.f32 v62, v23;
	v20 =	vld [tilespmem:s26+$0x8330]  }
0x80: {  	v17 =	vadd.f32 v18, v17;
	v18 =	vadd.f32 v26, v21;
	v19 =	vmul.f32 v19, v25  }
0x81: {  	v23 =	vmul.f32 v60, v23;
	v21 =	vld [tilespmem:s26+$0xA330];
	v25 =	vmul.f32 v62, v61  }
0x82: {  	v17 =	vadd.f32 v19, v17;
	v18 =	vmul.f32 v18, v22;
	v19 =	vsub.f32 v24, v27;
	_ =	sdelay $0x1  }
0x83: {  	v17 =	vadd.f32 v17, v18;
	v18 =	vadd.f32 v25, v23;
	v19 =	vmul.f32 v19, v20;
	_ =	sdelay $0x1  }
0x84: {  	v17 =	vadd.f32 v19, v17;
	v18 =	vmul.f32 v18, v21;
	_ =	sdelay $0x1  }
0x85: {  	v17 =	vadd.f32 v17, v18;
	_ =	sdelay $0x1  }
0x86: {  	s28 =	simm.s32 $0x80;
	[tilespmem:s23+$0x0] =	vst v17  }
0x87: {  	v17 =	vld [tilespmem:s28+$0xA310]  }
0x88: {  	v18 =	vld [tilespmem:s28+$0x8310]  }
0x89: {  	v20 =	vld [tilespmem:s28+$0xA300]  }
0x8a: {  	v21 =	vld [tilespmem:s28+$0x8300]  }
0x8b: {  	v19 =	vld [tilespmem:s28+$0x4320]  }
0x8c: {  	v22 =	vld [tilespmem:s28+$0x4300]  }
0x8d: {  	v23 =	vld [tilespmem:s28+$0x300]  }
0x8e: {  	s0 =	simm.s32 $0x400;
	s26 =	simm.s32 $0x18300;
	v24 =	vld [tilespmem:s28+$0x6300]  }
.LBB2_2:
0x8f: {  	p0 =	sne.s32 s0, $0x7E00;
	v25 =	vld [tilespmem:s28+$0x2300]  }
0x90: {  	v26 =	vld [tilespmem:s28+$0x4310]  }
0x91: {  	v27 =	vld [tilespmem:s28+$0x310]  }
0x92: {  	v28 =	vld [tilespmem:s28+$0x6310]  }
0x93: {  	v29 =	vld [tilespmem:s28+$0x2310]  }
0x94: {  	v30 =	vmul.f32 v22, v23;
	v31 =	vmul.f32 v24, v25;
	v32 =	vld [tilespmem:s28+$0x320]  }
0x95: {  	v33 =	vld [tilespmem:s28+$0x6320]  }
0x96: {  	v23 =	vmul.f32 v24, v23;
	v22 =	vmul.f32 v22, v25;
	v30 =	vsub.f32 v30, v31;
	v24 =	vld [tilespmem:s28+$0x2320]  }
0x97: {  	v25 =	vmul.f32 v26, v27;
	v31 =	vld [tilespmem:s28+$0x4330]  }
0x98: {  	v22 =	vadd.f32 v23, v22;
	v21 =	vmul.f32 v30, v21;
	v23 =	vmul.f32 v28, v29;
	v30 =	vld [tilespmem:s28+$0x330]  }
0x99: {  	v27 =	vmul.f32 v28, v27;
	v26 =	vmul.f32 v26, v29;
	v28 =	vld [tilespmem:s28+$0x6330]  }
0x9a: {  	v20 =	vmul.f32 v22, v20;
	v21 =	vadd.f32 $0.0e+00, v21;
	v22 =	vsub.f32 v25, v23;
	v23 =	vld [tilespmem:s28+$0x2330]  }
0x9b: {  	v29 =	vmul.f32 v19, v32;
	v25 =	vld [tilespmem:s28+$0x8320];
	v34 =	vmul.f32 v33, v24  }
0x9c: {  	v20 =	vadd.f32 v21, v20;
	v21 =	vadd.f32 v27, v26;
	v18 =	vmul.f32 v22, v18  }
0x9d: {  	v19 =	vmul.f32 v19, v24;
	v26 =	vmul.f32 v33, v32;
	v22 =	vld [tilespmem:s28+$0xA320]  }
0x9e: {  	v18 =	vadd.f32 v18, v20;
	v17 =	vmul.f32 v21, v17;
	v20 =	vsub.f32 v29, v34  }
0x9f: {  	v24 =	vmul.f32 v31, v30;
	v21 =	vld [tilespmem:s28+$0x8330];
	v27 =	vmul.f32 v28, v23  }
0xa0: {  	v17 =	vadd.f32 v18, v17;
	v18 =	vadd.f32 v26, v19;
	v19 =	vmul.f32 v20, v25  }
0xa1: {  	v23 =	vmul.f32 v31, v23;
	v25 =	vmul.f32 v28, v30;
	v20 =	vld [tilespmem:s28+$0xA330]  }
0xa2: {  	v17 =	vadd.f32 v19, v17;
	v18 =	vmul.f32 v18, v22;
	v19 =	vsub.f32 v24, v27;
	_ =	sdelay $0x1  }
0xa3: {  	v17 =	vadd.f32 v17, v18;
	v18 =	vadd.f32 v25, v23;
	v19 =	vmul.f32 v19, v21;
	_ =	sdelay $0x1  }
0xa4: {  	v17 =	vadd.f32 v19, v17;
	v18 =	vmul.f32 v18, v20;
	_ =	sdelay $0x1  }
0xa5: {  	v17 =	vadd.f32 v17, v18  }
0xa6: {  	s26 =	sadd.s32 $0x10, s26  }
0xa7: {  	s28 =	sshra.s32 s0, $0x2;
	[tilespmem:s26+$0x0] =	vst v17  }
0xa8: {  	v17 =	vld [tilespmem:s28+$0xA310]  }
0xa9: {  	v18 =	vld [tilespmem:s28+$0x8310]  }
0xaa: {  	v20 =	vld [tilespmem:s28+$0xA300]  }
.Ltmp0:
0xab: {  	v21 =	vld [tilespmem:s28+$0x8300];
	(pc) =	sbr.rel @p0 .LBB2_2-.Ltmp0, $4  }
0xac: {  	v19 =	vld [tilespmem:s28+$0x4320]  }
0xad: {  	v22 =	vld [tilespmem:s28+$0x4300]  }
0xae: {  	v23 =	vld [tilespmem:s28+$0x300]  }
0xaf: {  	s0 =	sadd.s32 $0x200, s0;
	v24 =	vld [tilespmem:s28+$0x6300]  }
0xb0: {  	v25 =	vld [tilespmem:s28+$0x2300]  }
0xb1: {  	v26 =	vld [tilespmem:s28+$0x4310]  }
0xb2: {  	v27 =	vld [tilespmem:s28+$0x310]  }
0xb3: {  	v28 =	vld [tilespmem:s28+$0x6310]  }
0xb4: {  	v29 =	vld [tilespmem:s28+$0x2310]  }
0xb5: {  	v32 =	vld [tilespmem:s28+$0x320];
	v30 =	vmul.f32 v22, v23;
	v31 =	vmul.f32 v24, v25  }
0xb6: {  	v33 =	vld [tilespmem:s28+$0x6320]  }
0xb7: {  	v53 =	vld [tilespmem:s28+$0x2320];
	v23 =	vmul.f32 v24, v23;
	v22 =	vmul.f32 v22, v25;
	v30 =	vsub.f32 v30, v31  }
0xb8: {  	v55 =	vld [tilespmem:s28+$0x4330];
	v54 =	vmul.f32 v26, v27  }
0xb9: {  	v56 =	vld [tilespmem:s28+$0x330];
	v22 =	vadd.f32 v23, v22;
	v23 =	vmul.f32 v28, v29;
	v21 =	vmul.f32 v30, v21  }
0xba: {  	v57 =	vld [tilespmem:s28+$0x6330];
	v27 =	vmul.f32 v28, v27;
	v26 =	vmul.f32 v26, v29  }
0xbb: {  	v20 =	vmul.f32 v22, v20;
	v22 =	vsub.f32 v54, v23;
	v23 =	vld [tilespmem:s28+$0x2330];
	v21 =	vadd.f32 $0.0e+00, v21  }
0xbc: {  	v58 =	vld [tilespmem:s28+$0x8320];
	v59 =	vmul.f32 v19, v32;
	v34 =	vmul.f32 v33, v53  }
0xbd: {  	v18 =	vmul.f32 v22, v18;
	v20 =	vadd.f32 v21, v20;
	v21 =	vadd.f32 v27, v26  }
0xbe: {  	v60 =	vmul.f32 v33, v32;
	v19 =	vmul.f32 v19, v53;
	v22 =	vld [tilespmem:s28+$0xA320]  }
0xbf: {  	v18 =	vadd.f32 v18, v20;
	v17 =	vmul.f32 v21, v17;
	v20 =	vsub.f32 v59, v34  }
0xc0: {  	v61 =	vmul.f32 v55, v56;
	v62 =	vmul.f32 v57, v23;
	v21 =	vld [tilespmem:s28+$0x8330]  }
0xc1: {  	v17 =	vadd.f32 v18, v17;
	v18 =	vadd.f32 v60, v19;
	v19 =	vmul.f32 v20, v58  }
0xc2: {  	v63 =	vmul.f32 v57, v56;
	v23 =	vmul.f32 v55, v23;
	v20 =	vld [tilespmem:s28+$0xA330]  }
0xc3: {  	v17 =	vadd.f32 v19, v17;
	v18 =	vmul.f32 v18, v22;
	v19 =	vsub.f32 v61, v62;
	_ =	sdelay $0x1  }
0xc4: {  	s0 =	simm.s32 $0x0;
	v17 =	vadd.f32 v17, v18;
	v18 =	vadd.f32 v63, v23;
	v19 =	vmul.f32 v19, v21  }
0xc5: {  	v21 =	vor.u32 s0, v0  }
0xc6: {  	v17 =	vadd.f32 v19, v17;
	v18 =	vmul.f32 v18, v20;
	v19 =	vand.u32 v1, v21;
	_ =	sdelay $0x1  }
0xc7: {  	v17 =	vadd.f32 v17, v18;
	v18 =	vor.u32 s0, v2  }
0xc8: {  	s6 =	sadd.s32 $0x10, s26  }
0xc9: {  	[tilespmem:s6+$0x0] =	vst v17;
	v17 =	vor.u32 s0, v3  }
0xca: {  	v19 =	vld.idx.msk [tilespmem:v19+s23+$0x0], $0xffff  }
0xcb: {  	v20 =	vor.u32 s0, v4  }
0xcc: {  	v18 =	vld.idx.msk [tilespmem:v18+s23+$0x0], $0xffff  }
0xcd: {  	v21 =	vor.u32 s0, v5  }
0xce: {  	v17 =	vld.idx.msk [tilespmem:v17+s23+$0x0], $0xffff  }
0xcf: {  	v22 =	vor.u32 s0, v6;
	v19 =	vadd.f32 $0.0e+00, v19  }
0xd0: {  	v20 =	vld.idx.msk [tilespmem:v20+s23+$0x0], $0xffff  }
0xd1: {  	v23 =	vor.u32 s0, v7;
	v18 =	vadd.f32 v18, v19  }
0xd2: {  	v19 =	vld.idx.msk [tilespmem:v21+s23+$0x0], $0xffff  }
0xd3: {  	v21 =	vor.u32 s0, v8;
	v17 =	vadd.f32 v17, v18  }
0xd4: {  	v18 =	vld.idx.msk [tilespmem:v22+s23+$0x0], $0xffff  }
0xd5: {  	v22 =	vor.u32 s0, v9;
	v17 =	vadd.f32 v20, v17  }
0xd6: {  	v20 =	vld.idx.msk [tilespmem:v23+s23+$0x0], $0xffff  }
0xd7: {  	v23 =	vor.u32 s0, v10;
	v17 =	vadd.f32 v19, v17  }
0xd8: {  	v19 =	vld.idx.msk [tilespmem:v21+s23+$0x0], $0xffff  }
0xd9: {  	v21 =	vor.u32 s0, v11;
	v17 =	vadd.f32 v18, v17  }
0xda: {  	v18 =	vld.idx.msk [tilespmem:v22+s23+$0x0], $0xffff  }
0xdb: {  	v22 =	vor.u32 s0, v12;
	v17 =	vadd.f32 v20, v17  }
0xdc: {  	v20 =	vld.idx.msk [tilespmem:v23+s23+$0x0], $0xffff  }
0xdd: {  	v23 =	vor.u32 s0, v13;
	v17 =	vadd.f32 v19, v17  }
0xde: {  	v19 =	vld.idx.msk [tilespmem:v21+s23+$0x0], $0xffff  }
0xdf: {  	v21 =	vor.u32 s0, v14;
	v17 =	vadd.f32 v18, v17  }
0xe0: {  	v18 =	vld.idx.msk [tilespmem:v22+s23+$0x0], $0xffff  }
0xe1: {  	v22 =	vor.u32 s0, v15;
	v17 =	vadd.f32 v20, v17  }
0xe2: {  	v20 =	vld.idx.msk [tilespmem:v23+s23+$0x0], $0xffff  }
0xe3: {  	v17 =	vadd.f32 v19, v17  }
0xe4: {  	v23 =	vor.u32 s0, v16;
	v19 =	vld.idx.msk [tilespmem:v21+s23+$0x0], $0xffff  }
0xe5: {  	v17 =	vadd.f32 v18, v17  }
0xe6: {  	v18 =	vld.idx.msk [tilespmem:v22+s23+$0x0], $0xffff  }
0xe7: {  	v17 =	vadd.f32 v20, v17;
	_ =	sdelay $0x1  }
0xe8: {  	v20 =	vld.idx.msk [tilespmem:v23+s23+$0x0], $0xffff;
	v17 =	vadd.f32 v19, v17  }
0xe9: {  	s28 =	simm.s32 $0x100  }
0xea: {  	v21 =	vadd.f32 v18, v17;
	v18 =	vor.u32 s28, v0  }
0xeb: {  	v19 =	vand.u32 v1, v18;
	_ =	sdelay $0x1  }
0xec: {  	s26 =	simm.s32 $0x18700;
	s0 =	simm.s32 $0x200;
	v17 =	vor.u32 s28, v3;
	v18 =	vor.u32 s28, v2;
	v20 =	vadd.f32 v20, v21  }
.LBB2_4:
0xed: {  	p0 =	sne.s32 s0, $0x300  }
0xee: {  	v21 =	vor.u32 s0, v3;
	s6 =	smov.u32 s0;
	s0 =	sadd.s32 $0x100, s0;
	[tilespmem:s26+$0x0] =	vst v20;
	s26 =	sadd.s32 $0x10, s26  }
0xef: {  	v19 =	vld.idx.msk [tilespmem:v19+s23+$0x0], $0xffff  }
0xf0: {  	v20 =	vor.u32 s28, v4  }
0xf1: {  	v18 =	vld.idx.msk [tilespmem:v18+s23+$0x0], $0xffff  }
0xf2: {  	v22 =	vor.u32 s28, v5  }
0xf3: {  	v23 =	vld.idx.msk [tilespmem:v17+s23+$0x0], $0xffff;
	v17 =	vmov v21  }
0xf4: {  	v21 =	vor.u32 s28, v6  }
0xf5: {  	v19 =	vadd.f32 $0.0e+00, v19;
	v20 =	vld.idx.msk [tilespmem:v20+s23+$0x0], $0xffff  }
0xf6: {  	v24 =	vor.u32 s28, v7  }
0xf7: {  	v18 =	vadd.f32 v18, v19;
	v19 =	vld.idx.msk [tilespmem:v22+s23+$0x0], $0xffff  }
0xf8: {  	v22 =	vor.u32 s28, v8  }
0xf9: {  	v18 =	vadd.f32 v23, v18;
	v21 =	vld.idx.msk [tilespmem:v21+s23+$0x0], $0xffff  }
0xfa: {  	v23 =	vor.u32 s28, v9  }
0xfb: {  	v18 =	vadd.f32 v20, v18;
	v20 =	vld.idx.msk [tilespmem:v24+s23+$0x0], $0xffff  }
0xfc: {  	v24 =	vor.u32 s28, v10  }
0xfd: {  	v18 =	vadd.f32 v19, v18;
	v19 =	vld.idx.msk [tilespmem:v22+s23+$0x0], $0xffff  }
0xfe: {  	v22 =	vor.u32 s28, v11  }
0xff: {  	v18 =	vadd.f32 v21, v18;
	v21 =	vld.idx.msk [tilespmem:v23+s23+$0x0], $0xffff  }
0x100: {  	v23 =	vor.u32 s28, v12  }
0x101: {  	v18 =	vadd.f32 v20, v18;
	v20 =	vld.idx.msk [tilespmem:v24+s23+$0x0], $0xffff  }
0x102: {  	v24 =	vor.u32 s28, v13  }
0x103: {  	v18 =	vadd.f32 v19, v18;
	v19 =	vld.idx.msk [tilespmem:v22+s23+$0x0], $0xffff  }
0x104: {  	v22 =	vor.u32 s28, v14  }
0x105: {  	v18 =	vadd.f32 v21, v18;
	v21 =	vld.idx.msk [tilespmem:v23+s23+$0x0], $0xffff  }
0x106: {  	v23 =	vor.u32 s28, v15  }
0x107: {  	v18 =	vadd.f32 v20, v18;
	v20 =	vld.idx.msk [tilespmem:v24+s23+$0x0], $0xffff  }
0x108: {  	v24 =	vor.u32 s28, v16;
	s28 =	smov.u32 s6  }
0x109: {  	v18 =	vadd.f32 v19, v18;
	v19 =	vld.idx.msk [tilespmem:v22+s23+$0x0], $0xffff;
	_ =	sdelay $0x1  }
0x10a: {  	v18 =	vadd.f32 v21, v18;
	v21 =	vld.idx.msk [tilespmem:v23+s23+$0x0], $0xffff;
	_ =	sdelay $0x1  }
0x10b: {  	v18 =	vadd.f32 v20, v18;
	v20 =	vld.idx.msk [tilespmem:v24+s23+$0x0], $0xffff;
	_ =	sdelay $0x1  }
.Ltmp1:
0x10c: {  	v18 =	vadd.f32 v19, v18;
	(pc) =	sbr.rel @p0 .LBB2_4-.Ltmp1, $3  }
0x10d: {  	v19 =	vor.u32 s28, v0  }
0x10e: {  	v19 =	vand.u32 v1, v19;
	v21 =	vadd.f32 v21, v18;
	_ =	sdelay $0x1  }
0x10f: {  	v18 =	vor.u32 s28, v2;
	v20 =	vadd.f32 v20, v21  }
0x110: {  	_ =	sdelay $0x2  }
0x111: {  	[tilespmem:s26+$0x0] =	vst v20  }
0x112: {  	v19 =	vld.idx.msk [tilespmem:v19+s23+$0x0], $0xffff  }
0x113: {  	v20 =	vor.u32 s28, v4  }
0x114: {  	v18 =	vld.idx.msk [tilespmem:v18+s23+$0x0], $0xffff  }
0x115: {  	v21 =	vor.u32 s28, v5  }
0x116: {  	v17 =	vld.idx.msk [tilespmem:v17+s23+$0x0], $0xffff  }
0x117: {  	v22 =	vor.u32 s28, v6;
	v19 =	vadd.f32 $0.0e+00, v19  }
0x118: {  	v20 =	vld.idx.msk [tilespmem:v20+s23+$0x0], $0xffff  }
0x119: {  	v23 =	vor.u32 s28, v7;
	v18 =	vadd.f32 v18, v19  }
0x11a: {  	v19 =	vld.idx.msk [tilespmem:v21+s23+$0x0], $0xffff  }
0x11b: {  	v21 =	vor.u32 s28, v8;
	v17 =	vadd.f32 v17, v18  }
0x11c: {  	v18 =	vld.idx.msk [tilespmem:v22+s23+$0x0], $0xffff  }
0x11d: {  	v22 =	vor.u32 s28, v9;
	v17 =	vadd.f32 v20, v17  }
0x11e: {  	v20 =	vld.idx.msk [tilespmem:v23+s23+$0x0], $0xffff  }
0x11f: {  	v23 =	vor.u32 s28, v10;
	v17 =	vadd.f32 v19, v17  }
0x120: {  	v19 =	vld.idx.msk [tilespmem:v21+s23+$0x0], $0xffff  }
0x121: {  	v21 =	vor.u32 s28, v11;
	v17 =	vadd.f32 v18, v17  }
0x122: {  	v18 =	vld.idx.msk [tilespmem:v22+s23+$0x0], $0xffff  }
0x123: {  	v22 =	vor.u32 s28, v12;
	v17 =	vadd.f32 v20, v17  }
0x124: {  	v20 =	vld.idx.msk [tilespmem:v23+s23+$0x0], $0xffff  }
0x125: {  	v23 =	vor.u32 s28, v13;
	v17 =	vadd.f32 v19, v17  }
0x126: {  	v19 =	vld.idx.msk [tilespmem:v21+s23+$0x0], $0xffff  }
0x127: {  	v21 =	vor.u32 s28, v14;
	v17 =	vadd.f32 v18, v17  }
0x128: {  	v18 =	vld.idx.msk [tilespmem:v22+s23+$0x0], $0xffff  }
0x129: {  	v22 =	vor.u32 s28, v15;
	v17 =	vadd.f32 v20, v17  }
0x12a: {  	v20 =	vld.idx.msk [tilespmem:v23+s23+$0x0], $0xffff  }
0x12b: {  	v23 =	vor.u32 s28, v16;
	v17 =	vadd.f32 v19, v17  }
0x12c: {  	v19 =	vld.idx.msk [tilespmem:v21+s23+$0x0], $0xffff  }
0x12d: {  	v17 =	vadd.f32 v18, v17  }
0x12e: {  	v18 =	vld.idx.msk [tilespmem:v22+s23+$0x0], $0xffff  }
0x12f: {  	v17 =	vadd.f32 v20, v17  }
0x130: {  	v20 =	vld.idx.msk [tilespmem:v23+s23+$0x0], $0xffff  }
0x131: {  	v17 =	vadd.f32 v19, v17;
	_ =	sdelay $0x1  }
0x132: {  	v17 =	vadd.f32 v18, v17;
	_ =	sdelay $0x1  }
0x133: {  	v17 =	vadd.f32 v20, v17  }
0x134: {  	s0 =	sadd.s32 $0x10, s26  }
0x135: {  	s6 =	rddreg [dreg:$0xa];
	s26 =	simm.s32 $0x0;
	[tilespmem:s0+$0x0] =	vst v17  }
0x136: {  	[tilespmem:s26], [sflag:$0x3] =	stream.linear.gather [hbm4b:s6+s26], $0x40, $0x38;
	[tilespmem:$0x18900] =	vst v63  }
0x137: {  	_ =	swait.ge [sflag:s2], $0x40  }
0x138: {  	[sflag:s2] =	ssyncset.done $0x0  }
0x139: {  	s6 =	rddreg [dreg:$0xb];
	[sflag:s2] =	ssyncadd.s32 $0xFFFFFFC0  }
0x13a: {  	[tilespmem:s3], [sflag:$0x3] =	stream.linear.gather [hbm4b:s6+s26], $0x40, $0x38;
	[tilespmem:$0x18900] =	vst v63  }
0x13b: {  	_ =	swait.ge [sflag:s2], $0x40  }
0x13c: {  	[sflag:s2] =	ssyncset.done $0x0  }
0x13d: {  	s6 =	rddreg [dreg:$0xc];
	[sflag:s2] =	ssyncadd.s32 $0xFFFFFFC0  }
0x13e: {  	[tilespmem:s4], [sflag:$0x3] =	stream.linear.gather [hbm4b:s6+s26], $0x40, $0x38;
	[tilespmem:$0x18900] =	vst v63  }
0x13f: {  	_ =	swait.ge [sflag:s2], $0x40  }
0x140: {  	[sflag:s2] =	ssyncset.done $0x0  }
0x141: {  	s6 =	simm.s32 $0x300;
	[sflag:s2] =	ssyncadd.s32 $0xFFFFFFC0  }
0x142: {  	[tilespmem:s6], [sflag:$0x1] =	stream.indirect.gather [hbm4b:s29+s5], $0x80, s26, s5, $0xb8;
	[tilespmem:$0x18900] =	vst v63  }
0x143: {  	_ = 	snop  }
0x144: {  	[tilespmem:s7], [sflag:$0x1] =	stream.indirect.gather [hbm4b:s30+s5], $0x80, s26, s5, $0xb8;
	[tilespmem:$0x18900] =	vst v63  }
0x145: {  	_ = 	snop  }
0x146: {  	[tilespmem:s8], [sflag:$0x1] =	stream.indirect.gather [hbm4b:s29+s5], $0x80, s4, s5, $0xb8;
	[tilespmem:$0x18900] =	vst v63  }
0x147: {  	_ = 	snop  }
0x148: {  	[tilespmem:s9], [sflag:$0x1] =	stream.indirect.gather [hbm4b:s30+s5], $0x80, s4, s5, $0xb8;
	[tilespmem:$0x18900] =	vst v63  }
0x149: {  	_ = 	snop  }
0x14a: {  	[tilespmem:s10], [sflag:$0x1] =	stream.indirect.gather [hbm4b:s31+s5], $0x80, s3, s5, $0xb8;
	[tilespmem:$0x18900] =	vst v63  }
0x14b: {  	_ = 	snop  }
0x14c: {  	[tilespmem:s11], [sflag:$0x1] =	stream.indirect.gather [hbm4b:s22+s5], $0x80, s3, s5, $0xb8;
	[tilespmem:$0x18900] =	vst v63  }
0x14d: {  	_ =	swait.ge [sflag:s24], $0x2000  }
0x14e: {  	[sflag:s24] =	ssyncset.done $0x0  }
0x14f: {  	[sflag:s24] =	ssyncadd.s32 $0xFFFFE000  }
0x150: {  	_ =	swait.ge [sflag:s24], $0x2000  }
0x151: {  	[sflag:s24] =	ssyncset.done $0x0  }
0x152: {  	[sflag:s24] =	ssyncadd.s32 $0xFFFFE000  }
0x153: {  	_ =	swait.ge [sflag:s24], $0x2000  }
0x154: {  	[sflag:s24] =	ssyncset.done $0x0  }
0x155: {  	[sflag:s24] =	ssyncadd.s32 $0xFFFFE000  }
0x156: {  	_ =	swait.ge [sflag:s24], $0x2000  }
0x157: {  	[sflag:s24] =	ssyncset.done $0x0  }
0x158: {  	[sflag:s24] =	ssyncadd.s32 $0xFFFFE000  }
0x159: {  	_ =	swait.ge [sflag:s24], $0x2000  }
0x15a: {  	[sflag:s24] =	ssyncset.done $0x0  }
0x15b: {  	[sflag:s24] =	ssyncadd.s32 $0xFFFFE000  }
0x15c: {  	_ =	swait.ge [sflag:s24], $0x2000  }
0x15d: {  	[sflag:s24] =	ssyncset.done $0x0  }
0x15e: {  	s6 =	simm.s32 $0x0;
	[sflag:s24] =	ssyncadd.s32 $0xFFFFE000  }
0x15f: {  	v17 =	vld [tilespmem:s6+$0x16310]  }
0x160: {  	v18 =	vld [tilespmem:s6+$0x14310]  }
0x161: {  	v19 =	vld [tilespmem:s6+$0x16300]  }
0x162: {  	v20 =	vld [tilespmem:s6+$0x14300]  }
0x163: {  	v21 =	vld [tilespmem:s6+$0x10320]  }
0x164: {  	v22 =	vld [tilespmem:s6+$0x10300]  }
0x165: {  	v23 =	vld [tilespmem:s6+$0xC300]  }
0x166: {  	v24 =	vld [tilespmem:s6+$0x12300]  }
0x167: {  	v25 =	vld [tilespmem:s6+$0xE300]  }
0x168: {  	v26 =	vld [tilespmem:s6+$0x10310]  }
0x169: {  	v27 =	vld [tilespmem:s6+$0xC310]  }
0x16a: {  	v28 =	vld [tilespmem:s6+$0x12310]  }
0x16b: {  	v29 =	vld [tilespmem:s6+$0xE310]  }
0x16c: {  	v32 =	vld [tilespmem:s6+$0xC320];
	v30 =	vmul.f32 v22, v23;
	v31 =	vmul.f32 v24, v25  }
0x16d: {  	v33 =	vld [tilespmem:s6+$0x12320]  }
0x16e: {  	v23 =	vmul.f32 v24, v23;
	v22 =	vmul.f32 v22, v25;
	v24 =	vld [tilespmem:s6+$0xE320];
	v30 =	vsub.f32 v30, v31  }
0x16f: {  	v60 =	vld [tilespmem:s6+$0x10330];
	v25 =	vmul.f32 v26, v27  }
0x170: {  	v61 =	vld [tilespmem:s6+$0xC330];
	v22 =	vadd.f32 v23, v22;
	v23 =	vmul.f32 v28, v29;
	v20 =	vmul.f32 v30, v20  }
0x171: {  	v62 =	vld [tilespmem:s6+$0x12330];
	v27 =	vmul.f32 v28, v27;
	v26 =	vmul.f32 v26, v29  }
0x172: {  	v19 =	vmul.f32 v22, v19;
	v22 =	vsub.f32 v25, v23;
	v23 =	vld [tilespmem:s6+$0xE330];
	v20 =	vadd.f32 $0.0e+00, v20  }
0x173: {  	v63 =	vmul.f32 v21, v32;
	v25 =	vld [tilespmem:s6+$0x14320];
	v34 =	vmul.f32 v33, v24  }
0x174: {  	v18 =	vmul.f32 v22, v18;
	v19 =	vadd.f32 v20, v19;
	v20 =	vadd.f32 v27, v26  }
0x175: {  	v21 =	vmul.f32 v21, v24;
	v22 =	vld [tilespmem:s6+$0x16320];
	v26 =	vmul.f32 v33, v32  }
0x176: {  	v18 =	vadd.f32 v18, v19;
	v17 =	vmul.f32 v20, v17;
	v19 =	vsub.f32 v63, v34  }
0x177: {  	v24 =	vmul.f32 v60, v61;
	v27 =	vmul.f32 v62, v23;
	v20 =	vld [tilespmem:s6+$0x14330]  }
0x178: {  	v17 =	vadd.f32 v18, v17;
	v18 =	vadd.f32 v26, v21;
	v19 =	vmul.f32 v19, v25  }
0x179: {  	v23 =	vmul.f32 v60, v23;
	v21 =	vld [tilespmem:s6+$0x16330];
	v25 =	vmul.f32 v62, v61  }
0x17a: {  	v17 =	vadd.f32 v19, v17;
	v18 =	vmul.f32 v18, v22;
	v19 =	vsub.f32 v24, v27;
	_ =	sdelay $0x1  }
0x17b: {  	v17 =	vadd.f32 v17, v18;
	v18 =	vadd.f32 v25, v23;
	v19 =	vmul.f32 v19, v20;
	_ =	sdelay $0x1  }
0x17c: {  	v17 =	vadd.f32 v19, v17;
	v18 =	vmul.f32 v18, v21;
	_ =	sdelay $0x1  }
0x17d: {  	v17 =	vadd.f32 v17, v18  }
0x17e: {  	s28 =	simm.s32 $0x18300  }
0x17f: {  	s0 =	simm.s32 $0x80;
	[tilespmem:s28+$0x0] =	vst v17  }
0x180: {  	v17 =	vld [tilespmem:s0+$0x16310]  }
0x181: {  	v18 =	vld [tilespmem:s0+$0x14310]  }
0x182: {  	v20 =	vld [tilespmem:s0+$0x16300]  }
0x183: {  	v21 =	vld [tilespmem:s0+$0x14300]  }
0x184: {  	v19 =	vld [tilespmem:s0+$0x10320]  }
0x185: {  	v22 =	vld [tilespmem:s0+$0x10300]  }
0x186: {  	v23 =	vld [tilespmem:s0+$0xC300]  }
0x187: {  	s6 =	simm.s32 $0x400;
	v24 =	vld [tilespmem:s0+$0x12300]  }
.LBB2_6:
0x188: {  	p0 =	sne.s32 s6, $0x7E00;
	v25 =	vld [tilespmem:s0+$0xE300]  }
0x189: {  	v26 =	vld [tilespmem:s0+$0x10310]  }
0x18a: {  	v27 =	vld [tilespmem:s0+$0xC310]  }
0x18b: {  	v28 =	vld [tilespmem:s0+$0x12310]  }
0x18c: {  	v29 =	vld [tilespmem:s0+$0xE310]  }
0x18d: {  	v30 =	vmul.f32 v22, v23;
	v31 =	vmul.f32 v24, v25;
	v32 =	vld [tilespmem:s0+$0xC320]  }
0x18e: {  	v33 =	vld [tilespmem:s0+$0x12320]  }
0x18f: {  	v23 =	vmul.f32 v24, v23;
	v22 =	vmul.f32 v22, v25;
	v30 =	vsub.f32 v30, v31;
	v24 =	vld [tilespmem:s0+$0xE320]  }
0x190: {  	v25 =	vmul.f32 v26, v27;
	v31 =	vld [tilespmem:s0+$0x10330]  }
0x191: {  	v22 =	vadd.f32 v23, v22;
	v21 =	vmul.f32 v30, v21;
	v23 =	vmul.f32 v28, v29;
	v30 =	vld [tilespmem:s0+$0xC330]  }
0x192: {  	v27 =	vmul.f32 v28, v27;
	v26 =	vmul.f32 v26, v29;
	v28 =	vld [tilespmem:s0+$0x12330]  }
0x193: {  	v20 =	vmul.f32 v22, v20;
	v21 =	vadd.f32 $0.0e+00, v21;
	v22 =	vsub.f32 v25, v23;
	v23 =	vld [tilespmem:s0+$0xE330]  }
0x194: {  	v29 =	vmul.f32 v19, v32;
	v25 =	vld [tilespmem:s0+$0x14320];
	v34 =	vmul.f32 v33, v24  }
0x195: {  	v20 =	vadd.f32 v21, v20;
	v21 =	vadd.f32 v27, v26;
	v18 =	vmul.f32 v22, v18  }
0x196: {  	v19 =	vmul.f32 v19, v24;
	v26 =	vmul.f32 v33, v32;
	v22 =	vld [tilespmem:s0+$0x16320]  }
0x197: {  	v18 =	vadd.f32 v18, v20;
	v17 =	vmul.f32 v21, v17;
	v20 =	vsub.f32 v29, v34  }
0x198: {  	v24 =	vmul.f32 v31, v30;
	v21 =	vld [tilespmem:s0+$0x14330];
	v27 =	vmul.f32 v28, v23  }
0x199: {  	v17 =	vadd.f32 v18, v17;
	v18 =	vadd.f32 v26, v19;
	v19 =	vmul.f32 v20, v25  }
0x19a: {  	v23 =	vmul.f32 v31, v23;
	v25 =	vmul.f32 v28, v30;
	v20 =	vld [tilespmem:s0+$0x16330]  }
0x19b: {  	v17 =	vadd.f32 v19, v17;
	v18 =	vmul.f32 v18, v22;
	v19 =	vsub.f32 v24, v27;
	_ =	sdelay $0x1  }
0x19c: {  	v17 =	vadd.f32 v17, v18;
	v18 =	vadd.f32 v25, v23;
	v19 =	vmul.f32 v19, v21;
	_ =	sdelay $0x1  }
0x19d: {  	v17 =	vadd.f32 v19, v17;
	v18 =	vmul.f32 v18, v20;
	_ =	sdelay $0x1  }
0x19e: {  	v17 =	vadd.f32 v17, v18  }
0x19f: {  	s28 =	sadd.s32 $0x10, s28  }
0x1a0: {  	s0 =	sshra.s32 s6, $0x2;
	[tilespmem:s28+$0x0] =	vst v17  }
0x1a1: {  	v17 =	vld [tilespmem:s0+$0x16310]  }
0x1a2: {  	v18 =	vld [tilespmem:s0+$0x14310]  }
0x1a3: {  	v20 =	vld [tilespmem:s0+$0x16300]  }
.Ltmp2:
0x1a4: {  	v21 =	vld [tilespmem:s0+$0x14300];
	(pc) =	sbr.rel @p0 .LBB2_6-.Ltmp2, $4  }
0x1a5: {  	v19 =	vld [tilespmem:s0+$0x10320]  }
0x1a6: {  	v22 =	vld [tilespmem:s0+$0x10300]  }
0x1a7: {  	v23 =	vld [tilespmem:s0+$0xC300]  }
0x1a8: {  	s6 =	sadd.s32 $0x200, s6;
	v24 =	vld [tilespmem:s0+$0x12300]  }
0x1a9: {  	v25 =	vld [tilespmem:s0+$0xE300]  }
0x1aa: {  	v26 =	vld [tilespmem:s0+$0x10310]  }
0x1ab: {  	v27 =	vld [tilespmem:s0+$0xC310]  }
0x1ac: {  	v28 =	vld [tilespmem:s0+$0x12310]  }
0x1ad: {  	v29 =	vld [tilespmem:s0+$0xE310]  }
0x1ae: {  	v32 =	vld [tilespmem:s0+$0xC320];
	v30 =	vmul.f32 v22, v23;
	v31 =	vmul.f32 v24, v25  }
0x1af: {  	v33 =	vld [tilespmem:s0+$0x12320]  }
0x1b0: {  	v53 =	vld [tilespmem:s0+$0xE320];
	v23 =	vmul.f32 v24, v23;
	v22 =	vmul.f32 v22, v25;
	v30 =	vsub.f32 v30, v31  }
0x1b1: {  	v55 =	vld [tilespmem:s0+$0x10330];
	v54 =	vmul.f32 v26, v27  }
0x1b2: {  	v56 =	vld [tilespmem:s0+$0xC330];
	v22 =	vadd.f32 v23, v22;
	v23 =	vmul.f32 v28, v29;
	v21 =	vmul.f32 v30, v21  }
0x1b3: {  	v57 =	vld [tilespmem:s0+$0x12330];
	v27 =	vmul.f32 v28, v27;
	v26 =	vmul.f32 v26, v29  }
0x1b4: {  	v20 =	vmul.f32 v22, v20;
	v22 =	vsub.f32 v54, v23;
	v23 =	vld [tilespmem:s0+$0xE330];
	v21 =	vadd.f32 $0.0e+00, v21  }
0x1b5: {  	v58 =	vld [tilespmem:s0+$0x14320];
	v59 =	vmul.f32 v19, v32;
	v34 =	vmul.f32 v33, v53  }
0x1b6: {  	v18 =	vmul.f32 v22, v18;
	v20 =	vadd.f32 v21, v20;
	v21 =	vadd.f32 v27, v26  }
0x1b7: {  	v60 =	vmul.f32 v33, v32;
	v19 =	vmul.f32 v19, v53;
	v22 =	vld [tilespmem:s0+$0x16320]  }
0x1b8: {  	v18 =	vadd.f32 v18, v20;
	v17 =	vmul.f32 v21, v17;
	v20 =	vsub.f32 v59, v34  }
0x1b9: {  	v61 =	vmul.f32 v55, v56;
	v62 =	vmul.f32 v57, v23;
	v21 =	vld [tilespmem:s0+$0x14330]  }
0x1ba: {  	v17 =	vadd.f32 v18, v17;
	v18 =	vadd.f32 v60, v19;
	v19 =	vmul.f32 v20, v58  }
0x1bb: {  	v63 =	vmul.f32 v57, v56;
	v23 =	vmul.f32 v55, v23;
	v20 =	vld [tilespmem:s0+$0x16330]  }
0x1bc: {  	v17 =	vadd.f32 v19, v17;
	v18 =	vmul.f32 v18, v22;
	v19 =	vsub.f32 v61, v62;
	_ =	sdelay $0x1  }
0x1bd: {  	v17 =	vadd.f32 v17, v18;
	v18 =	vadd.f32 v63, v23;
	v19 =	vmul.f32 v19, v21  }
0x1be: {  	v21 =	vor.u32 s26, v0  }
0x1bf: {  	v17 =	vadd.f32 v19, v17;
	v18 =	vmul.f32 v18, v20;
	v19 =	vand.u32 v1, v21;
	_ =	sdelay $0x1  }
0x1c0: {  	v17 =	vadd.f32 v17, v18;
	v18 =	vor.u32 s26, v2  }
0x1c1: {  	s6 =	sadd.s32 $0x10, s28  }
0x1c2: {  	[tilespmem:s6+$0x0] =	vst v17;
	v17 =	vor.u32 s26, v3  }
0x1c3: {  	v19 =	vld.idx.msk [tilespmem:v19+s23+$0x0], $0xffff  }
0x1c4: {  	v20 =	vor.u32 s26, v4  }
0x1c5: {  	v18 =	vld.idx.msk [tilespmem:v18+s23+$0x0], $0xffff  }
0x1c6: {  	v21 =	vor.u32 s26, v5  }
0x1c7: {  	v17 =	vld.idx.msk [tilespmem:v17+s23+$0x0], $0xffff  }
0x1c8: {  	v22 =	vor.u32 s26, v6;
	v19 =	vadd.f32 $0.0e+00, v19  }
0x1c9: {  	v20 =	vld.idx.msk [tilespmem:v20+s23+$0x0], $0xffff  }
0x1ca: {  	v23 =	vor.u32 s26, v7;
	v18 =	vadd.f32 v18, v19  }
0x1cb: {  	v19 =	vld.idx.msk [tilespmem:v21+s23+$0x0], $0xffff  }
0x1cc: {  	v21 =	vor.u32 s26, v8;
	v17 =	vadd.f32 v17, v18  }
0x1cd: {  	v18 =	vld.idx.msk [tilespmem:v22+s23+$0x0], $0xffff  }
0x1ce: {  	v22 =	vor.u32 s26, v9;
	v17 =	vadd.f32 v20, v17  }
0x1cf: {  	v20 =	vld.idx.msk [tilespmem:v23+s23+$0x0], $0xffff  }
0x1d0: {  	v23 =	vor.u32 s26, v10;
	v17 =	vadd.f32 v19, v17  }
0x1d1: {  	v19 =	vld.idx.msk [tilespmem:v21+s23+$0x0], $0xffff  }
0x1d2: {  	v21 =	vor.u32 s26, v11;
	v17 =	vadd.f32 v18, v17  }
0x1d3: {  	v18 =	vld.idx.msk [tilespmem:v22+s23+$0x0], $0xffff  }
0x1d4: {  	v22 =	vor.u32 s26, v12;
	v17 =	vadd.f32 v20, v17  }
0x1d5: {  	v20 =	vld.idx.msk [tilespmem:v23+s23+$0x0], $0xffff  }
0x1d6: {  	v23 =	vor.u32 s26, v13;
	v17 =	vadd.f32 v19, v17  }
0x1d7: {  	v19 =	vld.idx.msk [tilespmem:v21+s23+$0x0], $0xffff  }
0x1d8: {  	v21 =	vor.u32 s26, v14;
	v17 =	vadd.f32 v18, v17  }
0x1d9: {  	v18 =	vld.idx.msk [tilespmem:v22+s23+$0x0], $0xffff  }
0x1da: {  	v22 =	vor.u32 s26, v15;
	v17 =	vadd.f32 v20, v17  }
0x1db: {  	v20 =	vld.idx.msk [tilespmem:v23+s23+$0x0], $0xffff  }
0x1dc: {  	v17 =	vadd.f32 v19, v17  }
0x1dd: {  	v23 =	vor.u32 s26, v16;
	v19 =	vld.idx.msk [tilespmem:v21+s23+$0x0], $0xffff  }
0x1de: {  	v17 =	vadd.f32 v18, v17  }
0x1df: {  	v18 =	vld.idx.msk [tilespmem:v22+s23+$0x0], $0xffff  }
0x1e0: {  	v17 =	vadd.f32 v20, v17;
	_ =	sdelay $0x1  }
0x1e1: {  	v20 =	vld.idx.msk [tilespmem:v23+s23+$0x0], $0xffff;
	v17 =	vadd.f32 v19, v17  }
0x1e2: {  	s28 =	simm.s32 $0x100  }
0x1e3: {  	v21 =	vadd.f32 v18, v17;
	v18 =	vor.u32 s28, v0  }
0x1e4: {  	v19 =	vand.u32 v1, v18;
	_ =	sdelay $0x1  }
0x1e5: {  	s0 =	simm.s32 $0x200;
	s26 =	simm.s32 $0x18740;
	v17 =	vor.u32 s28, v3;
	v18 =	vor.u32 s28, v2;
	v20 =	vadd.f32 v20, v21  }
.LBB2_8:
0x1e6: {  	p0 =	sne.s32 s0, $0x300  }
0x1e7: {  	v21 =	vor.u32 s0, v3;
	s6 =	smov.u32 s0;
	s0 =	sadd.s32 $0x100, s0;
	[tilespmem:s26+$0x0] =	vst v20;
	s26 =	sadd.s32 $0x10, s26  }
0x1e8: {  	v19 =	vld.idx.msk [tilespmem:v19+s23+$0x0], $0xffff  }
0x1e9: {  	v20 =	vor.u32 s28, v4  }
0x1ea: {  	v18 =	vld.idx.msk [tilespmem:v18+s23+$0x0], $0xffff  }
0x1eb: {  	v22 =	vor.u32 s28, v5  }
0x1ec: {  	v23 =	vld.idx.msk [tilespmem:v17+s23+$0x0], $0xffff;
	v17 =	vmov v21  }
0x1ed: {  	v21 =	vor.u32 s28, v6  }
0x1ee: {  	v19 =	vadd.f32 $0.0e+00, v19;
	v20 =	vld.idx.msk [tilespmem:v20+s23+$0x0], $0xffff  }
0x1ef: {  	v24 =	vor.u32 s28, v7  }
0x1f0: {  	v18 =	vadd.f32 v18, v19;
	v19 =	vld.idx.msk [tilespmem:v22+s23+$0x0], $0xffff  }
0x1f1: {  	v22 =	vor.u32 s28, v8  }
0x1f2: {  	v18 =	vadd.f32 v23, v18;
	v21 =	vld.idx.msk [tilespmem:v21+s23+$0x0], $0xffff  }
0x1f3: {  	v23 =	vor.u32 s28, v9  }
0x1f4: {  	v18 =	vadd.f32 v20, v18;
	v20 =	vld.idx.msk [tilespmem:v24+s23+$0x0], $0xffff  }
0x1f5: {  	v24 =	vor.u32 s28, v10  }
0x1f6: {  	v18 =	vadd.f32 v19, v18;
	v19 =	vld.idx.msk [tilespmem:v22+s23+$0x0], $0xffff  }
0x1f7: {  	v22 =	vor.u32 s28, v11  }
0x1f8: {  	v18 =	vadd.f32 v21, v18;
	v21 =	vld.idx.msk [tilespmem:v23+s23+$0x0], $0xffff  }
0x1f9: {  	v23 =	vor.u32 s28, v12  }
0x1fa: {  	v18 =	vadd.f32 v20, v18;
	v20 =	vld.idx.msk [tilespmem:v24+s23+$0x0], $0xffff  }
0x1fb: {  	v24 =	vor.u32 s28, v13  }
0x1fc: {  	v18 =	vadd.f32 v19, v18;
	v19 =	vld.idx.msk [tilespmem:v22+s23+$0x0], $0xffff  }
0x1fd: {  	v22 =	vor.u32 s28, v14  }
0x1fe: {  	v18 =	vadd.f32 v21, v18;
	v21 =	vld.idx.msk [tilespmem:v23+s23+$0x0], $0xffff  }
0x1ff: {  	v23 =	vor.u32 s28, v15  }
0x200: {  	v18 =	vadd.f32 v20, v18;
	v20 =	vld.idx.msk [tilespmem:v24+s23+$0x0], $0xffff  }
0x201: {  	v24 =	vor.u32 s28, v16;
	s28 =	smov.u32 s6  }
0x202: {  	v18 =	vadd.f32 v19, v18;
	v19 =	vld.idx.msk [tilespmem:v22+s23+$0x0], $0xffff;
	_ =	sdelay $0x1  }
0x203: {  	v18 =	vadd.f32 v21, v18;
	v21 =	vld.idx.msk [tilespmem:v23+s23+$0x0], $0xffff;
	_ =	sdelay $0x1  }
0x204: {  	v18 =	vadd.f32 v20, v18;
	v20 =	vld.idx.msk [tilespmem:v24+s23+$0x0], $0xffff;
	_ =	sdelay $0x1  }
.Ltmp3:
0x205: {  	v18 =	vadd.f32 v19, v18;
	(pc) =	sbr.rel @p0 .LBB2_8-.Ltmp3, $3  }
0x206: {  	v19 =	vor.u32 s28, v0  }
0x207: {  	v19 =	vand.u32 v1, v19;
	v21 =	vadd.f32 v21, v18;
	_ =	sdelay $0x1  }
0x208: {  	v18 =	vor.u32 s28, v2;
	v20 =	vadd.f32 v20, v21  }
0x209: {  	_ =	sdelay $0x2  }
0x20a: {  	[tilespmem:s26+$0x0] =	vst v20  }
0x20b: {  	v19 =	vld.idx.msk [tilespmem:v19+s23+$0x0], $0xffff  }
0x20c: {  	v20 =	vor.u32 s28, v4  }
0x20d: {  	v18 =	vld.idx.msk [tilespmem:v18+s23+$0x0], $0xffff  }
0x20e: {  	v21 =	vor.u32 s28, v5  }
0x20f: {  	v17 =	vld.idx.msk [tilespmem:v17+s23+$0x0], $0xffff  }
0x210: {  	v22 =	vor.u32 s28, v6;
	v19 =	vadd.f32 $0.0e+00, v19  }
0x211: {  	v20 =	vld.idx.msk [tilespmem:v20+s23+$0x0], $0xffff  }
0x212: {  	v23 =	vor.u32 s28, v7;
	v18 =	vadd.f32 v18, v19  }
0x213: {  	v19 =	vld.idx.msk [tilespmem:v21+s23+$0x0], $0xffff  }
0x214: {  	v21 =	vor.u32 s28, v8;
	v17 =	vadd.f32 v17, v18  }
0x215: {  	v18 =	vld.idx.msk [tilespmem:v22+s23+$0x0], $0xffff  }
0x216: {  	v22 =	vor.u32 s28, v9;
	v17 =	vadd.f32 v20, v17  }
0x217: {  	v20 =	vld.idx.msk [tilespmem:v23+s23+$0x0], $0xffff  }
0x218: {  	v23 =	vor.u32 s28, v10;
	v17 =	vadd.f32 v19, v17  }
0x219: {  	v19 =	vld.idx.msk [tilespmem:v21+s23+$0x0], $0xffff  }
0x21a: {  	v21 =	vor.u32 s28, v11;
	v17 =	vadd.f32 v18, v17  }
0x21b: {  	v18 =	vld.idx.msk [tilespmem:v22+s23+$0x0], $0xffff  }
0x21c: {  	v22 =	vor.u32 s28, v12;
	v17 =	vadd.f32 v20, v17  }
0x21d: {  	v20 =	vld.idx.msk [tilespmem:v23+s23+$0x0], $0xffff  }
0x21e: {  	v23 =	vor.u32 s28, v13;
	v17 =	vadd.f32 v19, v17  }
0x21f: {  	v19 =	vld.idx.msk [tilespmem:v21+s23+$0x0], $0xffff  }
0x220: {  	v21 =	vor.u32 s28, v14;
	v17 =	vadd.f32 v18, v17  }
0x221: {  	v18 =	vld.idx.msk [tilespmem:v22+s23+$0x0], $0xffff  }
0x222: {  	v22 =	vor.u32 s28, v15;
	v17 =	vadd.f32 v20, v17  }
0x223: {  	v20 =	vld.idx.msk [tilespmem:v23+s23+$0x0], $0xffff  }
0x224: {  	v23 =	vor.u32 s28, v16;
	v17 =	vadd.f32 v19, v17  }
0x225: {  	v19 =	vld.idx.msk [tilespmem:v21+s23+$0x0], $0xffff  }
0x226: {  	v17 =	vadd.f32 v18, v17  }
0x227: {  	v18 =	vld.idx.msk [tilespmem:v22+s23+$0x0], $0xffff  }
0x228: {  	v17 =	vadd.f32 v20, v17  }
0x229: {  	v20 =	vld.idx.msk [tilespmem:v23+s23+$0x0], $0xffff  }
0x22a: {  	v17 =	vadd.f32 v19, v17;
	_ =	sdelay $0x1  }
0x22b: {  	v17 =	vadd.f32 v18, v17;
	_ =	sdelay $0x1  }
0x22c: {  	v17 =	vadd.f32 v20, v17  }
0x22d: {  	s0 =	sadd.s32 $0x10, s26  }
0x22e: {  	s6 =	rddreg [dreg:$0xd];
	s26 =	simm.s32 $0x0;
	[tilespmem:s0+$0x0] =	vst v17  }
0x22f: {  	[tilespmem:s12], [sflag:$0x3] =	stream.linear.gather [hbm4b:s6+s26], $0x40, $0x38;
	[tilespmem:$0x18900] =	vst v63  }
0x230: {  	_ =	swait.ge [sflag:s2], $0x40  }
0x231: {  	[sflag:s2] =	ssyncset.done $0x0  }
0x232: {  	s6 =	rddreg [dreg:$0xe];
	[sflag:s2] =	ssyncadd.s32 $0xFFFFFFC0  }
0x233: {  	[tilespmem:s13], [sflag:$0x3] =	stream.linear.gather [hbm4b:s6+s26], $0x40, $0x38;
	[tilespmem:$0x18900] =	vst v63  }
0x234: {  	_ =	swait.ge [sflag:s2], $0x40  }
0x235: {  	[sflag:s2] =	ssyncset.done $0x0  }
0x236: {  	s6 =	rddreg [dreg:$0xf];
	[sflag:s2] =	ssyncadd.s32 $0xFFFFFFC0  }
0x237: {  	[tilespmem:s14], [sflag:$0x3] =	stream.linear.gather [hbm4b:s6+s26], $0x40, $0x38;
	[tilespmem:$0x18900] =	vst v63  }
0x238: {  	_ =	swait.ge [sflag:s2], $0x40  }
0x239: {  	[sflag:s2] =	ssyncset.done $0x0  }
0x23a: {  	[sflag:s2] =	ssyncadd.s32 $0xFFFFFFC0  }
0x23b: {  	[tilespmem:s15], [sflag:$0x2] =	stream.indirect.gather [hbm4b:s29+s5], $0x80, s12, s5, $0xb8;
	[tilespmem:$0x18900] =	vst v63  }
0x23c: {  	_ = 	snop  }
0x23d: {  	[tilespmem:s16], [sflag:$0x2] =	stream.indirect.gather [hbm4b:s30+s5], $0x80, s12, s5, $0xb8;
	[tilespmem:$0x18900] =	vst v63  }
0x23e: {  	_ = 	snop  }
0x23f: {  	[tilespmem:s17], [sflag:$0x2] =	stream.indirect.gather [hbm4b:s29+s5], $0x80, s14, s5, $0xb8;
	[tilespmem:$0x18900] =	vst v63  }
0x240: {  	_ = 	snop  }
0x241: {  	[tilespmem:s18], [sflag:$0x2] =	stream.indirect.gather [hbm4b:s30+s5], $0x80, s14, s5, $0xb8;
	[tilespmem:$0x18900] =	vst v63  }
0x242: {  	_ = 	snop  }
0x243: {  	[tilespmem:s19], [sflag:$0x2] =	stream.indirect.gather [hbm4b:s31+s5], $0x80, s13, s5, $0xb8;
	[tilespmem:$0x18900] =	vst v63  }
0x244: {  	_ = 	snop  }
0x245: {  	[tilespmem:s20], [sflag:$0x2] =	stream.indirect.gather [hbm4b:s22+s5], $0x80, s13, s5, $0xb8;
	[tilespmem:$0x18900] =	vst v63  }
0x246: {  	_ =	swait.ge [sflag:s21], $0x2000  }
0x247: {  	[sflag:s21] =	ssyncset.done $0x0  }
0x248: {  	[sflag:s21] =	ssyncadd.s32 $0xFFFFE000  }
0x249: {  	_ =	swait.ge [sflag:s21], $0x2000  }
0x24a: {  	[sflag:s21] =	ssyncset.done $0x0  }
0x24b: {  	[sflag:s21] =	ssyncadd.s32 $0xFFFFE000  }
0x24c: {  	_ =	swait.ge [sflag:s21], $0x2000  }
0x24d: {  	[sflag:s21] =	ssyncset.done $0x0  }
0x24e: {  	[sflag:s21] =	ssyncadd.s32 $0xFFFFE000  }
0x24f: {  	_ =	swait.ge [sflag:s21], $0x2000  }
0x250: {  	[sflag:s21] =	ssyncset.done $0x0  }
0x251: {  	[sflag:s21] =	ssyncadd.s32 $0xFFFFE000  }
0x252: {  	_ =	swait.ge [sflag:s21], $0x2000  }
0x253: {  	[sflag:s21] =	ssyncset.done $0x0  }
0x254: {  	[sflag:s21] =	ssyncadd.s32 $0xFFFFE000  }
0x255: {  	_ =	swait.ge [sflag:s21], $0x2000  }
0x256: {  	[sflag:s21] =	ssyncset.done $0x0  }
0x257: {  	s6 =	simm.s32 $0x0;
	[sflag:s21] =	ssyncadd.s32 $0xFFFFE000  }
0x258: {  	v17 =	vld [tilespmem:s6+$0xA310]  }
0x259: {  	v18 =	vld [tilespmem:s6+$0x8310]  }
0x25a: {  	v19 =	vld [tilespmem:s6+$0xA300]  }
0x25b: {  	v20 =	vld [tilespmem:s6+$0x8300]  }
0x25c: {  	v21 =	vld [tilespmem:s6+$0x4320]  }
0x25d: {  	v22 =	vld [tilespmem:s6+$0x4300]  }
0x25e: {  	v23 =	vld [tilespmem:s6+$0x300]  }
0x25f: {  	v24 =	vld [tilespmem:s6+$0x6300]  }
0x260: {  	v25 =	vld [tilespmem:s6+$0x2300]  }
0x261: {  	v26 =	vld [tilespmem:s6+$0x4310]  }
0x262: {  	v27 =	vld [tilespmem:s6+$0x310]  }
0x263: {  	v28 =	vld [tilespmem:s6+$0x6310]  }
0x264: {  	v29 =	vld [tilespmem:s6+$0x2310]  }
0x265: {  	v32 =	vld [tilespmem:s6+$0x320];
	v30 =	vmul.f32 v22, v23;
	v31 =	vmul.f32 v24, v25  }
0x266: {  	v33 =	vld [tilespmem:s6+$0x6320]  }
0x267: {  	v23 =	vmul.f32 v24, v23;
	v22 =	vmul.f32 v22, v25;
	v24 =	vld [tilespmem:s6+$0x2320];
	v30 =	vsub.f32 v30, v31  }
0x268: {  	v60 =	vld [tilespmem:s6+$0x4330];
	v25 =	vmul.f32 v26, v27  }
0x269: {  	v61 =	vld [tilespmem:s6+$0x330];
	v22 =	vadd.f32 v23, v22;
	v23 =	vmul.f32 v28, v29;
	v20 =	vmul.f32 v30, v20  }
0x26a: {  	v62 =	vld [tilespmem:s6+$0x6330];
	v27 =	vmul.f32 v28, v27;
	v26 =	vmul.f32 v26, v29  }
0x26b: {  	v19 =	vmul.f32 v22, v19;
	v22 =	vsub.f32 v25, v23;
	v23 =	vld [tilespmem:s6+$0x2330];
	v20 =	vadd.f32 $0.0e+00, v20  }
0x26c: {  	v63 =	vmul.f32 v21, v32;
	v25 =	vld [tilespmem:s6+$0x8320];
	v34 =	vmul.f32 v33, v24  }
0x26d: {  	v18 =	vmul.f32 v22, v18;
	v19 =	vadd.f32 v20, v19;
	v20 =	vadd.f32 v27, v26  }
0x26e: {  	v21 =	vmul.f32 v21, v24;
	v22 =	vld [tilespmem:s6+$0xA320];
	v26 =	vmul.f32 v33, v32  }
0x26f: {  	v18 =	vadd.f32 v18, v19;
	v17 =	vmul.f32 v20, v17;
	v19 =	vsub.f32 v63, v34  }
0x270: {  	v24 =	vmul.f32 v60, v61;
	v27 =	vmul.f32 v62, v23;
	v20 =	vld [tilespmem:s6+$0x8330]  }
0x271: {  	v17 =	vadd.f32 v18, v17;
	v18 =	vadd.f32 v26, v21;
	v19 =	vmul.f32 v19, v25  }
0x272: {  	v23 =	vmul.f32 v60, v23;
	v21 =	vld [tilespmem:s6+$0xA330];
	v25 =	vmul.f32 v62, v61  }
0x273: {  	v17 =	vadd.f32 v19, v17;
	v18 =	vmul.f32 v18, v22;
	v19 =	vsub.f32 v24, v27;
	_ =	sdelay $0x1  }
0x274: {  	v17 =	vadd.f32 v17, v18;
	v18 =	vadd.f32 v25, v23;
	v19 =	vmul.f32 v19, v20;
	_ =	sdelay $0x1  }
0x275: {  	v17 =	vadd.f32 v19, v17;
	v18 =	vmul.f32 v18, v21;
	_ =	sdelay $0x1  }
0x276: {  	v17 =	vadd.f32 v17, v18  }
0x277: {  	s28 =	simm.s32 $0x18300  }
0x278: {  	s0 =	simm.s32 $0x80;
	[tilespmem:s28+$0x0] =	vst v17  }
0x279: {  	v17 =	vld [tilespmem:s0+$0xA310]  }
0x27a: {  	v18 =	vld [tilespmem:s0+$0x8310]  }
0x27b: {  	v20 =	vld [tilespmem:s0+$0xA300]  }
0x27c: {  	v21 =	vld [tilespmem:s0+$0x8300]  }
0x27d: {  	v19 =	vld [tilespmem:s0+$0x4320]  }
0x27e: {  	v22 =	vld [tilespmem:s0+$0x4300]  }
0x27f: {  	v23 =	vld [tilespmem:s0+$0x300]  }
0x280: {  	s6 =	simm.s32 $0x400;
	v24 =	vld [tilespmem:s0+$0x6300]  }
.LBB2_10:
0x281: {  	p0 =	sne.s32 s6, $0x7E00;
	v25 =	vld [tilespmem:s0+$0x2300]  }
0x282: {  	v26 =	vld [tilespmem:s0+$0x4310]  }
0x283: {  	v27 =	vld [tilespmem:s0+$0x310]  }
0x284: {  	v28 =	vld [tilespmem:s0+$0x6310]  }
0x285: {  	v29 =	vld [tilespmem:s0+$0x2310]  }
0x286: {  	v30 =	vmul.f32 v22, v23;
	v31 =	vmul.f32 v24, v25;
	v32 =	vld [tilespmem:s0+$0x320]  }
0x287: {  	v33 =	vld [tilespmem:s0+$0x6320]  }
0x288: {  	v23 =	vmul.f32 v24, v23;
	v22 =	vmul.f32 v22, v25;
	v30 =	vsub.f32 v30, v31;
	v24 =	vld [tilespmem:s0+$0x2320]  }
0x289: {  	v25 =	vmul.f32 v26, v27;
	v31 =	vld [tilespmem:s0+$0x4330]  }
0x28a: {  	v22 =	vadd.f32 v23, v22;
	v21 =	vmul.f32 v30, v21;
	v23 =	vmul.f32 v28, v29;
	v30 =	vld [tilespmem:s0+$0x330]  }
0x28b: {  	v27 =	vmul.f32 v28, v27;
	v26 =	vmul.f32 v26, v29;
	v28 =	vld [tilespmem:s0+$0x6330]  }
0x28c: {  	v20 =	vmul.f32 v22, v20;
	v21 =	vadd.f32 $0.0e+00, v21;
	v22 =	vsub.f32 v25, v23;
	v23 =	vld [tilespmem:s0+$0x2330]  }
0x28d: {  	v29 =	vmul.f32 v19, v32;
	v25 =	vld [tilespmem:s0+$0x8320];
	v34 =	vmul.f32 v33, v24  }
0x28e: {  	v20 =	vadd.f32 v21, v20;
	v21 =	vadd.f32 v27, v26;
	v18 =	vmul.f32 v22, v18  }
0x28f: {  	v19 =	vmul.f32 v19, v24;
	v26 =	vmul.f32 v33, v32;
	v22 =	vld [tilespmem:s0+$0xA320]  }
0x290: {  	v18 =	vadd.f32 v18, v20;
	v17 =	vmul.f32 v21, v17;
	v20 =	vsub.f32 v29, v34  }
0x291: {  	v24 =	vmul.f32 v31, v30;
	v21 =	vld [tilespmem:s0+$0x8330];
	v27 =	vmul.f32 v28, v23  }
0x292: {  	v17 =	vadd.f32 v18, v17;
	v18 =	vadd.f32 v26, v19;
	v19 =	vmul.f32 v20, v25  }
0x293: {  	v23 =	vmul.f32 v31, v23;
	v25 =	vmul.f32 v28, v30;
	v20 =	vld [tilespmem:s0+$0xA330]  }
0x294: {  	v17 =	vadd.f32 v19, v17;
	v18 =	vmul.f32 v18, v22;
	v19 =	vsub.f32 v24, v27;
	_ =	sdelay $0x1  }
0x295: {  	v17 =	vadd.f32 v17, v18;
	v18 =	vadd.f32 v25, v23;
	v19 =	vmul.f32 v19, v21;
	_ =	sdelay $0x1  }
0x296: {  	v17 =	vadd.f32 v19, v17;
	v18 =	vmul.f32 v18, v20;
	_ =	sdelay $0x1  }
0x297: {  	v17 =	vadd.f32 v17, v18  }
0x298: {  	s28 =	sadd.s32 $0x10, s28  }
0x299: {  	s0 =	sshra.s32 s6, $0x2;
	[tilespmem:s28+$0x0] =	vst v17  }
0x29a: {  	v17 =	vld [tilespmem:s0+$0xA310]  }
0x29b: {  	v18 =	vld [tilespmem:s0+$0x8310]  }
0x29c: {  	v20 =	vld [tilespmem:s0+$0xA300]  }
.Ltmp4:
0x29d: {  	v21 =	vld [tilespmem:s0+$0x8300];
	(pc) =	sbr.rel @p0 .LBB2_10-.Ltmp4, $4  }
0x29e: {  	v19 =	vld [tilespmem:s0+$0x4320]  }
0x29f: {  	v22 =	vld [tilespmem:s0+$0x4300]  }
0x2a0: {  	v23 =	vld [tilespmem:s0+$0x300]  }
0x2a1: {  	s6 =	sadd.s32 $0x200, s6;
	v24 =	vld [tilespmem:s0+$0x6300]  }
0x2a2: {  	v25 =	vld [tilespmem:s0+$0x2300]  }
0x2a3: {  	v26 =	vld [tilespmem:s0+$0x4310]  }
0x2a4: {  	v27 =	vld [tilespmem:s0+$0x310]  }
0x2a5: {  	v28 =	vld [tilespmem:s0+$0x6310]  }
0x2a6: {  	v29 =	vld [tilespmem:s0+$0x2310]  }
0x2a7: {  	v32 =	vld [tilespmem:s0+$0x320];
	v30 =	vmul.f32 v22, v23;
	v31 =	vmul.f32 v24, v25  }
0x2a8: {  	v33 =	vld [tilespmem:s0+$0x6320]  }
0x2a9: {  	v53 =	vld [tilespmem:s0+$0x2320];
	v23 =	vmul.f32 v24, v23;
	v22 =	vmul.f32 v22, v25;
	v30 =	vsub.f32 v30, v31  }
0x2aa: {  	v55 =	vld [tilespmem:s0+$0x4330];
	v54 =	vmul.f32 v26, v27  }
0x2ab: {  	v56 =	vld [tilespmem:s0+$0x330];
	v22 =	vadd.f32 v23, v22;
	v23 =	vmul.f32 v28, v29;
	v21 =	vmul.f32 v30, v21  }
0x2ac: {  	v57 =	vld [tilespmem:s0+$0x6330];
	v27 =	vmul.f32 v28, v27;
	v26 =	vmul.f32 v26, v29  }
0x2ad: {  	v20 =	vmul.f32 v22, v20;
	v22 =	vsub.f32 v54, v23;
	v23 =	vld [tilespmem:s0+$0x2330];
	v21 =	vadd.f32 $0.0e+00, v21  }
0x2ae: {  	v58 =	vld [tilespmem:s0+$0x8320];
	v59 =	vmul.f32 v19, v32;
	v34 =	vmul.f32 v33, v53  }
0x2af: {  	v18 =	vmul.f32 v22, v18;
	v20 =	vadd.f32 v21, v20;
	v21 =	vadd.f32 v27, v26  }
0x2b0: {  	v60 =	vmul.f32 v33, v32;
	v19 =	vmul.f32 v19, v53;
	v22 =	vld [tilespmem:s0+$0xA320]  }
0x2b1: {  	v18 =	vadd.f32 v18, v20;
	v17 =	vmul.f32 v21, v17;
	v20 =	vsub.f32 v59, v34  }
0x2b2: {  	v61 =	vmul.f32 v55, v56;
	v62 =	vmul.f32 v57, v23;
	v21 =	vld [tilespmem:s0+$0x8330]  }
0x2b3: {  	v17 =	vadd.f32 v18, v17;
	v18 =	vadd.f32 v60, v19;
	v19 =	vmul.f32 v20, v58  }
0x2b4: {  	v63 =	vmul.f32 v57, v56;
	v23 =	vmul.f32 v55, v23;
	v20 =	vld [tilespmem:s0+$0xA330]  }
0x2b5: {  	v17 =	vadd.f32 v19, v17;
	v18 =	vmul.f32 v18, v22;
	v19 =	vsub.f32 v61, v62;
	_ =	sdelay $0x1  }
0x2b6: {  	v17 =	vadd.f32 v17, v18;
	v18 =	vadd.f32 v63, v23;
	v19 =	vmul.f32 v19, v21  }
0x2b7: {  	v21 =	vor.u32 s26, v0  }
0x2b8: {  	v17 =	vadd.f32 v19, v17;
	v18 =	vmul.f32 v18, v20;
	v19 =	vand.u32 v1, v21;
	_ =	sdelay $0x1  }
0x2b9: {  	v17 =	vadd.f32 v17, v18;
	v18 =	vor.u32 s26, v2  }
0x2ba: {  	s6 =	sadd.s32 $0x10, s28  }
0x2bb: {  	[tilespmem:s6+$0x0] =	vst v17;
	v17 =	vor.u32 s26, v3  }
0x2bc: {  	v19 =	vld.idx.msk [tilespmem:v19+s23+$0x0], $0xffff  }
0x2bd: {  	v20 =	vor.u32 s26, v4  }
0x2be: {  	v18 =	vld.idx.msk [tilespmem:v18+s23+$0x0], $0xffff  }
0x2bf: {  	v21 =	vor.u32 s26, v5  }
0x2c0: {  	v17 =	vld.idx.msk [tilespmem:v17+s23+$0x0], $0xffff  }
0x2c1: {  	v22 =	vor.u32 s26, v6;
	v19 =	vadd.f32 $0.0e+00, v19  }
0x2c2: {  	v20 =	vld.idx.msk [tilespmem:v20+s23+$0x0], $0xffff  }
0x2c3: {  	v23 =	vor.u32 s26, v7;
	v18 =	vadd.f32 v18, v19  }
0x2c4: {  	v19 =	vld.idx.msk [tilespmem:v21+s23+$0x0], $0xffff  }
0x2c5: {  	v21 =	vor.u32 s26, v8;
	v17 =	vadd.f32 v17, v18  }
0x2c6: {  	v18 =	vld.idx.msk [tilespmem:v22+s23+$0x0], $0xffff  }
0x2c7: {  	v22 =	vor.u32 s26, v9;
	v17 =	vadd.f32 v20, v17  }
0x2c8: {  	v20 =	vld.idx.msk [tilespmem:v23+s23+$0x0], $0xffff  }
0x2c9: {  	v23 =	vor.u32 s26, v10;
	v17 =	vadd.f32 v19, v17  }
0x2ca: {  	v19 =	vld.idx.msk [tilespmem:v21+s23+$0x0], $0xffff  }
0x2cb: {  	v21 =	vor.u32 s26, v11;
	v17 =	vadd.f32 v18, v17  }
0x2cc: {  	v18 =	vld.idx.msk [tilespmem:v22+s23+$0x0], $0xffff  }
0x2cd: {  	v22 =	vor.u32 s26, v12;
	v17 =	vadd.f32 v20, v17  }
0x2ce: {  	v20 =	vld.idx.msk [tilespmem:v23+s23+$0x0], $0xffff  }
0x2cf: {  	v23 =	vor.u32 s26, v13;
	v17 =	vadd.f32 v19, v17  }
0x2d0: {  	v19 =	vld.idx.msk [tilespmem:v21+s23+$0x0], $0xffff  }
0x2d1: {  	v21 =	vor.u32 s26, v14;
	v17 =	vadd.f32 v18, v17  }
0x2d2: {  	v18 =	vld.idx.msk [tilespmem:v22+s23+$0x0], $0xffff  }
0x2d3: {  	v22 =	vor.u32 s26, v15;
	v17 =	vadd.f32 v20, v17  }
0x2d4: {  	v20 =	vld.idx.msk [tilespmem:v23+s23+$0x0], $0xffff  }
0x2d5: {  	v17 =	vadd.f32 v19, v17  }
0x2d6: {  	v23 =	vor.u32 s26, v16;
	v19 =	vld.idx.msk [tilespmem:v21+s23+$0x0], $0xffff  }
0x2d7: {  	v17 =	vadd.f32 v18, v17  }
0x2d8: {  	v18 =	vld.idx.msk [tilespmem:v22+s23+$0x0], $0xffff  }
0x2d9: {  	v17 =	vadd.f32 v20, v17;
	_ =	sdelay $0x1  }
0x2da: {  	v20 =	vld.idx.msk [tilespmem:v23+s23+$0x0], $0xffff;
	v17 =	vadd.f32 v19, v17  }
0x2db: {  	s28 =	simm.s32 $0x100  }
0x2dc: {  	v21 =	vadd.f32 v18, v17;
	v18 =	vor.u32 s28, v0  }
0x2dd: {  	v19 =	vand.u32 v1, v18;
	_ =	sdelay $0x1  }
0x2de: {  	s0 =	simm.s32 $0x200;
	s26 =	simm.s32 $0x18780;
	v17 =	vor.u32 s28, v3;
	v18 =	vor.u32 s28, v2;
	v20 =	vadd.f32 v20, v21  }
.LBB2_12:
0x2df: {  	p0 =	sne.s32 s0, $0x300  }
0x2e0: {  	v21 =	vor.u32 s0, v3;
	s6 =	smov.u32 s0;
	s0 =	sadd.s32 $0x100, s0;
	[tilespmem:s26+$0x0] =	vst v20;
	s26 =	sadd.s32 $0x10, s26  }
0x2e1: {  	v19 =	vld.idx.msk [tilespmem:v19+s23+$0x0], $0xffff  }
0x2e2: {  	v20 =	vor.u32 s28, v4  }
0x2e3: {  	v18 =	vld.idx.msk [tilespmem:v18+s23+$0x0], $0xffff  }
0x2e4: {  	v22 =	vor.u32 s28, v5  }
0x2e5: {  	v23 =	vld.idx.msk [tilespmem:v17+s23+$0x0], $0xffff;
	v17 =	vmov v21  }
0x2e6: {  	v21 =	vor.u32 s28, v6  }
0x2e7: {  	v19 =	vadd.f32 $0.0e+00, v19;
	v20 =	vld.idx.msk [tilespmem:v20+s23+$0x0], $0xffff  }
0x2e8: {  	v24 =	vor.u32 s28, v7  }
0x2e9: {  	v18 =	vadd.f32 v18, v19;
	v19 =	vld.idx.msk [tilespmem:v22+s23+$0x0], $0xffff  }
0x2ea: {  	v22 =	vor.u32 s28, v8  }
0x2eb: {  	v18 =	vadd.f32 v23, v18;
	v21 =	vld.idx.msk [tilespmem:v21+s23+$0x0], $0xffff  }
0x2ec: {  	v23 =	vor.u32 s28, v9  }
0x2ed: {  	v18 =	vadd.f32 v20, v18;
	v20 =	vld.idx.msk [tilespmem:v24+s23+$0x0], $0xffff  }
0x2ee: {  	v24 =	vor.u32 s28, v10  }
0x2ef: {  	v18 =	vadd.f32 v19, v18;
	v19 =	vld.idx.msk [tilespmem:v22+s23+$0x0], $0xffff  }
0x2f0: {  	v22 =	vor.u32 s28, v11  }
0x2f1: {  	v18 =	vadd.f32 v21, v18;
	v21 =	vld.idx.msk [tilespmem:v23+s23+$0x0], $0xffff  }
0x2f2: {  	v23 =	vor.u32 s28, v12  }
0x2f3: {  	v18 =	vadd.f32 v20, v18;
	v20 =	vld.idx.msk [tilespmem:v24+s23+$0x0], $0xffff  }
0x2f4: {  	v24 =	vor.u32 s28, v13  }
0x2f5: {  	v18 =	vadd.f32 v19, v18;
	v19 =	vld.idx.msk [tilespmem:v22+s23+$0x0], $0xffff  }
0x2f6: {  	v22 =	vor.u32 s28, v14  }
0x2f7: {  	v18 =	vadd.f32 v21, v18;
	v21 =	vld.idx.msk [tilespmem:v23+s23+$0x0], $0xffff  }
0x2f8: {  	v23 =	vor.u32 s28, v15  }
0x2f9: {  	v18 =	vadd.f32 v20, v18;
	v20 =	vld.idx.msk [tilespmem:v24+s23+$0x0], $0xffff  }
0x2fa: {  	v24 =	vor.u32 s28, v16;
	s28 =	smov.u32 s6  }
0x2fb: {  	v18 =	vadd.f32 v19, v18;
	v19 =	vld.idx.msk [tilespmem:v22+s23+$0x0], $0xffff;
	_ =	sdelay $0x1  }
0x2fc: {  	v18 =	vadd.f32 v21, v18;
	v21 =	vld.idx.msk [tilespmem:v23+s23+$0x0], $0xffff;
	_ =	sdelay $0x1  }
0x2fd: {  	v18 =	vadd.f32 v20, v18;
	v20 =	vld.idx.msk [tilespmem:v24+s23+$0x0], $0xffff;
	_ =	sdelay $0x1  }
.Ltmp5:
0x2fe: {  	v18 =	vadd.f32 v19, v18;
	(pc) =	sbr.rel @p0 .LBB2_12-.Ltmp5, $3  }
0x2ff: {  	v19 =	vor.u32 s28, v0  }
0x300: {  	v19 =	vand.u32 v1, v19;
	v21 =	vadd.f32 v21, v18;
	_ =	sdelay $0x1  }
0x301: {  	v18 =	vor.u32 s28, v2;
	v20 =	vadd.f32 v20, v21  }
0x302: {  	_ =	sdelay $0x2  }
0x303: {  	[tilespmem:s26+$0x0] =	vst v20  }
0x304: {  	v19 =	vld.idx.msk [tilespmem:v19+s23+$0x0], $0xffff  }
0x305: {  	v20 =	vor.u32 s28, v4  }
0x306: {  	v18 =	vld.idx.msk [tilespmem:v18+s23+$0x0], $0xffff  }
0x307: {  	v21 =	vor.u32 s28, v5  }
0x308: {  	v17 =	vld.idx.msk [tilespmem:v17+s23+$0x0], $0xffff  }
0x309: {  	v22 =	vor.u32 s28, v6;
	v19 =	vadd.f32 $0.0e+00, v19  }
0x30a: {  	v20 =	vld.idx.msk [tilespmem:v20+s23+$0x0], $0xffff  }
0x30b: {  	v23 =	vor.u32 s28, v7;
	v18 =	vadd.f32 v18, v19  }
0x30c: {  	v19 =	vld.idx.msk [tilespmem:v21+s23+$0x0], $0xffff  }
0x30d: {  	v21 =	vor.u32 s28, v8;
	v17 =	vadd.f32 v17, v18  }
0x30e: {  	v18 =	vld.idx.msk [tilespmem:v22+s23+$0x0], $0xffff  }
0x30f: {  	v22 =	vor.u32 s28, v9;
	v17 =	vadd.f32 v20, v17  }
0x310: {  	v20 =	vld.idx.msk [tilespmem:v23+s23+$0x0], $0xffff  }
0x311: {  	v23 =	vor.u32 s28, v10;
	v17 =	vadd.f32 v19, v17  }
0x312: {  	v19 =	vld.idx.msk [tilespmem:v21+s23+$0x0], $0xffff  }
0x313: {  	v21 =	vor.u32 s28, v11;
	v17 =	vadd.f32 v18, v17  }
0x314: {  	v18 =	vld.idx.msk [tilespmem:v22+s23+$0x0], $0xffff  }
0x315: {  	v22 =	vor.u32 s28, v12;
	v17 =	vadd.f32 v20, v17  }
0x316: {  	v20 =	vld.idx.msk [tilespmem:v23+s23+$0x0], $0xffff  }
0x317: {  	v23 =	vor.u32 s28, v13;
	v17 =	vadd.f32 v19, v17  }
0x318: {  	v19 =	vld.idx.msk [tilespmem:v21+s23+$0x0], $0xffff  }
0x319: {  	v21 =	vor.u32 s28, v14;
	v17 =	vadd.f32 v18, v17  }
0x31a: {  	v18 =	vld.idx.msk [tilespmem:v22+s23+$0x0], $0xffff  }
0x31b: {  	v22 =	vor.u32 s28, v15;
	v17 =	vadd.f32 v20, v17  }
0x31c: {  	v20 =	vld.idx.msk [tilespmem:v23+s23+$0x0], $0xffff  }
0x31d: {  	v23 =	vor.u32 s28, v16;
	v17 =	vadd.f32 v19, v17  }
0x31e: {  	v19 =	vld.idx.msk [tilespmem:v21+s23+$0x0], $0xffff  }
0x31f: {  	v17 =	vadd.f32 v18, v17  }
0x320: {  	v18 =	vld.idx.msk [tilespmem:v22+s23+$0x0], $0xffff  }
0x321: {  	v17 =	vadd.f32 v20, v17  }
0x322: {  	v20 =	vld.idx.msk [tilespmem:v23+s23+$0x0], $0xffff  }
0x323: {  	v17 =	vadd.f32 v19, v17;
	_ =	sdelay $0x1  }
0x324: {  	v17 =	vadd.f32 v18, v17;
	_ =	sdelay $0x1  }
0x325: {  	v17 =	vadd.f32 v20, v17  }
0x326: {  	s0 =	sadd.s32 $0x10, s26  }
0x327: {  	s6 =	rddreg [dreg:$0x10];
	s26 =	simm.s32 $0x0;
	[tilespmem:s0+$0x0] =	vst v17  }
0x328: {  	[tilespmem:s26], [sflag:$0x3] =	stream.linear.gather [hbm4b:s6+s26], $0x40, $0x38;
	[tilespmem:$0x18900] =	vst v63  }
0x329: {  	_ =	swait.ge [sflag:s2], $0x40  }
0x32a: {  	[sflag:s2] =	ssyncset.done $0x0  }
0x32b: {  	s6 =	rddreg [dreg:$0x11];
	[sflag:s2] =	ssyncadd.s32 $0xFFFFFFC0  }
0x32c: {  	[tilespmem:s3], [sflag:$0x3] =	stream.linear.gather [hbm4b:s6+s26], $0x40, $0x38;
	[tilespmem:$0x18900] =	vst v63  }
0x32d: {  	_ =	swait.ge [sflag:s2], $0x40  }
0x32e: {  	[sflag:s2] =	ssyncset.done $0x0  }
0x32f: {  	s6 =	rddreg [dreg:$0x12];
	[sflag:s2] =	ssyncadd.s32 $0xFFFFFFC0  }
0x330: {  	[tilespmem:s4], [sflag:$0x3] =	stream.linear.gather [hbm4b:s6+s26], $0x40, $0x38;
	[tilespmem:$0x18900] =	vst v63  }
0x331: {  	_ =	swait.ge [sflag:s2], $0x40  }
0x332: {  	[sflag:s2] =	ssyncset.done $0x0  }
0x333: {  	s6 =	simm.s32 $0x300;
	[sflag:s2] =	ssyncadd.s32 $0xFFFFFFC0  }
0x334: {  	[tilespmem:s6], [sflag:$0x1] =	stream.indirect.gather [hbm4b:s29+s5], $0x80, s26, s5, $0xb8;
	[tilespmem:$0x18900] =	vst v63  }
0x335: {  	_ = 	snop  }
0x336: {  	[tilespmem:s7], [sflag:$0x1] =	stream.indirect.gather [hbm4b:s30+s5], $0x80, s26, s5, $0xb8;
	[tilespmem:$0x18900] =	vst v63  }
0x337: {  	_ = 	snop  }
0x338: {  	[tilespmem:s8], [sflag:$0x1] =	stream.indirect.gather [hbm4b:s29+s5], $0x80, s4, s5, $0xb8;
	[tilespmem:$0x18900] =	vst v63  }
0x339: {  	_ = 	snop  }
0x33a: {  	[tilespmem:s9], [sflag:$0x1] =	stream.indirect.gather [hbm4b:s30+s5], $0x80, s4, s5, $0xb8;
	[tilespmem:$0x18900] =	vst v63  }
0x33b: {  	_ = 	snop  }
0x33c: {  	[tilespmem:s10], [sflag:$0x1] =	stream.indirect.gather [hbm4b:s31+s5], $0x80, s3, s5, $0xb8;
	[tilespmem:$0x18900] =	vst v63  }
0x33d: {  	_ = 	snop  }
0x33e: {  	[tilespmem:s11], [sflag:$0x1] =	stream.indirect.gather [hbm4b:s22+s5], $0x80, s3, s5, $0xb8;
	[tilespmem:$0x18900] =	vst v63  }
0x33f: {  	_ =	swait.ge [sflag:s24], $0x2000  }
0x340: {  	[sflag:s24] =	ssyncset.done $0x0  }
0x341: {  	[sflag:s24] =	ssyncadd.s32 $0xFFFFE000  }
0x342: {  	_ =	swait.ge [sflag:s24], $0x2000  }
0x343: {  	[sflag:s24] =	ssyncset.done $0x0  }
0x344: {  	[sflag:s24] =	ssyncadd.s32 $0xFFFFE000  }
0x345: {  	_ =	swait.ge [sflag:s24], $0x2000  }
0x346: {  	[sflag:s24] =	ssyncset.done $0x0  }
0x347: {  	[sflag:s24] =	ssyncadd.s32 $0xFFFFE000  }
0x348: {  	_ =	swait.ge [sflag:s24], $0x2000  }
0x349: {  	[sflag:s24] =	ssyncset.done $0x0  }
0x34a: {  	[sflag:s24] =	ssyncadd.s32 $0xFFFFE000  }
0x34b: {  	_ =	swait.ge [sflag:s24], $0x2000  }
0x34c: {  	[sflag:s24] =	ssyncset.done $0x0  }
0x34d: {  	[sflag:s24] =	ssyncadd.s32 $0xFFFFE000  }
0x34e: {  	_ =	swait.ge [sflag:s24], $0x2000  }
0x34f: {  	[sflag:s24] =	ssyncset.done $0x0  }
0x350: {  	s6 =	simm.s32 $0x0;
	[sflag:s24] =	ssyncadd.s32 $0xFFFFE000  }
0x351: {  	v17 =	vld [tilespmem:s6+$0x16310]  }
0x352: {  	v18 =	vld [tilespmem:s6+$0x14310]  }
0x353: {  	v19 =	vld [tilespmem:s6+$0x16300]  }
0x354: {  	v20 =	vld [tilespmem:s6+$0x14300]  }
0x355: {  	v21 =	vld [tilespmem:s6+$0x10320]  }
0x356: {  	v22 =	vld [tilespmem:s6+$0x10300]  }
0x357: {  	v23 =	vld [tilespmem:s6+$0xC300]  }
0x358: {  	v24 =	vld [tilespmem:s6+$0x12300]  }
0x359: {  	v25 =	vld [tilespmem:s6+$0xE300]  }
0x35a: {  	v26 =	vld [tilespmem:s6+$0x10310]  }
0x35b: {  	v27 =	vld [tilespmem:s6+$0xC310]  }
0x35c: {  	v28 =	vld [tilespmem:s6+$0x12310]  }
0x35d: {  	v29 =	vld [tilespmem:s6+$0xE310]  }
0x35e: {  	v32 =	vld [tilespmem:s6+$0xC320];
	v30 =	vmul.f32 v22, v23;
	v31 =	vmul.f32 v24, v25  }
0x35f: {  	v33 =	vld [tilespmem:s6+$0x12320]  }
0x360: {  	v23 =	vmul.f32 v24, v23;
	v22 =	vmul.f32 v22, v25;
	v24 =	vld [tilespmem:s6+$0xE320];
	v30 =	vsub.f32 v30, v31  }
0x361: {  	v60 =	vld [tilespmem:s6+$0x10330];
	v25 =	vmul.f32 v26, v27  }
0x362: {  	v61 =	vld [tilespmem:s6+$0xC330];
	v22 =	vadd.f32 v23, v22;
	v23 =	vmul.f32 v28, v29;
	v20 =	vmul.f32 v30, v20  }
0x363: {  	v62 =	vld [tilespmem:s6+$0x12330];
	v27 =	vmul.f32 v28, v27;
	v26 =	vmul.f32 v26, v29  }
0x364: {  	v19 =	vmul.f32 v22, v19;
	v22 =	vsub.f32 v25, v23;
	v23 =	vld [tilespmem:s6+$0xE330];
	v20 =	vadd.f32 $0.0e+00, v20  }
0x365: {  	v63 =	vmul.f32 v21, v32;
	v25 =	vld [tilespmem:s6+$0x14320];
	v34 =	vmul.f32 v33, v24  }
0x366: {  	v18 =	vmul.f32 v22, v18;
	v19 =	vadd.f32 v20, v19;
	v20 =	vadd.f32 v27, v26  }
0x367: {  	v21 =	vmul.f32 v21, v24;
	v22 =	vld [tilespmem:s6+$0x16320];
	v26 =	vmul.f32 v33, v32  }
0x368: {  	v18 =	vadd.f32 v18, v19;
	v17 =	vmul.f32 v20, v17;
	v19 =	vsub.f32 v63, v34  }
0x369: {  	v24 =	vmul.f32 v60, v61;
	v27 =	vmul.f32 v62, v23;
	v20 =	vld [tilespmem:s6+$0x14330]  }
0x36a: {  	v17 =	vadd.f32 v18, v17;
	v18 =	vadd.f32 v26, v21;
	v19 =	vmul.f32 v19, v25  }
0x36b: {  	v23 =	vmul.f32 v60, v23;
	v21 =	vld [tilespmem:s6+$0x16330];
	v25 =	vmul.f32 v62, v61  }
0x36c: {  	v17 =	vadd.f32 v19, v17;
	v18 =	vmul.f32 v18, v22;
	v19 =	vsub.f32 v24, v27;
	_ =	sdelay $0x1  }
0x36d: {  	v17 =	vadd.f32 v17, v18;
	v18 =	vadd.f32 v25, v23;
	v19 =	vmul.f32 v19, v20;
	_ =	sdelay $0x1  }
0x36e: {  	v17 =	vadd.f32 v19, v17;
	v18 =	vmul.f32 v18, v21;
	_ =	sdelay $0x1  }
0x36f: {  	v17 =	vadd.f32 v17, v18  }
0x370: {  	s28 =	simm.s32 $0x18300  }
0x371: {  	s0 =	simm.s32 $0x80;
	[tilespmem:s28+$0x0] =	vst v17  }
0x372: {  	v17 =	vld [tilespmem:s0+$0x16310]  }
0x373: {  	v18 =	vld [tilespmem:s0+$0x14310]  }
0x374: {  	v20 =	vld [tilespmem:s0+$0x16300]  }
0x375: {  	v21 =	vld [tilespmem:s0+$0x14300]  }
0x376: {  	v19 =	vld [tilespmem:s0+$0x10320]  }
0x377: {  	v22 =	vld [tilespmem:s0+$0x10300]  }
0x378: {  	v23 =	vld [tilespmem:s0+$0xC300]  }
0x379: {  	s6 =	simm.s32 $0x400;
	v24 =	vld [tilespmem:s0+$0x12300]  }
.LBB2_14:
0x37a: {  	p0 =	sne.s32 s6, $0x7E00;
	v25 =	vld [tilespmem:s0+$0xE300]  }
0x37b: {  	v26 =	vld [tilespmem:s0+$0x10310]  }
0x37c: {  	v27 =	vld [tilespmem:s0+$0xC310]  }
0x37d: {  	v28 =	vld [tilespmem:s0+$0x12310]  }
0x37e: {  	v29 =	vld [tilespmem:s0+$0xE310]  }
0x37f: {  	v30 =	vmul.f32 v22, v23;
	v31 =	vmul.f32 v24, v25;
	v32 =	vld [tilespmem:s0+$0xC320]  }
0x380: {  	v33 =	vld [tilespmem:s0+$0x12320]  }
0x381: {  	v23 =	vmul.f32 v24, v23;
	v22 =	vmul.f32 v22, v25;
	v30 =	vsub.f32 v30, v31;
	v24 =	vld [tilespmem:s0+$0xE320]  }
0x382: {  	v25 =	vmul.f32 v26, v27;
	v31 =	vld [tilespmem:s0+$0x10330]  }
0x383: {  	v22 =	vadd.f32 v23, v22;
	v21 =	vmul.f32 v30, v21;
	v23 =	vmul.f32 v28, v29;
	v30 =	vld [tilespmem:s0+$0xC330]  }
0x384: {  	v27 =	vmul.f32 v28, v27;
	v26 =	vmul.f32 v26, v29;
	v28 =	vld [tilespmem:s0+$0x12330]  }
0x385: {  	v20 =	vmul.f32 v22, v20;
	v21 =	vadd.f32 $0.0e+00, v21;
	v22 =	vsub.f32 v25, v23;
	v23 =	vld [tilespmem:s0+$0xE330]  }
0x386: {  	v29 =	vmul.f32 v19, v32;
	v25 =	vld [tilespmem:s0+$0x14320];
	v34 =	vmul.f32 v33, v24  }
0x387: {  	v20 =	vadd.f32 v21, v20;
	v21 =	vadd.f32 v27, v26;
	v18 =	vmul.f32 v22, v18  }
0x388: {  	v19 =	vmul.f32 v19, v24;
	v26 =	vmul.f32 v33, v32;
	v22 =	vld [tilespmem:s0+$0x16320]  }
0x389: {  	v18 =	vadd.f32 v18, v20;
	v17 =	vmul.f32 v21, v17;
	v20 =	vsub.f32 v29, v34  }
0x38a: {  	v24 =	vmul.f32 v31, v30;
	v21 =	vld [tilespmem:s0+$0x14330];
	v27 =	vmul.f32 v28, v23  }
0x38b: {  	v17 =	vadd.f32 v18, v17;
	v18 =	vadd.f32 v26, v19;
	v19 =	vmul.f32 v20, v25  }
0x38c: {  	v23 =	vmul.f32 v31, v23;
	v25 =	vmul.f32 v28, v30;
	v20 =	vld [tilespmem:s0+$0x16330]  }
0x38d: {  	v17 =	vadd.f32 v19, v17;
	v18 =	vmul.f32 v18, v22;
	v19 =	vsub.f32 v24, v27;
	_ =	sdelay $0x1  }
0x38e: {  	v17 =	vadd.f32 v17, v18;
	v18 =	vadd.f32 v25, v23;
	v19 =	vmul.f32 v19, v21;
	_ =	sdelay $0x1  }
0x38f: {  	v17 =	vadd.f32 v19, v17;
	v18 =	vmul.f32 v18, v20;
	_ =	sdelay $0x1  }
0x390: {  	v17 =	vadd.f32 v17, v18  }
0x391: {  	s28 =	sadd.s32 $0x10, s28  }
0x392: {  	s0 =	sshra.s32 s6, $0x2;
	[tilespmem:s28+$0x0] =	vst v17  }
0x393: {  	v17 =	vld [tilespmem:s0+$0x16310]  }
0x394: {  	v18 =	vld [tilespmem:s0+$0x14310]  }
0x395: {  	v20 =	vld [tilespmem:s0+$0x16300]  }
.Ltmp6:
0x396: {  	v21 =	vld [tilespmem:s0+$0x14300];
	(pc) =	sbr.rel @p0 .LBB2_14-.Ltmp6, $4  }
0x397: {  	v19 =	vld [tilespmem:s0+$0x10320]  }
0x398: {  	v22 =	vld [tilespmem:s0+$0x10300]  }
0x399: {  	v23 =	vld [tilespmem:s0+$0xC300]  }
0x39a: {  	s6 =	sadd.s32 $0x200, s6;
	v24 =	vld [tilespmem:s0+$0x12300]  }
0x39b: {  	v25 =	vld [tilespmem:s0+$0xE300]  }
0x39c: {  	v26 =	vld [tilespmem:s0+$0x10310]  }
0x39d: {  	v27 =	vld [tilespmem:s0+$0xC310]  }
0x39e: {  	v28 =	vld [tilespmem:s0+$0x12310]  }
0x39f: {  	v29 =	vld [tilespmem:s0+$0xE310]  }
0x3a0: {  	v32 =	vld [tilespmem:s0+$0xC320];
	v30 =	vmul.f32 v22, v23;
	v31 =	vmul.f32 v24, v25  }
0x3a1: {  	v33 =	vld [tilespmem:s0+$0x12320]  }
0x3a2: {  	v53 =	vld [tilespmem:s0+$0xE320];
	v23 =	vmul.f32 v24, v23;
	v22 =	vmul.f32 v22, v25;
	v30 =	vsub.f32 v30, v31  }
0x3a3: {  	v55 =	vld [tilespmem:s0+$0x10330];
	v54 =	vmul.f32 v26, v27  }
0x3a4: {  	v56 =	vld [tilespmem:s0+$0xC330];
	v22 =	vadd.f32 v23, v22;
	v23 =	vmul.f32 v28, v29;
	v21 =	vmul.f32 v30, v21  }
0x3a5: {  	v57 =	vld [tilespmem:s0+$0x12330];
	v27 =	vmul.f32 v28, v27;
	v26 =	vmul.f32 v26, v29  }
0x3a6: {  	v20 =	vmul.f32 v22, v20;
	v22 =	vsub.f32 v54, v23;
	v23 =	vld [tilespmem:s0+$0xE330];
	v21 =	vadd.f32 $0.0e+00, v21  }
0x3a7: {  	v58 =	vld [tilespmem:s0+$0x14320];
	v59 =	vmul.f32 v19, v32;
	v34 =	vmul.f32 v33, v53  }
0x3a8: {  	v18 =	vmul.f32 v22, v18;
	v20 =	vadd.f32 v21, v20;
	v21 =	vadd.f32 v27, v26  }
0x3a9: {  	v60 =	vmul.f32 v33, v32;
	v19 =	vmul.f32 v19, v53;
	v22 =	vld [tilespmem:s0+$0x16320]  }
0x3aa: {  	v18 =	vadd.f32 v18, v20;
	v17 =	vmul.f32 v21, v17;
	v20 =	vsub.f32 v59, v34  }
0x3ab: {  	v61 =	vmul.f32 v55, v56;
	v62 =	vmul.f32 v57, v23;
	v21 =	vld [tilespmem:s0+$0x14330]  }
0x3ac: {  	v17 =	vadd.f32 v18, v17;
	v18 =	vadd.f32 v60, v19;
	v19 =	vmul.f32 v20, v58  }
0x3ad: {  	v63 =	vmul.f32 v57, v56;
	v23 =	vmul.f32 v55, v23;
	v20 =	vld [tilespmem:s0+$0x16330]  }
0x3ae: {  	v17 =	vadd.f32 v19, v17;
	v18 =	vmul.f32 v18, v22;
	v19 =	vsub.f32 v61, v62;
	_ =	sdelay $0x1  }
0x3af: {  	v17 =	vadd.f32 v17, v18;
	v18 =	vadd.f32 v63, v23;
	v19 =	vmul.f32 v19, v21  }
0x3b0: {  	v21 =	vor.u32 s26, v0  }
0x3b1: {  	v17 =	vadd.f32 v19, v17;
	v18 =	vmul.f32 v18, v20;
	v19 =	vand.u32 v1, v21;
	_ =	sdelay $0x1  }
0x3b2: {  	v17 =	vadd.f32 v17, v18;
	v18 =	vor.u32 s26, v2  }
0x3b3: {  	s6 =	sadd.s32 $0x10, s28  }
0x3b4: {  	[tilespmem:s6+$0x0] =	vst v17;
	v17 =	vor.u32 s26, v3  }
0x3b5: {  	v19 =	vld.idx.msk [tilespmem:v19+s23+$0x0], $0xffff  }
0x3b6: {  	v20 =	vor.u32 s26, v4  }
0x3b7: {  	v18 =	vld.idx.msk [tilespmem:v18+s23+$0x0], $0xffff  }
0x3b8: {  	v21 =	vor.u32 s26, v5  }
0x3b9: {  	v17 =	vld.idx.msk [tilespmem:v17+s23+$0x0], $0xffff  }
0x3ba: {  	v22 =	vor.u32 s26, v6;
	v19 =	vadd.f32 $0.0e+00, v19  }
0x3bb: {  	v20 =	vld.idx.msk [tilespmem:v20+s23+$0x0], $0xffff  }
0x3bc: {  	v23 =	vor.u32 s26, v7;
	v18 =	vadd.f32 v18, v19  }
0x3bd: {  	v19 =	vld.idx.msk [tilespmem:v21+s23+$0x0], $0xffff  }
0x3be: {  	v21 =	vor.u32 s26, v8;
	v17 =	vadd.f32 v17, v18  }
0x3bf: {  	v18 =	vld.idx.msk [tilespmem:v22+s23+$0x0], $0xffff  }
0x3c0: {  	v22 =	vor.u32 s26, v9;
	v17 =	vadd.f32 v20, v17  }
0x3c1: {  	v20 =	vld.idx.msk [tilespmem:v23+s23+$0x0], $0xffff  }
0x3c2: {  	v23 =	vor.u32 s26, v10;
	v17 =	vadd.f32 v19, v17  }
0x3c3: {  	v19 =	vld.idx.msk [tilespmem:v21+s23+$0x0], $0xffff  }
0x3c4: {  	v21 =	vor.u32 s26, v11;
	v17 =	vadd.f32 v18, v17  }
0x3c5: {  	v18 =	vld.idx.msk [tilespmem:v22+s23+$0x0], $0xffff  }
0x3c6: {  	v22 =	vor.u32 s26, v12;
	v17 =	vadd.f32 v20, v17  }
0x3c7: {  	v20 =	vld.idx.msk [tilespmem:v23+s23+$0x0], $0xffff  }
0x3c8: {  	v23 =	vor.u32 s26, v13;
	v17 =	vadd.f32 v19, v17  }
0x3c9: {  	v19 =	vld.idx.msk [tilespmem:v21+s23+$0x0], $0xffff  }
0x3ca: {  	v21 =	vor.u32 s26, v14;
	v17 =	vadd.f32 v18, v17  }
0x3cb: {  	v18 =	vld.idx.msk [tilespmem:v22+s23+$0x0], $0xffff  }
0x3cc: {  	v22 =	vor.u32 s26, v15;
	v17 =	vadd.f32 v20, v17  }
0x3cd: {  	v20 =	vld.idx.msk [tilespmem:v23+s23+$0x0], $0xffff  }
0x3ce: {  	v17 =	vadd.f32 v19, v17  }
0x3cf: {  	v23 =	vor.u32 s26, v16;
	v19 =	vld.idx.msk [tilespmem:v21+s23+$0x0], $0xffff  }
0x3d0: {  	v17 =	vadd.f32 v18, v17  }
0x3d1: {  	v18 =	vld.idx.msk [tilespmem:v22+s23+$0x0], $0xffff  }
0x3d2: {  	v17 =	vadd.f32 v20, v17;
	_ =	sdelay $0x1  }
0x3d3: {  	v20 =	vld.idx.msk [tilespmem:v23+s23+$0x0], $0xffff;
	v17 =	vadd.f32 v19, v17  }
0x3d4: {  	s28 =	simm.s32 $0x100  }
0x3d5: {  	v21 =	vadd.f32 v18, v17;
	v18 =	vor.u32 s28, v0  }
0x3d6: {  	v19 =	vand.u32 v1, v18;
	_ =	sdelay $0x1  }
0x3d7: {  	s0 =	simm.s32 $0x200;
	s26 =	simm.s32 $0x187C0;
	v17 =	vor.u32 s28, v3;
	v18 =	vor.u32 s28, v2;
	v20 =	vadd.f32 v20, v21  }
.LBB2_16:
0x3d8: {  	p0 =	sne.s32 s0, $0x300  }
0x3d9: {  	v21 =	vor.u32 s0, v3;
	s6 =	smov.u32 s0;
	s0 =	sadd.s32 $0x100, s0;
	[tilespmem:s26+$0x0] =	vst v20;
	s26 =	sadd.s32 $0x10, s26  }
0x3da: {  	v19 =	vld.idx.msk [tilespmem:v19+s23+$0x0], $0xffff  }
0x3db: {  	v20 =	vor.u32 s28, v4  }
0x3dc: {  	v18 =	vld.idx.msk [tilespmem:v18+s23+$0x0], $0xffff  }
0x3dd: {  	v22 =	vor.u32 s28, v5  }
0x3de: {  	v23 =	vld.idx.msk [tilespmem:v17+s23+$0x0], $0xffff;
	v17 =	vmov v21  }
0x3df: {  	v21 =	vor.u32 s28, v6  }
0x3e0: {  	v19 =	vadd.f32 $0.0e+00, v19;
	v20 =	vld.idx.msk [tilespmem:v20+s23+$0x0], $0xffff  }
0x3e1: {  	v24 =	vor.u32 s28, v7  }
0x3e2: {  	v18 =	vadd.f32 v18, v19;
	v19 =	vld.idx.msk [tilespmem:v22+s23+$0x0], $0xffff  }
0x3e3: {  	v22 =	vor.u32 s28, v8  }
0x3e4: {  	v18 =	vadd.f32 v23, v18;
	v21 =	vld.idx.msk [tilespmem:v21+s23+$0x0], $0xffff  }
0x3e5: {  	v23 =	vor.u32 s28, v9  }
0x3e6: {  	v18 =	vadd.f32 v20, v18;
	v20 =	vld.idx.msk [tilespmem:v24+s23+$0x0], $0xffff  }
0x3e7: {  	v24 =	vor.u32 s28, v10  }
0x3e8: {  	v18 =	vadd.f32 v19, v18;
	v19 =	vld.idx.msk [tilespmem:v22+s23+$0x0], $0xffff  }
0x3e9: {  	v22 =	vor.u32 s28, v11  }
0x3ea: {  	v18 =	vadd.f32 v21, v18;
	v21 =	vld.idx.msk [tilespmem:v23+s23+$0x0], $0xffff  }
0x3eb: {  	v23 =	vor.u32 s28, v12  }
0x3ec: {  	v18 =	vadd.f32 v20, v18;
	v20 =	vld.idx.msk [tilespmem:v24+s23+$0x0], $0xffff  }
0x3ed: {  	v24 =	vor.u32 s28, v13  }
0x3ee: {  	v18 =	vadd.f32 v19, v18;
	v19 =	vld.idx.msk [tilespmem:v22+s23+$0x0], $0xffff  }
0x3ef: {  	v22 =	vor.u32 s28, v14  }
0x3f0: {  	v18 =	vadd.f32 v21, v18;
	v21 =	vld.idx.msk [tilespmem:v23+s23+$0x0], $0xffff  }
0x3f1: {  	v23 =	vor.u32 s28, v15  }
0x3f2: {  	v18 =	vadd.f32 v20, v18;
	v20 =	vld.idx.msk [tilespmem:v24+s23+$0x0], $0xffff  }
0x3f3: {  	v24 =	vor.u32 s28, v16;
	s28 =	smov.u32 s6  }
0x3f4: {  	v18 =	vadd.f32 v19, v18;
	v19 =	vld.idx.msk [tilespmem:v22+s23+$0x0], $0xffff;
	_ =	sdelay $0x1  }
0x3f5: {  	v18 =	vadd.f32 v21, v18;
	v21 =	vld.idx.msk [tilespmem:v23+s23+$0x0], $0xffff;
	_ =	sdelay $0x1  }
0x3f6: {  	v18 =	vadd.f32 v20, v18;
	v20 =	vld.idx.msk [tilespmem:v24+s23+$0x0], $0xffff;
	_ =	sdelay $0x1  }
.Ltmp7:
0x3f7: {  	v18 =	vadd.f32 v19, v18;
	(pc) =	sbr.rel @p0 .LBB2_16-.Ltmp7, $3  }
0x3f8: {  	v19 =	vor.u32 s28, v0  }
0x3f9: {  	v19 =	vand.u32 v1, v19;
	v21 =	vadd.f32 v21, v18;
	_ =	sdelay $0x1  }
0x3fa: {  	v18 =	vor.u32 s28, v2;
	v20 =	vadd.f32 v20, v21  }
0x3fb: {  	_ =	sdelay $0x2  }
0x3fc: {  	[tilespmem:s26+$0x0] =	vst v20  }
0x3fd: {  	v19 =	vld.idx.msk [tilespmem:v19+s23+$0x0], $0xffff  }
0x3fe: {  	v20 =	vor.u32 s28, v4  }
0x3ff: {  	v18 =	vld.idx.msk [tilespmem:v18+s23+$0x0], $0xffff  }
0x400: {  	v21 =	vor.u32 s28, v5  }
0x401: {  	v17 =	vld.idx.msk [tilespmem:v17+s23+$0x0], $0xffff  }
0x402: {  	v22 =	vor.u32 s28, v6;
	v19 =	vadd.f32 $0.0e+00, v19  }
0x403: {  	v20 =	vld.idx.msk [tilespmem:v20+s23+$0x0], $0xffff  }
0x404: {  	v23 =	vor.u32 s28, v7;
	v18 =	vadd.f32 v18, v19  }
0x405: {  	v19 =	vld.idx.msk [tilespmem:v21+s23+$0x0], $0xffff  }
0x406: {  	v21 =	vor.u32 s28, v8;
	v17 =	vadd.f32 v17, v18  }
0x407: {  	v18 =	vld.idx.msk [tilespmem:v22+s23+$0x0], $0xffff  }
0x408: {  	v22 =	vor.u32 s28, v9;
	v17 =	vadd.f32 v20, v17  }
0x409: {  	v20 =	vld.idx.msk [tilespmem:v23+s23+$0x0], $0xffff  }
0x40a: {  	v23 =	vor.u32 s28, v10;
	v17 =	vadd.f32 v19, v17  }
0x40b: {  	v19 =	vld.idx.msk [tilespmem:v21+s23+$0x0], $0xffff  }
0x40c: {  	v21 =	vor.u32 s28, v11;
	v17 =	vadd.f32 v18, v17  }
0x40d: {  	v18 =	vld.idx.msk [tilespmem:v22+s23+$0x0], $0xffff  }
0x40e: {  	v22 =	vor.u32 s28, v12;
	v17 =	vadd.f32 v20, v17  }
0x40f: {  	v20 =	vld.idx.msk [tilespmem:v23+s23+$0x0], $0xffff  }
0x410: {  	v23 =	vor.u32 s28, v13;
	v17 =	vadd.f32 v19, v17  }
0x411: {  	v19 =	vld.idx.msk [tilespmem:v21+s23+$0x0], $0xffff  }
0x412: {  	v21 =	vor.u32 s28, v14;
	v17 =	vadd.f32 v18, v17  }
0x413: {  	v18 =	vld.idx.msk [tilespmem:v22+s23+$0x0], $0xffff  }
0x414: {  	v22 =	vor.u32 s28, v15;
	v17 =	vadd.f32 v20, v17  }
0x415: {  	v20 =	vld.idx.msk [tilespmem:v23+s23+$0x0], $0xffff  }
0x416: {  	v23 =	vor.u32 s28, v16;
	v17 =	vadd.f32 v19, v17  }
0x417: {  	v19 =	vld.idx.msk [tilespmem:v21+s23+$0x0], $0xffff  }
0x418: {  	v17 =	vadd.f32 v18, v17  }
0x419: {  	v18 =	vld.idx.msk [tilespmem:v22+s23+$0x0], $0xffff  }
0x41a: {  	v17 =	vadd.f32 v20, v17  }
0x41b: {  	v20 =	vld.idx.msk [tilespmem:v23+s23+$0x0], $0xffff  }
0x41c: {  	v17 =	vadd.f32 v19, v17;
	_ =	sdelay $0x1  }
0x41d: {  	v17 =	vadd.f32 v18, v17;
	_ =	sdelay $0x1  }
0x41e: {  	v17 =	vadd.f32 v20, v17  }
0x41f: {  	s0 =	sadd.s32 $0x10, s26  }
0x420: {  	s6 =	rddreg [dreg:$0x13];
	s26 =	simm.s32 $0x0;
	[tilespmem:s0+$0x0] =	vst v17  }
0x421: {  	[tilespmem:s12], [sflag:$0x3] =	stream.linear.gather [hbm4b:s6+s26], $0x40, $0x38;
	[tilespmem:$0x18900] =	vst v63  }
0x422: {  	_ =	swait.ge [sflag:s2], $0x40  }
0x423: {  	[sflag:s2] =	ssyncset.done $0x0  }
0x424: {  	s6 =	rddreg [dreg:$0x14];
	[sflag:s2] =	ssyncadd.s32 $0xFFFFFFC0  }
0x425: {  	[tilespmem:s13], [sflag:$0x3] =	stream.linear.gather [hbm4b:s6+s26], $0x40, $0x38;
	[tilespmem:$0x18900] =	vst v63  }
0x426: {  	_ =	swait.ge [sflag:s2], $0x40  }
0x427: {  	[sflag:s2] =	ssyncset.done $0x0  }
0x428: {  	s6 =	rddreg [dreg:$0x15];
	[sflag:s2] =	ssyncadd.s32 $0xFFFFFFC0  }
0x429: {  	[tilespmem:s14], [sflag:$0x3] =	stream.linear.gather [hbm4b:s6+s26], $0x40, $0x38;
	[tilespmem:$0x18900] =	vst v63  }
0x42a: {  	_ =	swait.ge [sflag:s2], $0x40  }
0x42b: {  	[sflag:s2] =	ssyncset.done $0x0  }
0x42c: {  	[sflag:s2] =	ssyncadd.s32 $0xFFFFFFC0  }
0x42d: {  	[tilespmem:s15], [sflag:$0x2] =	stream.indirect.gather [hbm4b:s29+s5], $0x80, s12, s5, $0xb8;
	[tilespmem:$0x18900] =	vst v63  }
0x42e: {  	_ = 	snop  }
0x42f: {  	[tilespmem:s16], [sflag:$0x2] =	stream.indirect.gather [hbm4b:s30+s5], $0x80, s12, s5, $0xb8;
	[tilespmem:$0x18900] =	vst v63  }
0x430: {  	_ = 	snop  }
0x431: {  	[tilespmem:s17], [sflag:$0x2] =	stream.indirect.gather [hbm4b:s29+s5], $0x80, s14, s5, $0xb8;
	[tilespmem:$0x18900] =	vst v63  }
0x432: {  	_ = 	snop  }
0x433: {  	[tilespmem:s18], [sflag:$0x2] =	stream.indirect.gather [hbm4b:s30+s5], $0x80, s14, s5, $0xb8;
	[tilespmem:$0x18900] =	vst v63  }
0x434: {  	_ = 	snop  }
0x435: {  	[tilespmem:s19], [sflag:$0x2] =	stream.indirect.gather [hbm4b:s31+s5], $0x80, s13, s5, $0xb8;
	[tilespmem:$0x18900] =	vst v63  }
0x436: {  	_ = 	snop  }
0x437: {  	[tilespmem:s20], [sflag:$0x2] =	stream.indirect.gather [hbm4b:s22+s5], $0x80, s13, s5, $0xb8;
	[tilespmem:$0x18900] =	vst v63  }
0x438: {  	_ =	swait.ge [sflag:s21], $0x2000  }
0x439: {  	[sflag:s21] =	ssyncset.done $0x0  }
0x43a: {  	[sflag:s21] =	ssyncadd.s32 $0xFFFFE000  }
0x43b: {  	_ =	swait.ge [sflag:s21], $0x2000  }
0x43c: {  	[sflag:s21] =	ssyncset.done $0x0  }
0x43d: {  	[sflag:s21] =	ssyncadd.s32 $0xFFFFE000  }
0x43e: {  	_ =	swait.ge [sflag:s21], $0x2000  }
0x43f: {  	[sflag:s21] =	ssyncset.done $0x0  }
0x440: {  	[sflag:s21] =	ssyncadd.s32 $0xFFFFE000  }
0x441: {  	_ =	swait.ge [sflag:s21], $0x2000  }
0x442: {  	[sflag:s21] =	ssyncset.done $0x0  }
0x443: {  	[sflag:s21] =	ssyncadd.s32 $0xFFFFE000  }
0x444: {  	_ =	swait.ge [sflag:s21], $0x2000  }
0x445: {  	[sflag:s21] =	ssyncset.done $0x0  }
0x446: {  	[sflag:s21] =	ssyncadd.s32 $0xFFFFE000  }
0x447: {  	_ =	swait.ge [sflag:s21], $0x2000  }
0x448: {  	[sflag:s21] =	ssyncset.done $0x0  }
0x449: {  	s6 =	simm.s32 $0x0;
	[sflag:s21] =	ssyncadd.s32 $0xFFFFE000  }
0x44a: {  	v17 =	vld [tilespmem:s6+$0xA310]  }
0x44b: {  	v18 =	vld [tilespmem:s6+$0x8310]  }
0x44c: {  	v19 =	vld [tilespmem:s6+$0xA300]  }
0x44d: {  	v20 =	vld [tilespmem:s6+$0x8300]  }
0x44e: {  	v21 =	vld [tilespmem:s6+$0x4320]  }
0x44f: {  	v22 =	vld [tilespmem:s6+$0x4300]  }
0x450: {  	v23 =	vld [tilespmem:s6+$0x300]  }
0x451: {  	v24 =	vld [tilespmem:s6+$0x6300]  }
0x452: {  	v25 =	vld [tilespmem:s6+$0x2300]  }
0x453: {  	v26 =	vld [tilespmem:s6+$0x4310]  }
0x454: {  	v27 =	vld [tilespmem:s6+$0x310]  }
0x455: {  	v28 =	vld [tilespmem:s6+$0x6310]  }
0x456: {  	v29 =	vld [tilespmem:s6+$0x2310]  }
0x457: {  	v32 =	vld [tilespmem:s6+$0x320];
	v30 =	vmul.f32 v22, v23;
	v31 =	vmul.f32 v24, v25  }
0x458: {  	v33 =	vld [tilespmem:s6+$0x6320]  }
0x459: {  	v23 =	vmul.f32 v24, v23;
	v22 =	vmul.f32 v22, v25;
	v24 =	vld [tilespmem:s6+$0x2320];
	v30 =	vsub.f32 v30, v31  }
0x45a: {  	v60 =	vld [tilespmem:s6+$0x4330];
	v25 =	vmul.f32 v26, v27  }
0x45b: {  	v61 =	vld [tilespmem:s6+$0x330];
	v22 =	vadd.f32 v23, v22;
	v23 =	vmul.f32 v28, v29;
	v20 =	vmul.f32 v30, v20  }
0x45c: {  	v62 =	vld [tilespmem:s6+$0x6330];
	v27 =	vmul.f32 v28, v27;
	v26 =	vmul.f32 v26, v29  }
0x45d: {  	v19 =	vmul.f32 v22, v19;
	v22 =	vsub.f32 v25, v23;
	v23 =	vld [tilespmem:s6+$0x2330];
	v20 =	vadd.f32 $0.0e+00, v20  }
0x45e: {  	v63 =	vmul.f32 v21, v32;
	v25 =	vld [tilespmem:s6+$0x8320];
	v34 =	vmul.f32 v33, v24  }
0x45f: {  	v18 =	vmul.f32 v22, v18;
	v19 =	vadd.f32 v20, v19;
	v20 =	vadd.f32 v27, v26  }
0x460: {  	v21 =	vmul.f32 v21, v24;
	v22 =	vld [tilespmem:s6+$0xA320];
	v26 =	vmul.f32 v33, v32  }
0x461: {  	v18 =	vadd.f32 v18, v19;
	v17 =	vmul.f32 v20, v17;
	v19 =	vsub.f32 v63, v34  }
0x462: {  	v24 =	vmul.f32 v60, v61;
	v27 =	vmul.f32 v62, v23;
	v20 =	vld [tilespmem:s6+$0x8330]  }
0x463: {  	v17 =	vadd.f32 v18, v17;
	v18 =	vadd.f32 v26, v21;
	v19 =	vmul.f32 v19, v25  }
0x464: {  	v23 =	vmul.f32 v60, v23;
	v21 =	vld [tilespmem:s6+$0xA330];
	v25 =	vmul.f32 v62, v61  }
0x465: {  	v17 =	vadd.f32 v19, v17;
	v18 =	vmul.f32 v18, v22;
	v19 =	vsub.f32 v24, v27;
	_ =	sdelay $0x1  }
0x466: {  	v17 =	vadd.f32 v17, v18;
	v18 =	vadd.f32 v25, v23;
	v19 =	vmul.f32 v19, v20;
	_ =	sdelay $0x1  }
0x467: {  	v17 =	vadd.f32 v19, v17;
	v18 =	vmul.f32 v18, v21;
	_ =	sdelay $0x1  }
0x468: {  	v17 =	vadd.f32 v17, v18  }
0x469: {  	s28 =	simm.s32 $0x18300  }
0x46a: {  	s0 =	simm.s32 $0x80;
	[tilespmem:s28+$0x0] =	vst v17  }
0x46b: {  	v17 =	vld [tilespmem:s0+$0xA310]  }
0x46c: {  	v18 =	vld [tilespmem:s0+$0x8310]  }
0x46d: {  	v20 =	vld [tilespmem:s0+$0xA300]  }
0x46e: {  	v21 =	vld [tilespmem:s0+$0x8300]  }
0x46f: {  	v19 =	vld [tilespmem:s0+$0x4320]  }
0x470: {  	v22 =	vld [tilespmem:s0+$0x4300]  }
0x471: {  	v23 =	vld [tilespmem:s0+$0x300]  }
0x472: {  	s6 =	simm.s32 $0x400;
	v24 =	vld [tilespmem:s0+$0x6300]  }
.LBB2_18:
0x473: {  	p0 =	sne.s32 s6, $0x7E00;
	v25 =	vld [tilespmem:s0+$0x2300]  }
0x474: {  	v26 =	vld [tilespmem:s0+$0x4310]  }
0x475: {  	v27 =	vld [tilespmem:s0+$0x310]  }
0x476: {  	v28 =	vld [tilespmem:s0+$0x6310]  }
0x477: {  	v29 =	vld [tilespmem:s0+$0x2310]  }
0x478: {  	v30 =	vmul.f32 v22, v23;
	v31 =	vmul.f32 v24, v25;
	v32 =	vld [tilespmem:s0+$0x320]  }
0x479: {  	v33 =	vld [tilespmem:s0+$0x6320]  }
0x47a: {  	v23 =	vmul.f32 v24, v23;
	v22 =	vmul.f32 v22, v25;
	v30 =	vsub.f32 v30, v31;
	v24 =	vld [tilespmem:s0+$0x2320]  }
0x47b: {  	v25 =	vmul.f32 v26, v27;
	v31 =	vld [tilespmem:s0+$0x4330]  }
0x47c: {  	v22 =	vadd.f32 v23, v22;
	v21 =	vmul.f32 v30, v21;
	v23 =	vmul.f32 v28, v29;
	v30 =	vld [tilespmem:s0+$0x330]  }
0x47d: {  	v27 =	vmul.f32 v28, v27;
	v26 =	vmul.f32 v26, v29;
	v28 =	vld [tilespmem:s0+$0x6330]  }
0x47e: {  	v20 =	vmul.f32 v22, v20;
	v21 =	vadd.f32 $0.0e+00, v21;
	v22 =	vsub.f32 v25, v23;
	v23 =	vld [tilespmem:s0+$0x2330]  }
0x47f: {  	v29 =	vmul.f32 v19, v32;
	v25 =	vld [tilespmem:s0+$0x8320];
	v34 =	vmul.f32 v33, v24  }
0x480: {  	v20 =	vadd.f32 v21, v20;
	v21 =	vadd.f32 v27, v26;
	v18 =	vmul.f32 v22, v18  }
0x481: {  	v19 =	vmul.f32 v19, v24;
	v26 =	vmul.f32 v33, v32;
	v22 =	vld [tilespmem:s0+$0xA320]  }
0x482: {  	v18 =	vadd.f32 v18, v20;
	v17 =	vmul.f32 v21, v17;
	v20 =	vsub.f32 v29, v34  }
0x483: {  	v24 =	vmul.f32 v31, v30;
	v21 =	vld [tilespmem:s0+$0x8330];
	v27 =	vmul.f32 v28, v23  }
0x484: {  	v17 =	vadd.f32 v18, v17;
	v18 =	vadd.f32 v26, v19;
	v19 =	vmul.f32 v20, v25  }
0x485: {  	v23 =	vmul.f32 v31, v23;
	v25 =	vmul.f32 v28, v30;
	v20 =	vld [tilespmem:s0+$0xA330]  }
0x486: {  	v17 =	vadd.f32 v19, v17;
	v18 =	vmul.f32 v18, v22;
	v19 =	vsub.f32 v24, v27;
	_ =	sdelay $0x1  }
0x487: {  	v17 =	vadd.f32 v17, v18;
	v18 =	vadd.f32 v25, v23;
	v19 =	vmul.f32 v19, v21;
	_ =	sdelay $0x1  }
0x488: {  	v17 =	vadd.f32 v19, v17;
	v18 =	vmul.f32 v18, v20;
	_ =	sdelay $0x1  }
0x489: {  	v17 =	vadd.f32 v17, v18  }
0x48a: {  	s28 =	sadd.s32 $0x10, s28  }
0x48b: {  	s0 =	sshra.s32 s6, $0x2;
	[tilespmem:s28+$0x0] =	vst v17  }
0x48c: {  	v17 =	vld [tilespmem:s0+$0xA310]  }
0x48d: {  	v18 =	vld [tilespmem:s0+$0x8310]  }
0x48e: {  	v20 =	vld [tilespmem:s0+$0xA300]  }
.Ltmp8:
0x48f: {  	v21 =	vld [tilespmem:s0+$0x8300];
	(pc) =	sbr.rel @p0 .LBB2_18-.Ltmp8, $4  }
0x490: {  	v19 =	vld [tilespmem:s0+$0x4320]  }
0x491: {  	v22 =	vld [tilespmem:s0+$0x4300]  }
0x492: {  	v23 =	vld [tilespmem:s0+$0x300]  }
0x493: {  	s6 =	sadd.s32 $0x200, s6;
	v24 =	vld [tilespmem:s0+$0x6300]  }
0x494: {  	v25 =	vld [tilespmem:s0+$0x2300]  }
0x495: {  	v26 =	vld [tilespmem:s0+$0x4310]  }
0x496: {  	v27 =	vld [tilespmem:s0+$0x310]  }
0x497: {  	v28 =	vld [tilespmem:s0+$0x6310]  }
0x498: {  	v29 =	vld [tilespmem:s0+$0x2310]  }
0x499: {  	v32 =	vld [tilespmem:s0+$0x320];
	v30 =	vmul.f32 v22, v23;
	v31 =	vmul.f32 v24, v25  }
0x49a: {  	v33 =	vld [tilespmem:s0+$0x6320]  }
0x49b: {  	v53 =	vld [tilespmem:s0+$0x2320];
	v23 =	vmul.f32 v24, v23;
	v22 =	vmul.f32 v22, v25;
	v30 =	vsub.f32 v30, v31  }
0x49c: {  	v55 =	vld [tilespmem:s0+$0x4330];
	v54 =	vmul.f32 v26, v27  }
0x49d: {  	v56 =	vld [tilespmem:s0+$0x330];
	v22 =	vadd.f32 v23, v22;
	v23 =	vmul.f32 v28, v29;
	v21 =	vmul.f32 v30, v21  }
0x49e: {  	v57 =	vld [tilespmem:s0+$0x6330];
	v27 =	vmul.f32 v28, v27;
	v26 =	vmul.f32 v26, v29  }
0x49f: {  	v20 =	vmul.f32 v22, v20;
	v22 =	vsub.f32 v54, v23;
	v23 =	vld [tilespmem:s0+$0x2330];
	v21 =	vadd.f32 $0.0e+00, v21  }
0x4a0: {  	v58 =	vld [tilespmem:s0+$0x8320];
	v59 =	vmul.f32 v19, v32;
	v34 =	vmul.f32 v33, v53  }
0x4a1: {  	v18 =	vmul.f32 v22, v18;
	v20 =	vadd.f32 v21, v20;
	v21 =	vadd.f32 v27, v26  }
0x4a2: {  	v60 =	vmul.f32 v33, v32;
	v19 =	vmul.f32 v19, v53;
	v22 =	vld [tilespmem:s0+$0xA320]  }
0x4a3: {  	v18 =	vadd.f32 v18, v20;
	v17 =	vmul.f32 v21, v17;
	v20 =	vsub.f32 v59, v34  }
0x4a4: {  	v61 =	vmul.f32 v55, v56;
	v62 =	vmul.f32 v57, v23;
	v21 =	vld [tilespmem:s0+$0x8330]  }
0x4a5: {  	v17 =	vadd.f32 v18, v17;
	v18 =	vadd.f32 v60, v19;
	v19 =	vmul.f32 v20, v58  }
0x4a6: {  	v63 =	vmul.f32 v57, v56;
	v23 =	vmul.f32 v55, v23;
	v20 =	vld [tilespmem:s0+$0xA330]  }
0x4a7: {  	v17 =	vadd.f32 v19, v17;
	v18 =	vmul.f32 v18, v22;
	v19 =	vsub.f32 v61, v62;
	_ =	sdelay $0x1  }
0x4a8: {  	v17 =	vadd.f32 v17, v18;
	v18 =	vadd.f32 v63, v23;
	v19 =	vmul.f32 v19, v21  }
0x4a9: {  	v21 =	vor.u32 s26, v0  }
0x4aa: {  	v17 =	vadd.f32 v19, v17;
	v18 =	vmul.f32 v18, v20;
	v19 =	vand.u32 v1, v21;
	_ =	sdelay $0x1  }
0x4ab: {  	v17 =	vadd.f32 v17, v18;
	v18 =	vor.u32 s26, v2  }
0x4ac: {  	s6 =	sadd.s32 $0x10, s28  }
0x4ad: {  	[tilespmem:s6+$0x0] =	vst v17;
	v17 =	vor.u32 s26, v3  }
0x4ae: {  	v19 =	vld.idx.msk [tilespmem:v19+s23+$0x0], $0xffff  }
0x4af: {  	v20 =	vor.u32 s26, v4  }
0x4b0: {  	v18 =	vld.idx.msk [tilespmem:v18+s23+$0x0], $0xffff  }
0x4b1: {  	v21 =	vor.u32 s26, v5  }
0x4b2: {  	v17 =	vld.idx.msk [tilespmem:v17+s23+$0x0], $0xffff  }
0x4b3: {  	v22 =	vor.u32 s26, v6;
	v19 =	vadd.f32 $0.0e+00, v19  }
0x4b4: {  	v20 =	vld.idx.msk [tilespmem:v20+s23+$0x0], $0xffff  }
0x4b5: {  	v23 =	vor.u32 s26, v7;
	v18 =	vadd.f32 v18, v19  }
0x4b6: {  	v19 =	vld.idx.msk [tilespmem:v21+s23+$0x0], $0xffff  }
0x4b7: {  	v21 =	vor.u32 s26, v8;
	v17 =	vadd.f32 v17, v18  }
0x4b8: {  	v18 =	vld.idx.msk [tilespmem:v22+s23+$0x0], $0xffff  }
0x4b9: {  	v22 =	vor.u32 s26, v9;
	v17 =	vadd.f32 v20, v17  }
0x4ba: {  	v20 =	vld.idx.msk [tilespmem:v23+s23+$0x0], $0xffff  }
0x4bb: {  	v23 =	vor.u32 s26, v10;
	v17 =	vadd.f32 v19, v17  }
0x4bc: {  	v19 =	vld.idx.msk [tilespmem:v21+s23+$0x0], $0xffff  }
0x4bd: {  	v21 =	vor.u32 s26, v11;
	v17 =	vadd.f32 v18, v17  }
0x4be: {  	v18 =	vld.idx.msk [tilespmem:v22+s23+$0x0], $0xffff  }
0x4bf: {  	v22 =	vor.u32 s26, v12;
	v17 =	vadd.f32 v20, v17  }
0x4c0: {  	v20 =	vld.idx.msk [tilespmem:v23+s23+$0x0], $0xffff  }
0x4c1: {  	v23 =	vor.u32 s26, v13;
	v17 =	vadd.f32 v19, v17  }
0x4c2: {  	v19 =	vld.idx.msk [tilespmem:v21+s23+$0x0], $0xffff  }
0x4c3: {  	v21 =	vor.u32 s26, v14;
	v17 =	vadd.f32 v18, v17  }
0x4c4: {  	v18 =	vld.idx.msk [tilespmem:v22+s23+$0x0], $0xffff  }
0x4c5: {  	v22 =	vor.u32 s26, v15;
	v17 =	vadd.f32 v20, v17  }
0x4c6: {  	v20 =	vld.idx.msk [tilespmem:v23+s23+$0x0], $0xffff  }
0x4c7: {  	v17 =	vadd.f32 v19, v17  }
0x4c8: {  	v23 =	vor.u32 s26, v16;
	v19 =	vld.idx.msk [tilespmem:v21+s23+$0x0], $0xffff  }
0x4c9: {  	v17 =	vadd.f32 v18, v17  }
0x4ca: {  	v18 =	vld.idx.msk [tilespmem:v22+s23+$0x0], $0xffff  }
0x4cb: {  	v17 =	vadd.f32 v20, v17;
	_ =	sdelay $0x1  }
0x4cc: {  	v20 =	vld.idx.msk [tilespmem:v23+s23+$0x0], $0xffff;
	v17 =	vadd.f32 v19, v17  }
0x4cd: {  	s28 =	simm.s32 $0x100  }
0x4ce: {  	v21 =	vadd.f32 v18, v17;
	v18 =	vor.u32 s28, v0  }
0x4cf: {  	v19 =	vand.u32 v1, v18;
	_ =	sdelay $0x1  }
0x4d0: {  	s0 =	simm.s32 $0x200;
	s26 =	simm.s32 $0x18800;
	v17 =	vor.u32 s28, v3;
	v18 =	vor.u32 s28, v2;
	v20 =	vadd.f32 v20, v21  }
.LBB2_20:
0x4d1: {  	p0 =	sne.s32 s0, $0x300  }
0x4d2: {  	v21 =	vor.u32 s0, v3;
	s6 =	smov.u32 s0;
	s0 =	sadd.s32 $0x100, s0;
	[tilespmem:s26+$0x0] =	vst v20;
	s26 =	sadd.s32 $0x10, s26  }
0x4d3: {  	v19 =	vld.idx.msk [tilespmem:v19+s23+$0x0], $0xffff  }
0x4d4: {  	v20 =	vor.u32 s28, v4  }
0x4d5: {  	v18 =	vld.idx.msk [tilespmem:v18+s23+$0x0], $0xffff  }
0x4d6: {  	v22 =	vor.u32 s28, v5  }
0x4d7: {  	v23 =	vld.idx.msk [tilespmem:v17+s23+$0x0], $0xffff;
	v17 =	vmov v21  }
0x4d8: {  	v21 =	vor.u32 s28, v6  }
0x4d9: {  	v19 =	vadd.f32 $0.0e+00, v19;
	v20 =	vld.idx.msk [tilespmem:v20+s23+$0x0], $0xffff  }
0x4da: {  	v24 =	vor.u32 s28, v7  }
0x4db: {  	v18 =	vadd.f32 v18, v19;
	v19 =	vld.idx.msk [tilespmem:v22+s23+$0x0], $0xffff  }
0x4dc: {  	v22 =	vor.u32 s28, v8  }
0x4dd: {  	v18 =	vadd.f32 v23, v18;
	v21 =	vld.idx.msk [tilespmem:v21+s23+$0x0], $0xffff  }
0x4de: {  	v23 =	vor.u32 s28, v9  }
0x4df: {  	v18 =	vadd.f32 v20, v18;
	v20 =	vld.idx.msk [tilespmem:v24+s23+$0x0], $0xffff  }
0x4e0: {  	v24 =	vor.u32 s28, v10  }
0x4e1: {  	v18 =	vadd.f32 v19, v18;
	v19 =	vld.idx.msk [tilespmem:v22+s23+$0x0], $0xffff  }
0x4e2: {  	v22 =	vor.u32 s28, v11  }
0x4e3: {  	v18 =	vadd.f32 v21, v18;
	v21 =	vld.idx.msk [tilespmem:v23+s23+$0x0], $0xffff  }
0x4e4: {  	v23 =	vor.u32 s28, v12  }
0x4e5: {  	v18 =	vadd.f32 v20, v18;
	v20 =	vld.idx.msk [tilespmem:v24+s23+$0x0], $0xffff  }
0x4e6: {  	v24 =	vor.u32 s28, v13  }
0x4e7: {  	v18 =	vadd.f32 v19, v18;
	v19 =	vld.idx.msk [tilespmem:v22+s23+$0x0], $0xffff  }
0x4e8: {  	v22 =	vor.u32 s28, v14  }
0x4e9: {  	v18 =	vadd.f32 v21, v18;
	v21 =	vld.idx.msk [tilespmem:v23+s23+$0x0], $0xffff  }
0x4ea: {  	v23 =	vor.u32 s28, v15  }
0x4eb: {  	v18 =	vadd.f32 v20, v18;
	v20 =	vld.idx.msk [tilespmem:v24+s23+$0x0], $0xffff  }
0x4ec: {  	v24 =	vor.u32 s28, v16;
	s28 =	smov.u32 s6  }
0x4ed: {  	v18 =	vadd.f32 v19, v18;
	v19 =	vld.idx.msk [tilespmem:v22+s23+$0x0], $0xffff;
	_ =	sdelay $0x1  }
0x4ee: {  	v18 =	vadd.f32 v21, v18;
	v21 =	vld.idx.msk [tilespmem:v23+s23+$0x0], $0xffff;
	_ =	sdelay $0x1  }
0x4ef: {  	v18 =	vadd.f32 v20, v18;
	v20 =	vld.idx.msk [tilespmem:v24+s23+$0x0], $0xffff;
	_ =	sdelay $0x1  }
.Ltmp9:
0x4f0: {  	v18 =	vadd.f32 v19, v18;
	(pc) =	sbr.rel @p0 .LBB2_20-.Ltmp9, $3  }
0x4f1: {  	v19 =	vor.u32 s28, v0  }
0x4f2: {  	v19 =	vand.u32 v1, v19;
	v21 =	vadd.f32 v21, v18;
	_ =	sdelay $0x1  }
0x4f3: {  	v18 =	vor.u32 s28, v2;
	v20 =	vadd.f32 v20, v21  }
0x4f4: {  	_ =	sdelay $0x2  }
0x4f5: {  	[tilespmem:s26+$0x0] =	vst v20  }
0x4f6: {  	v19 =	vld.idx.msk [tilespmem:v19+s23+$0x0], $0xffff  }
0x4f7: {  	v20 =	vor.u32 s28, v4  }
0x4f8: {  	v18 =	vld.idx.msk [tilespmem:v18+s23+$0x0], $0xffff  }
0x4f9: {  	v21 =	vor.u32 s28, v5  }
0x4fa: {  	v17 =	vld.idx.msk [tilespmem:v17+s23+$0x0], $0xffff  }
0x4fb: {  	v22 =	vor.u32 s28, v6;
	v19 =	vadd.f32 $0.0e+00, v19  }
0x4fc: {  	v20 =	vld.idx.msk [tilespmem:v20+s23+$0x0], $0xffff  }
0x4fd: {  	v23 =	vor.u32 s28, v7;
	v18 =	vadd.f32 v18, v19  }
0x4fe: {  	v19 =	vld.idx.msk [tilespmem:v21+s23+$0x0], $0xffff  }
0x4ff: {  	v21 =	vor.u32 s28, v8;
	v17 =	vadd.f32 v17, v18  }
0x500: {  	v18 =	vld.idx.msk [tilespmem:v22+s23+$0x0], $0xffff  }
0x501: {  	v22 =	vor.u32 s28, v9;
	v17 =	vadd.f32 v20, v17  }
0x502: {  	v20 =	vld.idx.msk [tilespmem:v23+s23+$0x0], $0xffff  }
0x503: {  	v23 =	vor.u32 s28, v10;
	v17 =	vadd.f32 v19, v17  }
0x504: {  	v19 =	vld.idx.msk [tilespmem:v21+s23+$0x0], $0xffff  }
0x505: {  	v21 =	vor.u32 s28, v11;
	v17 =	vadd.f32 v18, v17  }
0x506: {  	v18 =	vld.idx.msk [tilespmem:v22+s23+$0x0], $0xffff  }
0x507: {  	v22 =	vor.u32 s28, v12;
	v17 =	vadd.f32 v20, v17  }
0x508: {  	v20 =	vld.idx.msk [tilespmem:v23+s23+$0x0], $0xffff  }
0x509: {  	v23 =	vor.u32 s28, v13;
	v17 =	vadd.f32 v19, v17  }
0x50a: {  	v19 =	vld.idx.msk [tilespmem:v21+s23+$0x0], $0xffff  }
0x50b: {  	v21 =	vor.u32 s28, v14;
	v17 =	vadd.f32 v18, v17  }
0x50c: {  	v18 =	vld.idx.msk [tilespmem:v22+s23+$0x0], $0xffff  }
0x50d: {  	v22 =	vor.u32 s28, v15;
	v17 =	vadd.f32 v20, v17  }
0x50e: {  	v20 =	vld.idx.msk [tilespmem:v23+s23+$0x0], $0xffff  }
0x50f: {  	v23 =	vor.u32 s28, v16;
	v17 =	vadd.f32 v19, v17  }
0x510: {  	v19 =	vld.idx.msk [tilespmem:v21+s23+$0x0], $0xffff  }
0x511: {  	v17 =	vadd.f32 v18, v17  }
0x512: {  	v18 =	vld.idx.msk [tilespmem:v22+s23+$0x0], $0xffff  }
0x513: {  	v17 =	vadd.f32 v20, v17  }
0x514: {  	v20 =	vld.idx.msk [tilespmem:v23+s23+$0x0], $0xffff  }
0x515: {  	v17 =	vadd.f32 v19, v17;
	_ =	sdelay $0x1  }
0x516: {  	v17 =	vadd.f32 v18, v17;
	_ =	sdelay $0x1  }
0x517: {  	v17 =	vadd.f32 v20, v17  }
0x518: {  	s0 =	sadd.s32 $0x10, s26  }
0x519: {  	s6 =	rddreg [dreg:$0x16];
	s26 =	simm.s32 $0x0;
	[tilespmem:s0+$0x0] =	vst v17  }
0x51a: {  	[tilespmem:s26], [sflag:$0x3] =	stream.linear.gather [hbm4b:s6+s26], $0x40, $0x38;
	[tilespmem:$0x18900] =	vst v63  }
0x51b: {  	_ =	swait.ge [sflag:s2], $0x40  }
0x51c: {  	[sflag:s2] =	ssyncset.done $0x0  }
0x51d: {  	s6 =	rddreg [dreg:$0x17];
	[sflag:s2] =	ssyncadd.s32 $0xFFFFFFC0  }
0x51e: {  	[tilespmem:s3], [sflag:$0x3] =	stream.linear.gather [hbm4b:s6+s26], $0x40, $0x38;
	[tilespmem:$0x18900] =	vst v63  }
0x51f: {  	_ =	swait.ge [sflag:s2], $0x40  }
0x520: {  	[sflag:s2] =	ssyncset.done $0x0  }
0x521: {  	s6 =	rddreg [dreg:$0x18];
	[sflag:s2] =	ssyncadd.s32 $0xFFFFFFC0  }
0x522: {  	[tilespmem:s4], [sflag:$0x3] =	stream.linear.gather [hbm4b:s6+s26], $0x40, $0x38;
	[tilespmem:$0x18900] =	vst v63  }
0x523: {  	_ =	swait.ge [sflag:s2], $0x40  }
0x524: {  	[sflag:s2] =	ssyncset.done $0x0  }
0x525: {  	s6 =	simm.s32 $0x300;
	[sflag:s2] =	ssyncadd.s32 $0xFFFFFFC0  }
0x526: {  	[tilespmem:s6], [sflag:$0x1] =	stream.indirect.gather [hbm4b:s29+s5], $0x80, s26, s5, $0xb8;
	[tilespmem:$0x18900] =	vst v63  }
0x527: {  	_ = 	snop  }
0x528: {  	[tilespmem:s7], [sflag:$0x1] =	stream.indirect.gather [hbm4b:s30+s5], $0x80, s26, s5, $0xb8;
	[tilespmem:$0x18900] =	vst v63  }
0x529: {  	_ = 	snop  }
0x52a: {  	[tilespmem:s8], [sflag:$0x1] =	stream.indirect.gather [hbm4b:s29+s5], $0x80, s4, s5, $0xb8;
	[tilespmem:$0x18900] =	vst v63  }
0x52b: {  	_ = 	snop  }
0x52c: {  	[tilespmem:s9], [sflag:$0x1] =	stream.indirect.gather [hbm4b:s30+s5], $0x80, s4, s5, $0xb8;
	[tilespmem:$0x18900] =	vst v63  }
0x52d: {  	_ = 	snop  }
0x52e: {  	[tilespmem:s10], [sflag:$0x1] =	stream.indirect.gather [hbm4b:s31+s5], $0x80, s3, s5, $0xb8;
	[tilespmem:$0x18900] =	vst v63  }
0x52f: {  	_ = 	snop  }
0x530: {  	[tilespmem:s11], [sflag:$0x1] =	stream.indirect.gather [hbm4b:s22+s5], $0x80, s3, s5, $0xb8;
	[tilespmem:$0x18900] =	vst v63  }
0x531: {  	_ =	swait.ge [sflag:s24], $0x2000  }
0x532: {  	[sflag:s24] =	ssyncset.done $0x0  }
0x533: {  	[sflag:s24] =	ssyncadd.s32 $0xFFFFE000  }
0x534: {  	_ =	swait.ge [sflag:s24], $0x2000  }
0x535: {  	[sflag:s24] =	ssyncset.done $0x0  }
0x536: {  	[sflag:s24] =	ssyncadd.s32 $0xFFFFE000  }
0x537: {  	_ =	swait.ge [sflag:s24], $0x2000  }
0x538: {  	[sflag:s24] =	ssyncset.done $0x0  }
0x539: {  	[sflag:s24] =	ssyncadd.s32 $0xFFFFE000  }
0x53a: {  	_ =	swait.ge [sflag:s24], $0x2000  }
0x53b: {  	[sflag:s24] =	ssyncset.done $0x0  }
0x53c: {  	[sflag:s24] =	ssyncadd.s32 $0xFFFFE000  }
0x53d: {  	_ =	swait.ge [sflag:s24], $0x2000  }
0x53e: {  	[sflag:s24] =	ssyncset.done $0x0  }
0x53f: {  	[sflag:s24] =	ssyncadd.s32 $0xFFFFE000  }
0x540: {  	_ =	swait.ge [sflag:s24], $0x2000  }
0x541: {  	[sflag:s24] =	ssyncset.done $0x0  }
0x542: {  	s6 =	simm.s32 $0x0;
	[sflag:s24] =	ssyncadd.s32 $0xFFFFE000  }
0x543: {  	v17 =	vld [tilespmem:s6+$0x16310]  }
0x544: {  	v18 =	vld [tilespmem:s6+$0x14310]  }
0x545: {  	v19 =	vld [tilespmem:s6+$0x16300]  }
0x546: {  	v20 =	vld [tilespmem:s6+$0x14300]  }
0x547: {  	v21 =	vld [tilespmem:s6+$0x10320]  }
0x548: {  	v22 =	vld [tilespmem:s6+$0x10300]  }
0x549: {  	v23 =	vld [tilespmem:s6+$0xC300]  }
0x54a: {  	v24 =	vld [tilespmem:s6+$0x12300]  }
0x54b: {  	v25 =	vld [tilespmem:s6+$0xE300]  }
0x54c: {  	v26 =	vld [tilespmem:s6+$0x10310]  }
0x54d: {  	v27 =	vld [tilespmem:s6+$0xC310]  }
0x54e: {  	v28 =	vld [tilespmem:s6+$0x12310]  }
0x54f: {  	v29 =	vld [tilespmem:s6+$0xE310]  }
0x550: {  	v32 =	vld [tilespmem:s6+$0xC320];
	v30 =	vmul.f32 v22, v23;
	v31 =	vmul.f32 v24, v25  }
0x551: {  	v33 =	vld [tilespmem:s6+$0x12320]  }
0x552: {  	v23 =	vmul.f32 v24, v23;
	v22 =	vmul.f32 v22, v25;
	v24 =	vld [tilespmem:s6+$0xE320];
	v30 =	vsub.f32 v30, v31  }
0x553: {  	v60 =	vld [tilespmem:s6+$0x10330];
	v25 =	vmul.f32 v26, v27  }
0x554: {  	v61 =	vld [tilespmem:s6+$0xC330];
	v22 =	vadd.f32 v23, v22;
	v23 =	vmul.f32 v28, v29;
	v20 =	vmul.f32 v30, v20  }
0x555: {  	v62 =	vld [tilespmem:s6+$0x12330];
	v27 =	vmul.f32 v28, v27;
	v26 =	vmul.f32 v26, v29  }
0x556: {  	v19 =	vmul.f32 v22, v19;
	v22 =	vsub.f32 v25, v23;
	v23 =	vld [tilespmem:s6+$0xE330];
	v20 =	vadd.f32 $0.0e+00, v20  }
0x557: {  	v63 =	vmul.f32 v21, v32;
	v25 =	vld [tilespmem:s6+$0x14320];
	v34 =	vmul.f32 v33, v24  }
0x558: {  	v18 =	vmul.f32 v22, v18;
	v19 =	vadd.f32 v20, v19;
	v20 =	vadd.f32 v27, v26  }
0x559: {  	v21 =	vmul.f32 v21, v24;
	v22 =	vld [tilespmem:s6+$0x16320];
	v26 =	vmul.f32 v33, v32  }
0x55a: {  	v18 =	vadd.f32 v18, v19;
	v17 =	vmul.f32 v20, v17;
	v19 =	vsub.f32 v63, v34  }
0x55b: {  	v24 =	vmul.f32 v60, v61;
	v27 =	vmul.f32 v62, v23;
	v20 =	vld [tilespmem:s6+$0x14330]  }
0x55c: {  	v17 =	vadd.f32 v18, v17;
	v18 =	vadd.f32 v26, v21;
	v19 =	vmul.f32 v19, v25  }
0x55d: {  	v23 =	vmul.f32 v60, v23;
	v21 =	vld [tilespmem:s6+$0x16330];
	v25 =	vmul.f32 v62, v61  }
0x55e: {  	v17 =	vadd.f32 v19, v17;
	v18 =	vmul.f32 v18, v22;
	v19 =	vsub.f32 v24, v27;
	_ =	sdelay $0x1  }
0x55f: {  	v17 =	vadd.f32 v17, v18;
	v18 =	vadd.f32 v25, v23;
	v19 =	vmul.f32 v19, v20;
	_ =	sdelay $0x1  }
0x560: {  	v17 =	vadd.f32 v19, v17;
	v18 =	vmul.f32 v18, v21;
	_ =	sdelay $0x1  }
0x561: {  	v17 =	vadd.f32 v17, v18  }
0x562: {  	s28 =	simm.s32 $0x18300  }
0x563: {  	s0 =	simm.s32 $0x80;
	[tilespmem:s28+$0x0] =	vst v17  }
0x564: {  	v17 =	vld [tilespmem:s0+$0x16310]  }
0x565: {  	v18 =	vld [tilespmem:s0+$0x14310]  }
0x566: {  	v20 =	vld [tilespmem:s0+$0x16300]  }
0x567: {  	v21 =	vld [tilespmem:s0+$0x14300]  }
0x568: {  	v19 =	vld [tilespmem:s0+$0x10320]  }
0x569: {  	v22 =	vld [tilespmem:s0+$0x10300]  }
0x56a: {  	v23 =	vld [tilespmem:s0+$0xC300]  }
0x56b: {  	s6 =	simm.s32 $0x400;
	v24 =	vld [tilespmem:s0+$0x12300]  }
.LBB2_22:
0x56c: {  	p0 =	sne.s32 s6, $0x7E00;
	v25 =	vld [tilespmem:s0+$0xE300]  }
0x56d: {  	v26 =	vld [tilespmem:s0+$0x10310]  }
0x56e: {  	v27 =	vld [tilespmem:s0+$0xC310]  }
0x56f: {  	v28 =	vld [tilespmem:s0+$0x12310]  }
0x570: {  	v29 =	vld [tilespmem:s0+$0xE310]  }
0x571: {  	v30 =	vmul.f32 v22, v23;
	v31 =	vmul.f32 v24, v25;
	v32 =	vld [tilespmem:s0+$0xC320]  }
0x572: {  	v33 =	vld [tilespmem:s0+$0x12320]  }
0x573: {  	v23 =	vmul.f32 v24, v23;
	v22 =	vmul.f32 v22, v25;
	v30 =	vsub.f32 v30, v31;
	v24 =	vld [tilespmem:s0+$0xE320]  }
0x574: {  	v25 =	vmul.f32 v26, v27;
	v31 =	vld [tilespmem:s0+$0x10330]  }
0x575: {  	v22 =	vadd.f32 v23, v22;
	v21 =	vmul.f32 v30, v21;
	v23 =	vmul.f32 v28, v29;
	v30 =	vld [tilespmem:s0+$0xC330]  }
0x576: {  	v27 =	vmul.f32 v28, v27;
	v26 =	vmul.f32 v26, v29;
	v28 =	vld [tilespmem:s0+$0x12330]  }
0x577: {  	v20 =	vmul.f32 v22, v20;
	v21 =	vadd.f32 $0.0e+00, v21;
	v22 =	vsub.f32 v25, v23;
	v23 =	vld [tilespmem:s0+$0xE330]  }
0x578: {  	v29 =	vmul.f32 v19, v32;
	v25 =	vld [tilespmem:s0+$0x14320];
	v34 =	vmul.f32 v33, v24  }
0x579: {  	v20 =	vadd.f32 v21, v20;
	v21 =	vadd.f32 v27, v26;
	v18 =	vmul.f32 v22, v18  }
0x57a: {  	v19 =	vmul.f32 v19, v24;
	v26 =	vmul.f32 v33, v32;
	v22 =	vld [tilespmem:s0+$0x16320]  }
0x57b: {  	v18 =	vadd.f32 v18, v20;
	v17 =	vmul.f32 v21, v17;
	v20 =	vsub.f32 v29, v34  }
0x57c: {  	v24 =	vmul.f32 v31, v30;
	v21 =	vld [tilespmem:s0+$0x14330];
	v27 =	vmul.f32 v28, v23  }
0x57d: {  	v17 =	vadd.f32 v18, v17;
	v18 =	vadd.f32 v26, v19;
	v19 =	vmul.f32 v20, v25  }
0x57e: {  	v23 =	vmul.f32 v31, v23;
	v25 =	vmul.f32 v28, v30;
	v20 =	vld [tilespmem:s0+$0x16330]  }
0x57f: {  	v17 =	vadd.f32 v19, v17;
	v18 =	vmul.f32 v18, v22;
	v19 =	vsub.f32 v24, v27;
	_ =	sdelay $0x1  }
0x580: {  	v17 =	vadd.f32 v17, v18;
	v18 =	vadd.f32 v25, v23;
	v19 =	vmul.f32 v19, v21;
	_ =	sdelay $0x1  }
0x581: {  	v17 =	vadd.f32 v19, v17;
	v18 =	vmul.f32 v18, v20;
	_ =	sdelay $0x1  }
0x582: {  	v17 =	vadd.f32 v17, v18  }
0x583: {  	s28 =	sadd.s32 $0x10, s28  }
0x584: {  	s0 =	sshra.s32 s6, $0x2;
	[tilespmem:s28+$0x0] =	vst v17  }
0x585: {  	v17 =	vld [tilespmem:s0+$0x16310]  }
0x586: {  	v18 =	vld [tilespmem:s0+$0x14310]  }
0x587: {  	v20 =	vld [tilespmem:s0+$0x16300]  }
.Ltmp10:
0x588: {  	v21 =	vld [tilespmem:s0+$0x14300];
	(pc) =	sbr.rel @p0 .LBB2_22-.Ltmp10, $4  }
0x589: {  	v19 =	vld [tilespmem:s0+$0x10320]  }
0x58a: {  	v22 =	vld [tilespmem:s0+$0x10300]  }
0x58b: {  	v23 =	vld [tilespmem:s0+$0xC300]  }
0x58c: {  	s6 =	sadd.s32 $0x200, s6;
	v24 =	vld [tilespmem:s0+$0x12300]  }
0x58d: {  	v25 =	vld [tilespmem:s0+$0xE300]  }
0x58e: {  	v26 =	vld [tilespmem:s0+$0x10310]  }
0x58f: {  	v27 =	vld [tilespmem:s0+$0xC310]  }
0x590: {  	v28 =	vld [tilespmem:s0+$0x12310]  }
0x591: {  	v29 =	vld [tilespmem:s0+$0xE310]  }
0x592: {  	v32 =	vld [tilespmem:s0+$0xC320];
	v30 =	vmul.f32 v22, v23;
	v31 =	vmul.f32 v24, v25  }
0x593: {  	v33 =	vld [tilespmem:s0+$0x12320]  }
0x594: {  	v53 =	vld [tilespmem:s0+$0xE320];
	v23 =	vmul.f32 v24, v23;
	v22 =	vmul.f32 v22, v25;
	v30 =	vsub.f32 v30, v31  }
0x595: {  	v55 =	vld [tilespmem:s0+$0x10330];
	v54 =	vmul.f32 v26, v27  }
0x596: {  	v56 =	vld [tilespmem:s0+$0xC330];
	v22 =	vadd.f32 v23, v22;
	v23 =	vmul.f32 v28, v29;
	v21 =	vmul.f32 v30, v21  }
0x597: {  	v57 =	vld [tilespmem:s0+$0x12330];
	v27 =	vmul.f32 v28, v27;
	v26 =	vmul.f32 v26, v29  }
0x598: {  	v20 =	vmul.f32 v22, v20;
	v22 =	vsub.f32 v54, v23;
	v23 =	vld [tilespmem:s0+$0xE330];
	v21 =	vadd.f32 $0.0e+00, v21  }
0x599: {  	v58 =	vld [tilespmem:s0+$0x14320];
	v59 =	vmul.f32 v19, v32;
	v34 =	vmul.f32 v33, v53  }
0x59a: {  	v18 =	vmul.f32 v22, v18;
	v20 =	vadd.f32 v21, v20;
	v21 =	vadd.f32 v27, v26  }
0x59b: {  	v60 =	vmul.f32 v33, v32;
	v19 =	vmul.f32 v19, v53;
	v22 =	vld [tilespmem:s0+$0x16320]  }
0x59c: {  	v18 =	vadd.f32 v18, v20;
	v17 =	vmul.f32 v21, v17;
	v20 =	vsub.f32 v59, v34  }
0x59d: {  	v61 =	vmul.f32 v55, v56;
	v62 =	vmul.f32 v57, v23;
	v21 =	vld [tilespmem:s0+$0x14330]  }
0x59e: {  	v17 =	vadd.f32 v18, v17;
	v18 =	vadd.f32 v60, v19;
	v19 =	vmul.f32 v20, v58  }
0x59f: {  	v63 =	vmul.f32 v57, v56;
	v23 =	vmul.f32 v55, v23;
	v20 =	vld [tilespmem:s0+$0x16330]  }
0x5a0: {  	v17 =	vadd.f32 v19, v17;
	v18 =	vmul.f32 v18, v22;
	v19 =	vsub.f32 v61, v62;
	_ =	sdelay $0x1  }
0x5a1: {  	v17 =	vadd.f32 v17, v18;
	v18 =	vadd.f32 v63, v23;
	v19 =	vmul.f32 v19, v21  }
0x5a2: {  	v21 =	vor.u32 s26, v0  }
0x5a3: {  	v17 =	vadd.f32 v19, v17;
	v18 =	vmul.f32 v18, v20;
	v19 =	vand.u32 v1, v21;
	_ =	sdelay $0x1  }
0x5a4: {  	v17 =	vadd.f32 v17, v18;
	v18 =	vor.u32 s26, v2  }
0x5a5: {  	s6 =	sadd.s32 $0x10, s28  }
0x5a6: {  	[tilespmem:s6+$0x0] =	vst v17;
	v17 =	vor.u32 s26, v3  }
0x5a7: {  	v19 =	vld.idx.msk [tilespmem:v19+s23+$0x0], $0xffff  }
0x5a8: {  	v20 =	vor.u32 s26, v4  }
0x5a9: {  	v18 =	vld.idx.msk [tilespmem:v18+s23+$0x0], $0xffff  }
0x5aa: {  	v21 =	vor.u32 s26, v5  }
0x5ab: {  	v17 =	vld.idx.msk [tilespmem:v17+s23+$0x0], $0xffff  }
0x5ac: {  	v22 =	vor.u32 s26, v6;
	v19 =	vadd.f32 $0.0e+00, v19  }
0x5ad: {  	v20 =	vld.idx.msk [tilespmem:v20+s23+$0x0], $0xffff  }
0x5ae: {  	v23 =	vor.u32 s26, v7;
	v18 =	vadd.f32 v18, v19  }
0x5af: {  	v19 =	vld.idx.msk [tilespmem:v21+s23+$0x0], $0xffff  }
0x5b0: {  	v21 =	vor.u32 s26, v8;
	v17 =	vadd.f32 v17, v18  }
0x5b1: {  	v18 =	vld.idx.msk [tilespmem:v22+s23+$0x0], $0xffff  }
0x5b2: {  	v22 =	vor.u32 s26, v9;
	v17 =	vadd.f32 v20, v17  }
0x5b3: {  	v20 =	vld.idx.msk [tilespmem:v23+s23+$0x0], $0xffff  }
0x5b4: {  	v23 =	vor.u32 s26, v10;
	v17 =	vadd.f32 v19, v17  }
0x5b5: {  	v19 =	vld.idx.msk [tilespmem:v21+s23+$0x0], $0xffff  }
0x5b6: {  	v21 =	vor.u32 s26, v11;
	v17 =	vadd.f32 v18, v17  }
0x5b7: {  	v18 =	vld.idx.msk [tilespmem:v22+s23+$0x0], $0xffff  }
0x5b8: {  	v22 =	vor.u32 s26, v12;
	v17 =	vadd.f32 v20, v17  }
0x5b9: {  	v20 =	vld.idx.msk [tilespmem:v23+s23+$0x0], $0xffff  }
0x5ba: {  	v23 =	vor.u32 s26, v13;
	v17 =	vadd.f32 v19, v17  }
0x5bb: {  	v19 =	vld.idx.msk [tilespmem:v21+s23+$0x0], $0xffff  }
0x5bc: {  	v21 =	vor.u32 s26, v14;
	v17 =	vadd.f32 v18, v17  }
0x5bd: {  	v18 =	vld.idx.msk [tilespmem:v22+s23+$0x0], $0xffff  }
0x5be: {  	v22 =	vor.u32 s26, v15;
	v17 =	vadd.f32 v20, v17  }
0x5bf: {  	v20 =	vld.idx.msk [tilespmem:v23+s23+$0x0], $0xffff  }
0x5c0: {  	v17 =	vadd.f32 v19, v17  }
0x5c1: {  	v23 =	vor.u32 s26, v16;
	v19 =	vld.idx.msk [tilespmem:v21+s23+$0x0], $0xffff  }
0x5c2: {  	v17 =	vadd.f32 v18, v17  }
0x5c3: {  	v18 =	vld.idx.msk [tilespmem:v22+s23+$0x0], $0xffff  }
0x5c4: {  	v17 =	vadd.f32 v20, v17;
	_ =	sdelay $0x1  }
0x5c5: {  	v20 =	vld.idx.msk [tilespmem:v23+s23+$0x0], $0xffff;
	v17 =	vadd.f32 v19, v17  }
0x5c6: {  	s28 =	simm.s32 $0x100  }
0x5c7: {  	v21 =	vadd.f32 v18, v17;
	v18 =	vor.u32 s28, v0  }
0x5c8: {  	v19 =	vand.u32 v1, v18;
	_ =	sdelay $0x1  }
0x5c9: {  	s0 =	simm.s32 $0x200;
	s26 =	simm.s32 $0x18840;
	v17 =	vor.u32 s28, v3;
	v18 =	vor.u32 s28, v2;
	v20 =	vadd.f32 v20, v21  }
.LBB2_24:
0x5ca: {  	p0 =	sne.s32 s0, $0x300  }
0x5cb: {  	v21 =	vor.u32 s0, v3;
	s6 =	smov.u32 s0;
	s0 =	sadd.s32 $0x100, s0;
	[tilespmem:s26+$0x0] =	vst v20;
	s26 =	sadd.s32 $0x10, s26  }
0x5cc: {  	v19 =	vld.idx.msk [tilespmem:v19+s23+$0x0], $0xffff  }
0x5cd: {  	v20 =	vor.u32 s28, v4  }
0x5ce: {  	v18 =	vld.idx.msk [tilespmem:v18+s23+$0x0], $0xffff  }
0x5cf: {  	v22 =	vor.u32 s28, v5  }
0x5d0: {  	v23 =	vld.idx.msk [tilespmem:v17+s23+$0x0], $0xffff;
	v17 =	vmov v21  }
0x5d1: {  	v21 =	vor.u32 s28, v6  }
0x5d2: {  	v19 =	vadd.f32 $0.0e+00, v19;
	v20 =	vld.idx.msk [tilespmem:v20+s23+$0x0], $0xffff  }
0x5d3: {  	v24 =	vor.u32 s28, v7  }
0x5d4: {  	v18 =	vadd.f32 v18, v19;
	v19 =	vld.idx.msk [tilespmem:v22+s23+$0x0], $0xffff  }
0x5d5: {  	v22 =	vor.u32 s28, v8  }
0x5d6: {  	v18 =	vadd.f32 v23, v18;
	v21 =	vld.idx.msk [tilespmem:v21+s23+$0x0], $0xffff  }
0x5d7: {  	v23 =	vor.u32 s28, v9  }
0x5d8: {  	v18 =	vadd.f32 v20, v18;
	v20 =	vld.idx.msk [tilespmem:v24+s23+$0x0], $0xffff  }
0x5d9: {  	v24 =	vor.u32 s28, v10  }
0x5da: {  	v18 =	vadd.f32 v19, v18;
	v19 =	vld.idx.msk [tilespmem:v22+s23+$0x0], $0xffff  }
0x5db: {  	v22 =	vor.u32 s28, v11  }
0x5dc: {  	v18 =	vadd.f32 v21, v18;
	v21 =	vld.idx.msk [tilespmem:v23+s23+$0x0], $0xffff  }
0x5dd: {  	v23 =	vor.u32 s28, v12  }
0x5de: {  	v18 =	vadd.f32 v20, v18;
	v20 =	vld.idx.msk [tilespmem:v24+s23+$0x0], $0xffff  }
0x5df: {  	v24 =	vor.u32 s28, v13  }
0x5e0: {  	v18 =	vadd.f32 v19, v18;
	v19 =	vld.idx.msk [tilespmem:v22+s23+$0x0], $0xffff  }
0x5e1: {  	v22 =	vor.u32 s28, v14  }
0x5e2: {  	v18 =	vadd.f32 v21, v18;
	v21 =	vld.idx.msk [tilespmem:v23+s23+$0x0], $0xffff  }
0x5e3: {  	v23 =	vor.u32 s28, v15  }
0x5e4: {  	v18 =	vadd.f32 v20, v18;
	v20 =	vld.idx.msk [tilespmem:v24+s23+$0x0], $0xffff  }
0x5e5: {  	v24 =	vor.u32 s28, v16;
	s28 =	smov.u32 s6  }
0x5e6: {  	v18 =	vadd.f32 v19, v18;
	v19 =	vld.idx.msk [tilespmem:v22+s23+$0x0], $0xffff;
	_ =	sdelay $0x1  }
0x5e7: {  	v18 =	vadd.f32 v21, v18;
	v21 =	vld.idx.msk [tilespmem:v23+s23+$0x0], $0xffff;
	_ =	sdelay $0x1  }
0x5e8: {  	v18 =	vadd.f32 v20, v18;
	v20 =	vld.idx.msk [tilespmem:v24+s23+$0x0], $0xffff;
	_ =	sdelay $0x1  }
.Ltmp11:
0x5e9: {  	v18 =	vadd.f32 v19, v18;
	(pc) =	sbr.rel @p0 .LBB2_24-.Ltmp11, $3  }
0x5ea: {  	v19 =	vor.u32 s28, v0  }
0x5eb: {  	v19 =	vand.u32 v1, v19;
	v21 =	vadd.f32 v21, v18;
	_ =	sdelay $0x1  }
0x5ec: {  	v18 =	vor.u32 s28, v2;
	v20 =	vadd.f32 v20, v21  }
0x5ed: {  	_ =	sdelay $0x2  }
0x5ee: {  	[tilespmem:s26+$0x0] =	vst v20  }
0x5ef: {  	v19 =	vld.idx.msk [tilespmem:v19+s23+$0x0], $0xffff  }
0x5f0: {  	v20 =	vor.u32 s28, v4  }
0x5f1: {  	v18 =	vld.idx.msk [tilespmem:v18+s23+$0x0], $0xffff  }
0x5f2: {  	v21 =	vor.u32 s28, v5  }
0x5f3: {  	v17 =	vld.idx.msk [tilespmem:v17+s23+$0x0], $0xffff  }
0x5f4: {  	v22 =	vor.u32 s28, v6;
	v19 =	vadd.f32 $0.0e+00, v19  }
0x5f5: {  	v20 =	vld.idx.msk [tilespmem:v20+s23+$0x0], $0xffff  }
0x5f6: {  	v23 =	vor.u32 s28, v7;
	v18 =	vadd.f32 v18, v19  }
0x5f7: {  	v19 =	vld.idx.msk [tilespmem:v21+s23+$0x0], $0xffff  }
0x5f8: {  	v21 =	vor.u32 s28, v8;
	v17 =	vadd.f32 v17, v18  }
0x5f9: {  	v18 =	vld.idx.msk [tilespmem:v22+s23+$0x0], $0xffff  }
0x5fa: {  	v22 =	vor.u32 s28, v9;
	v17 =	vadd.f32 v20, v17  }
0x5fb: {  	v20 =	vld.idx.msk [tilespmem:v23+s23+$0x0], $0xffff  }
0x5fc: {  	v23 =	vor.u32 s28, v10;
	v17 =	vadd.f32 v19, v17  }
0x5fd: {  	v19 =	vld.idx.msk [tilespmem:v21+s23+$0x0], $0xffff  }
0x5fe: {  	v21 =	vor.u32 s28, v11;
	v17 =	vadd.f32 v18, v17  }
0x5ff: {  	v18 =	vld.idx.msk [tilespmem:v22+s23+$0x0], $0xffff  }
0x600: {  	v22 =	vor.u32 s28, v12;
	v17 =	vadd.f32 v20, v17  }
0x601: {  	v20 =	vld.idx.msk [tilespmem:v23+s23+$0x0], $0xffff  }
0x602: {  	v23 =	vor.u32 s28, v13;
	v17 =	vadd.f32 v19, v17  }
0x603: {  	v19 =	vld.idx.msk [tilespmem:v21+s23+$0x0], $0xffff  }
0x604: {  	v21 =	vor.u32 s28, v14;
	v17 =	vadd.f32 v18, v17  }
0x605: {  	v18 =	vld.idx.msk [tilespmem:v22+s23+$0x0], $0xffff  }
0x606: {  	v22 =	vor.u32 s28, v15;
	v17 =	vadd.f32 v20, v17  }
0x607: {  	v20 =	vld.idx.msk [tilespmem:v23+s23+$0x0], $0xffff  }
0x608: {  	v23 =	vor.u32 s28, v16;
	v17 =	vadd.f32 v19, v17  }
0x609: {  	v19 =	vld.idx.msk [tilespmem:v21+s23+$0x0], $0xffff  }
0x60a: {  	v17 =	vadd.f32 v18, v17  }
0x60b: {  	v18 =	vld.idx.msk [tilespmem:v22+s23+$0x0], $0xffff  }
0x60c: {  	v17 =	vadd.f32 v20, v17  }
0x60d: {  	v20 =	vld.idx.msk [tilespmem:v23+s23+$0x0], $0xffff  }
0x60e: {  	v17 =	vadd.f32 v19, v17;
	_ =	sdelay $0x1  }
0x60f: {  	v17 =	vadd.f32 v18, v17;
	_ =	sdelay $0x1  }
0x610: {  	v17 =	vadd.f32 v20, v17  }
0x611: {  	s0 =	sadd.s32 $0x10, s26  }
0x612: {  	s6 =	rddreg [dreg:$0x19];
	s26 =	simm.s32 $0x0;
	[tilespmem:s0+$0x0] =	vst v17  }
0x613: {  	[tilespmem:s12], [sflag:$0x3] =	stream.linear.gather [hbm4b:s6+s26], $0x40, $0x38;
	[tilespmem:$0x18900] =	vst v63  }
0x614: {  	_ =	swait.ge [sflag:s2], $0x40  }
0x615: {  	[sflag:s2] =	ssyncset.done $0x0  }
0x616: {  	s6 =	rddreg [dreg:$0x1b];
	[sflag:s2] =	ssyncadd.s32 $0xFFFFFFC0  }
0x617: {  	[tilespmem:s13], [sflag:$0x3] =	stream.linear.gather [hbm4b:s6+s26], $0x40, $0x38;
	[tilespmem:$0x18900] =	vst v63  }
0x618: {  	_ =	swait.ge [sflag:s2], $0x40  }
0x619: {  	[sflag:s2] =	ssyncset.done $0x0  }
0x61a: {  	s6 =	rddreg [dreg:$0x1c];
	[sflag:s2] =	ssyncadd.s32 $0xFFFFFFC0  }
0x61b: {  	[tilespmem:s14], [sflag:$0x3] =	stream.linear.gather [hbm4b:s6+s26], $0x40, $0x38;
	[tilespmem:$0x18900] =	vst v63  }
0x61c: {  	_ =	swait.ge [sflag:s2], $0x40  }
0x61d: {  	[sflag:s2] =	ssyncset.done $0x0  }
0x61e: {  	[sflag:s2] =	ssyncadd.s32 $0xFFFFFFC0  }
0x61f: {  	[tilespmem:s15], [sflag:$0x2] =	stream.indirect.gather [hbm4b:s29+s5], $0x80, s12, s5, $0xb8;
	[tilespmem:$0x18900] =	vst v63  }
0x620: {  	_ = 	snop  }
0x621: {  	[tilespmem:s16], [sflag:$0x2] =	stream.indirect.gather [hbm4b:s30+s5], $0x80, s12, s5, $0xb8;
	[tilespmem:$0x18900] =	vst v63  }
0x622: {  	_ = 	snop  }
0x623: {  	[tilespmem:s17], [sflag:$0x2] =	stream.indirect.gather [hbm4b:s29+s5], $0x80, s14, s5, $0xb8;
	[tilespmem:$0x18900] =	vst v63  }
0x624: {  	_ = 	snop  }
0x625: {  	[tilespmem:s18], [sflag:$0x2] =	stream.indirect.gather [hbm4b:s30+s5], $0x80, s14, s5, $0xb8;
	[tilespmem:$0x18900] =	vst v63  }
0x626: {  	_ = 	snop  }
0x627: {  	[tilespmem:s19], [sflag:$0x2] =	stream.indirect.gather [hbm4b:s31+s5], $0x80, s13, s5, $0xb8;
	[tilespmem:$0x18900] =	vst v63  }
0x628: {  	_ = 	snop  }
0x629: {  	[tilespmem:s20], [sflag:$0x2] =	stream.indirect.gather [hbm4b:s22+s5], $0x80, s13, s5, $0xb8;
	[tilespmem:$0x18900] =	vst v63  }
0x62a: {  	_ =	swait.ge [sflag:s21], $0x2000  }
0x62b: {  	[sflag:s21] =	ssyncset.done $0x0  }
0x62c: {  	[sflag:s21] =	ssyncadd.s32 $0xFFFFE000  }
0x62d: {  	_ =	swait.ge [sflag:s21], $0x2000  }
0x62e: {  	[sflag:s21] =	ssyncset.done $0x0  }
0x62f: {  	[sflag:s21] =	ssyncadd.s32 $0xFFFFE000  }
0x630: {  	_ =	swait.ge [sflag:s21], $0x2000  }
0x631: {  	[sflag:s21] =	ssyncset.done $0x0  }
0x632: {  	[sflag:s21] =	ssyncadd.s32 $0xFFFFE000  }
0x633: {  	_ =	swait.ge [sflag:s21], $0x2000  }
0x634: {  	[sflag:s21] =	ssyncset.done $0x0  }
0x635: {  	[sflag:s21] =	ssyncadd.s32 $0xFFFFE000  }
0x636: {  	_ =	swait.ge [sflag:s21], $0x2000  }
0x637: {  	[sflag:s21] =	ssyncset.done $0x0  }
0x638: {  	[sflag:s21] =	ssyncadd.s32 $0xFFFFE000  }
0x639: {  	_ =	swait.ge [sflag:s21], $0x2000  }
0x63a: {  	[sflag:s21] =	ssyncset.done $0x0  }
0x63b: {  	s6 =	simm.s32 $0x0;
	[sflag:s21] =	ssyncadd.s32 $0xFFFFE000  }
0x63c: {  	v17 =	vld [tilespmem:s6+$0xA310]  }
0x63d: {  	v18 =	vld [tilespmem:s6+$0x8310]  }
0x63e: {  	v19 =	vld [tilespmem:s6+$0xA300]  }
0x63f: {  	v20 =	vld [tilespmem:s6+$0x8300]  }
0x640: {  	v21 =	vld [tilespmem:s6+$0x4320]  }
0x641: {  	v22 =	vld [tilespmem:s6+$0x4300]  }
0x642: {  	v23 =	vld [tilespmem:s6+$0x300]  }
0x643: {  	v24 =	vld [tilespmem:s6+$0x6300]  }
0x644: {  	v25 =	vld [tilespmem:s6+$0x2300]  }
0x645: {  	v26 =	vld [tilespmem:s6+$0x4310]  }
0x646: {  	v27 =	vld [tilespmem:s6+$0x310]  }
0x647: {  	v28 =	vld [tilespmem:s6+$0x6310]  }
0x648: {  	v29 =	vld [tilespmem:s6+$0x2310]  }
0x649: {  	v32 =	vld [tilespmem:s6+$0x320];
	v30 =	vmul.f32 v22, v23;
	v31 =	vmul.f32 v24, v25  }
0x64a: {  	v33 =	vld [tilespmem:s6+$0x6320]  }
0x64b: {  	v23 =	vmul.f32 v24, v23;
	v22 =	vmul.f32 v22, v25;
	v24 =	vld [tilespmem:s6+$0x2320];
	v30 =	vsub.f32 v30, v31  }
0x64c: {  	v60 =	vld [tilespmem:s6+$0x4330];
	v25 =	vmul.f32 v26, v27  }
0x64d: {  	v61 =	vld [tilespmem:s6+$0x330];
	v22 =	vadd.f32 v23, v22;
	v23 =	vmul.f32 v28, v29;
	v20 =	vmul.f32 v30, v20  }
0x64e: {  	v62 =	vld [tilespmem:s6+$0x6330];
	v27 =	vmul.f32 v28, v27;
	v26 =	vmul.f32 v26, v29  }
0x64f: {  	v19 =	vmul.f32 v22, v19;
	v22 =	vsub.f32 v25, v23;
	v23 =	vld [tilespmem:s6+$0x2330];
	v20 =	vadd.f32 $0.0e+00, v20  }
0x650: {  	v63 =	vmul.f32 v21, v32;
	v25 =	vld [tilespmem:s6+$0x8320];
	v34 =	vmul.f32 v33, v24  }
0x651: {  	v18 =	vmul.f32 v22, v18;
	v19 =	vadd.f32 v20, v19;
	v20 =	vadd.f32 v27, v26  }
0x652: {  	v21 =	vmul.f32 v21, v24;
	v22 =	vld [tilespmem:s6+$0xA320];
	v26 =	vmul.f32 v33, v32  }
0x653: {  	v18 =	vadd.f32 v18, v19;
	v17 =	vmul.f32 v20, v17;
	v19 =	vsub.f32 v63, v34  }
0x654: {  	v24 =	vmul.f32 v60, v61;
	v27 =	vmul.f32 v62, v23;
	v20 =	vld [tilespmem:s6+$0x8330]  }
0x655: {  	v17 =	vadd.f32 v18, v17;
	v18 =	vadd.f32 v26, v21;
	v19 =	vmul.f32 v19, v25  }
0x656: {  	v23 =	vmul.f32 v60, v23;
	v21 =	vld [tilespmem:s6+$0xA330];
	v25 =	vmul.f32 v62, v61  }
0x657: {  	v17 =	vadd.f32 v19, v17;
	v18 =	vmul.f32 v18, v22;
	v19 =	vsub.f32 v24, v27;
	_ =	sdelay $0x1  }
0x658: {  	v17 =	vadd.f32 v17, v18;
	v18 =	vadd.f32 v25, v23;
	v19 =	vmul.f32 v19, v20;
	_ =	sdelay $0x1  }
0x659: {  	v17 =	vadd.f32 v19, v17;
	v18 =	vmul.f32 v18, v21;
	_ =	sdelay $0x1  }
0x65a: {  	v17 =	vadd.f32 v17, v18  }
0x65b: {  	s28 =	simm.s32 $0x18300  }
0x65c: {  	s0 =	simm.s32 $0x80;
	[tilespmem:s28+$0x0] =	vst v17  }
0x65d: {  	v17 =	vld [tilespmem:s0+$0xA310]  }
0x65e: {  	v18 =	vld [tilespmem:s0+$0x8310]  }
0x65f: {  	v20 =	vld [tilespmem:s0+$0xA300]  }
0x660: {  	v21 =	vld [tilespmem:s0+$0x8300]  }
0x661: {  	v19 =	vld [tilespmem:s0+$0x4320]  }
0x662: {  	v22 =	vld [tilespmem:s0+$0x4300]  }
0x663: {  	v23 =	vld [tilespmem:s0+$0x300]  }
0x664: {  	s6 =	simm.s32 $0x400;
	v24 =	vld [tilespmem:s0+$0x6300]  }
.LBB2_26:
0x665: {  	p0 =	sne.s32 s6, $0x7E00;
	v25 =	vld [tilespmem:s0+$0x2300]  }
0x666: {  	v26 =	vld [tilespmem:s0+$0x4310]  }
0x667: {  	v27 =	vld [tilespmem:s0+$0x310]  }
0x668: {  	v28 =	vld [tilespmem:s0+$0x6310]  }
0x669: {  	v29 =	vld [tilespmem:s0+$0x2310]  }
0x66a: {  	v30 =	vmul.f32 v22, v23;
	v31 =	vmul.f32 v24, v25;
	v32 =	vld [tilespmem:s0+$0x320]  }
0x66b: {  	v33 =	vld [tilespmem:s0+$0x6320]  }
0x66c: {  	v23 =	vmul.f32 v24, v23;
	v22 =	vmul.f32 v22, v25;
	v30 =	vsub.f32 v30, v31;
	v24 =	vld [tilespmem:s0+$0x2320]  }
0x66d: {  	v25 =	vmul.f32 v26, v27;
	v31 =	vld [tilespmem:s0+$0x4330]  }
0x66e: {  	v22 =	vadd.f32 v23, v22;
	v21 =	vmul.f32 v30, v21;
	v23 =	vmul.f32 v28, v29;
	v30 =	vld [tilespmem:s0+$0x330]  }
0x66f: {  	v27 =	vmul.f32 v28, v27;
	v26 =	vmul.f32 v26, v29;
	v28 =	vld [tilespmem:s0+$0x6330]  }
0x670: {  	v20 =	vmul.f32 v22, v20;
	v21 =	vadd.f32 $0.0e+00, v21;
	v22 =	vsub.f32 v25, v23;
	v23 =	vld [tilespmem:s0+$0x2330]  }
0x671: {  	v29 =	vmul.f32 v19, v32;
	v25 =	vld [tilespmem:s0+$0x8320];
	v34 =	vmul.f32 v33, v24  }
0x672: {  	v20 =	vadd.f32 v21, v20;
	v21 =	vadd.f32 v27, v26;
	v18 =	vmul.f32 v22, v18  }
0x673: {  	v19 =	vmul.f32 v19, v24;
	v26 =	vmul.f32 v33, v32;
	v22 =	vld [tilespmem:s0+$0xA320]  }
0x674: {  	v18 =	vadd.f32 v18, v20;
	v17 =	vmul.f32 v21, v17;
	v20 =	vsub.f32 v29, v34  }
0x675: {  	v24 =	vmul.f32 v31, v30;
	v21 =	vld [tilespmem:s0+$0x8330];
	v27 =	vmul.f32 v28, v23  }
0x676: {  	v17 =	vadd.f32 v18, v17;
	v18 =	vadd.f32 v26, v19;
	v19 =	vmul.f32 v20, v25  }
0x677: {  	v23 =	vmul.f32 v31, v23;
	v25 =	vmul.f32 v28, v30;
	v20 =	vld [tilespmem:s0+$0xA330]  }
0x678: {  	v17 =	vadd.f32 v19, v17;
	v18 =	vmul.f32 v18, v22;
	v19 =	vsub.f32 v24, v27;
	_ =	sdelay $0x1  }
0x679: {  	v17 =	vadd.f32 v17, v18;
	v18 =	vadd.f32 v25, v23;
	v19 =	vmul.f32 v19, v21;
	_ =	sdelay $0x1  }
0x67a: {  	v17 =	vadd.f32 v19, v17;
	v18 =	vmul.f32 v18, v20;
	_ =	sdelay $0x1  }
0x67b: {  	v17 =	vadd.f32 v17, v18  }
0x67c: {  	s28 =	sadd.s32 $0x10, s28  }
0x67d: {  	s0 =	sshra.s32 s6, $0x2;
	[tilespmem:s28+$0x0] =	vst v17  }
0x67e: {  	v17 =	vld [tilespmem:s0+$0xA310]  }
0x67f: {  	v18 =	vld [tilespmem:s0+$0x8310]  }
0x680: {  	v20 =	vld [tilespmem:s0+$0xA300]  }
.Ltmp12:
0x681: {  	v21 =	vld [tilespmem:s0+$0x8300];
	(pc) =	sbr.rel @p0 .LBB2_26-.Ltmp12, $4  }
0x682: {  	v19 =	vld [tilespmem:s0+$0x4320]  }
0x683: {  	v22 =	vld [tilespmem:s0+$0x4300]  }
0x684: {  	v23 =	vld [tilespmem:s0+$0x300]  }
0x685: {  	s6 =	sadd.s32 $0x200, s6;
	v24 =	vld [tilespmem:s0+$0x6300]  }
0x686: {  	v25 =	vld [tilespmem:s0+$0x2300]  }
0x687: {  	v26 =	vld [tilespmem:s0+$0x4310]  }
0x688: {  	v27 =	vld [tilespmem:s0+$0x310]  }
0x689: {  	v28 =	vld [tilespmem:s0+$0x6310]  }
0x68a: {  	v29 =	vld [tilespmem:s0+$0x2310]  }
0x68b: {  	v32 =	vld [tilespmem:s0+$0x320];
	v30 =	vmul.f32 v22, v23;
	v31 =	vmul.f32 v24, v25  }
0x68c: {  	v33 =	vld [tilespmem:s0+$0x6320]  }
0x68d: {  	v53 =	vld [tilespmem:s0+$0x2320];
	v23 =	vmul.f32 v24, v23;
	v22 =	vmul.f32 v22, v25;
	v30 =	vsub.f32 v30, v31  }
0x68e: {  	v55 =	vld [tilespmem:s0+$0x4330];
	v54 =	vmul.f32 v26, v27  }
0x68f: {  	v56 =	vld [tilespmem:s0+$0x330];
	v22 =	vadd.f32 v23, v22;
	v23 =	vmul.f32 v28, v29;
	v21 =	vmul.f32 v30, v21  }
0x690: {  	v57 =	vld [tilespmem:s0+$0x6330];
	v27 =	vmul.f32 v28, v27;
	v26 =	vmul.f32 v26, v29  }
0x691: {  	v20 =	vmul.f32 v22, v20;
	v22 =	vsub.f32 v54, v23;
	v23 =	vld [tilespmem:s0+$0x2330];
	v21 =	vadd.f32 $0.0e+00, v21  }
0x692: {  	v58 =	vld [tilespmem:s0+$0x8320];
	v59 =	vmul.f32 v19, v32;
	v34 =	vmul.f32 v33, v53  }
0x693: {  	v18 =	vmul.f32 v22, v18;
	v20 =	vadd.f32 v21, v20;
	v21 =	vadd.f32 v27, v26  }
0x694: {  	v60 =	vmul.f32 v33, v32;
	v19 =	vmul.f32 v19, v53;
	v22 =	vld [tilespmem:s0+$0xA320]  }
0x695: {  	v18 =	vadd.f32 v18, v20;
	v17 =	vmul.f32 v21, v17;
	v20 =	vsub.f32 v59, v34  }
0x696: {  	v61 =	vmul.f32 v55, v56;
	v62 =	vmul.f32 v57, v23;
	v21 =	vld [tilespmem:s0+$0x8330]  }
0x697: {  	v17 =	vadd.f32 v18, v17;
	v18 =	vadd.f32 v60, v19;
	v19 =	vmul.f32 v20, v58  }
0x698: {  	v63 =	vmul.f32 v57, v56;
	v23 =	vmul.f32 v55, v23;
	v20 =	vld [tilespmem:s0+$0xA330]  }
0x699: {  	v17 =	vadd.f32 v19, v17;
	v18 =	vmul.f32 v18, v22;
	v19 =	vsub.f32 v61, v62;
	_ =	sdelay $0x1  }
0x69a: {  	v17 =	vadd.f32 v17, v18;
	v18 =	vadd.f32 v63, v23;
	v19 =	vmul.f32 v19, v21  }
0x69b: {  	v21 =	vor.u32 s26, v0  }
0x69c: {  	v17 =	vadd.f32 v19, v17;
	v18 =	vmul.f32 v18, v20;
	v19 =	vand.u32 v1, v21;
	_ =	sdelay $0x1  }
0x69d: {  	v17 =	vadd.f32 v17, v18;
	v18 =	vor.u32 s26, v2  }
0x69e: {  	s6 =	sadd.s32 $0x10, s28  }
0x69f: {  	[tilespmem:s6+$0x0] =	vst v17;
	v17 =	vor.u32 s26, v3  }
0x6a0: {  	v19 =	vld.idx.msk [tilespmem:v19+s23+$0x0], $0xffff  }
0x6a1: {  	v20 =	vor.u32 s26, v4  }
0x6a2: {  	v18 =	vld.idx.msk [tilespmem:v18+s23+$0x0], $0xffff  }
0x6a3: {  	v21 =	vor.u32 s26, v5  }
0x6a4: {  	v17 =	vld.idx.msk [tilespmem:v17+s23+$0x0], $0xffff  }
0x6a5: {  	v22 =	vor.u32 s26, v6;
	v19 =	vadd.f32 $0.0e+00, v19  }
0x6a6: {  	v20 =	vld.idx.msk [tilespmem:v20+s23+$0x0], $0xffff  }
0x6a7: {  	v23 =	vor.u32 s26, v7;
	v18 =	vadd.f32 v18, v19  }
0x6a8: {  	v19 =	vld.idx.msk [tilespmem:v21+s23+$0x0], $0xffff  }
0x6a9: {  	v21 =	vor.u32 s26, v8;
	v17 =	vadd.f32 v17, v18  }
0x6aa: {  	v18 =	vld.idx.msk [tilespmem:v22+s23+$0x0], $0xffff  }
0x6ab: {  	v22 =	vor.u32 s26, v9;
	v17 =	vadd.f32 v20, v17  }
0x6ac: {  	v20 =	vld.idx.msk [tilespmem:v23+s23+$0x0], $0xffff  }
0x6ad: {  	v23 =	vor.u32 s26, v10;
	v17 =	vadd.f32 v19, v17  }
0x6ae: {  	v19 =	vld.idx.msk [tilespmem:v21+s23+$0x0], $0xffff  }
0x6af: {  	v21 =	vor.u32 s26, v11;
	v17 =	vadd.f32 v18, v17  }
0x6b0: {  	v18 =	vld.idx.msk [tilespmem:v22+s23+$0x0], $0xffff  }
0x6b1: {  	v22 =	vor.u32 s26, v12;
	v17 =	vadd.f32 v20, v17  }
0x6b2: {  	v20 =	vld.idx.msk [tilespmem:v23+s23+$0x0], $0xffff  }
0x6b3: {  	v23 =	vor.u32 s26, v13;
	v17 =	vadd.f32 v19, v17  }
0x6b4: {  	v19 =	vld.idx.msk [tilespmem:v21+s23+$0x0], $0xffff  }
0x6b5: {  	v21 =	vor.u32 s26, v14;
	v17 =	vadd.f32 v18, v17  }
0x6b6: {  	v18 =	vld.idx.msk [tilespmem:v22+s23+$0x0], $0xffff  }
0x6b7: {  	v22 =	vor.u32 s26, v15;
	v17 =	vadd.f32 v20, v17  }
0x6b8: {  	v20 =	vld.idx.msk [tilespmem:v23+s23+$0x0], $0xffff  }
0x6b9: {  	v17 =	vadd.f32 v19, v17  }
0x6ba: {  	v23 =	vor.u32 s26, v16;
	v19 =	vld.idx.msk [tilespmem:v21+s23+$0x0], $0xffff  }
0x6bb: {  	v17 =	vadd.f32 v18, v17  }
0x6bc: {  	v18 =	vld.idx.msk [tilespmem:v22+s23+$0x0], $0xffff  }
0x6bd: {  	v17 =	vadd.f32 v20, v17;
	_ =	sdelay $0x1  }
0x6be: {  	v20 =	vld.idx.msk [tilespmem:v23+s23+$0x0], $0xffff;
	v17 =	vadd.f32 v19, v17  }
0x6bf: {  	s28 =	simm.s32 $0x100  }
0x6c0: {  	v21 =	vadd.f32 v18, v17;
	v18 =	vor.u32 s28, v0  }
0x6c1: {  	v19 =	vand.u32 v1, v18;
	_ =	sdelay $0x1  }
0x6c2: {  	s0 =	simm.s32 $0x200;
	s26 =	simm.s32 $0x18880;
	v17 =	vor.u32 s28, v3;
	v18 =	vor.u32 s28, v2;
	v20 =	vadd.f32 v20, v21  }
.LBB2_28:
0x6c3: {  	p0 =	sne.s32 s0, $0x300  }
0x6c4: {  	v21 =	vor.u32 s0, v3;
	s6 =	smov.u32 s0;
	s0 =	sadd.s32 $0x100, s0;
	[tilespmem:s26+$0x0] =	vst v20;
	s26 =	sadd.s32 $0x10, s26  }
0x6c5: {  	v19 =	vld.idx.msk [tilespmem:v19+s23+$0x0], $0xffff  }
0x6c6: {  	v20 =	vor.u32 s28, v4  }
0x6c7: {  	v18 =	vld.idx.msk [tilespmem:v18+s23+$0x0], $0xffff  }
0x6c8: {  	v22 =	vor.u32 s28, v5  }
0x6c9: {  	v23 =	vld.idx.msk [tilespmem:v17+s23+$0x0], $0xffff;
	v17 =	vmov v21  }
0x6ca: {  	v21 =	vor.u32 s28, v6  }
0x6cb: {  	v19 =	vadd.f32 $0.0e+00, v19;
	v20 =	vld.idx.msk [tilespmem:v20+s23+$0x0], $0xffff  }
0x6cc: {  	v24 =	vor.u32 s28, v7  }
0x6cd: {  	v18 =	vadd.f32 v18, v19;
	v19 =	vld.idx.msk [tilespmem:v22+s23+$0x0], $0xffff  }
0x6ce: {  	v22 =	vor.u32 s28, v8  }
0x6cf: {  	v18 =	vadd.f32 v23, v18;
	v21 =	vld.idx.msk [tilespmem:v21+s23+$0x0], $0xffff  }
0x6d0: {  	v23 =	vor.u32 s28, v9  }
0x6d1: {  	v18 =	vadd.f32 v20, v18;
	v20 =	vld.idx.msk [tilespmem:v24+s23+$0x0], $0xffff  }
0x6d2: {  	v24 =	vor.u32 s28, v10  }
0x6d3: {  	v18 =	vadd.f32 v19, v18;
	v19 =	vld.idx.msk [tilespmem:v22+s23+$0x0], $0xffff  }
0x6d4: {  	v22 =	vor.u32 s28, v11  }
0x6d5: {  	v18 =	vadd.f32 v21, v18;
	v21 =	vld.idx.msk [tilespmem:v23+s23+$0x0], $0xffff  }
0x6d6: {  	v23 =	vor.u32 s28, v12  }
0x6d7: {  	v18 =	vadd.f32 v20, v18;
	v20 =	vld.idx.msk [tilespmem:v24+s23+$0x0], $0xffff  }
0x6d8: {  	v24 =	vor.u32 s28, v13  }
0x6d9: {  	v18 =	vadd.f32 v19, v18;
	v19 =	vld.idx.msk [tilespmem:v22+s23+$0x0], $0xffff  }
0x6da: {  	v22 =	vor.u32 s28, v14  }
0x6db: {  	v18 =	vadd.f32 v21, v18;
	v21 =	vld.idx.msk [tilespmem:v23+s23+$0x0], $0xffff  }
0x6dc: {  	v23 =	vor.u32 s28, v15  }
0x6dd: {  	v18 =	vadd.f32 v20, v18;
	v20 =	vld.idx.msk [tilespmem:v24+s23+$0x0], $0xffff  }
0x6de: {  	v24 =	vor.u32 s28, v16;
	s28 =	smov.u32 s6  }
0x6df: {  	v18 =	vadd.f32 v19, v18;
	v19 =	vld.idx.msk [tilespmem:v22+s23+$0x0], $0xffff;
	_ =	sdelay $0x1  }
0x6e0: {  	v18 =	vadd.f32 v21, v18;
	v21 =	vld.idx.msk [tilespmem:v23+s23+$0x0], $0xffff;
	_ =	sdelay $0x1  }
0x6e1: {  	v18 =	vadd.f32 v20, v18;
	v20 =	vld.idx.msk [tilespmem:v24+s23+$0x0], $0xffff;
	_ =	sdelay $0x1  }
.Ltmp13:
0x6e2: {  	v18 =	vadd.f32 v19, v18;
	(pc) =	sbr.rel @p0 .LBB2_28-.Ltmp13, $3  }
0x6e3: {  	v19 =	vor.u32 s28, v0  }
0x6e4: {  	v19 =	vand.u32 v1, v19;
	v21 =	vadd.f32 v21, v18;
	_ =	sdelay $0x1  }
0x6e5: {  	v18 =	vor.u32 s28, v2;
	v20 =	vadd.f32 v20, v21  }
0x6e6: {  	_ =	sdelay $0x2  }
0x6e7: {  	[tilespmem:s26+$0x0] =	vst v20  }
0x6e8: {  	v19 =	vld.idx.msk [tilespmem:v19+s23+$0x0], $0xffff  }
0x6e9: {  	v20 =	vor.u32 s28, v4  }
0x6ea: {  	v18 =	vld.idx.msk [tilespmem:v18+s23+$0x0], $0xffff  }
0x6eb: {  	v21 =	vor.u32 s28, v5  }
0x6ec: {  	v17 =	vld.idx.msk [tilespmem:v17+s23+$0x0], $0xffff  }
0x6ed: {  	v22 =	vor.u32 s28, v6;
	v19 =	vadd.f32 $0.0e+00, v19  }
0x6ee: {  	v20 =	vld.idx.msk [tilespmem:v20+s23+$0x0], $0xffff  }
0x6ef: {  	v23 =	vor.u32 s28, v7;
	v18 =	vadd.f32 v18, v19  }
0x6f0: {  	v19 =	vld.idx.msk [tilespmem:v21+s23+$0x0], $0xffff  }
0x6f1: {  	v21 =	vor.u32 s28, v8;
	v17 =	vadd.f32 v17, v18  }
0x6f2: {  	v18 =	vld.idx.msk [tilespmem:v22+s23+$0x0], $0xffff  }
0x6f3: {  	v22 =	vor.u32 s28, v9;
	v17 =	vadd.f32 v20, v17  }
0x6f4: {  	v20 =	vld.idx.msk [tilespmem:v23+s23+$0x0], $0xffff  }
0x6f5: {  	v23 =	vor.u32 s28, v10;
	v17 =	vadd.f32 v19, v17  }
0x6f6: {  	v19 =	vld.idx.msk [tilespmem:v21+s23+$0x0], $0xffff  }
0x6f7: {  	v21 =	vor.u32 s28, v11;
	v17 =	vadd.f32 v18, v17  }
0x6f8: {  	v18 =	vld.idx.msk [tilespmem:v22+s23+$0x0], $0xffff  }
0x6f9: {  	v22 =	vor.u32 s28, v12;
	v17 =	vadd.f32 v20, v17  }
0x6fa: {  	v20 =	vld.idx.msk [tilespmem:v23+s23+$0x0], $0xffff  }
0x6fb: {  	v23 =	vor.u32 s28, v13;
	v17 =	vadd.f32 v19, v17  }
0x6fc: {  	v19 =	vld.idx.msk [tilespmem:v21+s23+$0x0], $0xffff  }
0x6fd: {  	v21 =	vor.u32 s28, v14;
	v17 =	vadd.f32 v18, v17  }
0x6fe: {  	v18 =	vld.idx.msk [tilespmem:v22+s23+$0x0], $0xffff  }
0x6ff: {  	v22 =	vor.u32 s28, v15;
	v17 =	vadd.f32 v20, v17  }
0x700: {  	v20 =	vld.idx.msk [tilespmem:v23+s23+$0x0], $0xffff  }
0x701: {  	v23 =	vor.u32 s28, v16;
	v17 =	vadd.f32 v19, v17  }
0x702: {  	v19 =	vld.idx.msk [tilespmem:v21+s23+$0x0], $0xffff  }
0x703: {  	v17 =	vadd.f32 v18, v17  }
0x704: {  	v18 =	vld.idx.msk [tilespmem:v22+s23+$0x0], $0xffff  }
0x705: {  	v17 =	vadd.f32 v20, v17  }
0x706: {  	v20 =	vld.idx.msk [tilespmem:v23+s23+$0x0], $0xffff  }
0x707: {  	v17 =	vadd.f32 v19, v17;
	_ =	sdelay $0x1  }
0x708: {  	v17 =	vadd.f32 v18, v17;
	_ =	sdelay $0x1  }
0x709: {  	v17 =	vadd.f32 v20, v17  }
0x70a: {  	s0 =	sadd.s32 $0x10, s26  }
0x70b: {  	[tilespmem:s0+$0x0] =	vst v17  }
0x70c: {  	_ =	swait.ge [sflag:s24], $0x2000  }
0x70d: {  	[sflag:s24] =	ssyncset.done $0x0  }
0x70e: {  	[sflag:s24] =	ssyncadd.s32 $0xFFFFE000  }
0x70f: {  	_ =	swait.ge [sflag:s24], $0x2000  }
0x710: {  	[sflag:s24] =	ssyncset.done $0x0  }
0x711: {  	[sflag:s24] =	ssyncadd.s32 $0xFFFFE000  }
0x712: {  	_ =	swait.ge [sflag:s24], $0x2000  }
0x713: {  	[sflag:s24] =	ssyncset.done $0x0  }
0x714: {  	[sflag:s24] =	ssyncadd.s32 $0xFFFFE000  }
0x715: {  	_ =	swait.ge [sflag:s24], $0x2000  }
0x716: {  	[sflag:s24] =	ssyncset.done $0x0  }
0x717: {  	[sflag:s24] =	ssyncadd.s32 $0xFFFFE000  }
0x718: {  	_ =	swait.ge [sflag:s24], $0x2000  }
0x719: {  	[sflag:s24] =	ssyncset.done $0x0  }
0x71a: {  	[sflag:s24] =	ssyncadd.s32 $0xFFFFE000  }
0x71b: {  	_ =	swait.ge [sflag:s24], $0x2000  }
0x71c: {  	[sflag:s24] =	ssyncset.done $0x0  }
0x71d: {  	s26 =	simm.s32 $0x0;
	[sflag:s24] =	ssyncadd.s32 $0xFFFFE000  }
0x71e: {  	v17 =	vld [tilespmem:s26+$0x16310]  }
0x71f: {  	v18 =	vld [tilespmem:s26+$0x14310]  }
0x720: {  	v19 =	vld [tilespmem:s26+$0x16300]  }
0x721: {  	v20 =	vld [tilespmem:s26+$0x14300]  }
0x722: {  	v21 =	vld [tilespmem:s26+$0x10320]  }
0x723: {  	v22 =	vld [tilespmem:s26+$0x10300]  }
0x724: {  	v23 =	vld [tilespmem:s26+$0xC300]  }
0x725: {  	v24 =	vld [tilespmem:s26+$0x12300]  }
0x726: {  	v25 =	vld [tilespmem:s26+$0xE300]  }
0x727: {  	v26 =	vld [tilespmem:s26+$0x10310]  }
0x728: {  	v27 =	vld [tilespmem:s26+$0xC310]  }
0x729: {  	v28 =	vld [tilespmem:s26+$0x12310]  }
0x72a: {  	v29 =	vld [tilespmem:s26+$0xE310]  }
0x72b: {  	v32 =	vld [tilespmem:s26+$0xC320];
	v30 =	vmul.f32 v22, v23;
	v31 =	vmul.f32 v24, v25  }
0x72c: {  	v33 =	vld [tilespmem:s26+$0x12320]  }
0x72d: {  	v23 =	vmul.f32 v24, v23;
	v22 =	vmul.f32 v22, v25;
	v24 =	vld [tilespmem:s26+$0xE320];
	v30 =	vsub.f32 v30, v31  }
0x72e: {  	v60 =	vld [tilespmem:s26+$0x10330];
	v25 =	vmul.f32 v26, v27  }
0x72f: {  	v61 =	vld [tilespmem:s26+$0xC330];
	v22 =	vadd.f32 v23, v22;
	v23 =	vmul.f32 v28, v29;
	v20 =	vmul.f32 v30, v20  }
0x730: {  	v62 =	vld [tilespmem:s26+$0x12330];
	v27 =	vmul.f32 v28, v27;
	v26 =	vmul.f32 v26, v29  }
0x731: {  	v19 =	vmul.f32 v22, v19;
	v22 =	vsub.f32 v25, v23;
	v23 =	vld [tilespmem:s26+$0xE330];
	v20 =	vadd.f32 $0.0e+00, v20  }
0x732: {  	v63 =	vmul.f32 v21, v32;
	v25 =	vld [tilespmem:s26+$0x14320];
	v34 =	vmul.f32 v33, v24  }
0x733: {  	v18 =	vmul.f32 v22, v18;
	v19 =	vadd.f32 v20, v19;
	v20 =	vadd.f32 v27, v26  }
0x734: {  	v21 =	vmul.f32 v21, v24;
	v22 =	vld [tilespmem:s26+$0x16320];
	v26 =	vmul.f32 v33, v32  }
0x735: {  	v18 =	vadd.f32 v18, v19;
	v17 =	vmul.f32 v20, v17;
	v19 =	vsub.f32 v63, v34  }
0x736: {  	v24 =	vmul.f32 v60, v61;
	v27 =	vmul.f32 v62, v23;
	v20 =	vld [tilespmem:s26+$0x14330]  }
0x737: {  	v17 =	vadd.f32 v18, v17;
	v18 =	vadd.f32 v26, v21;
	v19 =	vmul.f32 v19, v25  }
0x738: {  	v23 =	vmul.f32 v60, v23;
	v21 =	vld [tilespmem:s26+$0x16330];
	v25 =	vmul.f32 v62, v61  }
0x739: {  	v17 =	vadd.f32 v19, v17;
	v18 =	vmul.f32 v18, v22;
	v19 =	vsub.f32 v24, v27;
	_ =	sdelay $0x1  }
0x73a: {  	v17 =	vadd.f32 v17, v18;
	v18 =	vadd.f32 v25, v23;
	v19 =	vmul.f32 v19, v20;
	_ =	sdelay $0x1  }
0x73b: {  	v17 =	vadd.f32 v19, v17;
	v18 =	vmul.f32 v18, v21;
	_ =	sdelay $0x1  }
0x73c: {  	v17 =	vadd.f32 v17, v18  }
0x73d: {  	s28 =	simm.s32 $0x18300  }
0x73e: {  	s0 =	simm.s32 $0x80;
	[tilespmem:s28+$0x0] =	vst v17  }
0x73f: {  	v17 =	vld [tilespmem:s0+$0x16310]  }
0x740: {  	v18 =	vld [tilespmem:s0+$0x14310]  }
0x741: {  	v20 =	vld [tilespmem:s0+$0x16300]  }
0x742: {  	v21 =	vld [tilespmem:s0+$0x14300]  }
0x743: {  	v19 =	vld [tilespmem:s0+$0x10320]  }
0x744: {  	v22 =	vld [tilespmem:s0+$0x10300]  }
0x745: {  	v23 =	vld [tilespmem:s0+$0xC300]  }
0x746: {  	s6 =	simm.s32 $0x400;
	s26 =	simm.s32 $0x0;
	v24 =	vld [tilespmem:s0+$0x12300]  }
.LBB2_30:
0x747: {  	p0 =	sne.s32 s6, $0x7E00;
	v25 =	vld [tilespmem:s0+$0xE300]  }
0x748: {  	v26 =	vld [tilespmem:s0+$0x10310]  }
0x749: {  	v27 =	vld [tilespmem:s0+$0xC310]  }
0x74a: {  	v28 =	vld [tilespmem:s0+$0x12310]  }
0x74b: {  	v29 =	vld [tilespmem:s0+$0xE310]  }
0x74c: {  	v30 =	vmul.f32 v22, v23;
	v31 =	vmul.f32 v24, v25;
	v32 =	vld [tilespmem:s0+$0xC320]  }
0x74d: {  	v33 =	vld [tilespmem:s0+$0x12320]  }
0x74e: {  	v23 =	vmul.f32 v24, v23;
	v22 =	vmul.f32 v22, v25;
	v30 =	vsub.f32 v30, v31;
	v24 =	vld [tilespmem:s0+$0xE320]  }
0x74f: {  	v25 =	vmul.f32 v26, v27;
	v31 =	vld [tilespmem:s0+$0x10330]  }
0x750: {  	v22 =	vadd.f32 v23, v22;
	v21 =	vmul.f32 v30, v21;
	v23 =	vmul.f32 v28, v29;
	v30 =	vld [tilespmem:s0+$0xC330]  }
0x751: {  	v27 =	vmul.f32 v28, v27;
	v26 =	vmul.f32 v26, v29;
	v28 =	vld [tilespmem:s0+$0x12330]  }
0x752: {  	v20 =	vmul.f32 v22, v20;
	v21 =	vadd.f32 $0.0e+00, v21;
	v22 =	vsub.f32 v25, v23;
	v23 =	vld [tilespmem:s0+$0xE330]  }
0x753: {  	v29 =	vmul.f32 v19, v32;
	v25 =	vld [tilespmem:s0+$0x14320];
	v34 =	vmul.f32 v33, v24  }
0x754: {  	v20 =	vadd.f32 v21, v20;
	v21 =	vadd.f32 v27, v26;
	v18 =	vmul.f32 v22, v18  }
0x755: {  	v19 =	vmul.f32 v19, v24;
	v26 =	vmul.f32 v33, v32;
	v22 =	vld [tilespmem:s0+$0x16320]  }
0x756: {  	v18 =	vadd.f32 v18, v20;
	v17 =	vmul.f32 v21, v17;
	v20 =	vsub.f32 v29, v34  }
0x757: {  	v24 =	vmul.f32 v31, v30;
	v21 =	vld [tilespmem:s0+$0x14330];
	v27 =	vmul.f32 v28, v23  }
0x758: {  	v17 =	vadd.f32 v18, v17;
	v18 =	vadd.f32 v26, v19;
	v19 =	vmul.f32 v20, v25  }
0x759: {  	v23 =	vmul.f32 v31, v23;
	v25 =	vmul.f32 v28, v30;
	v20 =	vld [tilespmem:s0+$0x16330]  }
0x75a: {  	v17 =	vadd.f32 v19, v17;
	v18 =	vmul.f32 v18, v22;
	v19 =	vsub.f32 v24, v27;
	_ =	sdelay $0x1  }
0x75b: {  	v17 =	vadd.f32 v17, v18;
	v18 =	vadd.f32 v25, v23;
	v19 =	vmul.f32 v19, v21;
	_ =	sdelay $0x1  }
0x75c: {  	v17 =	vadd.f32 v19, v17;
	v18 =	vmul.f32 v18, v20;
	_ =	sdelay $0x1  }
0x75d: {  	v17 =	vadd.f32 v17, v18  }
0x75e: {  	s28 =	sadd.s32 $0x10, s28  }
0x75f: {  	s0 =	sshra.s32 s6, $0x2;
	[tilespmem:s28+$0x0] =	vst v17  }
0x760: {  	v17 =	vld [tilespmem:s0+$0x16310]  }
0x761: {  	v18 =	vld [tilespmem:s0+$0x14310]  }
0x762: {  	v20 =	vld [tilespmem:s0+$0x16300]  }
.Ltmp14:
0x763: {  	v21 =	vld [tilespmem:s0+$0x14300];
	(pc) =	sbr.rel @p0 .LBB2_30-.Ltmp14, $4  }
0x764: {  	v19 =	vld [tilespmem:s0+$0x10320]  }
0x765: {  	v22 =	vld [tilespmem:s0+$0x10300]  }
0x766: {  	v23 =	vld [tilespmem:s0+$0xC300]  }
0x767: {  	s6 =	sadd.s32 $0x200, s6;
	v24 =	vld [tilespmem:s0+$0x12300]  }
0x768: {  	v25 =	vld [tilespmem:s0+$0xE300]  }
0x769: {  	v26 =	vld [tilespmem:s0+$0x10310]  }
0x76a: {  	v27 =	vld [tilespmem:s0+$0xC310]  }
0x76b: {  	v28 =	vld [tilespmem:s0+$0x12310]  }
0x76c: {  	v29 =	vld [tilespmem:s0+$0xE310]  }
0x76d: {  	v32 =	vld [tilespmem:s0+$0xC320];
	v30 =	vmul.f32 v22, v23;
	v31 =	vmul.f32 v24, v25  }
0x76e: {  	v33 =	vld [tilespmem:s0+$0x12320]  }
0x76f: {  	v53 =	vld [tilespmem:s0+$0xE320];
	v23 =	vmul.f32 v24, v23;
	v22 =	vmul.f32 v22, v25;
	v30 =	vsub.f32 v30, v31  }
0x770: {  	v55 =	vld [tilespmem:s0+$0x10330];
	v54 =	vmul.f32 v26, v27  }
0x771: {  	v56 =	vld [tilespmem:s0+$0xC330];
	v22 =	vadd.f32 v23, v22;
	v23 =	vmul.f32 v28, v29;
	v21 =	vmul.f32 v30, v21  }
0x772: {  	v57 =	vld [tilespmem:s0+$0x12330];
	v27 =	vmul.f32 v28, v27;
	v26 =	vmul.f32 v26, v29  }
0x773: {  	v20 =	vmul.f32 v22, v20;
	v22 =	vsub.f32 v54, v23;
	v23 =	vld [tilespmem:s0+$0xE330];
	v21 =	vadd.f32 $0.0e+00, v21  }
0x774: {  	v58 =	vld [tilespmem:s0+$0x14320];
	v59 =	vmul.f32 v19, v32;
	v34 =	vmul.f32 v33, v53  }
0x775: {  	v18 =	vmul.f32 v22, v18;
	v20 =	vadd.f32 v21, v20;
	v21 =	vadd.f32 v27, v26  }
0x776: {  	v60 =	vmul.f32 v33, v32;
	v19 =	vmul.f32 v19, v53;
	v22 =	vld [tilespmem:s0+$0x16320]  }
0x777: {  	v18 =	vadd.f32 v18, v20;
	v17 =	vmul.f32 v21, v17;
	v20 =	vsub.f32 v59, v34  }
0x778: {  	v61 =	vmul.f32 v55, v56;
	v62 =	vmul.f32 v57, v23;
	v21 =	vld [tilespmem:s0+$0x14330]  }
0x779: {  	v17 =	vadd.f32 v18, v17;
	v18 =	vadd.f32 v60, v19;
	v19 =	vmul.f32 v20, v58  }
0x77a: {  	v63 =	vmul.f32 v57, v56;
	v23 =	vmul.f32 v55, v23;
	v20 =	vld [tilespmem:s0+$0x16330]  }
0x77b: {  	v17 =	vadd.f32 v19, v17;
	v18 =	vmul.f32 v18, v22;
	v19 =	vsub.f32 v61, v62;
	_ =	sdelay $0x1  }
0x77c: {  	v17 =	vadd.f32 v17, v18;
	v18 =	vadd.f32 v63, v23;
	v19 =	vmul.f32 v19, v21  }
0x77d: {  	v21 =	vor.u32 s26, v0  }
0x77e: {  	v17 =	vadd.f32 v19, v17;
	v18 =	vmul.f32 v18, v20;
	v19 =	vand.u32 v1, v21;
	_ =	sdelay $0x1  }
0x77f: {  	v17 =	vadd.f32 v17, v18;
	v18 =	vor.u32 s26, v2  }
0x780: {  	s6 =	sadd.s32 $0x10, s28  }
0x781: {  	[tilespmem:s6+$0x0] =	vst v17;
	v17 =	vor.u32 s26, v3  }
0x782: {  	v19 =	vld.idx.msk [tilespmem:v19+s23+$0x0], $0xffff  }
0x783: {  	v20 =	vor.u32 s26, v4  }
0x784: {  	v18 =	vld.idx.msk [tilespmem:v18+s23+$0x0], $0xffff  }
0x785: {  	v21 =	vor.u32 s26, v5  }
0x786: {  	v17 =	vld.idx.msk [tilespmem:v17+s23+$0x0], $0xffff  }
0x787: {  	v22 =	vor.u32 s26, v6;
	v19 =	vadd.f32 $0.0e+00, v19  }
0x788: {  	v20 =	vld.idx.msk [tilespmem:v20+s23+$0x0], $0xffff  }
0x789: {  	v23 =	vor.u32 s26, v7;
	v18 =	vadd.f32 v18, v19  }
0x78a: {  	v19 =	vld.idx.msk [tilespmem:v21+s23+$0x0], $0xffff  }
0x78b: {  	v21 =	vor.u32 s26, v8;
	v17 =	vadd.f32 v17, v18  }
0x78c: {  	v18 =	vld.idx.msk [tilespmem:v22+s23+$0x0], $0xffff  }
0x78d: {  	v22 =	vor.u32 s26, v9;
	v17 =	vadd.f32 v20, v17  }
0x78e: {  	v20 =	vld.idx.msk [tilespmem:v23+s23+$0x0], $0xffff  }
0x78f: {  	v23 =	vor.u32 s26, v10;
	v17 =	vadd.f32 v19, v17  }
0x790: {  	v19 =	vld.idx.msk [tilespmem:v21+s23+$0x0], $0xffff  }
0x791: {  	v21 =	vor.u32 s26, v11;
	v17 =	vadd.f32 v18, v17  }
0x792: {  	v18 =	vld.idx.msk [tilespmem:v22+s23+$0x0], $0xffff  }
0x793: {  	v22 =	vor.u32 s26, v12;
	v17 =	vadd.f32 v20, v17  }
0x794: {  	v20 =	vld.idx.msk [tilespmem:v23+s23+$0x0], $0xffff  }
0x795: {  	v23 =	vor.u32 s26, v13;
	v17 =	vadd.f32 v19, v17  }
0x796: {  	v19 =	vld.idx.msk [tilespmem:v21+s23+$0x0], $0xffff  }
0x797: {  	v21 =	vor.u32 s26, v14;
	v17 =	vadd.f32 v18, v17  }
0x798: {  	v18 =	vld.idx.msk [tilespmem:v22+s23+$0x0], $0xffff  }
0x799: {  	v22 =	vor.u32 s26, v15;
	v17 =	vadd.f32 v20, v17  }
0x79a: {  	v20 =	vld.idx.msk [tilespmem:v23+s23+$0x0], $0xffff  }
0x79b: {  	v17 =	vadd.f32 v19, v17  }
0x79c: {  	v23 =	vor.u32 s26, v16;
	v19 =	vld.idx.msk [tilespmem:v21+s23+$0x0], $0xffff  }
0x79d: {  	v17 =	vadd.f32 v18, v17  }
0x79e: {  	v18 =	vld.idx.msk [tilespmem:v22+s23+$0x0], $0xffff  }
0x79f: {  	v17 =	vadd.f32 v20, v17;
	_ =	sdelay $0x1  }
0x7a0: {  	v20 =	vld.idx.msk [tilespmem:v23+s23+$0x0], $0xffff;
	v17 =	vadd.f32 v19, v17  }
0x7a1: {  	s28 =	simm.s32 $0x100  }
0x7a2: {  	v21 =	vadd.f32 v18, v17;
	v18 =	vor.u32 s28, v0  }
0x7a3: {  	v19 =	vand.u32 v1, v18;
	_ =	sdelay $0x1  }
0x7a4: {  	s0 =	simm.s32 $0x200;
	s26 =	simm.s32 $0x188C0;
	v17 =	vor.u32 s28, v3;
	v18 =	vor.u32 s28, v2;
	v20 =	vadd.f32 v20, v21  }
.LBB2_32:
0x7a5: {  	p0 =	sne.s32 s0, $0x300  }
0x7a6: {  	v21 =	vor.u32 s0, v3;
	s6 =	smov.u32 s0;
	s0 =	sadd.s32 $0x100, s0;
	[tilespmem:s26+$0x0] =	vst v20;
	s26 =	sadd.s32 $0x10, s26  }
0x7a7: {  	v19 =	vld.idx.msk [tilespmem:v19+s23+$0x0], $0xffff  }
0x7a8: {  	v20 =	vor.u32 s28, v4  }
0x7a9: {  	v18 =	vld.idx.msk [tilespmem:v18+s23+$0x0], $0xffff  }
0x7aa: {  	v22 =	vor.u32 s28, v5  }
0x7ab: {  	v23 =	vld.idx.msk [tilespmem:v17+s23+$0x0], $0xffff;
	v17 =	vmov v21  }
0x7ac: {  	v21 =	vor.u32 s28, v6  }
0x7ad: {  	v19 =	vadd.f32 $0.0e+00, v19;
	v20 =	vld.idx.msk [tilespmem:v20+s23+$0x0], $0xffff  }
0x7ae: {  	v24 =	vor.u32 s28, v7  }
0x7af: {  	v18 =	vadd.f32 v18, v19;
	v19 =	vld.idx.msk [tilespmem:v22+s23+$0x0], $0xffff  }
0x7b0: {  	v22 =	vor.u32 s28, v8  }
0x7b1: {  	v18 =	vadd.f32 v23, v18;
	v21 =	vld.idx.msk [tilespmem:v21+s23+$0x0], $0xffff  }
0x7b2: {  	v23 =	vor.u32 s28, v9  }
0x7b3: {  	v18 =	vadd.f32 v20, v18;
	v20 =	vld.idx.msk [tilespmem:v24+s23+$0x0], $0xffff  }
0x7b4: {  	v24 =	vor.u32 s28, v10  }
0x7b5: {  	v18 =	vadd.f32 v19, v18;
	v19 =	vld.idx.msk [tilespmem:v22+s23+$0x0], $0xffff  }
0x7b6: {  	v22 =	vor.u32 s28, v11  }
0x7b7: {  	v18 =	vadd.f32 v21, v18;
	v21 =	vld.idx.msk [tilespmem:v23+s23+$0x0], $0xffff  }
0x7b8: {  	v23 =	vor.u32 s28, v12  }
0x7b9: {  	v18 =	vadd.f32 v20, v18;
	v20 =	vld.idx.msk [tilespmem:v24+s23+$0x0], $0xffff  }
0x7ba: {  	v24 =	vor.u32 s28, v13  }
0x7bb: {  	v18 =	vadd.f32 v19, v18;
	v19 =	vld.idx.msk [tilespmem:v22+s23+$0x0], $0xffff  }
0x7bc: {  	v22 =	vor.u32 s28, v14  }
0x7bd: {  	v18 =	vadd.f32 v21, v18;
	v21 =	vld.idx.msk [tilespmem:v23+s23+$0x0], $0xffff  }
0x7be: {  	v23 =	vor.u32 s28, v15  }
0x7bf: {  	v18 =	vadd.f32 v20, v18;
	v20 =	vld.idx.msk [tilespmem:v24+s23+$0x0], $0xffff  }
0x7c0: {  	v24 =	vor.u32 s28, v16;
	s28 =	smov.u32 s6  }
0x7c1: {  	v18 =	vadd.f32 v19, v18;
	v19 =	vld.idx.msk [tilespmem:v22+s23+$0x0], $0xffff;
	_ =	sdelay $0x1  }
0x7c2: {  	v18 =	vadd.f32 v21, v18;
	v21 =	vld.idx.msk [tilespmem:v23+s23+$0x0], $0xffff;
	_ =	sdelay $0x1  }
0x7c3: {  	v18 =	vadd.f32 v20, v18;
	v20 =	vld.idx.msk [tilespmem:v24+s23+$0x0], $0xffff;
	_ =	sdelay $0x1  }
.Ltmp15:
0x7c4: {  	v18 =	vadd.f32 v19, v18;
	(pc) =	sbr.rel @p0 .LBB2_32-.Ltmp15, $3  }
0x7c5: {  	v19 =	vor.u32 s28, v0  }
0x7c6: {  	v19 =	vand.u32 v1, v19;
	v21 =	vadd.f32 v21, v18;
	_ =	sdelay $0x1  }
0x7c7: {  	v18 =	vor.u32 s28, v2;
	v20 =	vadd.f32 v20, v21  }
0x7c8: {  	_ =	sdelay $0x2  }
0x7c9: {  	[tilespmem:s26+$0x0] =	vst v20  }
0x7ca: {  	v19 =	vld.idx.msk [tilespmem:v19+s23+$0x0], $0xffff  }
0x7cb: {  	v50 =	vor.u32 s28, v4  }
0x7cc: {  	v18 =	vld.idx.msk [tilespmem:v18+s23+$0x0], $0xffff  }
0x7cd: {  	v21 =	vor.u32 s28, v5  }
0x7ce: {  	v17 =	vld.idx.msk [tilespmem:v17+s23+$0x0], $0xffff  }
0x7cf: {  	v22 =	vor.u32 s28, v6;
	v19 =	vadd.f32 $0.0e+00, v19  }
0x7d0: {  	v20 =	vld.idx.msk [tilespmem:v50+s23+$0x0], $0xffff  }
0x7d1: {  	v23 =	vor.u32 s28, v7;
	v18 =	vadd.f32 v18, v19  }
0x7d2: {  	v19 =	vld.idx.msk [tilespmem:v21+s23+$0x0], $0xffff  }
0x7d3: {  	v51 =	vor.u32 s28, v8;
	v17 =	vadd.f32 v17, v18  }
0x7d4: {  	v18 =	vld.idx.msk [tilespmem:v22+s23+$0x0], $0xffff  }
0x7d5: {  	v52 =	vor.u32 s28, v9;
	v17 =	vadd.f32 v20, v17  }
0x7d6: {  	v53 =	vld.idx.msk [tilespmem:v23+s23+$0x0], $0xffff  }
0x7d7: {  	v54 =	vor.u32 s28, v10;
	v17 =	vadd.f32 v19, v17  }
0x7d8: {  	v19 =	vld.idx.msk [tilespmem:v51+s23+$0x0], $0xffff  }
0x7d9: {  	v55 =	vor.u32 s28, v11;
	v17 =	vadd.f32 v18, v17  }
0x7da: {  	v18 =	vld.idx.msk [tilespmem:v52+s23+$0x0], $0xffff  }
0x7db: {  	v56 =	vor.u32 s28, v12;
	v17 =	vadd.f32 v53, v17  }
0x7dc: {  	v57 =	vld.idx.msk [tilespmem:v54+s23+$0x0], $0xffff  }
0x7dd: {  	v58 =	vor.u32 s28, v13;
	v17 =	vadd.f32 v19, v17  }
0x7de: {  	v19 =	vld.idx.msk [tilespmem:v55+s23+$0x0], $0xffff  }
0x7df: {  	v59 =	vor.u32 s28, v14;
	v17 =	vadd.f32 v18, v17  }
0x7e0: {  	v18 =	vld.idx.msk [tilespmem:v56+s23+$0x0], $0xffff  }
0x7e1: {  	v60 =	vor.u32 s28, v15;
	v17 =	vadd.f32 v57, v17  }
0x7e2: {  	v61 =	vld.idx.msk [tilespmem:v58+s23+$0x0], $0xffff  }
0x7e3: {  	v62 =	vor.u32 s28, v16;
	v17 =	vadd.f32 v19, v17  }
0x7e4: {  	v19 =	vld.idx.msk [tilespmem:v59+s23+$0x0], $0xffff  }
0x7e5: {  	v17 =	vadd.f32 v18, v17  }
0x7e6: {  	v18 =	vld.idx.msk [tilespmem:v60+s23+$0x0], $0xffff  }
0x7e7: {  	v17 =	vadd.f32 v61, v17  }
0x7e8: {  	v63 =	vld.idx.msk [tilespmem:v62+s23+$0x0], $0xffff  }
0x7e9: {  	v17 =	vadd.f32 v19, v17;
	_ =	sdelay $0x1  }
0x7ea: {  	v17 =	vadd.f32 v18, v17;
	_ =	sdelay $0x1  }
0x7eb: {  	v17 =	vadd.f32 v63, v17  }
0x7ec: {  	s0 =	sadd.s32 $0x10, s26  }
0x7ed: {  	s6 =	simm.s32 $0x18700;
	s26 =	rddreg [dreg:$0x1e];
	[tilespmem:s0+$0x0] =	vst v17  }
0x7ee: {  	[hbm4b:s26+s1] =	stream.linear.scatter [tilespmem:s6], [sflag:$0x3], $0x200, $0x38;
	[tilespmem:$0x18900] =	vst v63  }
0x7ef: {  	_ =	swait.ge [sflag:s2], $0x200  }
0x7f0: {  	s25 =	sadd.s32 $0x1, s25;
	s28 =	rddreg [dreg:$0x1f]  }
0x7f1: {  	p0 =	sne.s32 s25, s28  }
.Ltmp16:
0x7f2: {  	_ = 	snop;
	(pc) =	sbr.rel @p0 .LBB2_1-.Ltmp16, $3  }
0x7f3: {  	_ =	sdelay $0x1  }
0x7f4: {  	[sflag:s2] =	ssyncset.done $0x0  }
0x7f5: {  	[sflag:s2] =	ssyncadd.s32 $0xFFFFFE00  }
0x7f6: {  	_ =	sfence.sel $0x180000  }
0x7f7: {  	[bflag:$0x0] =	sbarrier.arrive $0xFFFF  }
0x7f8: {  	_ =	strace $0x90000047  }
0x7f9: {  	s0 =	stileid.u32;
	[bflag:$0x2] =	sbarrier.arrive $0xFFFF  }
0x7fa: {  	p0 =	sne.s32 s0, $0x0;
	s0 =	rddreg [dreg:$0x5]  }
0x7fb: {  	s0 =	sadd.s32 @!p0 $0x100000, s0  }
0x7fc: {  	[sflag:s0] =	ssyncadd.tile.s32 @!p0 $0x1;
	_ =	shalt  }
.Lfunc_end2:
_tile_overlayer_lowered:
.L_overlay_start_2:
0x7fd: {  	(tag) =	ssettag $0x2  }
0x7fe: {  	s0 =	rddreg [dreg:$0x0];
	s2 =	stileid.u32  }
0x7ff: {  	s1 =	rddreg [dreg:$0x1];
	p0 =	sne.s32 s2, $0x0  }
0x800: {  	s3 =	rddreg [dreg:$0x2];
	[bflag:$0x3] =	sbarrier.arrive $0xFFFF;
	s2 =	simm.s32 @!p0 $0x1C03  }
0x801: {  	[timem:s3], [sflag:s2] =	dma.local @!p0 [hbm:s0], s1  }
0x802: {  	s0 =	simm.s32 @!p0 $0x3  }
0x803: {  	_ =	swait.ge @!p0 [sflag:s0], s1  }
0x804: {  	s1 =	ssub.s32 @!p0 $0x0, s1;
	[sflag:s0] =	ssyncset.done @!p0 $0x0  }
0x805: {  	[sflag:s0] =	ssyncadd.s32 @!p0 s1  }
0x806: {  	[bflag:$0x3] =	sbarrier.arrive $0xFFFF  }
0x807: {  	_ =	shalt  }

</sc_bundles>
